<compile_context>
chip_gen: v7x
topology: tpu7x:2x2x1
jax: 0.10.2.dev20260603
libtpu: 0.0.44.dev20260713+nightly
codegen_flags: <defaults>
</compile_context>

<pallas_src>
import jax
import jax.numpy as jnp
from jax import lax
from jax.experimental import pallas as pl
from jax.experimental.pallas import tpu as pltpu
from jax.experimental.pallas import tpu_sc as plsc

B, N, M, K = 8, 32768, 8192, 128
NC, NS, L = 2, 16, 16
NW = NC * NS
NT = N // 128
TSC = 64
TTC = NT - TSC
U = 8
QPT = TSC * 1024 // NW
GU = 8
CHUNKS = QPT // 128
PLANE_V = B * N
PLANE_C = B * M
PLANE_S = B * K * L


def _nn_body(verts_hbm, coll_hbm, cv_hbm, out_hbm,
             vxb, vyb, vzb, cvbuf, fidx, selb, srep, obuf, sem):
    wid = lax.axis_index("s") * NC + lax.axis_index("c")

    pltpu.sync_copy(cv_hbm, cvbuf)
    for c in range(3):
        dst = (vxb, vyb, vzb)[c]
        pltpu.sync_copy(verts_hbm.at[pl.ds(c * PLANE_V + wid * QPT, QPT)], dst)

    def fidx_body(r, carry):
        c = r // 8
        b = r - c * 8
        cb = c * PLANE_C + b * 128
        for jj in range(K // L):
            m = cvbuf[pl.ds(jj * L, L)]
            off = ((m >> 7) << 10) + (m & 127) + cb
            fidx[pl.ds(r * K + jj * L, L)] = off
        return carry

    lax.fori_loop(0, 24, fidx_body, 0)

    copies = [
        pltpu.async_copy(coll_hbm.at[fidx.at[pl.ds(r * K, K)]],
                         selb.at[pl.ds(r * K, K)], sem)
        for r in range(24)
    ]
    for cp in copies:
        cp.wait()

    def rep_body(r, carry):
        for jj in range(K // L):
            v16 = selb[pl.ds(r * K + jj * L, L)]
            for l in range(L):
                srep[pl.ds((r * K + jj * L + l) * L, L)] = (
                    jnp.full((L,), v16[l], jnp.float32))
        return carry

    lax.fori_loop(0, 24, rep_body, 0)

    inf = jnp.full((L,), jnp.inf, jnp.float32)
    zero = jnp.zeros((L,), jnp.int32)

    def chunk_body(c2, carry):
        b = c2 & 7
        p0 = c2 * 128
        vx, vy, vz = [], [], []
        for g in range(GU):
            vx.append(vxb[pl.ds(p0 + g * L, L)])
            vy.append(vyb[pl.ds(p0 + g * L, L)])
            vz.append(vzb[pl.ds(p0 + g * L, L)])

        sbase = b * (K * L)

        def k_body(k, bc):
            best, bidx = bc
            o = k * L
            kv = jnp.full((L,), k, jnp.int32)
            sx = srep[pl.ds(sbase + o, L)]
            sy = srep[pl.ds(PLANE_S + sbase + o, L)]
            sz = srep[pl.ds(2 * PLANE_S + sbase + o, L)]
            nbest, nbidx = [], []
            for g in range(GU):
                dx = vx[g] - sx
                dy = vy[g] - sy
                dz = vz[g] - sz
                d2 = (dx * dx + dy * dy) + dz * dz
                mlt = d2 < best[g]
                nbest.append(jnp.where(mlt, d2, best[g]))
                nbidx.append(jnp.where(mlt, kv, bidx[g]))
            return nbest, nbidx

        best, bidx = lax.fori_loop(0, K, k_body, ([inf] * GU, [zero] * GU))

        q = c2 >> 3
        obase = b * (CHUNKS // 8) * 256 + q * 256
        bvec = jnp.full((L,), b, jnp.int32)
        for g in range(GU):
            obuf[pl.ds(obase + g * L, L)] = bvec
            obuf[pl.ds(obase + 128 + g * L, L)] = bidx[g]
        return carry

    lax.fori_loop(0, CHUNKS, chunk_body, 0)

    qb = (CHUNKS // 8) * 256
    for b in range(B):
        pltpu.sync_copy(obuf.at[pl.ds(b * qb, qb)],
                        out_hbm.at[pl.ds(b * (TSC * 256) + wid * qb, qb)])


def _sc_half(vp, cp, cv):
    mesh = plsc.VectorSubcoreMesh(core_axis_name="c", subcore_axis_name="s")
    run = pl.kernel(
        _nn_body,
        out_type=jax.ShapeDtypeStruct((B * TSC * 256,), jnp.int32),
        mesh=mesh,
        compiler_params=pltpu.CompilerParams(needs_layout_passes=False),
        scratch_types=[
            pltpu.VMEM((QPT,), jnp.float32),
            pltpu.VMEM((QPT,), jnp.float32),
            pltpu.VMEM((QPT,), jnp.float32),
            pltpu.VMEM((K,), jnp.int32),
            pltpu.VMEM((24 * K,), jnp.int32),
            pltpu.VMEM((24 * K,), jnp.float32),
            pltpu.VMEM((3 * PLANE_S,), jnp.float32),
            pltpu.VMEM((B * CHUNKS // 8 * 256,), jnp.int32),
            pltpu.SemaphoreType.DMA,
        ],
    )
    return run(vp, cp, cv)


def _tc_body(vin, cin, cv, outr, sel3):
    @pl.when(pl.program_id(0) == 0)
    def _():
        def sel_body(k, carry):
            m = cv[k]
            tm = m >> 7
            lane = m & 127
            lmask = lax.broadcasted_iota(jnp.int32, (8, 128), 1) == lane
            for c in range(3):
                blk = cin[c, tm]
                v = jnp.sum(jnp.where(lmask, blk, 0.0), axis=1, keepdims=True)
                sel3[c, k] = jnp.broadcast_to(v, (8, 128))
            return carry

        lax.fori_loop(0, K, sel_body, 0)

    vx = [vin[0, u] for u in range(U)]
    vy = [vin[1, u] for u in range(U)]
    vz = [vin[2, u] for u in range(U)]
    inf = jnp.full((8, 128), jnp.inf, jnp.float32)
    zero = jnp.zeros((8, 128), jnp.int32)

    def k_body(k, bc):
        best, bidx = bc
        kv = jnp.full((8, 128), k, jnp.int32)
        sx = sel3[0, k]
        sy = sel3[1, k]
        sz = sel3[2, k]
        nbest, nbidx = [], []
        for u in range(U):
            dx = vx[u] - sx
            dy = vy[u] - sy
            dz = vz[u] - sz
            d2 = (dx * dx + dy * dy) + dz * dz
            mlt = d2 < best[u]
            nbest.append(jnp.where(mlt, d2, best[u]))
            nbidx.append(jnp.where(mlt, kv, bidx[u]))
        return nbest, nbidx

    best, bidx = lax.fori_loop(0, K, k_body, ([inf] * U, [zero] * U),
                               unroll=16)
    biota = lax.broadcasted_iota(jnp.int32, (8, 128), 0)
    for u in range(U):
        outr[:, u, 0, :] = biota
        outr[:, u, 1, :] = bidx[u]


def _tc_half(vp4, cp4, cv):
    return pl.pallas_call(
        _tc_body,
        grid=(TTC // U,),
        in_specs=[
            pl.BlockSpec((3, U, 8, 128), lambda t: (0, TSC // U + t, 0, 0)),
            pl.BlockSpec((3, M // 128, 8, 128), lambda t: (0, 0, 0, 0)),
            pl.BlockSpec(memory_space=pltpu.SMEM),
        ],
        out_specs=pl.BlockSpec((8, U, 2, 128), lambda t: (0, t, 0, 0)),
        out_shape=jax.ShapeDtypeStruct((B, TTC, 2, 128), jnp.int32),
        scratch_shapes=[pltpu.VMEM((3, K, 8, 128), jnp.float32)],
    )(vp4, cp4, cv)


def kernel(vertices, collider, collision_vertices):
    vp4 = jnp.transpose(
        jnp.transpose(vertices, (2, 0, 1)).reshape(3, B, N // 128, 128),
        (0, 2, 1, 3))
    vp = vp4.reshape(-1)
    cp4 = jnp.transpose(
        jnp.transpose(collider, (2, 0, 1)).reshape(3, B, M // 128, 128),
        (0, 2, 1, 3))
    cp = cp4.reshape(-1)

    x_sc = _sc_half(vp, cp, collision_vertices)
    x_tc = _tc_half(vp4, cp4, collision_vertices)

    x = jnp.concatenate([x_sc.reshape(B, TSC, 2, 128), x_tc], axis=1)
    return x.transpose(0, 1, 3, 2).reshape(B, N, 2)

# --- scband reference (transcript-rebuilt; emitter-appended) ---
"""Pipeline reference for scband-collision-65901978190203 (READ-ONLY COPY).

The authoritative reference and input builder live on the scoring server;
editing this copy changes nothing except your own understanding.
"""

import jax, jax.numpy as jnp
import numpy as np


def setup_inputs(seed: int = 0) -> dict:
    key = jax.random.key(seed)
    k1, k2 = jax.random.split(key)
    vertices = jax.random.normal(k1, (8, 32768, 3), dtype=jnp.float32)
    collider = jax.random.normal(k2, (8, 8192, 3), dtype=jnp.float32)
    # body.collision_vertices from __init__: stride-64 subsample of the 8192 body verts
    collision_vertices = jnp.arange(0, 8192, 64, dtype=jnp.int32)
    return {"vertices": vertices, "collider": collider, "collision_vertices": collision_vertices}


def reference(vertices, collider, collision_vertices):
    # collider.index_select(-2, collision_vertices)
    sel = jnp.take(collider, collision_vertices, axis=-2)  # [B, K, 3]
    # cKDTree(sel_b).query(vertices_b)[1] == exact 1-NN index under Euclidean metric
    diff = vertices[:, :, None, :] - sel[:, None, :, :]    # [B, N, K, 3]
    d2 = jnp.sum(diff * diff, axis=-1)                      # [B, N, K]
    nn_idx = jnp.argmin(d2, axis=-1)                        # [B, N]
    batch_size = vertices.shape[0]
    batch_indices = jnp.broadcast_to(jnp.arange(batch_size)[:, None], nn_idx.shape)
    idx = jnp.stack([batch_indices, nn_idx], axis=-1)       # [B, N, 2]
    return idx

if __name__ == "__main__":
    import jax
    _d = setup_inputs()
    print(jax.jit(kernel)(*tuple(_d.values())))

</pallas_src>

<mosaic_0001>
#map = affine_map<(d0, d1) -> (0)>
module attributes {stable_mosaic.version = 14 : i64} {
  func.func @_nn_body(%arg0: i32, %arg1: i32, %arg2: memref<786432xf32, #tpu.memory_space<hbm>>, %arg3: memref<196608xf32, #tpu.memory_space<hbm>>, %arg4: memref<128xi32, #tpu.memory_space<hbm>>, %arg5: memref<131072xi32, #tpu.memory_space<hbm>>, %arg6: memref<2048xf32, #tpu.memory_space<vmem>>, %arg7: memref<2048xf32, #tpu.memory_space<vmem>>, %arg8: memref<2048xf32, #tpu.memory_space<vmem>>, %arg9: memref<128xi32, #tpu.memory_space<vmem>>, %arg10: memref<3072xi32, #tpu.memory_space<vmem>>, %arg11: memref<3072xf32, #tpu.memory_space<vmem>>, %arg12: memref<49152xf32, #tpu.memory_space<vmem>>, %arg13: memref<4096xi32, #tpu.memory_space<vmem>>, %arg14: memref<!tpu.dma_semaphore, #tpu.memory_space<semaphore_mem>>) attributes {dimension_semantics = [#tpu.dimension_semantics<core_parallel>, #tpu.dimension_semantics<subcore_parallel>], iteration_bounds = array<i64: 2, 16>, scalar_prefetch = 0 : i64, scratch_operands = 9 : i64, tpu.core_type = #tpu.core_type<sc_vector_subcore>, window_params = [{transform_indices = #map}, {transform_indices = #map}, {transform_indices = #map}, {transform_indices = #map}]} {
    %mul3A = arith.constant 2 : i32
    %mul3A_0 = arith.muli %arg1, %mul3A : i32
    %add3A = arith.addi %mul3A_0, %arg0 : i32
    "tpu.region"() ({
      %run_scoped3A = tpu.sem_alloc : memref<!tpu.dma_semaphore, #tpu.memory_space<semaphore_mem>>
      tpu.enqueue_dma source(%arg4 : memref<128xi32, #tpu.memory_space<hbm>>) target(%arg9 : memref<128xi32, #tpu.memory_space<vmem>>) target_semaphore(%run_scoped3A : memref<!tpu.dma_semaphore, #tpu.memory_space<semaphore_mem>>)
      tpu.wait_dma2 semaphore(%run_scoped3A : memref<!tpu.dma_semaphore, #tpu.memory_space<semaphore_mem>>) src(%arg4 : memref<128xi32, #tpu.memory_space<hbm>>) dst(%arg9 : memref<128xi32, #tpu.memory_space<vmem>>)
      tpu.yield
    }) : () -> ()
    %mul3A_1 = arith.constant 2048 : i32
    %mul3A_2 = arith.muli %add3A, %mul3A_1 : i32
    %add3A_3 = arith.constant 0 : i32
    %add3A_4 = arith.addi %add3A_3, %mul3A_2 : i32
    "tpu.region"() ({
      %run_scoped3A = tpu.sem_alloc : memref<!tpu.dma_semaphore, #tpu.memory_space<semaphore_mem>>
      %dma_start3A_351 = tpu.memref_slice %arg2[%add3A_4] : memref<786432xf32, #tpu.memory_space<hbm>> -> memref<2048xf32, #tpu.memory_space<hbm>>
      %dma_start3A_352 = tpu.memref_slice %arg2[%add3A_4] : memref<786432xf32, #tpu.memory_space<hbm>> -> memref<2048xf32, #tpu.memory_space<hbm>>
      tpu.enqueue_dma source(%dma_start3A_352 : memref<2048xf32, #tpu.memory_space<hbm>>) target(%arg6 : memref<2048xf32, #tpu.memory_space<vmem>>) target_semaphore(%run_scoped3A : memref<!tpu.dma_semaphore, #tpu.memory_space<semaphore_mem>>)
      %dma_wait3A_353 = tpu.memref_slice %arg2[%add3A_4] : memref<786432xf32, #tpu.memory_space<hbm>> -> memref<2048xf32, #tpu.memory_space<hbm>>
      %dma_wait3A_354 = tpu.memref_slice %arg2[%add3A_4] : memref<786432xf32, #tpu.memory_space<hbm>> -> memref<2048xf32, #tpu.memory_space<hbm>>
      tpu.wait_dma2 semaphore(%run_scoped3A : memref<!tpu.dma_semaphore, #tpu.memory_space<semaphore_mem>>) src(%dma_wait3A_354 : memref<2048xf32, #tpu.memory_space<hbm>>) dst(%arg6 : memref<2048xf32, #tpu.memory_space<vmem>>)
      tpu.yield
    }) : () -> ()
    %mul3A_5 = arith.constant 2048 : i32
    %mul3A_6 = arith.muli %add3A, %mul3A_5 : i32
    %add3A_7 = arith.constant 262144 : i32
    %add3A_8 = arith.addi %add3A_7, %mul3A_6 : i32
    "tpu.region"() ({
      %run_scoped3A = tpu.sem_alloc : memref<!tpu.dma_semaphore, #tpu.memory_space<semaphore_mem>>
      %dma_start3A_351 = tpu.memref_slice %arg2[%add3A_8] : memref<786432xf32, #tpu.memory_space<hbm>> -> memref<2048xf32, #tpu.memory_space<hbm>>
      %dma_start3A_352 = tpu.memref_slice %arg2[%add3A_8] : memref<786432xf32, #tpu.memory_space<hbm>> -> memref<2048xf32, #tpu.memory_space<hbm>>
      tpu.enqueue_dma source(%dma_start3A_352 : memref<2048xf32, #tpu.memory_space<hbm>>) target(%arg7 : memref<2048xf32, #tpu.memory_space<vmem>>) target_semaphore(%run_scoped3A : memref<!tpu.dma_semaphore, #tpu.memory_space<semaphore_mem>>)
      %dma_wait3A_353 = tpu.memref_slice %arg2[%add3A_8] : memref<786432xf32, #tpu.memory_space<hbm>> -> memref<2048xf32, #tpu.memory_space<hbm>>
      %dma_wait3A_354 = tpu.memref_slice %arg2[%add3A_8] : memref<786432xf32, #tpu.memory_space<hbm>> -> memref<2048xf32, #tpu.memory_space<hbm>>
      tpu.wait_dma2 semaphore(%run_scoped3A : memref<!tpu.dma_semaphore, #tpu.memory_space<semaphore_mem>>) src(%dma_wait3A_354 : memref<2048xf32, #tpu.memory_space<hbm>>) dst(%arg7 : memref<2048xf32, #tpu.memory_space<vmem>>)
      tpu.yield
    }) : () -> ()
    %mul3A_9 = arith.constant 2048 : i32
    %mul3A_10 = arith.muli %add3A, %mul3A_9 : i32
    %add3A_11 = arith.constant 524288 : i32
    %add3A_12 = arith.addi %add3A_11, %mul3A_10 : i32
    "tpu.region"() ({
      %run_scoped3A = tpu.sem_alloc : memref<!tpu.dma_semaphore, #tpu.memory_space<semaphore_mem>>
      %dma_start3A_351 = tpu.memref_slice %arg2[%add3A_12] : memref<786432xf32, #tpu.memory_space<hbm>> -> memref<2048xf32, #tpu.memory_space<hbm>>
      %dma_start3A_352 = tpu.memref_slice %arg2[%add3A_12] : memref<786432xf32, #tpu.memory_space<hbm>> -> memref<2048xf32, #tpu.memory_space<hbm>>
      tpu.enqueue_dma source(%dma_start3A_352 : memref<2048xf32, #tpu.memory_space<hbm>>) target(%arg8 : memref<2048xf32, #tpu.memory_space<vmem>>) target_semaphore(%run_scoped3A : memref<!tpu.dma_semaphore, #tpu.memory_space<semaphore_mem>>)
      %dma_wait3A_353 = tpu.memref_slice %arg2[%add3A_12] : memref<786432xf32, #tpu.memory_space<hbm>> -> memref<2048xf32, #tpu.memory_space<hbm>>
      %dma_wait3A_354 = tpu.memref_slice %arg2[%add3A_12] : memref<786432xf32, #tpu.memory_space<hbm>> -> memref<2048xf32, #tpu.memory_space<hbm>>
      tpu.wait_dma2 semaphore(%run_scoped3A : memref<!tpu.dma_semaphore, #tpu.memory_space<semaphore_mem>>) src(%dma_wait3A_354 : memref<2048xf32, #tpu.memory_space<hbm>>) dst(%arg8 : memref<2048xf32, #tpu.memory_space<vmem>>)
      tpu.yield
    }) : () -> ()
    %scan3A = arith.constant 0 : i32
    %scan3A_13 = arith.constant 0 : i32
    %scan3A_14 = arith.constant 24 : i32
    %scan3A_15 = arith.addi %scan3A_13, %scan3A_14 : i32
    %scan3A_16 = arith.constant 1 : i32
    scf.for %scan3A_351 = %scan3A_13 to %scan3A_15 step %scan3A_16  : i32 {
      %jit3A = arith.constant 8 : i32
      %div3A = arith.divsi %scan3A_351, %jit3A : i32
      %sign3A = arith.constant 0 : i32
      %sign3A_352 = arith.cmpi sgt, %scan3A_351, %sign3A : i32
      %sign3A_353 = arith.extui %sign3A_352 : i1 to i32
      %sign3A_354 = arith.constant 0 : i32
      %sign3A_355 = arith.cmpi slt, %scan3A_351, %sign3A_354 : i32
      %sign3A_356 = arith.extui %sign3A_355 : i1 to i32
      %sign3A_357 = arith.subi %sign3A_353, %sign3A_356 : i32
      %sign3A_358 = arith.constant 0 : i32
      %sign3A_359 = arith.cmpi sgt, %jit3A, %sign3A_358 : i32
      %sign3A_360 = arith.extui %sign3A_359 : i1 to i32
      %sign3A_361 = arith.constant 0 : i32
      %sign3A_362 = arith.cmpi slt, %jit3A, %sign3A_361 : i32
      %sign3A_363 = arith.extui %sign3A_362 : i1 to i32
      %sign3A_364 = arith.subi %sign3A_360, %sign3A_363 : i32
      %ne3A = arith.cmpi ne, %sign3A_357, %sign3A_364 : i32
      %rem3A = arith.remsi %scan3A_351, %jit3A : i32
      %ne3A_365 = arith.constant 0 : i32
      %ne3A_366 = arith.cmpi ne, %rem3A, %ne3A_365 : i32
      %and3A = arith.andi %ne3A, %ne3A_366 : i1
      %sub3A = arith.constant 1 : i32
      %sub3A_367 = arith.subi %div3A, %sub3A : i32
      %select_n3A = arith.select %and3A, %sub3A_367, %div3A : i32
      %mul3A_368 = arith.constant 8 : i32
      %mul3A_369 = arith.muli %select_n3A, %mul3A_368 : i32
      %sub3A_370 = arith.subi %scan3A_351, %mul3A_369 : i32
      %mul3A_371 = arith.constant 65536 : i32
      %mul3A_372 = arith.muli %select_n3A, %mul3A_371 : i32
      %mul3A_373 = arith.constant 128 : i32
      %mul3A_374 = arith.muli %sub3A_370, %mul3A_373 : i32
      %add3A_375 = arith.addi %mul3A_372, %mul3A_374 : i32
      %get3A = arith.constant 0 : index
      %get3A_376 = tpu.vector_load %arg9[%get3A] {strides = array<i32>} : memref<128xi32, #tpu.memory_space<vmem>>, vector<16xi32>,
      %shift_right_arithmetic3A = arith.constant 7 : i32
      %shift_right_arithmetic3A_377 = vector.broadcast %shift_right_arithmetic3A : i32 to vector<16xi32>
      %shift_right_arithmetic3A_378 = arith.shrsi %get3A_376, %shift_right_arithmetic3A_377 : vector<16xi32>
      %shift_left3A = arith.constant 10 : i32
      %shift_left3A_379 = vector.broadcast %shift_left3A : i32 to vector<16xi32>
      %shift_left3A_380 = arith.shli %shift_right_arithmetic3A_378, %shift_left3A_379 : vector<16xi32>
      %and3A_381 = arith.constant 127 : i32
      %and3A_382 = vector.broadcast %and3A_381 : i32 to vector<16xi32>
      %and3A_383 = arith.andi %get3A_376, %and3A_382 : vector<16xi32>
      %add3A_384 = arith.addi %shift_left3A_380, %and3A_383 : vector<16xi32>
      %add3A_385 = vector.broadcast %add3A_375 : i32 to vector<16xi32>
      %add3A_386 = arith.addi %add3A_384, %add3A_385 : vector<16xi32>
      %mul3A_387 = arith.constant 128 : i32
      %mul3A_388 = arith.muli %scan3A_351, %mul3A_387 : i32
      %add3A_389 = arith.constant 0 : i32
      %add3A_390 = arith.addi %mul3A_388, %add3A_389 : i32
      %swap3A = arith.index_cast %add3A_390 : i32 to index
      %swap3A_391 = tpu.vector_load %arg10[%swap3A] {strides = array<i32>} : memref<3072xi32, #tpu.memory_space<vmem>>, vector<16xi32>,
      tpu.vector_store %arg10[%swap3A], %add3A_386 {strides = array<i32>} : memref<3072xi32, #tpu.memory_space<vmem>>, vector<16xi32>,
      %get3A_392 = arith.constant 16 : index
      %get3A_393 = tpu.vector_load %arg9[%get3A_392] {strides = array<i32>} : memref<128xi32, #tpu.memory_space<vmem>>, vector<16xi32>,
      %shift_right_arithmetic3A_394 = arith.constant 7 : i32
      %shift_right_arithmetic3A_395 = vector.broadcast %shift_right_arithmetic3A_394 : i32 to vector<16xi32>
      %shift_right_arithmetic3A_396 = arith.shrsi %get3A_393, %shift_right_arithmetic3A_395 : vector<16xi32>
      %shift_left3A_397 = arith.constant 10 : i32
      %shift_left3A_398 = vector.broadcast %shift_left3A_397 : i32 to vector<16xi32>
      %shift_left3A_399 = arith.shli %shift_right_arithmetic3A_396, %shift_left3A_398 : vector<16xi32>
      %and3A_400 = arith.constant 127 : i32
      %and3A_401 = vector.broadcast %and3A_400 : i32 to vector<16xi32>
      %and3A_402 = arith.andi %get3A_393, %and3A_401 : vector<16xi32>
      %add3A_403 = arith.addi %shift_left3A_399, %and3A_402 : vector<16xi32>
      %add3A_404 = vector.broadcast %add3A_375 : i32 to vector<16xi32>
      %add3A_405 = arith.addi %add3A_403, %add3A_404 : vector<16xi32>
      %mul3A_406 = arith.constant 128 : i32
      %mul3A_407 = arith.muli %scan3A_351, %mul3A_406 : i32
      %add3A_408 = arith.constant 16 : i32
      %add3A_409 = arith.addi %mul3A_407, %add3A_408 : i32
      %swap3A_410 = arith.index_cast %add3A_409 : i32 to index
      %swap3A_411 = tpu.vector_load %arg10[%swap3A_410] {strides = array<i32>} : memref<3072xi32, #tpu.memory_space<vmem>>, vector<16xi32>,
      tpu.vector_store %arg10[%swap3A_410], %add3A_405 {strides = array<i32>} : memref<3072xi32, #tpu.memory_space<vmem>>, vector<16xi32>,
      %get3A_412 = arith.constant 32 : index
      %get3A_413 = tpu.vector_load %arg9[%get3A_412] {strides = array<i32>} : memref<128xi32, #tpu.memory_space<vmem>>, vector<16xi32>,
      %shift_right_arithmetic3A_414 = arith.constant 7 : i32
      %shift_right_arithmetic3A_415 = vector.broadcast %shift_right_arithmetic3A_414 : i32 to vector<16xi32>
      %shift_right_arithmetic3A_416 = arith.shrsi %get3A_413, %shift_right_arithmetic3A_415 : vector<16xi32>
      %shift_left3A_417 = arith.constant 10 : i32
      %shift_left3A_418 = vector.broadcast %shift_left3A_417 : i32 to vector<16xi32>
      %shift_left3A_419 = arith.shli %shift_right_arithmetic3A_416, %shift_left3A_418 : vector<16xi32>
      %and3A_420 = arith.constant 127 : i32
      %and3A_421 = vector.broadcast %and3A_420 : i32 to vector<16xi32>
      %and3A_422 = arith.andi %get3A_413, %and3A_421 : vector<16xi32>
      %add3A_423 = arith.addi %shift_left3A_419, %and3A_422 : vector<16xi32>
      %add3A_424 = vector.broadcast %add3A_375 : i32 to vector<16xi32>
      %add3A_425 = arith.addi %add3A_423, %add3A_424 : vector<16xi32>
      %mul3A_426 = arith.constant 128 : i32
      %mul3A_427 = arith.muli %scan3A_351, %mul3A_426 : i32
      %add3A_428 = arith.constant 32 : i32
      %add3A_429 = arith.addi %mul3A_427, %add3A_428 : i32
      %swap3A_430 = arith.index_cast %add3A_429 : i32 to index
      %swap3A_431 = tpu.vector_load %arg10[%swap3A_430] {strides = array<i32>} : memref<3072xi32, #tpu.memory_space<vmem>>, vector<16xi32>,
      tpu.vector_store %arg10[%swap3A_430], %add3A_425 {strides = array<i32>} : memref<3072xi32, #tpu.memory_space<vmem>>, vector<16xi32>,
      %get3A_432 = arith.constant 48 : index
      %get3A_433 = tpu.vector_load %arg9[%get3A_432] {strides = array<i32>} : memref<128xi32, #tpu.memory_space<vmem>>, vector<16xi32>,
      %shift_right_arithmetic3A_434 = arith.constant 7 : i32
      %shift_right_arithmetic3A_435 = vector.broadcast %shift_right_arithmetic3A_434 : i32 to vector<16xi32>
      %shift_right_arithmetic3A_436 = arith.shrsi %get3A_433, %shift_right_arithmetic3A_435 : vector<16xi32>
      %shift_left3A_437 = arith.constant 10 : i32
      %shift_left3A_438 = vector.broadcast %shift_left3A_437 : i32 to vector<16xi32>
      %shift_left3A_439 = arith.shli %shift_right_arithmetic3A_436, %shift_left3A_438 : vector<16xi32>
      %and3A_440 = arith.constant 127 : i32
      %and3A_441 = vector.broadcast %and3A_440 : i32 to vector<16xi32>
      %and3A_442 = arith.andi %get3A_433, %and3A_441 : vector<16xi32>
      %add3A_443 = arith.addi %shift_left3A_439, %and3A_442 : vector<16xi32>
      %add3A_444 = vector.broadcast %add3A_375 : i32 to vector<16xi32>
      %add3A_445 = arith.addi %add3A_443, %add3A_444 : vector<16xi32>
      %mul3A_446 = arith.constant 128 : i32
      %mul3A_447 = arith.muli %scan3A_351, %mul3A_446 : i32
      %add3A_448 = arith.constant 48 : i32
      %add3A_449 = arith.addi %mul3A_447, %add3A_448 : i32
      %swap3A_450 = arith.index_cast %add3A_449 : i32 to index
      %swap3A_451 = tpu.vector_load %arg10[%swap3A_450] {strides = array<i32>} : memref<3072xi32, #tpu.memory_space<vmem>>, vector<16xi32>,
      tpu.vector_store %arg10[%swap3A_450], %add3A_445 {strides = array<i32>} : memref<3072xi32, #tpu.memory_space<vmem>>, vector<16xi32>,
      %get3A_452 = arith.constant 64 : index
      %get3A_453 = tpu.vector_load %arg9[%get3A_452] {strides = array<i32>} : memref<128xi32, #tpu.memory_space<vmem>>, vector<16xi32>,
      %shift_right_arithmetic3A_454 = arith.constant 7 : i32
      %shift_right_arithmetic3A_455 = vector.broadcast %shift_right_arithmetic3A_454 : i32 to vector<16xi32>
      %shift_right_arithmetic3A_456 = arith.shrsi %get3A_453, %shift_right_arithmetic3A_455 : vector<16xi32>
      %shift_left3A_457 = arith.constant 10 : i32
      %shift_left3A_458 = vector.broadcast %shift_left3A_457 : i32 to vector<16xi32>
      %shift_left3A_459 = arith.shli %shift_right_arithmetic3A_456, %shift_left3A_458 : vector<16xi32>
      %and3A_460 = arith.constant 127 : i32
      %and3A_461 = vector.broadcast %and3A_460 : i32 to vector<16xi32>
      %and3A_462 = arith.andi %get3A_453, %and3A_461 : vector<16xi32>
      %add3A_463 = arith.addi %shift_left3A_459, %and3A_462 : vector<16xi32>
      %add3A_464 = vector.broadcast %add3A_375 : i32 to vector<16xi32>
      %add3A_465 = arith.addi %add3A_463, %add3A_464 : vector<16xi32>
      %mul3A_466 = arith.constant 128 : i32
      %mul3A_467 = arith.muli %scan3A_351, %mul3A_466 : i32
      %add3A_468 = arith.constant 64 : i32
      %add3A_469 = arith.addi %mul3A_467, %add3A_468 : i32
      %swap3A_470 = arith.index_cast %add3A_469 : i32 to index
      %swap3A_471 = tpu.vector_load %arg10[%swap3A_470] {strides = array<i32>} : memref<3072xi32, #tpu.memory_space<vmem>>, vector<16xi32>,
      tpu.vector_store %arg10[%swap3A_470], %add3A_465 {strides = array<i32>} : memref<3072xi32, #tpu.memory_space<vmem>>, vector<16xi32>,
      %get3A_472 = arith.constant 80 : index
      %get3A_473 = tpu.vector_load %arg9[%get3A_472] {strides = array<i32>} : memref<128xi32, #tpu.memory_space<vmem>>, vector<16xi32>,
      %shift_right_arithmetic3A_474 = arith.constant 7 : i32
      %shift_right_arithmetic3A_475 = vector.broadcast %shift_right_arithmetic3A_474 : i32 to vector<16xi32>
      %shift_right_arithmetic3A_476 = arith.shrsi %get3A_473, %shift_right_arithmetic3A_475 : vector<16xi32>
      %shift_left3A_477 = arith.constant 10 : i32
      %shift_left3A_478 = vector.broadcast %shift_left3A_477 : i32 to vector<16xi32>
      %shift_left3A_479 = arith.shli %shift_right_arithmetic3A_476, %shift_left3A_478 : vector<16xi32>
      %and3A_480 = arith.constant 127 : i32
      %and3A_481 = vector.broadcast %and3A_480 : i32 to vector<16xi32>
      %and3A_482 = arith.andi %get3A_473, %and3A_481 : vector<16xi32>
      %add3A_483 = arith.addi %shift_left3A_479, %and3A_482 : vector<16xi32>
      %add3A_484 = vector.broadcast %add3A_375 : i32 to vector<16xi32>
      %add3A_485 = arith.addi %add3A_483, %add3A_484 : vector<16xi32>
      %mul3A_486 = arith.constant 128 : i32
      %mul3A_487 = arith.muli %scan3A_351, %mul3A_486 : i32
      %add3A_488 = arith.constant 80 : i32
      %add3A_489 = arith.addi %mul3A_487, %add3A_488 : i32
      %swap3A_490 = arith.index_cast %add3A_489 : i32 to index
      %swap3A_491 = tpu.vector_load %arg10[%swap3A_490] {strides = array<i32>} : memref<3072xi32, #tpu.memory_space<vmem>>, vector<16xi32>,
      tpu.vector_store %arg10[%swap3A_490], %add3A_485 {strides = array<i32>} : memref<3072xi32, #tpu.memory_space<vmem>>, vector<16xi32>,
      %get3A_492 = arith.constant 96 : index
      %get3A_493 = tpu.vector_load %arg9[%get3A_492] {strides = array<i32>} : memref<128xi32, #tpu.memory_space<vmem>>, vector<16xi32>,
      %shift_right_arithmetic3A_494 = arith.constant 7 : i32
      %shift_right_arithmetic3A_495 = vector.broadcast %shift_right_arithmetic3A_494 : i32 to vector<16xi32>
      %shift_right_arithmetic3A_496 = arith.shrsi %get3A_493, %shift_right_arithmetic3A_495 : vector<16xi32>
      %shift_left3A_497 = arith.constant 10 : i32
      %shift_left3A_498 = vector.broadcast %shift_left3A_497 : i32 to vector<16xi32>
      %shift_left3A_499 = arith.shli %shift_right_arithmetic3A_496, %shift_left3A_498 : vector<16xi32>
      %and3A_500 = arith.constant 127 : i32
      %and3A_501 = vector.broadcast %and3A_500 : i32 to vector<16xi32>
      %and3A_502 = arith.andi %get3A_493, %and3A_501 : vector<16xi32>
      %add3A_503 = arith.addi %shift_left3A_499, %and3A_502 : vector<16xi32>
      %add3A_504 = vector.broadcast %add3A_375 : i32 to vector<16xi32>
      %add3A_505 = arith.addi %add3A_503, %add3A_504 : vector<16xi32>
      %mul3A_506 = arith.constant 128 : i32
      %mul3A_507 = arith.muli %scan3A_351, %mul3A_506 : i32
      %add3A_508 = arith.constant 96 : i32
      %add3A_509 = arith.addi %mul3A_507, %add3A_508 : i32
      %swap3A_510 = arith.index_cast %add3A_509 : i32 to index
      %swap3A_511 = tpu.vector_load %arg10[%swap3A_510] {strides = array<i32>} : memref<3072xi32, #tpu.memory_space<vmem>>, vector<16xi32>,
      tpu.vector_store %arg10[%swap3A_510], %add3A_505 {strides = array<i32>} : memref<3072xi32, #tpu.memory_space<vmem>>, vector<16xi32>,
      %get3A_512 = arith.constant 112 : index
      %get3A_513 = tpu.vector_load %arg9[%get3A_512] {strides = array<i32>} : memref<128xi32, #tpu.memory_space<vmem>>, vector<16xi32>,
      %shift_right_arithmetic3A_514 = arith.constant 7 : i32
      %shift_right_arithmetic3A_515 = vector.broadcast %shift_right_arithmetic3A_514 : i32 to vector<16xi32>
      %shift_right_arithmetic3A_516 = arith.shrsi %get3A_513, %shift_right_arithmetic3A_515 : vector<16xi32>
      %shift_left3A_517 = arith.constant 10 : i32
      %shift_left3A_518 = vector.broadcast %shift_left3A_517 : i32 to vector<16xi32>
      %shift_left3A_519 = arith.shli %shift_right_arithmetic3A_516, %shift_left3A_518 : vector<16xi32>
      %and3A_520 = arith.constant 127 : i32
      %and3A_521 = vector.broadcast %and3A_520 : i32 to vector<16xi32>
      %and3A_522 = arith.andi %get3A_513, %and3A_521 : vector<16xi32>
      %add3A_523 = arith.addi %shift_left3A_519, %and3A_522 : vector<16xi32>
      %add3A_524 = vector.broadcast %add3A_375 : i32 to vector<16xi32>
      %add3A_525 = arith.addi %add3A_523, %add3A_524 : vector<16xi32>
      %mul3A_526 = arith.constant 128 : i32
      %mul3A_527 = arith.muli %scan3A_351, %mul3A_526 : i32
      %add3A_528 = arith.constant 112 : i32
      %add3A_529 = arith.addi %mul3A_527, %add3A_528 : i32
      %swap3A_530 = arith.index_cast %add3A_529 : i32 to index
      %swap3A_531 = tpu.vector_load %arg10[%swap3A_530] {strides = array<i32>} : memref<3072xi32, #tpu.memory_space<vmem>>, vector<16xi32>,
      tpu.vector_store %arg10[%swap3A_530], %add3A_525 {strides = array<i32>} : memref<3072xi32, #tpu.memory_space<vmem>>, vector<16xi32>,
    }
    %scan3A_17 = arith.constant 24 : i32
    %dma_start3A = arith.constant 0 : i32
    %dma_start3A_18 = tpu.memref_slice %arg11[%dma_start3A] : memref<3072xf32, #tpu.memory_space<vmem>> -> memref<128xf32, #tpu.memory_space<vmem>>
    %dma_start3A_19 = arith.constant 0 : i32
    %dma_start3A_20 = tpu.memref_slice %arg10[%dma_start3A_19] : memref<3072xi32, #tpu.memory_space<vmem>> -> memref<128xi32, #tpu.memory_space<vmem>>
    %dma_start3A_21 = arith.constant 0 : i32
    %dma_start3A_22 = tpu.memref_slice %arg3[%dma_start3A_21] : memref<196608xf32, #tpu.memory_space<hbm>> -> memref<196608xf32, #tpu.memory_space<hbm>>
    tpu.enqueue_indirect_dma source(%dma_start3A_22 : memref<196608xf32, #tpu.memory_space<hbm>>) target(%dma_start3A_18 : memref<128xf32, #tpu.memory_space<vmem>>) offsets(%dma_start3A_20 : memref<128xi32, #tpu.memory_space<vmem>>) semaphore(%arg14 : memref<!tpu.dma_semaphore, #tpu.memory_space<semaphore_mem>>)
    %dma_start3A_23 = arith.constant 128 : i32
    %dma_start3A_24 = tpu.memref_slice %arg11[%dma_start3A_23] : memref<3072xf32, #tpu.memory_space<vmem>> -> memref<128xf32, #tpu.memory_space<vmem>>
    %dma_start3A_25 = arith.constant 128 : i32
    %dma_start3A_26 = tpu.memref_slice %arg10[%dma_start3A_25] : memref<3072xi32, #tpu.memory_space<vmem>> -> memref<128xi32, #tpu.memory_space<vmem>>
    %dma_start3A_27 = arith.constant 0 : i32
    %dma_start3A_28 = tpu.memref_slice %arg3[%dma_start3A_27] : memref<196608xf32, #tpu.memory_space<hbm>> -> memref<196608xf32, #tpu.memory_space<hbm>>
    tpu.enqueue_indirect_dma source(%dma_start3A_28 : memref<196608xf32, #tpu.memory_space<hbm>>) target(%dma_start3A_24 : memref<128xf32, #tpu.memory_space<vmem>>) offsets(%dma_start3A_26 : memref<128xi32, #tpu.memory_space<vmem>>) semaphore(%arg14 : memref<!tpu.dma_semaphore, #tpu.memory_space<semaphore_mem>>)
    %dma_start3A_29 = arith.constant 256 : i32
    %dma_start3A_30 = tpu.memref_slice %arg11[%dma_start3A_29] : memref<3072xf32, #tpu.memory_space<vmem>> -> memref<128xf32, #tpu.memory_space<vmem>>
    %dma_start3A_31 = arith.constant 256 : i32
    %dma_start3A_32 = tpu.memref_slice %arg10[%dma_start3A_31] : memref<3072xi32, #tpu.memory_space<vmem>> -> memref<128xi32, #tpu.memory_space<vmem>>
    %dma_start3A_33 = arith.constant 0 : i32
    %dma_start3A_34 = tpu.memref_slice %arg3[%dma_start3A_33] : memref<196608xf32, #tpu.memory_space<hbm>> -> memref<196608xf32, #tpu.memory_space<hbm>>
    tpu.enqueue_indirect_dma source(%dma_start3A_34 : memref<196608xf32, #tpu.memory_space<hbm>>) target(%dma_start3A_30 : memref<128xf32, #tpu.memory_space<vmem>>) offsets(%dma_start3A_32 : memref<128xi32, #tpu.memory_space<vmem>>) semaphore(%arg14 : memref<!tpu.dma_semaphore, #tpu.memory_space<semaphore_mem>>)
    %dma_start3A_35 = arith.constant 384 : i32
    %dma_start3A_36 = tpu.memref_slice %arg11[%dma_start3A_35] : memref<3072xf32, #tpu.memory_space<vmem>> -> memref<128xf32, #tpu.memory_space<vmem>>
    %dma_start3A_37 = arith.constant 384 : i32
    %dma_start3A_38 = tpu.memref_slice %arg10[%dma_start3A_37] : memref<3072xi32, #tpu.memory_space<vmem>> -> memref<128xi32, #tpu.memory_space<vmem>>
    %dma_start3A_39 = arith.constant 0 : i32
    %dma_start3A_40 = tpu.memref_slice %arg3[%dma_start3A_39] : memref<196608xf32, #tpu.memory_space<hbm>> -> memref<196608xf32, #tpu.memory_space<hbm>>
    tpu.enqueue_indirect_dma source(%dma_start3A_40 : memref<196608xf32, #tpu.memory_space<hbm>>) target(%dma_start3A_36 : memref<128xf32, #tpu.memory_space<vmem>>) offsets(%dma_start3A_38 : memref<128xi32, #tpu.memory_space<vmem>>) semaphore(%arg14 : memref<!tpu.dma_semaphore, #tpu.memory_space<semaphore_mem>>)
    %dma_start3A_41 = arith.constant 512 : i32
    %dma_start3A_42 = tpu.memref_slice %arg11[%dma_start3A_41] : memref<3072xf32, #tpu.memory_space<vmem>> -> memref<128xf32, #tpu.memory_space<vmem>>
    %dma_start3A_43 = arith.constant 512 : i32
    %dma_start3A_44 = tpu.memref_slice %arg10[%dma_start3A_43] : memref<3072xi32, #tpu.memory_space<vmem>> -> memref<128xi32, #tpu.memory_space<vmem>>
    %dma_start3A_45 = arith.constant 0 : i32
    %dma_start3A_46 = tpu.memref_slice %arg3[%dma_start3A_45] : memref<196608xf32, #tpu.memory_space<hbm>> -> memref<196608xf32, #tpu.memory_space<hbm>>
    tpu.enqueue_indirect_dma source(%dma_start3A_46 : memref<196608xf32, #tpu.memory_space<hbm>>) target(%dma_start3A_42 : memref<128xf32, #tpu.memory_space<vmem>>) offsets(%dma_start3A_44 : memref<128xi32, #tpu.memory_space<vmem>>) semaphore(%arg14 : memref<!tpu.dma_semaphore, #tpu.memory_space<semaphore_mem>>)
    %dma_start3A_47 = arith.constant 640 : i32
    %dma_start3A_48 = tpu.memref_slice %arg11[%dma_start3A_47] : memref<3072xf32, #tpu.memory_space<vmem>> -> memref<128xf32, #tpu.memory_space<vmem>>
    %dma_start3A_49 = arith.constant 640 : i32
    %dma_start3A_50 = tpu.memref_slice %arg10[%dma_start3A_49] : memref<3072xi32, #tpu.memory_space<vmem>> -> memref<128xi32, #tpu.memory_space<vmem>>
    %dma_start3A_51 = arith.constant 0 : i32
    %dma_start3A_52 = tpu.memref_slice %arg3[%dma_start3A_51] : memref<196608xf32, #tpu.memory_space<hbm>> -> memref<196608xf32, #tpu.memory_space<hbm>>
    tpu.enqueue_indirect_dma source(%dma_start3A_52 : memref<196608xf32, #tpu.memory_space<hbm>>) target(%dma_start3A_48 : memref<128xf32, #tpu.memory_space<vmem>>) offsets(%dma_start3A_50 : memref<128xi32, #tpu.memory_space<vmem>>) semaphore(%arg14 : memref<!tpu.dma_semaphore, #tpu.memory_space<semaphore_mem>>)
    %dma_start3A_53 = arith.constant 768 : i32
    %dma_start3A_54 = tpu.memref_slice %arg11[%dma_start3A_53] : memref<3072xf32, #tpu.memory_space<vmem>> -> memref<128xf32, #tpu.memory_space<vmem>>
    %dma_start3A_55 = arith.constant 768 : i32
    %dma_start3A_56 = tpu.memref_slice %arg10[%dma_start3A_55] : memref<3072xi32, #tpu.memory_space<vmem>> -> memref<128xi32, #tpu.memory_space<vmem>>
    %dma_start3A_57 = arith.constant 0 : i32
    %dma_start3A_58 = tpu.memref_slice %arg3[%dma_start3A_57] : memref<196608xf32, #tpu.memory_space<hbm>> -> memref<196608xf32, #tpu.memory_space<hbm>>
    tpu.enqueue_indirect_dma source(%dma_start3A_58 : memref<196608xf32, #tpu.memory_space<hbm>>) target(%dma_start3A_54 : memref<128xf32, #tpu.memory_space<vmem>>) offsets(%dma_start3A_56 : memref<128xi32, #tpu.memory_space<vmem>>) semaphore(%arg14 : memref<!tpu.dma_semaphore, #tpu.memory_space<semaphore_mem>>)
    %dma_start3A_59 = arith.constant 896 : i32
    %dma_start3A_60 = tpu.memref_slice %arg11[%dma_start3A_59] : memref<3072xf32, #tpu.memory_space<vmem>> -> memref<128xf32, #tpu.memory_space<vmem>>
    %dma_start3A_61 = arith.constant 896 : i32
    %dma_start3A_62 = tpu.memref_slice %arg10[%dma_start3A_61] : memref<3072xi32, #tpu.memory_space<vmem>> -> memref<128xi32, #tpu.memory_space<vmem>>
    %dma_start3A_63 = arith.constant 0 : i32
    %dma_start3A_64 = tpu.memref_slice %arg3[%dma_start3A_63] : memref<196608xf32, #tpu.memory_space<hbm>> -> memref<196608xf32, #tpu.memory_space<hbm>>
    tpu.enqueue_indirect_dma source(%dma_start3A_64 : memref<196608xf32, #tpu.memory_space<hbm>>) target(%dma_start3A_60 : memref<128xf32, #tpu.memory_space<vmem>>) offsets(%dma_start3A_62 : memref<128xi32, #tpu.memory_space<vmem>>) semaphore(%arg14 : memref<!tpu.dma_semaphore, #tpu.memory_space<semaphore_mem>>)
    %dma_start3A_65 = arith.constant 1024 : i32
    %dma_start3A_66 = tpu.memref_slice %arg11[%dma_start3A_65] : memref<3072xf32, #tpu.memory_space<vmem>> -> memref<128xf32, #tpu.memory_space<vmem>>
    %dma_start3A_67 = arith.constant 1024 : i32
    %dma_start3A_68 = tpu.memref_slice %arg10[%dma_start3A_67] : memref<3072xi32, #tpu.memory_space<vmem>> -> memref<128xi32, #tpu.memory_space<vmem>>
    %dma_start3A_69 = arith.constant 0 : i32
    %dma_start3A_70 = tpu.memref_slice %arg3[%dma_start3A_69] : memref<196608xf32, #tpu.memory_space<hbm>> -> memref<196608xf32, #tpu.memory_space<hbm>>
    tpu.enqueue_indirect_dma source(%dma_start3A_70 : memref<196608xf32, #tpu.memory_space<hbm>>) target(%dma_start3A_66 : memref<128xf32, #tpu.memory_space<vmem>>) offsets(%dma_start3A_68 : memref<128xi32, #tpu.memory_space<vmem>>) semaphore(%arg14 : memref<!tpu.dma_semaphore, #tpu.memory_space<semaphore_mem>>)
    %dma_start3A_71 = arith.constant 1152 : i32
    %dma_start3A_72 = tpu.memref_slice %arg11[%dma_start3A_71] : memref<3072xf32, #tpu.memory_space<vmem>> -> memref<128xf32, #tpu.memory_space<vmem>>
    %dma_start3A_73 = arith.constant 1152 : i32
    %dma_start3A_74 = tpu.memref_slice %arg10[%dma_start3A_73] : memref<3072xi32, #tpu.memory_space<vmem>> -> memref<128xi32, #tpu.memory_space<vmem>>
    %dma_start3A_75 = arith.constant 0 : i32
    %dma_start3A_76 = tpu.memref_slice %arg3[%dma_start3A_75] : memref<196608xf32, #tpu.memory_space<hbm>> -> memref<196608xf32, #tpu.memory_space<hbm>>
    tpu.enqueue_indirect_dma source(%dma_start3A_76 : memref<196608xf32, #tpu.memory_space<hbm>>) target(%dma_start3A_72 : memref<128xf32, #tpu.memory_space<vmem>>) offsets(%dma_start3A_74 : memref<128xi32, #tpu.memory_space<vmem>>) semaphore(%arg14 : memref<!tpu.dma_semaphore, #tpu.memory_space<semaphore_mem>>)
    %dma_start3A_77 = arith.constant 1280 : i32
    %dma_start3A_78 = tpu.memref_slice %arg11[%dma_start3A_77] : memref<3072xf32, #tpu.memory_space<vmem>> -> memref<128xf32, #tpu.memory_space<vmem>>
    %dma_start3A_79 = arith.constant 1280 : i32
    %dma_start3A_80 = tpu.memref_slice %arg10[%dma_start3A_79] : memref<3072xi32, #tpu.memory_space<vmem>> -> memref<128xi32, #tpu.memory_space<vmem>>
    %dma_start3A_81 = arith.constant 0 : i32
    %dma_start3A_82 = tpu.memref_slice %arg3[%dma_start3A_81] : memref<196608xf32, #tpu.memory_space<hbm>> -> memref<196608xf32, #tpu.memory_space<hbm>>
    tpu.enqueue_indirect_dma source(%dma_start3A_82 : memref<196608xf32, #tpu.memory_space<hbm>>) target(%dma_start3A_78 : memref<128xf32, #tpu.memory_space<vmem>>) offsets(%dma_start3A_80 : memref<128xi32, #tpu.memory_space<vmem>>) semaphore(%arg14 : memref<!tpu.dma_semaphore, #tpu.memory_space<semaphore_mem>>)
    %dma_start3A_83 = arith.constant 1408 : i32
    %dma_start3A_84 = tpu.memref_slice %arg11[%dma_start3A_83] : memref<3072xf32, #tpu.memory_space<vmem>> -> memref<128xf32, #tpu.memory_space<vmem>>
    %dma_start3A_85 = arith.constant 1408 : i32
    %dma_start3A_86 = tpu.memref_slice %arg10[%dma_start3A_85] : memref<3072xi32, #tpu.memory_space<vmem>> -> memref<128xi32, #tpu.memory_space<vmem>>
    %dma_start3A_87 = arith.constant 0 : i32
    %dma_start3A_88 = tpu.memref_slice %arg3[%dma_start3A_87] : memref<196608xf32, #tpu.memory_space<hbm>> -> memref<196608xf32, #tpu.memory_space<hbm>>
    tpu.enqueue_indirect_dma source(%dma_start3A_88 : memref<196608xf32, #tpu.memory_space<hbm>>) target(%dma_start3A_84 : memref<128xf32, #tpu.memory_space<vmem>>) offsets(%dma_start3A_86 : memref<128xi32, #tpu.memory_space<vmem>>) semaphore(%arg14 : memref<!tpu.dma_semaphore, #tpu.memory_space<semaphore_mem>>)
    %dma_start3A_89 = arith.constant 1536 : i32
    %dma_start3A_90 = tpu.memref_slice %arg11[%dma_start3A_89] : memref<3072xf32, #tpu.memory_space<vmem>> -> memref<128xf32, #tpu.memory_space<vmem>>
    %dma_start3A_91 = arith.constant 1536 : i32
    %dma_start3A_92 = tpu.memref_slice %arg10[%dma_start3A_91] : memref<3072xi32, #tpu.memory_space<vmem>> -> memref<128xi32, #tpu.memory_space<vmem>>
    %dma_start3A_93 = arith.constant 0 : i32
    %dma_start3A_94 = tpu.memref_slice %arg3[%dma_start3A_93] : memref<196608xf32, #tpu.memory_space<hbm>> -> memref<196608xf32, #tpu.memory_space<hbm>>
    tpu.enqueue_indirect_dma source(%dma_start3A_94 : memref<196608xf32, #tpu.memory_space<hbm>>) target(%dma_start3A_90 : memref<128xf32, #tpu.memory_space<vmem>>) offsets(%dma_start3A_92 : memref<128xi32, #tpu.memory_space<vmem>>) semaphore(%arg14 : memref<!tpu.dma_semaphore, #tpu.memory_space<semaphore_mem>>)
    %dma_start3A_95 = arith.constant 1664 : i32
    %dma_start3A_96 = tpu.memref_slice %arg11[%dma_start3A_95] : memref<3072xf32, #tpu.memory_space<vmem>> -> memref<128xf32, #tpu.memory_space<vmem>>
    %dma_start3A_97 = arith.constant 1664 : i32
    %dma_start3A_98 = tpu.memref_slice %arg10[%dma_start3A_97] : memref<3072xi32, #tpu.memory_space<vmem>> -> memref<128xi32, #tpu.memory_space<vmem>>
    %dma_start3A_99 = arith.constant 0 : i32
    %dma_start3A_100 = tpu.memref_slice %arg3[%dma_start3A_99] : memref<196608xf32, #tpu.memory_space<hbm>> -> memref<196608xf32, #tpu.memory_space<hbm>>
    tpu.enqueue_indirect_dma source(%dma_start3A_100 : memref<196608xf32, #tpu.memory_space<hbm>>) target(%dma_start3A_96 : memref<128xf32, #tpu.memory_space<vmem>>) offsets(%dma_start3A_98 : memref<128xi32, #tpu.memory_space<vmem>>) semaphore(%arg14 : memref<!tpu.dma_semaphore, #tpu.memory_space<semaphore_mem>>)
    %dma_start3A_101 = arith.constant 1792 : i32
    %dma_start3A_102 = tpu.memref_slice %arg11[%dma_start3A_101] : memref<3072xf32, #tpu.memory_space<vmem>> -> memref<128xf32, #tpu.memory_space<vmem>>
    %dma_start3A_103 = arith.constant 1792 : i32
    %dma_start3A_104 = tpu.memref_slice %arg10[%dma_start3A_103] : memref<3072xi32, #tpu.memory_space<vmem>> -> memref<128xi32, #tpu.memory_space<vmem>>
    %dma_start3A_105 = arith.constant 0 : i32
    %dma_start3A_106 = tpu.memref_slice %arg3[%dma_start3A_105] : memref<196608xf32, #tpu.memory_space<hbm>> -> memref<196608xf32, #tpu.memory_space<hbm>>
    tpu.enqueue_indirect_dma source(%dma_start3A_106 : memref<196608xf32, #tpu.memory_space<hbm>>) target(%dma_start3A_102 : memref<128xf32, #tpu.memory_space<vmem>>) offsets(%dma_start3A_104 : memref<128xi32, #tpu.memory_space<vmem>>) semaphore(%arg14 : memref<!tpu.dma_semaphore, #tpu.memory_space<semaphore_mem>>)
    %dma_start3A_107 = arith.constant 1920 : i32
    %dma_start3A_108 = tpu.memref_slice %arg11[%dma_start3A_107] : memref<3072xf32, #tpu.memory_space<vmem>> -> memref<128xf32, #tpu.memory_space<vmem>>
    %dma_start3A_109 = arith.constant 1920 : i32
    %dma_start3A_110 = tpu.memref_slice %arg10[%dma_start3A_109] : memref<3072xi32, #tpu.memory_space<vmem>> -> memref<128xi32, #tpu.memory_space<vmem>>
    %dma_start3A_111 = arith.constant 0 : i32
    %dma_start3A_112 = tpu.memref_slice %arg3[%dma_start3A_111] : memref<196608xf32, #tpu.memory_space<hbm>> -> memref<196608xf32, #tpu.memory_space<hbm>>
    tpu.enqueue_indirect_dma source(%dma_start3A_112 : memref<196608xf32, #tpu.memory_space<hbm>>) target(%dma_start3A_108 : memref<128xf32, #tpu.memory_space<vmem>>) offsets(%dma_start3A_110 : memref<128xi32, #tpu.memory_space<vmem>>) semaphore(%arg14 : memref<!tpu.dma_semaphore, #tpu.memory_space<semaphore_mem>>)
    %dma_start3A_113 = arith.constant 2048 : i32
    %dma_start3A_114 = tpu.memref_slice %arg11[%dma_start3A_113] : memref<3072xf32, #tpu.memory_space<vmem>> -> memref<128xf32, #tpu.memory_space<vmem>>
    %dma_start3A_115 = arith.constant 2048 : i32
    %dma_start3A_116 = tpu.memref_slice %arg10[%dma_start3A_115] : memref<3072xi32, #tpu.memory_space<vmem>> -> memref<128xi32, #tpu.memory_space<vmem>>
    %dma_start3A_117 = arith.constant 0 : i32
    %dma_start3A_118 = tpu.memref_slice %arg3[%dma_start3A_117] : memref<196608xf32, #tpu.memory_space<hbm>> -> memref<196608xf32, #tpu.memory_space<hbm>>
    tpu.enqueue_indirect_dma source(%dma_start3A_118 : memref<196608xf32, #tpu.memory_space<hbm>>) target(%dma_start3A_114 : memref<128xf32, #tpu.memory_space<vmem>>) offsets(%dma_start3A_116 : memref<128xi32, #tpu.memory_space<vmem>>) semaphore(%arg14 : memref<!tpu.dma_semaphore, #tpu.memory_space<semaphore_mem>>)
    %dma_start3A_119 = arith.constant 2176 : i32
    %dma_start3A_120 = tpu.memref_slice %arg11[%dma_start3A_119] : memref<3072xf32, #tpu.memory_space<vmem>> -> memref<128xf32, #tpu.memory_space<vmem>>
    %dma_start3A_121 = arith.constant 2176 : i32
    %dma_start3A_122 = tpu.memref_slice %arg10[%dma_start3A_121] : memref<3072xi32, #tpu.memory_space<vmem>> -> memref<128xi32, #tpu.memory_space<vmem>>
    %dma_start3A_123 = arith.constant 0 : i32
    %dma_start3A_124 = tpu.memref_slice %arg3[%dma_start3A_123] : memref<196608xf32, #tpu.memory_space<hbm>> -> memref<196608xf32, #tpu.memory_space<hbm>>
    tpu.enqueue_indirect_dma source(%dma_start3A_124 : memref<196608xf32, #tpu.memory_space<hbm>>) target(%dma_start3A_120 : memref<128xf32, #tpu.memory_space<vmem>>) offsets(%dma_start3A_122 : memref<128xi32, #tpu.memory_space<vmem>>) semaphore(%arg14 : memref<!tpu.dma_semaphore, #tpu.memory_space<semaphore_mem>>)
    %dma_start3A_125 = arith.constant 2304 : i32
    %dma_start3A_126 = tpu.memref_slice %arg11[%dma_start3A_125] : memref<3072xf32, #tpu.memory_space<vmem>> -> memref<128xf32, #tpu.memory_space<vmem>>
    %dma_start3A_127 = arith.constant 2304 : i32
    %dma_start3A_128 = tpu.memref_slice %arg10[%dma_start3A_127] : memref<3072xi32, #tpu.memory_space<vmem>> -> memref<128xi32, #tpu.memory_space<vmem>>
    %dma_start3A_129 = arith.constant 0 : i32
    %dma_start3A_130 = tpu.memref_slice %arg3[%dma_start3A_129] : memref<196608xf32, #tpu.memory_space<hbm>> -> memref<196608xf32, #tpu.memory_space<hbm>>
    tpu.enqueue_indirect_dma source(%dma_start3A_130 : memref<196608xf32, #tpu.memory_space<hbm>>) target(%dma_start3A_126 : memref<128xf32, #tpu.memory_space<vmem>>) offsets(%dma_start3A_128 : memref<128xi32, #tpu.memory_space<vmem>>) semaphore(%arg14 : memref<!tpu.dma_semaphore, #tpu.memory_space<semaphore_mem>>)
    %dma_start3A_131 = arith.constant 2432 : i32
    %dma_start3A_132 = tpu.memref_slice %arg11[%dma_start3A_131] : memref<3072xf32, #tpu.memory_space<vmem>> -> memref<128xf32, #tpu.memory_space<vmem>>
    %dma_start3A_133 = arith.constant 2432 : i32
    %dma_start3A_134 = tpu.memref_slice %arg10[%dma_start3A_133] : memref<3072xi32, #tpu.memory_space<vmem>> -> memref<128xi32, #tpu.memory_space<vmem>>
    %dma_start3A_135 = arith.constant 0 : i32
    %dma_start3A_136 = tpu.memref_slice %arg3[%dma_start3A_135] : memref<196608xf32, #tpu.memory_space<hbm>> -> memref<196608xf32, #tpu.memory_space<hbm>>
    tpu.enqueue_indirect_dma source(%dma_start3A_136 : memref<196608xf32, #tpu.memory_space<hbm>>) target(%dma_start3A_132 : memref<128xf32, #tpu.memory_space<vmem>>) offsets(%dma_start3A_134 : memref<128xi32, #tpu.memory_space<vmem>>) semaphore(%arg14 : memref<!tpu.dma_semaphore, #tpu.memory_space<semaphore_mem>>)
    %dma_start3A_137 = arith.constant 2560 : i32
    %dma_start3A_138 = tpu.memref_slice %arg11[%dma_start3A_137] : memref<3072xf32, #tpu.memory_space<vmem>> -> memref<128xf32, #tpu.memory_space<vmem>>
    %dma_start3A_139 = arith.constant 2560 : i32
    %dma_start3A_140 = tpu.memref_slice %arg10[%dma_start3A_139] : memref<3072xi32, #tpu.memory_space<vmem>> -> memref<128xi32, #tpu.memory_space<vmem>>
    %dma_start3A_141 = arith.constant 0 : i32
    %dma_start3A_142 = tpu.memref_slice %arg3[%dma_start3A_141] : memref<196608xf32, #tpu.memory_space<hbm>> -> memref<196608xf32, #tpu.memory_space<hbm>>
    tpu.enqueue_indirect_dma source(%dma_start3A_142 : memref<196608xf32, #tpu.memory_space<hbm>>) target(%dma_start3A_138 : memref<128xf32, #tpu.memory_space<vmem>>) offsets(%dma_start3A_140 : memref<128xi32, #tpu.memory_space<vmem>>) semaphore(%arg14 : memref<!tpu.dma_semaphore, #tpu.memory_space<semaphore_mem>>)
    %dma_start3A_143 = arith.constant 2688 : i32
    %dma_start3A_144 = tpu.memref_slice %arg11[%dma_start3A_143] : memref<3072xf32, #tpu.memory_space<vmem>> -> memref<128xf32, #tpu.memory_space<vmem>>
    %dma_start3A_145 = arith.constant 2688 : i32
    %dma_start3A_146 = tpu.memref_slice %arg10[%dma_start3A_145] : memref<3072xi32, #tpu.memory_space<vmem>> -> memref<128xi32, #tpu.memory_space<vmem>>
    %dma_start3A_147 = arith.constant 0 : i32
    %dma_start3A_148 = tpu.memref_slice %arg3[%dma_start3A_147] : memref<196608xf32, #tpu.memory_space<hbm>> -> memref<196608xf32, #tpu.memory_space<hbm>>
    tpu.enqueue_indirect_dma source(%dma_start3A_148 : memref<196608xf32, #tpu.memory_space<hbm>>) target(%dma_start3A_144 : memref<128xf32, #tpu.memory_space<vmem>>) offsets(%dma_start3A_146 : memref<128xi32, #tpu.memory_space<vmem>>) semaphore(%arg14 : memref<!tpu.dma_semaphore, #tpu.memory_space<semaphore_mem>>)
    %dma_start3A_149 = arith.constant 2816 : i32
    %dma_start3A_150 = tpu.memref_slice %arg11[%dma_start3A_149] : memref<3072xf32, #tpu.memory_space<vmem>> -> memref<128xf32, #tpu.memory_space<vmem>>
    %dma_start3A_151 = arith.constant 2816 : i32
    %dma_start3A_152 = tpu.memref_slice %arg10[%dma_start3A_151] : memref<3072xi32, #tpu.memory_space<vmem>> -> memref<128xi32, #tpu.memory_space<vmem>>
    %dma_start3A_153 = arith.constant 0 : i32
    %dma_start3A_154 = tpu.memref_slice %arg3[%dma_start3A_153] : memref<196608xf32, #tpu.memory_space<hbm>> -> memref<196608xf32, #tpu.memory_space<hbm>>
    tpu.enqueue_indirect_dma source(%dma_start3A_154 : memref<196608xf32, #tpu.memory_space<hbm>>) target(%dma_start3A_150 : memref<128xf32, #tpu.memory_space<vmem>>) offsets(%dma_start3A_152 : memref<128xi32, #tpu.memory_space<vmem>>) semaphore(%arg14 : memref<!tpu.dma_semaphore, #tpu.memory_space<semaphore_mem>>)
    %dma_start3A_155 = arith.constant 2944 : i32
    %dma_start3A_156 = tpu.memref_slice %arg11[%dma_start3A_155] : memref<3072xf32, #tpu.memory_space<vmem>> -> memref<128xf32, #tpu.memory_space<vmem>>
    %dma_start3A_157 = arith.constant 2944 : i32
    %dma_start3A_158 = tpu.memref_slice %arg10[%dma_start3A_157] : memref<3072xi32, #tpu.memory_space<vmem>> -> memref<128xi32, #tpu.memory_space<vmem>>
    %dma_start3A_159 = arith.constant 0 : i32
    %dma_start3A_160 = tpu.memref_slice %arg3[%dma_start3A_159] : memref<196608xf32, #tpu.memory_space<hbm>> -> memref<196608xf32, #tpu.memory_space<hbm>>
    tpu.enqueue_indirect_dma source(%dma_start3A_160 : memref<196608xf32, #tpu.memory_space<hbm>>) target(%dma_start3A_156 : memref<128xf32, #tpu.memory_space<vmem>>) offsets(%dma_start3A_158 : memref<128xi32, #tpu.memory_space<vmem>>) semaphore(%arg14 : memref<!tpu.dma_semaphore, #tpu.memory_space<semaphore_mem>>)
    %dma_wait3A = arith.constant 0 : i32
    %dma_wait3A_161 = tpu.memref_slice %arg11[%dma_wait3A] : memref<3072xf32, #tpu.memory_space<vmem>> -> memref<128xf32, #tpu.memory_space<vmem>>
    %dma_wait3A_162 = arith.constant 0 : i32
    %dma_wait3A_163 = tpu.memref_slice %arg10[%dma_wait3A_162] : memref<3072xi32, #tpu.memory_space<vmem>> -> memref<128xi32, #tpu.memory_space<vmem>>
    %dma_wait3A_164 = arith.constant 0 : i32
    %dma_wait3A_165 = tpu.memref_slice %arg3[%dma_wait3A_164] : memref<196608xf32, #tpu.memory_space<hbm>> -> memref<196608xf32, #tpu.memory_space<hbm>>
    tpu.wait_indirect_dma semaphore(%arg14 : memref<!tpu.dma_semaphore, #tpu.memory_space<semaphore_mem>>) src(%dma_wait3A_165 : memref<196608xf32, #tpu.memory_space<hbm>>) dst(%dma_wait3A_161 : memref<128xf32, #tpu.memory_space<vmem>>)
    %dma_wait3A_166 = arith.constant 128 : i32
    %dma_wait3A_167 = tpu.memref_slice %arg11[%dma_wait3A_166] : memref<3072xf32, #tpu.memory_space<vmem>> -> memref<128xf32, #tpu.memory_space<vmem>>
    %dma_wait3A_168 = arith.constant 128 : i32
    %dma_wait3A_169 = tpu.memref_slice %arg10[%dma_wait3A_168] : memref<3072xi32, #tpu.memory_space<vmem>> -> memref<128xi32, #tpu.memory_space<vmem>>
    %dma_wait3A_170 = arith.constant 0 : i32
    %dma_wait3A_171 = tpu.memref_slice %arg3[%dma_wait3A_170] : memref<196608xf32, #tpu.memory_space<hbm>> -> memref<196608xf32, #tpu.memory_space<hbm>>
    tpu.wait_indirect_dma semaphore(%arg14 : memref<!tpu.dma_semaphore, #tpu.memory_space<semaphore_mem>>) src(%dma_wait3A_171 : memref<196608xf32, #tpu.memory_space<hbm>>) dst(%dma_wait3A_167 : memref<128xf32, #tpu.memory_space<vmem>>)
    %dma_wait3A_172 = arith.constant 256 : i32
    %dma_wait3A_173 = tpu.memref_slice %arg11[%dma_wait3A_172] : memref<3072xf32, #tpu.memory_space<vmem>> -> memref<128xf32, #tpu.memory_space<vmem>>
    %dma_wait3A_174 = arith.constant 256 : i32
    %dma_wait3A_175 = tpu.memref_slice %arg10[%dma_wait3A_174] : memref<3072xi32, #tpu.memory_space<vmem>> -> memref<128xi32, #tpu.memory_space<vmem>>
    %dma_wait3A_176 = arith.constant 0 : i32
    %dma_wait3A_177 = tpu.memref_slice %arg3[%dma_wait3A_176] : memref<196608xf32, #tpu.memory_space<hbm>> -> memref<196608xf32, #tpu.memory_space<hbm>>
    tpu.wait_indirect_dma semaphore(%arg14 : memref<!tpu.dma_semaphore, #tpu.memory_space<semaphore_mem>>) src(%dma_wait3A_177 : memref<196608xf32, #tpu.memory_space<hbm>>) dst(%dma_wait3A_173 : memref<128xf32, #tpu.memory_space<vmem>>)
    %dma_wait3A_178 = arith.constant 384 : i32
    %dma_wait3A_179 = tpu.memref_slice %arg11[%dma_wait3A_178] : memref<3072xf32, #tpu.memory_space<vmem>> -> memref<128xf32, #tpu.memory_space<vmem>>
    %dma_wait3A_180 = arith.constant 384 : i32
    %dma_wait3A_181 = tpu.memref_slice %arg10[%dma_wait3A_180] : memref<3072xi32, #tpu.memory_space<vmem>> -> memref<128xi32, #tpu.memory_space<vmem>>
    %dma_wait3A_182 = arith.constant 0 : i32
    %dma_wait3A_183 = tpu.memref_slice %arg3[%dma_wait3A_182] : memref<196608xf32, #tpu.memory_space<hbm>> -> memref<196608xf32, #tpu.memory_space<hbm>>
    tpu.wait_indirect_dma semaphore(%arg14 : memref<!tpu.dma_semaphore, #tpu.memory_space<semaphore_mem>>) src(%dma_wait3A_183 : memref<196608xf32, #tpu.memory_space<hbm>>) dst(%dma_wait3A_179 : memref<128xf32, #tpu.memory_space<vmem>>)
    %dma_wait3A_184 = arith.constant 512 : i32
    %dma_wait3A_185 = tpu.memref_slice %arg11[%dma_wait3A_184] : memref<3072xf32, #tpu.memory_space<vmem>> -> memref<128xf32, #tpu.memory_space<vmem>>
    %dma_wait3A_186 = arith.constant 512 : i32
    %dma_wait3A_187 = tpu.memref_slice %arg10[%dma_wait3A_186] : memref<3072xi32, #tpu.memory_space<vmem>> -> memref<128xi32, #tpu.memory_space<vmem>>
    %dma_wait3A_188 = arith.constant 0 : i32
    %dma_wait3A_189 = tpu.memref_slice %arg3[%dma_wait3A_188] : memref<196608xf32, #tpu.memory_space<hbm>> -> memref<196608xf32, #tpu.memory_space<hbm>>
    tpu.wait_indirect_dma semaphore(%arg14 : memref<!tpu.dma_semaphore, #tpu.memory_space<semaphore_mem>>) src(%dma_wait3A_189 : memref<196608xf32, #tpu.memory_space<hbm>>) dst(%dma_wait3A_185 : memref<128xf32, #tpu.memory_space<vmem>>)
    %dma_wait3A_190 = arith.constant 640 : i32
    %dma_wait3A_191 = tpu.memref_slice %arg11[%dma_wait3A_190] : memref<3072xf32, #tpu.memory_space<vmem>> -> memref<128xf32, #tpu.memory_space<vmem>>
    %dma_wait3A_192 = arith.constant 640 : i32
    %dma_wait3A_193 = tpu.memref_slice %arg10[%dma_wait3A_192] : memref<3072xi32, #tpu.memory_space<vmem>> -> memref<128xi32, #tpu.memory_space<vmem>>
    %dma_wait3A_194 = arith.constant 0 : i32
    %dma_wait3A_195 = tpu.memref_slice %arg3[%dma_wait3A_194] : memref<196608xf32, #tpu.memory_space<hbm>> -> memref<196608xf32, #tpu.memory_space<hbm>>
    tpu.wait_indirect_dma semaphore(%arg14 : memref<!tpu.dma_semaphore, #tpu.memory_space<semaphore_mem>>) src(%dma_wait3A_195 : memref<196608xf32, #tpu.memory_space<hbm>>) dst(%dma_wait3A_191 : memref<128xf32, #tpu.memory_space<vmem>>)
    %dma_wait3A_196 = arith.constant 768 : i32
    %dma_wait3A_197 = tpu.memref_slice %arg11[%dma_wait3A_196] : memref<3072xf32, #tpu.memory_space<vmem>> -> memref<128xf32, #tpu.memory_space<vmem>>
    %dma_wait3A_198 = arith.constant 768 : i32
    %dma_wait3A_199 = tpu.memref_slice %arg10[%dma_wait3A_198] : memref<3072xi32, #tpu.memory_space<vmem>> -> memref<128xi32, #tpu.memory_space<vmem>>
    %dma_wait3A_200 = arith.constant 0 : i32
    %dma_wait3A_201 = tpu.memref_slice %arg3[%dma_wait3A_200] : memref<196608xf32, #tpu.memory_space<hbm>> -> memref<196608xf32, #tpu.memory_space<hbm>>
    tpu.wait_indirect_dma semaphore(%arg14 : memref<!tpu.dma_semaphore, #tpu.memory_space<semaphore_mem>>) src(%dma_wait3A_201 : memref<196608xf32, #tpu.memory_space<hbm>>) dst(%dma_wait3A_197 : memref<128xf32, #tpu.memory_space<vmem>>)
    %dma_wait3A_202 = arith.constant 896 : i32
    %dma_wait3A_203 = tpu.memref_slice %arg11[%dma_wait3A_202] : memref<3072xf32, #tpu.memory_space<vmem>> -> memref<128xf32, #tpu.memory_space<vmem>>
    %dma_wait3A_204 = arith.constant 896 : i32
    %dma_wait3A_205 = tpu.memref_slice %arg10[%dma_wait3A_204] : memref<3072xi32, #tpu.memory_space<vmem>> -> memref<128xi32, #tpu.memory_space<vmem>>
    %dma_wait3A_206 = arith.constant 0 : i32
    %dma_wait3A_207 = tpu.memref_slice %arg3[%dma_wait3A_206] : memref<196608xf32, #tpu.memory_space<hbm>> -> memref<196608xf32, #tpu.memory_space<hbm>>
    tpu.wait_indirect_dma semaphore(%arg14 : memref<!tpu.dma_semaphore, #tpu.memory_space<semaphore_mem>>) src(%dma_wait3A_207 : memref<196608xf32, #tpu.memory_space<hbm>>) dst(%dma_wait3A_203 : memref<128xf32, #tpu.memory_space<vmem>>)
    %dma_wait3A_208 = arith.constant 1024 : i32
    %dma_wait3A_209 = tpu.memref_slice %arg11[%dma_wait3A_208] : memref<3072xf32, #tpu.memory_space<vmem>> -> memref<128xf32, #tpu.memory_space<vmem>>
    %dma_wait3A_210 = arith.constant 1024 : i32
    %dma_wait3A_211 = tpu.memref_slice %arg10[%dma_wait3A_210] : memref<3072xi32, #tpu.memory_space<vmem>> -> memref<128xi32, #tpu.memory_space<vmem>>
    %dma_wait3A_212 = arith.constant 0 : i32
    %dma_wait3A_213 = tpu.memref_slice %arg3[%dma_wait3A_212] : memref<196608xf32, #tpu.memory_space<hbm>> -> memref<196608xf32, #tpu.memory_space<hbm>>
    tpu.wait_indirect_dma semaphore(%arg14 : memref<!tpu.dma_semaphore, #tpu.memory_space<semaphore_mem>>) src(%dma_wait3A_213 : memref<196608xf32, #tpu.memory_space<hbm>>) dst(%dma_wait3A_209 : memref<128xf32, #tpu.memory_space<vmem>>)
    %dma_wait3A_214 = arith.constant 1152 : i32
    %dma_wait3A_215 = tpu.memref_slice %arg11[%dma_wait3A_214] : memref<3072xf32, #tpu.memory_space<vmem>> -> memref<128xf32, #tpu.memory_space<vmem>>
    %dma_wait3A_216 = arith.constant 1152 : i32
    %dma_wait3A_217 = tpu.memref_slice %arg10[%dma_wait3A_216] : memref<3072xi32, #tpu.memory_space<vmem>> -> memref<128xi32, #tpu.memory_space<vmem>>
    %dma_wait3A_218 = arith.constant 0 : i32
    %dma_wait3A_219 = tpu.memref_slice %arg3[%dma_wait3A_218] : memref<196608xf32, #tpu.memory_space<hbm>> -> memref<196608xf32, #tpu.memory_space<hbm>>
    tpu.wait_indirect_dma semaphore(%arg14 : memref<!tpu.dma_semaphore, #tpu.memory_space<semaphore_mem>>) src(%dma_wait3A_219 : memref<196608xf32, #tpu.memory_space<hbm>>) dst(%dma_wait3A_215 : memref<128xf32, #tpu.memory_space<vmem>>)
    %dma_wait3A_220 = arith.constant 1280 : i32
    %dma_wait3A_221 = tpu.memref_slice %arg11[%dma_wait3A_220] : memref<3072xf32, #tpu.memory_space<vmem>> -> memref<128xf32, #tpu.memory_space<vmem>>
    %dma_wait3A_222 = arith.constant 1280 : i32
    %dma_wait3A_223 = tpu.memref_slice %arg10[%dma_wait3A_222] : memref<3072xi32, #tpu.memory_space<vmem>> -> memref<128xi32, #tpu.memory_space<vmem>>
    %dma_wait3A_224 = arith.constant 0 : i32
    %dma_wait3A_225 = tpu.memref_slice %arg3[%dma_wait3A_224] : memref<196608xf32, #tpu.memory_space<hbm>> -> memref<196608xf32, #tpu.memory_space<hbm>>
    tpu.wait_indirect_dma semaphore(%arg14 : memref<!tpu.dma_semaphore, #tpu.memory_space<semaphore_mem>>) src(%dma_wait3A_225 : memref<196608xf32, #tpu.memory_space<hbm>>) dst(%dma_wait3A_221 : memref<128xf32, #tpu.memory_space<vmem>>)
    %dma_wait3A_226 = arith.constant 1408 : i32
    %dma_wait3A_227 = tpu.memref_slice %arg11[%dma_wait3A_226] : memref<3072xf32, #tpu.memory_space<vmem>> -> memref<128xf32, #tpu.memory_space<vmem>>
    %dma_wait3A_228 = arith.constant 1408 : i32
    %dma_wait3A_229 = tpu.memref_slice %arg10[%dma_wait3A_228] : memref<3072xi32, #tpu.memory_space<vmem>> -> memref<128xi32, #tpu.memory_space<vmem>>
    %dma_wait3A_230 = arith.constant 0 : i32
    %dma_wait3A_231 = tpu.memref_slice %arg3[%dma_wait3A_230] : memref<196608xf32, #tpu.memory_space<hbm>> -> memref<196608xf32, #tpu.memory_space<hbm>>
    tpu.wait_indirect_dma semaphore(%arg14 : memref<!tpu.dma_semaphore, #tpu.memory_space<semaphore_mem>>) src(%dma_wait3A_231 : memref<196608xf32, #tpu.memory_space<hbm>>) dst(%dma_wait3A_227 : memref<128xf32, #tpu.memory_space<vmem>>)
    %dma_wait3A_232 = arith.constant 1536 : i32
    %dma_wait3A_233 = tpu.memref_slice %arg11[%dma_wait3A_232] : memref<3072xf32, #tpu.memory_space<vmem>> -> memref<128xf32, #tpu.memory_space<vmem>>
    %dma_wait3A_234 = arith.constant 1536 : i32
    %dma_wait3A_235 = tpu.memref_slice %arg10[%dma_wait3A_234] : memref<3072xi32, #tpu.memory_space<vmem>> -> memref<128xi32, #tpu.memory_space<vmem>>
    %dma_wait3A_236 = arith.constant 0 : i32
    %dma_wait3A_237 = tpu.memref_slice %arg3[%dma_wait3A_236] : memref<196608xf32, #tpu.memory_space<hbm>> -> memref<196608xf32, #tpu.memory_space<hbm>>
    tpu.wait_indirect_dma semaphore(%arg14 : memref<!tpu.dma_semaphore, #tpu.memory_space<semaphore_mem>>) src(%dma_wait3A_237 : memref<196608xf32, #tpu.memory_space<hbm>>) dst(%dma_wait3A_233 : memref<128xf32, #tpu.memory_space<vmem>>)
    %dma_wait3A_238 = arith.constant 1664 : i32
    %dma_wait3A_239 = tpu.memref_slice %arg11[%dma_wait3A_238] : memref<3072xf32, #tpu.memory_space<vmem>> -> memref<128xf32, #tpu.memory_space<vmem>>
    %dma_wait3A_240 = arith.constant 1664 : i32
    %dma_wait3A_241 = tpu.memref_slice %arg10[%dma_wait3A_240] : memref<3072xi32, #tpu.memory_space<vmem>> -> memref<128xi32, #tpu.memory_space<vmem>>
    %dma_wait3A_242 = arith.constant 0 : i32
    %dma_wait3A_243 = tpu.memref_slice %arg3[%dma_wait3A_242] : memref<196608xf32, #tpu.memory_space<hbm>> -> memref<196608xf32, #tpu.memory_space<hbm>>
    tpu.wait_indirect_dma semaphore(%arg14 : memref<!tpu.dma_semaphore, #tpu.memory_space<semaphore_mem>>) src(%dma_wait3A_243 : memref<196608xf32, #tpu.memory_space<hbm>>) dst(%dma_wait3A_239 : memref<128xf32, #tpu.memory_space<vmem>>)
    %dma_wait3A_244 = arith.constant 1792 : i32
    %dma_wait3A_245 = tpu.memref_slice %arg11[%dma_wait3A_244] : memref<3072xf32, #tpu.memory_space<vmem>> -> memref<128xf32, #tpu.memory_space<vmem>>
    %dma_wait3A_246 = arith.constant 1792 : i32
    %dma_wait3A_247 = tpu.memref_slice %arg10[%dma_wait3A_246] : memref<3072xi32, #tpu.memory_space<vmem>> -> memref<128xi32, #tpu.memory_space<vmem>>
    %dma_wait3A_248 = arith.constant 0 : i32
    %dma_wait3A_249 = tpu.memref_slice %arg3[%dma_wait3A_248] : memref<196608xf32, #tpu.memory_space<hbm>> -> memref<196608xf32, #tpu.memory_space<hbm>>
    tpu.wait_indirect_dma semaphore(%arg14 : memref<!tpu.dma_semaphore, #tpu.memory_space<semaphore_mem>>) src(%dma_wait3A_249 : memref<196608xf32, #tpu.memory_space<hbm>>) dst(%dma_wait3A_245 : memref<128xf32, #tpu.memory_space<vmem>>)
    %dma_wait3A_250 = arith.constant 1920 : i32
    %dma_wait3A_251 = tpu.memref_slice %arg11[%dma_wait3A_250] : memref<3072xf32, #tpu.memory_space<vmem>> -> memref<128xf32, #tpu.memory_space<vmem>>
    %dma_wait3A_252 = arith.constant 1920 : i32
    %dma_wait3A_253 = tpu.memref_slice %arg10[%dma_wait3A_252] : memref<3072xi32, #tpu.memory_space<vmem>> -> memref<128xi32, #tpu.memory_space<vmem>>
    %dma_wait3A_254 = arith.constant 0 : i32
    %dma_wait3A_255 = tpu.memref_slice %arg3[%dma_wait3A_254] : memref<196608xf32, #tpu.memory_space<hbm>> -> memref<196608xf32, #tpu.memory_space<hbm>>
    tpu.wait_indirect_dma semaphore(%arg14 : memref<!tpu.dma_semaphore, #tpu.memory_space<semaphore_mem>>) src(%dma_wait3A_255 : memref<196608xf32, #tpu.memory_space<hbm>>) dst(%dma_wait3A_251 : memref<128xf32, #tpu.memory_space<vmem>>)
    %dma_wait3A_256 = arith.constant 2048 : i32
    %dma_wait3A_257 = tpu.memref_slice %arg11[%dma_wait3A_256] : memref<3072xf32, #tpu.memory_space<vmem>> -> memref<128xf32, #tpu.memory_space<vmem>>
    %dma_wait3A_258 = arith.constant 2048 : i32
    %dma_wait3A_259 = tpu.memref_slice %arg10[%dma_wait3A_258] : memref<3072xi32, #tpu.memory_space<vmem>> -> memref<128xi32, #tpu.memory_space<vmem>>
    %dma_wait3A_260 = arith.constant 0 : i32
    %dma_wait3A_261 = tpu.memref_slice %arg3[%dma_wait3A_260] : memref<196608xf32, #tpu.memory_space<hbm>> -> memref<196608xf32, #tpu.memory_space<hbm>>
    tpu.wait_indirect_dma semaphore(%arg14 : memref<!tpu.dma_semaphore, #tpu.memory_space<semaphore_mem>>) src(%dma_wait3A_261 : memref<196608xf32, #tpu.memory_space<hbm>>) dst(%dma_wait3A_257 : memref<128xf32, #tpu.memory_space<vmem>>)
    %dma_wait3A_262 = arith.constant 2176 : i32
    %dma_wait3A_263 = tpu.memref_slice %arg11[%dma_wait3A_262] : memref<3072xf32, #tpu.memory_space<vmem>> -> memref<128xf32, #tpu.memory_space<vmem>>
    %dma_wait3A_264 = arith.constant 2176 : i32
    %dma_wait3A_265 = tpu.memref_slice %arg10[%dma_wait3A_264] : memref<3072xi32, #tpu.memory_space<vmem>> -> memref<128xi32, #tpu.memory_space<vmem>>
    %dma_wait3A_266 = arith.constant 0 : i32
    %dma_wait3A_267 = tpu.memref_slice %arg3[%dma_wait3A_266] : memref<196608xf32, #tpu.memory_space<hbm>> -> memref<196608xf32, #tpu.memory_space<hbm>>
    tpu.wait_indirect_dma semaphore(%arg14 : memref<!tpu.dma_semaphore, #tpu.memory_space<semaphore_mem>>) src(%dma_wait3A_267 : memref<196608xf32, #tpu.memory_space<hbm>>) dst(%dma_wait3A_263 : memref<128xf32, #tpu.memory_space<vmem>>)
    %dma_wait3A_268 = arith.constant 2304 : i32
    %dma_wait3A_269 = tpu.memref_slice %arg11[%dma_wait3A_268] : memref<3072xf32, #tpu.memory_space<vmem>> -> memref<128xf32, #tpu.memory_space<vmem>>
    %dma_wait3A_270 = arith.constant 2304 : i32
    %dma_wait3A_271 = tpu.memref_slice %arg10[%dma_wait3A_270] : memref<3072xi32, #tpu.memory_space<vmem>> -> memref<128xi32, #tpu.memory_space<vmem>>
    %dma_wait3A_272 = arith.constant 0 : i32
    %dma_wait3A_273 = tpu.memref_slice %arg3[%dma_wait3A_272] : memref<196608xf32, #tpu.memory_space<hbm>> -> memref<196608xf32, #tpu.memory_space<hbm>>
    tpu.wait_indirect_dma semaphore(%arg14 : memref<!tpu.dma_semaphore, #tpu.memory_space<semaphore_mem>>) src(%dma_wait3A_273 : memref<196608xf32, #tpu.memory_space<hbm>>) dst(%dma_wait3A_269 : memref<128xf32, #tpu.memory_space<vmem>>)
    %dma_wait3A_274 = arith.constant 2432 : i32
    %dma_wait3A_275 = tpu.memref_slice %arg11[%dma_wait3A_274] : memref<3072xf32, #tpu.memory_space<vmem>> -> memref<128xf32, #tpu.memory_space<vmem>>
    %dma_wait3A_276 = arith.constant 2432 : i32
    %dma_wait3A_277 = tpu.memref_slice %arg10[%dma_wait3A_276] : memref<3072xi32, #tpu.memory_space<vmem>> -> memref<128xi32, #tpu.memory_space<vmem>>
    %dma_wait3A_278 = arith.constant 0 : i32
    %dma_wait3A_279 = tpu.memref_slice %arg3[%dma_wait3A_278] : memref<196608xf32, #tpu.memory_space<hbm>> -> memref<196608xf32, #tpu.memory_space<hbm>>
    tpu.wait_indirect_dma semaphore(%arg14 : memref<!tpu.dma_semaphore, #tpu.memory_space<semaphore_mem>>) src(%dma_wait3A_279 : memref<196608xf32, #tpu.memory_space<hbm>>) dst(%dma_wait3A_275 : memref<128xf32, #tpu.memory_space<vmem>>)
    %dma_wait3A_280 = arith.constant 2560 : i32
    %dma_wait3A_281 = tpu.memref_slice %arg11[%dma_wait3A_280] : memref<3072xf32, #tpu.memory_space<vmem>> -> memref<128xf32, #tpu.memory_space<vmem>>
    %dma_wait3A_282 = arith.constant 2560 : i32
    %dma_wait3A_283 = tpu.memref_slice %arg10[%dma_wait3A_282] : memref<3072xi32, #tpu.memory_space<vmem>> -> memref<128xi32, #tpu.memory_space<vmem>>
    %dma_wait3A_284 = arith.constant 0 : i32
    %dma_wait3A_285 = tpu.memref_slice %arg3[%dma_wait3A_284] : memref<196608xf32, #tpu.memory_space<hbm>> -> memref<196608xf32, #tpu.memory_space<hbm>>
    tpu.wait_indirect_dma semaphore(%arg14 : memref<!tpu.dma_semaphore, #tpu.memory_space<semaphore_mem>>) src(%dma_wait3A_285 : memref<196608xf32, #tpu.memory_space<hbm>>) dst(%dma_wait3A_281 : memref<128xf32, #tpu.memory_space<vmem>>)
    %dma_wait3A_286 = arith.constant 2688 : i32
    %dma_wait3A_287 = tpu.memref_slice %arg11[%dma_wait3A_286] : memref<3072xf32, #tpu.memory_space<vmem>> -> memref<128xf32, #tpu.memory_space<vmem>>
    %dma_wait3A_288 = arith.constant 2688 : i32
    %dma_wait3A_289 = tpu.memref_slice %arg10[%dma_wait3A_288] : memref<3072xi32, #tpu.memory_space<vmem>> -> memref<128xi32, #tpu.memory_space<vmem>>
    %dma_wait3A_290 = arith.constant 0 : i32
    %dma_wait3A_291 = tpu.memref_slice %arg3[%dma_wait3A_290] : memref<196608xf32, #tpu.memory_space<hbm>> -> memref<196608xf32, #tpu.memory_space<hbm>>
    tpu.wait_indirect_dma semaphore(%arg14 : memref<!tpu.dma_semaphore, #tpu.memory_space<semaphore_mem>>) src(%dma_wait3A_291 : memref<196608xf32, #tpu.memory_space<hbm>>) dst(%dma_wait3A_287 : memref<128xf32, #tpu.memory_space<vmem>>)
    %dma_wait3A_292 = arith.constant 2816 : i32
    %dma_wait3A_293 = tpu.memref_slice %arg11[%dma_wait3A_292] : memref<3072xf32, #tpu.memory_space<vmem>> -> memref<128xf32, #tpu.memory_space<vmem>>
    %dma_wait3A_294 = arith.constant 2816 : i32
    %dma_wait3A_295 = tpu.memref_slice %arg10[%dma_wait3A_294] : memref<3072xi32, #tpu.memory_space<vmem>> -> memref<128xi32, #tpu.memory_space<vmem>>
    %dma_wait3A_296 = arith.constant 0 : i32
    %dma_wait3A_297 = tpu.memref_slice %arg3[%dma_wait3A_296] : memref<196608xf32, #tpu.memory_space<hbm>> -> memref<196608xf32, #tpu.memory_space<hbm>>
    tpu.wait_indirect_dma semaphore(%arg14 : memref<!tpu.dma_semaphore, #tpu.memory_space<semaphore_mem>>) src(%dma_wait3A_297 : memref<196608xf32, #tpu.memory_space<hbm>>) dst(%dma_wait3A_293 : memref<128xf32, #tpu.memory_space<vmem>>)
    %dma_wait3A_298 = arith.constant 2944 : i32
    %dma_wait3A_299 = tpu.memref_slice %arg11[%dma_wait3A_298] : memref<3072xf32, #tpu.memory_space<vmem>> -> memref<128xf32, #tpu.memory_space<vmem>>
    %dma_wait3A_300 = arith.constant 2944 : i32
    %dma_wait3A_301 = tpu.memref_slice %arg10[%dma_wait3A_300] : memref<3072xi32, #tpu.memory_space<vmem>> -> memref<128xi32, #tpu.memory_space<vmem>>
    %dma_wait3A_302 = arith.constant 0 : i32
    %dma_wait3A_303 = tpu.memref_slice %arg3[%dma_wait3A_302] : memref<196608xf32, #tpu.memory_space<hbm>> -> memref<196608xf32, #tpu.memory_space<hbm>>
    tpu.wait_indirect_dma semaphore(%arg14 : memref<!tpu.dma_semaphore, #tpu.memory_space<semaphore_mem>>) src(%dma_wait3A_303 : memref<196608xf32, #tpu.memory_space<hbm>>) dst(%dma_wait3A_299 : memref<128xf32, #tpu.memory_space<vmem>>)
    %scan3A_304 = arith.constant 0 : i32
    %scan3A_305 = arith.constant 0 : i32
    %scan3A_306 = arith.constant 24 : i32
    %scan3A_307 = arith.addi %scan3A_305, %scan3A_306 : i32
    %scan3A_308 = arith.constant 1 : i32
    scf.for %scan3A_351 = %scan3A_305 to %scan3A_307 step %scan3A_308  : i32 {
      %mul3A_352 = arith.constant 128 : i32
      %mul3A_353 = arith.muli %scan3A_351, %mul3A_352 : i32
      %add3A_354 = arith.constant 0 : i32
      %add3A_355 = arith.addi %mul3A_353, %add3A_354 : i32
      %get3A = arith.index_cast %add3A_355 : i32 to index
      %get3A_356 = tpu.vector_load %arg11[%get3A] {strides = array<i32>} : memref<3072xf32, #tpu.memory_space<vmem>>, vector<16xf32>,
      %slice3A = vector.extract_strided_slice %get3A_356 {offsets = [0], sizes = [1], strides = [1]} : vector<16xf32> to vector<1xf32>
      %squeeze3A = vector.extract %slice3A[0] : f32 from vector<1xf32>
      %broadcast_in_dim3A_357 = vector.broadcast %squeeze3A : f32 to vector<16xf32>
      %mul3A_358 = arith.constant 128 : i32
      %mul3A_359 = arith.muli %scan3A_351, %mul3A_358 : i32
      %add3A_360 = arith.constant 0 : i32
      %add3A_361 = arith.addi %mul3A_359, %add3A_360 : i32
      %add3A_362 = arith.constant 0 : i32
      %add3A_363 = arith.addi %add3A_361, %add3A_362 : i32
      %mul3A_364 = arith.constant 16 : i32
      %mul3A_365 = arith.muli %add3A_363, %mul3A_364 : i32
      %swap3A = arith.index_cast %mul3A_365 : i32 to index
      %swap3A_366 = tpu.vector_load %arg12[%swap3A] {strides = array<i32>} : memref<49152xf32, #tpu.memory_space<vmem>>, vector<16xf32>,
      tpu.vector_store %arg12[%swap3A], %broadcast_in_dim3A_357 {strides = array<i32>} : memref<49152xf32, #tpu.memory_space<vmem>>, vector<16xf32>,
      %slice3A_367 = vector.extract_strided_slice %get3A_356 {offsets = [1], sizes = [1], strides = [1]} : vector<16xf32> to vector<1xf32>
      %squeeze3A_368 = vector.extract %slice3A_367[0] : f32 from vector<1xf32>
      %broadcast_in_dim3A_369 = vector.broadcast %squeeze3A_368 : f32 to vector<16xf32>
      %mul3A_370 = arith.constant 128 : i32
      %mul3A_371 = arith.muli %scan3A_351, %mul3A_370 : i32
      %add3A_372 = arith.constant 0 : i32
      %add3A_373 = arith.addi %mul3A_371, %add3A_372 : i32
      %add3A_374 = arith.constant 1 : i32
      %add3A_375 = arith.addi %add3A_373, %add3A_374 : i32
      %mul3A_376 = arith.constant 16 : i32
      %mul3A_377 = arith.muli %add3A_375, %mul3A_376 : i32
      %swap3A_378 = arith.index_cast %mul3A_377 : i32 to index
      %swap3A_379 = tpu.vector_load %arg12[%swap3A_378] {strides = array<i32>} : memref<49152xf32, #tpu.memory_space<vmem>>, vector<16xf32>,
      tpu.vector_store %arg12[%swap3A_378], %broadcast_in_dim3A_369 {strides = array<i32>} : memref<49152xf32, #tpu.memory_space<vmem>>, vector<16xf32>,
      %slice3A_380 = vector.extract_strided_slice %get3A_356 {offsets = [2], sizes = [1], strides = [1]} : vector<16xf32> to vector<1xf32>
      %squeeze3A_381 = vector.extract %slice3A_380[0] : f32 from vector<1xf32>
      %broadcast_in_dim3A_382 = vector.broadcast %squeeze3A_381 : f32 to vector<16xf32>
      %mul3A_383 = arith.constant 128 : i32
      %mul3A_384 = arith.muli %scan3A_351, %mul3A_383 : i32
      %add3A_385 = arith.constant 0 : i32
      %add3A_386 = arith.addi %mul3A_384, %add3A_385 : i32
      %add3A_387 = arith.constant 2 : i32
      %add3A_388 = arith.addi %add3A_386, %add3A_387 : i32
      %mul3A_389 = arith.constant 16 : i32
      %mul3A_390 = arith.muli %add3A_388, %mul3A_389 : i32
      %swap3A_391 = arith.index_cast %mul3A_390 : i32 to index
      %swap3A_392 = tpu.vector_load %arg12[%swap3A_391] {strides = array<i32>} : memref<49152xf32, #tpu.memory_space<vmem>>, vector<16xf32>,
      tpu.vector_store %arg12[%swap3A_391], %broadcast_in_dim3A_382 {strides = array<i32>} : memref<49152xf32, #tpu.memory_space<vmem>>, vector<16xf32>,
      %slice3A_393 = vector.extract_strided_slice %get3A_356 {offsets = [3], sizes = [1], strides = [1]} : vector<16xf32> to vector<1xf32>
      %squeeze3A_394 = vector.extract %slice3A_393[0] : f32 from vector<1xf32>
      %broadcast_in_dim3A_395 = vector.broadcast %squeeze3A_394 : f32 to vector<16xf32>
      %mul3A_396 = arith.constant 128 : i32
      %mul3A_397 = arith.muli %scan3A_351, %mul3A_396 : i32
      %add3A_398 = arith.constant 0 : i32
      %add3A_399 = arith.addi %mul3A_397, %add3A_398 : i32
      %add3A_400 = arith.constant 3 : i32
      %add3A_401 = arith.addi %add3A_399, %add3A_400 : i32
      %mul3A_402 = arith.constant 16 : i32
      %mul3A_403 = arith.muli %add3A_401, %mul3A_402 : i32
      %swap3A_404 = arith.index_cast %mul3A_403 : i32 to index
      %swap3A_405 = tpu.vector_load %arg12[%swap3A_404] {strides = array<i32>} : memref<49152xf32, #tpu.memory_space<vmem>>, vector<16xf32>,
      tpu.vector_store %arg12[%swap3A_404], %broadcast_in_dim3A_395 {strides = array<i32>} : memref<49152xf32, #tpu.memory_space<vmem>>, vector<16xf32>,
      %slice3A_406 = vector.extract_strided_slice %get3A_356 {offsets = [4], sizes = [1], strides = [1]} : vector<16xf32> to vector<1xf32>
      %squeeze3A_407 = vector.extract %slice3A_406[0] : f32 from vector<1xf32>
      %broadcast_in_dim3A_408 = vector.broadcast %squeeze3A_407 : f32 to vector<16xf32>
      %mul3A_409 = arith.constant 128 : i32
      %mul3A_410 = arith.muli %scan3A_351, %mul3A_409 : i32
      %add3A_411 = arith.constant 0 : i32
      %add3A_412 = arith.addi %mul3A_410, %add3A_411 : i32
      %add3A_413 = arith.constant 4 : i32
      %add3A_414 = arith.addi %add3A_412, %add3A_413 : i32
      %mul3A_415 = arith.constant 16 : i32
      %mul3A_416 = arith.muli %add3A_414, %mul3A_415 : i32
      %swap3A_417 = arith.index_cast %mul3A_416 : i32 to index
      %swap3A_418 = tpu.vector_load %arg12[%swap3A_417] {strides = array<i32>} : memref<49152xf32, #tpu.memory_space<vmem>>, vector<16xf32>,
      tpu.vector_store %arg12[%swap3A_417], %broadcast_in_dim3A_408 {strides = array<i32>} : memref<49152xf32, #tpu.memory_space<vmem>>, vector<16xf32>,
      %slice3A_419 = vector.extract_strided_slice %get3A_356 {offsets = [5], sizes = [1], strides = [1]} : vector<16xf32> to vector<1xf32>
      %squeeze3A_420 = vector.extract %slice3A_419[0] : f32 from vector<1xf32>
      %broadcast_in_dim3A_421 = vector.broadcast %squeeze3A_420 : f32 to vector<16xf32>
      %mul3A_422 = arith.constant 128 : i32
      %mul3A_423 = arith.muli %scan3A_351, %mul3A_422 : i32
      %add3A_424 = arith.constant 0 : i32
      %add3A_425 = arith.addi %mul3A_423, %add3A_424 : i32
      %add3A_426 = arith.constant 5 : i32
      %add3A_427 = arith.addi %add3A_425, %add3A_426 : i32
      %mul3A_428 = arith.constant 16 : i32
      %mul3A_429 = arith.muli %add3A_427, %mul3A_428 : i32
      %swap3A_430 = arith.index_cast %mul3A_429 : i32 to index
      %swap3A_431 = tpu.vector_load %arg12[%swap3A_430] {strides = array<i32>} : memref<49152xf32, #tpu.memory_space<vmem>>, vector<16xf32>,
      tpu.vector_store %arg12[%swap3A_430], %broadcast_in_dim3A_421 {strides = array<i32>} : memref<49152xf32, #tpu.memory_space<vmem>>, vector<16xf32>,
      %slice3A_432 = vector.extract_strided_slice %get3A_356 {offsets = [6], sizes = [1], strides = [1]} : vector<16xf32> to vector<1xf32>
      %squeeze3A_433 = vector.extract %slice3A_432[0] : f32 from vector<1xf32>
      %broadcast_in_dim3A_434 = vector.broadcast %squeeze3A_433 : f32 to vector<16xf32>
      %mul3A_435 = arith.constant 128 : i32
      %mul3A_436 = arith.muli %scan3A_351, %mul3A_435 : i32
      %add3A_437 = arith.constant 0 : i32
      %add3A_438 = arith.addi %mul3A_436, %add3A_437 : i32
      %add3A_439 = arith.constant 6 : i32
      %add3A_440 = arith.addi %add3A_438, %add3A_439 : i32
      %mul3A_441 = arith.constant 16 : i32
      %mul3A_442 = arith.muli %add3A_440, %mul3A_441 : i32
      %swap3A_443 = arith.index_cast %mul3A_442 : i32 to index
      %swap3A_444 = tpu.vector_load %arg12[%swap3A_443] {strides = array<i32>} : memref<49152xf32, #tpu.memory_space<vmem>>, vector<16xf32>,
      tpu.vector_store %arg12[%swap3A_443], %broadcast_in_dim3A_434 {strides = array<i32>} : memref<49152xf32, #tpu.memory_space<vmem>>, vector<16xf32>,
      %slice3A_445 = vector.extract_strided_slice %get3A_356 {offsets = [7], sizes = [1], strides = [1]} : vector<16xf32> to vector<1xf32>
      %squeeze3A_446 = vector.extract %slice3A_445[0] : f32 from vector<1xf32>
      %broadcast_in_dim3A_447 = vector.broadcast %squeeze3A_446 : f32 to vector<16xf32>
      %mul3A_448 = arith.constant 128 : i32
      %mul3A_449 = arith.muli %scan3A_351, %mul3A_448 : i32
      %add3A_450 = arith.constant 0 : i32
      %add3A_451 = arith.addi %mul3A_449, %add3A_450 : i32
      %add3A_452 = arith.constant 7 : i32
      %add3A_453 = arith.addi %add3A_451, %add3A_452 : i32
      %mul3A_454 = arith.constant 16 : i32
      %mul3A_455 = arith.muli %add3A_453, %mul3A_454 : i32
      %swap3A_456 = arith.index_cast %mul3A_455 : i32 to index
      %swap3A_457 = tpu.vector_load %arg12[%swap3A_456] {strides = array<i32>} : memref<49152xf32, #tpu.memory_space<vmem>>, vector<16xf32>,
      tpu.vector_store %arg12[%swap3A_456], %broadcast_in_dim3A_447 {strides = array<i32>} : memref<49152xf32, #tpu.memory_space<vmem>>, vector<16xf32>,
      %slice3A_458 = vector.extract_strided_slice %get3A_356 {offsets = [8], sizes = [1], strides = [1]} : vector<16xf32> to vector<1xf32>
      %squeeze3A_459 = vector.extract %slice3A_458[0] : f32 from vector<1xf32>
      %broadcast_in_dim3A_460 = vector.broadcast %squeeze3A_459 : f32 to vector<16xf32>
      %mul3A_461 = arith.constant 128 : i32
      %mul3A_462 = arith.muli %scan3A_351, %mul3A_461 : i32
      %add3A_463 = arith.constant 0 : i32
      %add3A_464 = arith.addi %mul3A_462, %add3A_463 : i32
      %add3A_465 = arith.constant 8 : i32
      %add3A_466 = arith.addi %add3A_464, %add3A_465 : i32
      %mul3A_467 = arith.constant 16 : i32
      %mul3A_468 = arith.muli %add3A_466, %mul3A_467 : i32
      %swap3A_469 = arith.index_cast %mul3A_468 : i32 to index
      %swap3A_470 = tpu.vector_load %arg12[%swap3A_469] {strides = array<i32>} : memref<49152xf32, #tpu.memory_space<vmem>>, vector<16xf32>,
      tpu.vector_store %arg12[%swap3A_469], %broadcast_in_dim3A_460 {strides = array<i32>} : memref<49152xf32, #tpu.memory_space<vmem>>, vector<16xf32>,
      %slice3A_471 = vector.extract_strided_slice %get3A_356 {offsets = [9], sizes = [1], strides = [1]} : vector<16xf32> to vector<1xf32>
      %squeeze3A_472 = vector.extract %slice3A_471[0] : f32 from vector<1xf32>
      %broadcast_in_dim3A_473 = vector.broadcast %squeeze3A_472 : f32 to vector<16xf32>
      %mul3A_474 = arith.constant 128 : i32
      %mul3A_475 = arith.muli %scan3A_351, %mul3A_474 : i32
      %add3A_476 = arith.constant 0 : i32
      %add3A_477 = arith.addi %mul3A_475, %add3A_476 : i32
      %add3A_478 = arith.constant 9 : i32
      %add3A_479 = arith.addi %add3A_477, %add3A_478 : i32
      %mul3A_480 = arith.constant 16 : i32
      %mul3A_481 = arith.muli %add3A_479, %mul3A_480 : i32
      %swap3A_482 = arith.index_cast %mul3A_481 : i32 to index
      %swap3A_483 = tpu.vector_load %arg12[%swap3A_482] {strides = array<i32>} : memref<49152xf32, #tpu.memory_space<vmem>>, vector<16xf32>,
      tpu.vector_store %arg12[%swap3A_482], %broadcast_in_dim3A_473 {strides = array<i32>} : memref<49152xf32, #tpu.memory_space<vmem>>, vector<16xf32>,
      %slice3A_484 = vector.extract_strided_slice %get3A_356 {offsets = [10], sizes = [1], strides = [1]} : vector<16xf32> to vector<1xf32>
      %squeeze3A_485 = vector.extract %slice3A_484[0] : f32 from vector<1xf32>
      %broadcast_in_dim3A_486 = vector.broadcast %squeeze3A_485 : f32 to vector<16xf32>
      %mul3A_487 = arith.constant 128 : i32
      %mul3A_488 = arith.muli %scan3A_351, %mul3A_487 : i32
      %add3A_489 = arith.constant 0 : i32
      %add3A_490 = arith.addi %mul3A_488, %add3A_489 : i32
      %add3A_491 = arith.constant 10 : i32
      %add3A_492 = arith.addi %add3A_490, %add3A_491 : i32
      %mul3A_493 = arith.constant 16 : i32
      %mul3A_494 = arith.muli %add3A_492, %mul3A_493 : i32
      %swap3A_495 = arith.index_cast %mul3A_494 : i32 to index
      %swap3A_496 = tpu.vector_load %arg12[%swap3A_495] {strides = array<i32>} : memref<49152xf32, #tpu.memory_space<vmem>>, vector<16xf32>,
      tpu.vector_store %arg12[%swap3A_495], %broadcast_in_dim3A_486 {strides = array<i32>} : memref<49152xf32, #tpu.memory_space<vmem>>, vector<16xf32>,
      %slice3A_497 = vector.extract_strided_slice %get3A_356 {offsets = [11], sizes = [1], strides = [1]} : vector<16xf32> to vector<1xf32>
      %squeeze3A_498 = vector.extract %slice3A_497[0] : f32 from vector<1xf32>
      %broadcast_in_dim3A_499 = vector.broadcast %squeeze3A_498 : f32 to vector<16xf32>
      %mul3A_500 = arith.constant 128 : i32
      %mul3A_501 = arith.muli %scan3A_351, %mul3A_500 : i32
      %add3A_502 = arith.constant 0 : i32
      %add3A_503 = arith.addi %mul3A_501, %add3A_502 : i32
      %add3A_504 = arith.constant 11 : i32
      %add3A_505 = arith.addi %add3A_503, %add3A_504 : i32
      %mul3A_506 = arith.constant 16 : i32
      %mul3A_507 = arith.muli %add3A_505, %mul3A_506 : i32
      %swap3A_508 = arith.index_cast %mul3A_507 : i32 to index
      %swap3A_509 = tpu.vector_load %arg12[%swap3A_508] {strides = array<i32>} : memref<49152xf32, #tpu.memory_space<vmem>>, vector<16xf32>,
      tpu.vector_store %arg12[%swap3A_508], %broadcast_in_dim3A_499 {strides = array<i32>} : memref<49152xf32, #tpu.memory_space<vmem>>, vector<16xf32>,
      %slice3A_510 = vector.extract_strided_slice %get3A_356 {offsets = [12], sizes = [1], strides = [1]} : vector<16xf32> to vector<1xf32>
      %squeeze3A_511 = vector.extract %slice3A_510[0] : f32 from vector<1xf32>
      %broadcast_in_dim3A_512 = vector.broadcast %squeeze3A_511 : f32 to vector<16xf32>
      %mul3A_513 = arith.constant 128 : i32
      %mul3A_514 = arith.muli %scan3A_351, %mul3A_513 : i32
      %add3A_515 = arith.constant 0 : i32
      %add3A_516 = arith.addi %mul3A_514, %add3A_515 : i32
      %add3A_517 = arith.constant 12 : i32
      %add3A_518 = arith.addi %add3A_516, %add3A_517 : i32
      %mul3A_519 = arith.constant 16 : i32
      %mul3A_520 = arith.muli %add3A_518, %mul3A_519 : i32
      %swap3A_521 = arith.index_cast %mul3A_520 : i32 to index
      %swap3A_522 = tpu.vector_load %arg12[%swap3A_521] {strides = array<i32>} : memref<49152xf32, #tpu.memory_space<vmem>>, vector<16xf32>,
      tpu.vector_store %arg12[%swap3A_521], %broadcast_in_dim3A_512 {strides = array<i32>} : memref<49152xf32, #tpu.memory_space<vmem>>, vector<16xf32>,
      %slice3A_523 = vector.extract_strided_slice %get3A_356 {offsets = [13], sizes = [1], strides = [1]} : vector<16xf32> to vector<1xf32>
      %squeeze3A_524 = vector.extract %slice3A_523[0] : f32 from vector<1xf32>
      %broadcast_in_dim3A_525 = vector.broadcast %squeeze3A_524 : f32 to vector<16xf32>
      %mul3A_526 = arith.constant 128 : i32
      %mul3A_527 = arith.muli %scan3A_351, %mul3A_526 : i32
      %add3A_528 = arith.constant 0 : i32
      %add3A_529 = arith.addi %mul3A_527, %add3A_528 : i32
      %add3A_530 = arith.constant 13 : i32
      %add3A_531 = arith.addi %add3A_529, %add3A_530 : i32
      %mul3A_532 = arith.constant 16 : i32
      %mul3A_533 = arith.muli %add3A_531, %mul3A_532 : i32
      %swap3A_534 = arith.index_cast %mul3A_533 : i32 to index
      %swap3A_535 = tpu.vector_load %arg12[%swap3A_534] {strides = array<i32>} : memref<49152xf32, #tpu.memory_space<vmem>>, vector<16xf32>,
      tpu.vector_store %arg12[%swap3A_534], %broadcast_in_dim3A_525 {strides = array<i32>} : memref<49152xf32, #tpu.memory_space<vmem>>, vector<16xf32>,
      %slice3A_536 = vector.extract_strided_slice %get3A_356 {offsets = [14], sizes = [1], strides = [1]} : vector<16xf32> to vector<1xf32>
      %squeeze3A_537 = vector.extract %slice3A_536[0] : f32 from vector<1xf32>
      %broadcast_in_dim3A_538 = vector.broadcast %squeeze3A_537 : f32 to vector<16xf32>
      %mul3A_539 = arith.constant 128 : i32
      %mul3A_540 = arith.muli %scan3A_351, %mul3A_539 : i32
      %add3A_541 = arith.constant 0 : i32
      %add3A_542 = arith.addi %mul3A_540, %add3A_541 : i32
      %add3A_543 = arith.constant 14 : i32
      %add3A_544 = arith.addi %add3A_542, %add3A_543 : i32
      %mul3A_545 = arith.constant 16 : i32
      %mul3A_546 = arith.muli %add3A_544, %mul3A_545 : i32
      %swap3A_547 = arith.index_cast %mul3A_546 : i32 to index
      %swap3A_548 = tpu.vector_load %arg12[%swap3A_547] {strides = array<i32>} : memref<49152xf32, #tpu.memory_space<vmem>>, vector<16xf32>,
      tpu.vector_store %arg12[%swap3A_547], %broadcast_in_dim3A_538 {strides = array<i32>} : memref<49152xf32, #tpu.memory_space<vmem>>, vector<16xf32>,
      %slice3A_549 = vector.extract_strided_slice %get3A_356 {offsets = [15], sizes = [1], strides = [1]} : vector<16xf32> to vector<1xf32>
      %squeeze3A_550 = vector.extract %slice3A_549[0] : f32 from vector<1xf32>
      %broadcast_in_dim3A_551 = vector.broadcast %squeeze3A_550 : f32 to vector<16xf32>
      %mul3A_552 = arith.constant 128 : i32
      %mul3A_553 = arith.muli %scan3A_351, %mul3A_552 : i32
      %add3A_554 = arith.constant 0 : i32
      %add3A_555 = arith.addi %mul3A_553, %add3A_554 : i32
      %add3A_556 = arith.constant 15 : i32
      %add3A_557 = arith.addi %add3A_555, %add3A_556 : i32
      %mul3A_558 = arith.constant 16 : i32
      %mul3A_559 = arith.muli %add3A_557, %mul3A_558 : i32
      %swap3A_560 = arith.index_cast %mul3A_559 : i32 to index
      %swap3A_561 = tpu.vector_load %arg12[%swap3A_560] {strides = array<i32>} : memref<49152xf32, #tpu.memory_space<vmem>>, vector<16xf32>,
      tpu.vector_store %arg12[%swap3A_560], %broadcast_in_dim3A_551 {strides = array<i32>} : memref<49152xf32, #tpu.memory_space<vmem>>, vector<16xf32>,
      %mul3A_562 = arith.constant 128 : i32
      %mul3A_563 = arith.muli %scan3A_351, %mul3A_562 : i32
      %add3A_564 = arith.constant 16 : i32
      %add3A_565 = arith.addi %mul3A_563, %add3A_564 : i32
      %get3A_566 = arith.index_cast %add3A_565 : i32 to index
      %get3A_567 = tpu.vector_load %arg11[%get3A_566] {strides = array<i32>} : memref<3072xf32, #tpu.memory_space<vmem>>, vector<16xf32>,
      %slice3A_568 = vector.extract_strided_slice %get3A_567 {offsets = [0], sizes = [1], strides = [1]} : vector<16xf32> to vector<1xf32>
      %squeeze3A_569 = vector.extract %slice3A_568[0] : f32 from vector<1xf32>
      %broadcast_in_dim3A_570 = vector.broadcast %squeeze3A_569 : f32 to vector<16xf32>
      %mul3A_571 = arith.constant 128 : i32
      %mul3A_572 = arith.muli %scan3A_351, %mul3A_571 : i32
      %add3A_573 = arith.constant 16 : i32
      %add3A_574 = arith.addi %mul3A_572, %add3A_573 : i32
      %add3A_575 = arith.constant 0 : i32
      %add3A_576 = arith.addi %add3A_574, %add3A_575 : i32
      %mul3A_577 = arith.constant 16 : i32
      %mul3A_578 = arith.muli %add3A_576, %mul3A_577 : i32
      %swap3A_579 = arith.index_cast %mul3A_578 : i32 to index
      %swap3A_580 = tpu.vector_load %arg12[%swap3A_579] {strides = array<i32>} : memref<49152xf32, #tpu.memory_space<vmem>>, vector<16xf32>,
      tpu.vector_store %arg12[%swap3A_579], %broadcast_in_dim3A_570 {strides = array<i32>} : memref<49152xf32, #tpu.memory_space<vmem>>, vector<16xf32>,
      %slice3A_581 = vector.extract_strided_slice %get3A_567 {offsets = [1], sizes = [1], strides = [1]} : vector<16xf32> to vector<1xf32>
      %squeeze3A_582 = vector.extract %slice3A_581[0] : f32 from vector<1xf32>
      %broadcast_in_dim3A_583 = vector.broadcast %squeeze3A_582 : f32 to vector<16xf32>
      %mul3A_584 = arith.constant 128 : i32
      %mul3A_585 = arith.muli %scan3A_351, %mul3A_584 : i32
      %add3A_586 = arith.constant 16 : i32
      %add3A_587 = arith.addi %mul3A_585, %add3A_586 : i32
      %add3A_588 = arith.constant 1 : i32
      %add3A_589 = arith.addi %add3A_587, %add3A_588 : i32
      %mul3A_590 = arith.constant 16 : i32
      %mul3A_591 = arith.muli %add3A_589, %mul3A_590 : i32
      %swap3A_592 = arith.index_cast %mul3A_591 : i32 to index
      %swap3A_593 = tpu.vector_load %arg12[%swap3A_592] {strides = array<i32>} : memref<49152xf32, #tpu.memory_space<vmem>>, vector<16xf32>,
      tpu.vector_store %arg12[%swap3A_592], %broadcast_in_dim3A_583 {strides = array<i32>} : memref<49152xf32, #tpu.memory_space<vmem>>, vector<16xf32>,
      %slice3A_594 = vector.extract_strided_slice %get3A_567 {offsets = [2], sizes = [1], strides = [1]} : vector<16xf32> to vector<1xf32>
      %squeeze3A_595 = vector.extract %slice3A_594[0] : f32 from vector<1xf32>
      %broadcast_in_dim3A_596 = vector.broadcast %squeeze3A_595 : f32 to vector<16xf32>
      %mul3A_597 = arith.constant 128 : i32
      %mul3A_598 = arith.muli %scan3A_351, %mul3A_597 : i32
      %add3A_599 = arith.constant 16 : i32
      %add3A_600 = arith.addi %mul3A_598, %add3A_599 : i32
      %add3A_601 = arith.constant 2 : i32
      %add3A_602 = arith.addi %add3A_600, %add3A_601 : i32
      %mul3A_603 = arith.constant 16 : i32
      %mul3A_604 = arith.muli %add3A_602, %mul3A_603 : i32
      %swap3A_605 = arith.index_cast %mul3A_604 : i32 to index
      %swap3A_606 = tpu.vector_load %arg12[%swap3A_605] {strides = array<i32>} : memref<49152xf32, #tpu.memory_space<vmem>>, vector<16xf32>,
      tpu.vector_store %arg12[%swap3A_605], %broadcast_in_dim3A_596 {strides = array<i32>} : memref<49152xf32, #tpu.memory_space<vmem>>, vector<16xf32>,
      %slice3A_607 = vector.extract_strided_slice %get3A_567 {offsets = [3], sizes = [1], strides = [1]} : vector<16xf32> to vector<1xf32>
      %squeeze3A_608 = vector.extract %slice3A_607[0] : f32 from vector<1xf32>
      %broadcast_in_dim3A_609 = vector.broadcast %squeeze3A_608 : f32 to vector<16xf32>
      %mul3A_610 = arith.constant 128 : i32
      %mul3A_611 = arith.muli %scan3A_351, %mul3A_610 : i32
      %add3A_612 = arith.constant 16 : i32
      %add3A_613 = arith.addi %mul3A_611, %add3A_612 : i32
      %add3A_614 = arith.constant 3 : i32
      %add3A_615 = arith.addi %add3A_613, %add3A_614 : i32
      %mul3A_616 = arith.constant 16 : i32
      %mul3A_617 = arith.muli %add3A_615, %mul3A_616 : i32
      %swap3A_618 = arith.index_cast %mul3A_617 : i32 to index
      %swap3A_619 = tpu.vector_load %arg12[%swap3A_618] {strides = array<i32>} : memref<49152xf32, #tpu.memory_space<vmem>>, vector<16xf32>,
      tpu.vector_store %arg12[%swap3A_618], %broadcast_in_dim3A_609 {strides = array<i32>} : memref<49152xf32, #tpu.memory_space<vmem>>, vector<16xf32>,
      %slice3A_620 = vector.extract_strided_slice %get3A_567 {offsets = [4], sizes = [1], strides = [1]} : vector<16xf32> to vector<1xf32>
      %squeeze3A_621 = vector.extract %slice3A_620[0] : f32 from vector<1xf32>
      %broadcast_in_dim3A_622 = vector.broadcast %squeeze3A_621 : f32 to vector<16xf32>
      %mul3A_623 = arith.constant 128 : i32
      %mul3A_624 = arith.muli %scan3A_351, %mul3A_623 : i32
      %add3A_625 = arith.constant 16 : i32
      %add3A_626 = arith.addi %mul3A_624, %add3A_625 : i32
      %add3A_627 = arith.constant 4 : i32
      %add3A_628 = arith.addi %add3A_626, %add3A_627 : i32
      %mul3A_629 = arith.constant 16 : i32
      %mul3A_630 = arith.muli %add3A_628, %mul3A_629 : i32
      %swap3A_631 = arith.index_cast %mul3A_630 : i32 to index
      %swap3A_632 = tpu.vector_load %arg12[%swap3A_631] {strides = array<i32>} : memref<49152xf32, #tpu.memory_space<vmem>>, vector<16xf32>,
      tpu.vector_store %arg12[%swap3A_631], %broadcast_in_dim3A_622 {strides = array<i32>} : memref<49152xf32, #tpu.memory_space<vmem>>, vector<16xf32>,
      %slice3A_633 = vector.extract_strided_slice %get3A_567 {offsets = [5], sizes = [1], strides = [1]} : vector<16xf32> to vector<1xf32>
      %squeeze3A_634 = vector.extract %slice3A_633[0] : f32 from vector<1xf32>
      %broadcast_in_dim3A_635 = vector.broadcast %squeeze3A_634 : f32 to vector<16xf32>
      %mul3A_636 = arith.constant 128 : i32
      %mul3A_637 = arith.muli %scan3A_351, %mul3A_636 : i32
      %add3A_638 = arith.constant 16 : i32
      %add3A_639 = arith.addi %mul3A_637, %add3A_638 : i32
      %add3A_640 = arith.constant 5 : i32
      %add3A_641 = arith.addi %add3A_639, %add3A_640 : i32
      %mul3A_642 = arith.constant 16 : i32
      %mul3A_643 = arith.muli %add3A_641, %mul3A_642 : i32
      %swap3A_644 = arith.index_cast %mul3A_643 : i32 to index
      %swap3A_645 = tpu.vector_load %arg12[%swap3A_644] {strides = array<i32>} : memref<49152xf32, #tpu.memory_space<vmem>>, vector<16xf32>,
      tpu.vector_store %arg12[%swap3A_644], %broadcast_in_dim3A_635 {strides = array<i32>} : memref<49152xf32, #tpu.memory_space<vmem>>, vector<16xf32>,
      %slice3A_646 = vector.extract_strided_slice %get3A_567 {offsets = [6], sizes = [1], strides = [1]} : vector<16xf32> to vector<1xf32>
      %squeeze3A_647 = vector.extract %slice3A_646[0] : f32 from vector<1xf32>
      %broadcast_in_dim3A_648 = vector.broadcast %squeeze3A_647 : f32 to vector<16xf32>
      %mul3A_649 = arith.constant 128 : i32
      %mul3A_650 = arith.muli %scan3A_351, %mul3A_649 : i32
      %add3A_651 = arith.constant 16 : i32
      %add3A_652 = arith.addi %mul3A_650, %add3A_651 : i32
      %add3A_653 = arith.constant 6 : i32
      %add3A_654 = arith.addi %add3A_652, %add3A_653 : i32
      %mul3A_655 = arith.constant 16 : i32
      %mul3A_656 = arith.muli %add3A_654, %mul3A_655 : i32
      %swap3A_657 = arith.index_cast %mul3A_656 : i32 to index
      %swap3A_658 = tpu.vector_load %arg12[%swap3A_657] {strides = array<i32>} : memref<49152xf32, #tpu.memory_space<vmem>>, vector<16xf32>,
      tpu.vector_store %arg12[%swap3A_657], %broadcast_in_dim3A_648 {strides = array<i32>} : memref<49152xf32, #tpu.memory_space<vmem>>, vector<16xf32>,
      %slice3A_659 = vector.extract_strided_slice %get3A_567 {offsets = [7], sizes = [1], strides = [1]} : vector<16xf32> to vector<1xf32>
      %squeeze3A_660 = vector.extract %slice3A_659[0] : f32 from vector<1xf32>
      %broadcast_in_dim3A_661 = vector.broadcast %squeeze3A_660 : f32 to vector<16xf32>
      %mul3A_662 = arith.constant 128 : i32
      %mul3A_663 = arith.muli %scan3A_351, %mul3A_662 : i32
      %add3A_664 = arith.constant 16 : i32
      %add3A_665 = arith.addi %mul3A_663, %add3A_664 : i32
      %add3A_666 = arith.constant 7 : i32
      %add3A_667 = arith.addi %add3A_665, %add3A_666 : i32
      %mul3A_668 = arith.constant 16 : i32
      %mul3A_669 = arith.muli %add3A_667, %mul3A_668 : i32
      %swap3A_670 = arith.index_cast %mul3A_669 : i32 to index
      %swap3A_671 = tpu.vector_load %arg12[%swap3A_670] {strides = array<i32>} : memref<49152xf32, #tpu.memory_space<vmem>>, vector<16xf32>,
      tpu.vector_store %arg12[%swap3A_670], %broadcast_in_dim3A_661 {strides = array<i32>} : memref<49152xf32, #tpu.memory_space<vmem>>, vector<16xf32>,
      %slice3A_672 = vector.extract_strided_slice %get3A_567 {offsets = [8], sizes = [1], strides = [1]} : vector<16xf32> to vector<1xf32>
      %squeeze3A_673 = vector.extract %slice3A_672[0] : f32 from vector<1xf32>
      %broadcast_in_dim3A_674 = vector.broadcast %squeeze3A_673 : f32 to vector<16xf32>
      %mul3A_675 = arith.constant 128 : i32
      %mul3A_676 = arith.muli %scan3A_351, %mul3A_675 : i32
      %add3A_677 = arith.constant 16 : i32
      %add3A_678 = arith.addi %mul3A_676, %add3A_677 : i32
      %add3A_679 = arith.constant 8 : i32
      %add3A_680 = arith.addi %add3A_678, %add3A_679 : i32
      %mul3A_681 = arith.constant 16 : i32
      %mul3A_682 = arith.muli %add3A_680, %mul3A_681 : i32
      %swap3A_683 = arith.index_cast %mul3A_682 : i32 to index
      %swap3A_684 = tpu.vector_load %arg12[%swap3A_683] {strides = array<i32>} : memref<49152xf32, #tpu.memory_space<vmem>>, vector<16xf32>,
      tpu.vector_store %arg12[%swap3A_683], %broadcast_in_dim3A_674 {strides = array<i32>} : memref<49152xf32, #tpu.memory_space<vmem>>, vector<16xf32>,
      %slice3A_685 = vector.extract_strided_slice %get3A_567 {offsets = [9], sizes = [1], strides = [1]} : vector<16xf32> to vector<1xf32>
      %squeeze3A_686 = vector.extract %slice3A_685[0] : f32 from vector<1xf32>
      %broadcast_in_dim3A_687 = vector.broadcast %squeeze3A_686 : f32 to vector<16xf32>
      %mul3A_688 = arith.constant 128 : i32
      %mul3A_689 = arith.muli %scan3A_351, %mul3A_688 : i32
      %add3A_690 = arith.constant 16 : i32
      %add3A_691 = arith.addi %mul3A_689, %add3A_690 : i32
      %add3A_692 = arith.constant 9 : i32
      %add3A_693 = arith.addi %add3A_691, %add3A_692 : i32
      %mul3A_694 = arith.constant 16 : i32
      %mul3A_695 = arith.muli %add3A_693, %mul3A_694 : i32
      %swap3A_696 = arith.index_cast %mul3A_695 : i32 to index
      %swap3A_697 = tpu.vector_load %arg12[%swap3A_696] {strides = array<i32>} : memref<49152xf32, #tpu.memory_space<vmem>>, vector<16xf32>,
      tpu.vector_store %arg12[%swap3A_696], %broadcast_in_dim3A_687 {strides = array<i32>} : memref<49152xf32, #tpu.memory_space<vmem>>, vector<16xf32>,
      %slice3A_698 = vector.extract_strided_slice %get3A_567 {offsets = [10], sizes = [1], strides = [1]} : vector<16xf32> to vector<1xf32>
      %squeeze3A_699 = vector.extract %slice3A_698[0] : f32 from vector<1xf32>
      %broadcast_in_dim3A_700 = vector.broadcast %squeeze3A_699 : f32 to vector<16xf32>
      %mul3A_701 = arith.constant 128 : i32
      %mul3A_702 = arith.muli %scan3A_351, %mul3A_701 : i32
      %add3A_703 = arith.constant 16 : i32
      %add3A_704 = arith.addi %mul3A_702, %add3A_703 : i32
      %add3A_705 = arith.constant 10 : i32
      %add3A_706 = arith.addi %add3A_704, %add3A_705 : i32
      %mul3A_707 = arith.constant 16 : i32
      %mul3A_708 = arith.muli %add3A_706, %mul3A_707 : i32
      %swap3A_709 = arith.index_cast %mul3A_708 : i32 to index
      %swap3A_710 = tpu.vector_load %arg12[%swap3A_709] {strides = array<i32>} : memref<49152xf32, #tpu.memory_space<vmem>>, vector<16xf32>,
      tpu.vector_store %arg12[%swap3A_709], %broadcast_in_dim3A_700 {strides = array<i32>} : memref<49152xf32, #tpu.memory_space<vmem>>, vector<16xf32>,
      %slice3A_711 = vector.extract_strided_slice %get3A_567 {offsets = [11], sizes = [1], strides = [1]} : vector<16xf32> to vector<1xf32>
      %squeeze3A_712 = vector.extract %slice3A_711[0] : f32 from vector<1xf32>
      %broadcast_in_dim3A_713 = vector.broadcast %squeeze3A_712 : f32 to vector<16xf32>
      %mul3A_714 = arith.constant 128 : i32
      %mul3A_715 = arith.muli %scan3A_351, %mul3A_714 : i32
      %add3A_716 = arith.constant 16 : i32
      %add3A_717 = arith.addi %mul3A_715, %add3A_716 : i32
      %add3A_718 = arith.constant 11 : i32
      %add3A_719 = arith.addi %add3A_717, %add3A_718 : i32
      %mul3A_720 = arith.constant 16 : i32
      %mul3A_721 = arith.muli %add3A_719, %mul3A_720 : i32
      %swap3A_722 = arith.index_cast %mul3A_721 : i32 to index
      %swap3A_723 = tpu.vector_load %arg12[%swap3A_722] {strides = array<i32>} : memref<49152xf32, #tpu.memory_space<vmem>>, vector<16xf32>,
      tpu.vector_store %arg12[%swap3A_722], %broadcast_in_dim3A_713 {strides = array<i32>} : memref<49152xf32, #tpu.memory_space<vmem>>, vector<16xf32>,
      %slice3A_724 = vector.extract_strided_slice %get3A_567 {offsets = [12], sizes = [1], strides = [1]} : vector<16xf32> to vector<1xf32>
      %squeeze3A_725 = vector.extract %slice3A_724[0] : f32 from vector<1xf32>
      %broadcast_in_dim3A_726 = vector.broadcast %squeeze3A_725 : f32 to vector<16xf32>
      %mul3A_727 = arith.constant 128 : i32
      %mul3A_728 = arith.muli %scan3A_351, %mul3A_727 : i32
      %add3A_729 = arith.constant 16 : i32
      %add3A_730 = arith.addi %mul3A_728, %add3A_729 : i32
      %add3A_731 = arith.constant 12 : i32
      %add3A_732 = arith.addi %add3A_730, %add3A_731 : i32
      %mul3A_733 = arith.constant 16 : i32
      %mul3A_734 = arith.muli %add3A_732, %mul3A_733 : i32
      %swap3A_735 = arith.index_cast %mul3A_734 : i32 to index
      %swap3A_736 = tpu.vector_load %arg12[%swap3A_735] {strides = array<i32>} : memref<49152xf32, #tpu.memory_space<vmem>>, vector<16xf32>,
      tpu.vector_store %arg12[%swap3A_735], %broadcast_in_dim3A_726 {strides = array<i32>} : memref<49152xf32, #tpu.memory_space<vmem>>, vector<16xf32>,
      %slice3A_737 = vector.extract_strided_slice %get3A_567 {offsets = [13], sizes = [1], strides = [1]} : vector<16xf32> to vector<1xf32>
      %squeeze3A_738 = vector.extract %slice3A_737[0] : f32 from vector<1xf32>
      %broadcast_in_dim3A_739 = vector.broadcast %squeeze3A_738 : f32 to vector<16xf32>
      %mul3A_740 = arith.constant 128 : i32
      %mul3A_741 = arith.muli %scan3A_351, %mul3A_740 : i32
      %add3A_742 = arith.constant 16 : i32
      %add3A_743 = arith.addi %mul3A_741, %add3A_742 : i32
      %add3A_744 = arith.constant 13 : i32
      %add3A_745 = arith.addi %add3A_743, %add3A_744 : i32
      %mul3A_746 = arith.constant 16 : i32
      %mul3A_747 = arith.muli %add3A_745, %mul3A_746 : i32
      %swap3A_748 = arith.index_cast %mul3A_747 : i32 to index
      %swap3A_749 = tpu.vector_load %arg12[%swap3A_748] {strides = array<i32>} : memref<49152xf32, #tpu.memory_space<vmem>>, vector<16xf32>,
      tpu.vector_store %arg12[%swap3A_748], %broadcast_in_dim3A_739 {strides = array<i32>} : memref<49152xf32, #tpu.memory_space<vmem>>, vector<16xf32>,
      %slice3A_750 = vector.extract_strided_slice %get3A_567 {offsets = [14], sizes = [1], strides = [1]} : vector<16xf32> to vector<1xf32>
      %squeeze3A_751 = vector.extract %slice3A_750[0] : f32 from vector<1xf32>
      %broadcast_in_dim3A_752 = vector.broadcast %squeeze3A_751 : f32 to vector<16xf32>
      %mul3A_753 = arith.constant 128 : i32
      %mul3A_754 = arith.muli %scan3A_351, %mul3A_753 : i32
      %add3A_755 = arith.constant 16 : i32
      %add3A_756 = arith.addi %mul3A_754, %add3A_755 : i32
      %add3A_757 = arith.constant 14 : i32
      %add3A_758 = arith.addi %add3A_756, %add3A_757 : i32
      %mul3A_759 = arith.constant 16 : i32
      %mul3A_760 = arith.muli %add3A_758, %mul3A_759 : i32
      %swap3A_761 = arith.index_cast %mul3A_760 : i32 to index
      %swap3A_762 = tpu.vector_load %arg12[%swap3A_761] {strides = array<i32>} : memref<49152xf32, #tpu.memory_space<vmem>>, vector<16xf32>,
      tpu.vector_store %arg12[%swap3A_761], %broadcast_in_dim3A_752 {strides = array<i32>} : memref<49152xf32, #tpu.memory_space<vmem>>, vector<16xf32>,
      %slice3A_763 = vector.extract_strided_slice %get3A_567 {offsets = [15], sizes = [1], strides = [1]} : vector<16xf32> to vector<1xf32>
      %squeeze3A_764 = vector.extract %slice3A_763[0] : f32 from vector<1xf32>
      %broadcast_in_dim3A_765 = vector.broadcast %squeeze3A_764 : f32 to vector<16xf32>
      %mul3A_766 = arith.constant 128 : i32
      %mul3A_767 = arith.muli %scan3A_351, %mul3A_766 : i32
      %add3A_768 = arith.constant 16 : i32
      %add3A_769 = arith.addi %mul3A_767, %add3A_768 : i32
      %add3A_770 = arith.constant 15 : i32
      %add3A_771 = arith.addi %add3A_769, %add3A_770 : i32
      %mul3A_772 = arith.constant 16 : i32
      %mul3A_773 = arith.muli %add3A_771, %mul3A_772 : i32
      %swap3A_774 = arith.index_cast %mul3A_773 : i32 to index
      %swap3A_775 = tpu.vector_load %arg12[%swap3A_774] {strides = array<i32>} : memref<49152xf32, #tpu.memory_space<vmem>>, vector<16xf32>,
      tpu.vector_store %arg12[%swap3A_774], %broadcast_in_dim3A_765 {strides = array<i32>} : memref<49152xf32, #tpu.memory_space<vmem>>, vector<16xf32>,
      %mul3A_776 = arith.constant 128 : i32
      %mul3A_777 = arith.muli %scan3A_351, %mul3A_776 : i32
      %add3A_778 = arith.constant 32 : i32
      %add3A_779 = arith.addi %mul3A_777, %add3A_778 : i32
      %get3A_780 = arith.index_cast %add3A_779 : i32 to index
      %get3A_781 = tpu.vector_load %arg11[%get3A_780] {strides = array<i32>} : memref<3072xf32, #tpu.memory_space<vmem>>, vector<16xf32>,
      %slice3A_782 = vector.extract_strided_slice %get3A_781 {offsets = [0], sizes = [1], strides = [1]} : vector<16xf32> to vector<1xf32>
      %squeeze3A_783 = vector.extract %slice3A_782[0] : f32 from vector<1xf32>
      %broadcast_in_dim3A_784 = vector.broadcast %squeeze3A_783 : f32 to vector<16xf32>
      %mul3A_785 = arith.constant 128 : i32
      %mul3A_786 = arith.muli %scan3A_351, %mul3A_785 : i32
      %add3A_787 = arith.constant 32 : i32
      %add3A_788 = arith.addi %mul3A_786, %add3A_787 : i32
      %add3A_789 = arith.constant 0 : i32
      %add3A_790 = arith.addi %add3A_788, %add3A_789 : i32
      %mul3A_791 = arith.constant 16 : i32
      %mul3A_792 = arith.muli %add3A_790, %mul3A_791 : i32
      %swap3A_793 = arith.index_cast %mul3A_792 : i32 to index
      %swap3A_794 = tpu.vector_load %arg12[%swap3A_793] {strides = array<i32>} : memref<49152xf32, #tpu.memory_space<vmem>>, vector<16xf32>,
      tpu.vector_store %arg12[%swap3A_793], %broadcast_in_dim3A_784 {strides = array<i32>} : memref<49152xf32, #tpu.memory_space<vmem>>, vector<16xf32>,
      %slice3A_795 = vector.extract_strided_slice %get3A_781 {offsets = [1], sizes = [1], strides = [1]} : vector<16xf32> to vector<1xf32>
      %squeeze3A_796 = vector.extract %slice3A_795[0] : f32 from vector<1xf32>
      %broadcast_in_dim3A_797 = vector.broadcast %squeeze3A_796 : f32 to vector<16xf32>
      %mul3A_798 = arith.constant 128 : i32
      %mul3A_799 = arith.muli %scan3A_351, %mul3A_798 : i32
      %add3A_800 = arith.constant 32 : i32
      %add3A_801 = arith.addi %mul3A_799, %add3A_800 : i32
      %add3A_802 = arith.constant 1 : i32
      %add3A_803 = arith.addi %add3A_801, %add3A_802 : i32
      %mul3A_804 = arith.constant 16 : i32
      %mul3A_805 = arith.muli %add3A_803, %mul3A_804 : i32
      %swap3A_806 = arith.index_cast %mul3A_805 : i32 to index
      %swap3A_807 = tpu.vector_load %arg12[%swap3A_806] {strides = array<i32>} : memref<49152xf32, #tpu.memory_space<vmem>>, vector<16xf32>,
      tpu.vector_store %arg12[%swap3A_806], %broadcast_in_dim3A_797 {strides = array<i32>} : memref<49152xf32, #tpu.memory_space<vmem>>, vector<16xf32>,
      %slice3A_808 = vector.extract_strided_slice %get3A_781 {offsets = [2], sizes = [1], strides = [1]} : vector<16xf32> to vector<1xf32>
      %squeeze3A_809 = vector.extract %slice3A_808[0] : f32 from vector<1xf32>
      %broadcast_in_dim3A_810 = vector.broadcast %squeeze3A_809 : f32 to vector<16xf32>
      %mul3A_811 = arith.constant 128 : i32
      %mul3A_812 = arith.muli %scan3A_351, %mul3A_811 : i32
      %add3A_813 = arith.constant 32 : i32
      %add3A_814 = arith.addi %mul3A_812, %add3A_813 : i32
      %add3A_815 = arith.constant 2 : i32
      %add3A_816 = arith.addi %add3A_814, %add3A_815 : i32
      %mul3A_817 = arith.constant 16 : i32
      %mul3A_818 = arith.muli %add3A_816, %mul3A_817 : i32
      %swap3A_819 = arith.index_cast %mul3A_818 : i32 to index
      %swap3A_820 = tpu.vector_load %arg12[%swap3A_819] {strides = array<i32>} : memref<49152xf32, #tpu.memory_space<vmem>>, vector<16xf32>,
      tpu.vector_store %arg12[%swap3A_819], %broadcast_in_dim3A_810 {strides = array<i32>} : memref<49152xf32, #tpu.memory_space<vmem>>, vector<16xf32>,
      %slice3A_821 = vector.extract_strided_slice %get3A_781 {offsets = [3], sizes = [1], strides = [1]} : vector<16xf32> to vector<1xf32>
      %squeeze3A_822 = vector.extract %slice3A_821[0] : f32 from vector<1xf32>
      %broadcast_in_dim3A_823 = vector.broadcast %squeeze3A_822 : f32 to vector<16xf32>
      %mul3A_824 = arith.constant 128 : i32
      %mul3A_825 = arith.muli %scan3A_351, %mul3A_824 : i32
      %add3A_826 = arith.constant 32 : i32
      %add3A_827 = arith.addi %mul3A_825, %add3A_826 : i32
      %add3A_828 = arith.constant 3 : i32
      %add3A_829 = arith.addi %add3A_827, %add3A_828 : i32
      %mul3A_830 = arith.constant 16 : i32
      %mul3A_831 = arith.muli %add3A_829, %mul3A_830 : i32
      %swap3A_832 = arith.index_cast %mul3A_831 : i32 to index
      %swap3A_833 = tpu.vector_load %arg12[%swap3A_832] {strides = array<i32>} : memref<49152xf32, #tpu.memory_space<vmem>>, vector<16xf32>,
      tpu.vector_store %arg12[%swap3A_832], %broadcast_in_dim3A_823 {strides = array<i32>} : memref<49152xf32, #tpu.memory_space<vmem>>, vector<16xf32>,
      %slice3A_834 = vector.extract_strided_slice %get3A_781 {offsets = [4], sizes = [1], strides = [1]} : vector<16xf32> to vector<1xf32>
      %squeeze3A_835 = vector.extract %slice3A_834[0] : f32 from vector<1xf32>
      %broadcast_in_dim3A_836 = vector.broadcast %squeeze3A_835 : f32 to vector<16xf32>
      %mul3A_837 = arith.constant 128 : i32
      %mul3A_838 = arith.muli %scan3A_351, %mul3A_837 : i32
      %add3A_839 = arith.constant 32 : i32
      %add3A_840 = arith.addi %mul3A_838, %add3A_839 : i32
      %add3A_841 = arith.constant 4 : i32
      %add3A_842 = arith.addi %add3A_840, %add3A_841 : i32
      %mul3A_843 = arith.constant 16 : i32
      %mul3A_844 = arith.muli %add3A_842, %mul3A_843 : i32
      %swap3A_845 = arith.index_cast %mul3A_844 : i32 to index
      %swap3A_846 = tpu.vector_load %arg12[%swap3A_845] {strides = array<i32>} : memref<49152xf32, #tpu.memory_space<vmem>>, vector<16xf32>,
      tpu.vector_store %arg12[%swap3A_845], %broadcast_in_dim3A_836 {strides = array<i32>} : memref<49152xf32, #tpu.memory_space<vmem>>, vector<16xf32>,
      %slice3A_847 = vector.extract_strided_slice %get3A_781 {offsets = [5], sizes = [1], strides = [1]} : vector<16xf32> to vector<1xf32>
      %squeeze3A_848 = vector.extract %slice3A_847[0] : f32 from vector<1xf32>
      %broadcast_in_dim3A_849 = vector.broadcast %squeeze3A_848 : f32 to vector<16xf32>
      %mul3A_850 = arith.constant 128 : i32
      %mul3A_851 = arith.muli %scan3A_351, %mul3A_850 : i32
      %add3A_852 = arith.constant 32 : i32
      %add3A_853 = arith.addi %mul3A_851, %add3A_852 : i32
      %add3A_854 = arith.constant 5 : i32
      %add3A_855 = arith.addi %add3A_853, %add3A_854 : i32
      %mul3A_856 = arith.constant 16 : i32
      %mul3A_857 = arith.muli %add3A_855, %mul3A_856 : i32
      %swap3A_858 = arith.index_cast %mul3A_857 : i32 to index
      %swap3A_859 = tpu.vector_load %arg12[%swap3A_858] {strides = array<i32>} : memref<49152xf32, #tpu.memory_space<vmem>>, vector<16xf32>,
      tpu.vector_store %arg12[%swap3A_858], %broadcast_in_dim3A_849 {strides = array<i32>} : memref<49152xf32, #tpu.memory_space<vmem>>, vector<16xf32>,
      %slice3A_860 = vector.extract_strided_slice %get3A_781 {offsets = [6], sizes = [1], strides = [1]} : vector<16xf32> to vector<1xf32>
      %squeeze3A_861 = vector.extract %slice3A_860[0] : f32 from vector<1xf32>
      %broadcast_in_dim3A_862 = vector.broadcast %squeeze3A_861 : f32 to vector<16xf32>
      %mul3A_863 = arith.constant 128 : i32
      %mul3A_864 = arith.muli %scan3A_351, %mul3A_863 : i32
      %add3A_865 = arith.constant 32 : i32
      %add3A_866 = arith.addi %mul3A_864, %add3A_865 : i32
      %add3A_867 = arith.constant 6 : i32
      %add3A_868 = arith.addi %add3A_866, %add3A_867 : i32
      %mul3A_869 = arith.constant 16 : i32
      %mul3A_870 = arith.muli %add3A_868, %mul3A_869 : i32
      %swap3A_871 = arith.index_cast %mul3A_870 : i32 to index
      %swap3A_872 = tpu.vector_load %arg12[%swap3A_871] {strides = array<i32>} : memref<49152xf32, #tpu.memory_space<vmem>>, vector<16xf32>,
      tpu.vector_store %arg12[%swap3A_871], %broadcast_in_dim3A_862 {strides = array<i32>} : memref<49152xf32, #tpu.memory_space<vmem>>, vector<16xf32>,
      %slice3A_873 = vector.extract_strided_slice %get3A_781 {offsets = [7], sizes = [1], strides = [1]} : vector<16xf32> to vector<1xf32>
      %squeeze3A_874 = vector.extract %slice3A_873[0] : f32 from vector<1xf32>
      %broadcast_in_dim3A_875 = vector.broadcast %squeeze3A_874 : f32 to vector<16xf32>
      %mul3A_876 = arith.constant 128 : i32
      %mul3A_877 = arith.muli %scan3A_351, %mul3A_876 : i32
      %add3A_878 = arith.constant 32 : i32
      %add3A_879 = arith.addi %mul3A_877, %add3A_878 : i32
      %add3A_880 = arith.constant 7 : i32
      %add3A_881 = arith.addi %add3A_879, %add3A_880 : i32
      %mul3A_882 = arith.constant 16 : i32
      %mul3A_883 = arith.muli %add3A_881, %mul3A_882 : i32
      %swap3A_884 = arith.index_cast %mul3A_883 : i32 to index
      %swap3A_885 = tpu.vector_load %arg12[%swap3A_884] {strides = array<i32>} : memref<49152xf32, #tpu.memory_space<vmem>>, vector<16xf32>,
      tpu.vector_store %arg12[%swap3A_884], %broadcast_in_dim3A_875 {strides = array<i32>} : memref<49152xf32, #tpu.memory_space<vmem>>, vector<16xf32>,
      %slice3A_886 = vector.extract_strided_slice %get3A_781 {offsets = [8], sizes = [1], strides = [1]} : vector<16xf32> to vector<1xf32>
      %squeeze3A_887 = vector.extract %slice3A_886[0] : f32 from vector<1xf32>
      %broadcast_in_dim3A_888 = vector.broadcast %squeeze3A_887 : f32 to vector<16xf32>
      %mul3A_889 = arith.constant 128 : i32
      %mul3A_890 = arith.muli %scan3A_351, %mul3A_889 : i32
      %add3A_891 = arith.constant 32 : i32
      %add3A_892 = arith.addi %mul3A_890, %add3A_891 : i32
      %add3A_893 = arith.constant 8 : i32
      %add3A_894 = arith.addi %add3A_892, %add3A_893 : i32
      %mul3A_895 = arith.constant 16 : i32
      %mul3A_896 = arith.muli %add3A_894, %mul3A_895 : i32
      %swap3A_897 = arith.index_cast %mul3A_896 : i32 to index
      %swap3A_898 = tpu.vector_load %arg12[%swap3A_897] {strides = array<i32>} : memref<49152xf32, #tpu.memory_space<vmem>>, vector<16xf32>,
      tpu.vector_store %arg12[%swap3A_897], %broadcast_in_dim3A_888 {strides = array<i32>} : memref<49152xf32, #tpu.memory_space<vmem>>, vector<16xf32>,
      %slice3A_899 = vector.extract_strided_slice %get3A_781 {offsets = [9], sizes = [1], strides = [1]} : vector<16xf32> to vector<1xf32>
      %squeeze3A_900 = vector.extract %slice3A_899[0] : f32 from vector<1xf32>
      %broadcast_in_dim3A_901 = vector.broadcast %squeeze3A_900 : f32 to vector<16xf32>
      %mul3A_902 = arith.constant 128 : i32
      %mul3A_903 = arith.muli %scan3A_351, %mul3A_902 : i32
      %add3A_904 = arith.constant 32 : i32
      %add3A_905 = arith.addi %mul3A_903, %add3A_904 : i32
      %add3A_906 = arith.constant 9 : i32
      %add3A_907 = arith.addi %add3A_905, %add3A_906 : i32
      %mul3A_908 = arith.constant 16 : i32
      %mul3A_909 = arith.muli %add3A_907, %mul3A_908 : i32
      %swap3A_910 = arith.index_cast %mul3A_909 : i32 to index
      %swap3A_911 = tpu.vector_load %arg12[%swap3A_910] {strides = array<i32>} : memref<49152xf32, #tpu.memory_space<vmem>>, vector<16xf32>,
      tpu.vector_store %arg12[%swap3A_910], %broadcast_in_dim3A_901 {strides = array<i32>} : memref<49152xf32, #tpu.memory_space<vmem>>, vector<16xf32>,
      %slice3A_912 = vector.extract_strided_slice %get3A_781 {offsets = [10], sizes = [1], strides = [1]} : vector<16xf32> to vector<1xf32>
      %squeeze3A_913 = vector.extract %slice3A_912[0] : f32 from vector<1xf32>
      %broadcast_in_dim3A_914 = vector.broadcast %squeeze3A_913 : f32 to vector<16xf32>
      %mul3A_915 = arith.constant 128 : i32
      %mul3A_916 = arith.muli %scan3A_351, %mul3A_915 : i32
      %add3A_917 = arith.constant 32 : i32
      %add3A_918 = arith.addi %mul3A_916, %add3A_917 : i32
      %add3A_919 = arith.constant 10 : i32
      %add3A_920 = arith.addi %add3A_918, %add3A_919 : i32
      %mul3A_921 = arith.constant 16 : i32
      %mul3A_922 = arith.muli %add3A_920, %mul3A_921 : i32
      %swap3A_923 = arith.index_cast %mul3A_922 : i32 to index
      %swap3A_924 = tpu.vector_load %arg12[%swap3A_923] {strides = array<i32>} : memref<49152xf32, #tpu.memory_space<vmem>>, vector<16xf32>,
      tpu.vector_store %arg12[%swap3A_923], %broadcast_in_dim3A_914 {strides = array<i32>} : memref<49152xf32, #tpu.memory_space<vmem>>, vector<16xf32>,
      %slice3A_925 = vector.extract_strided_slice %get3A_781 {offsets = [11], sizes = [1], strides = [1]} : vector<16xf32> to vector<1xf32>
      %squeeze3A_926 = vector.extract %slice3A_925[0] : f32 from vector<1xf32>
      %broadcast_in_dim3A_927 = vector.broadcast %squeeze3A_926 : f32 to vector<16xf32>
      %mul3A_928 = arith.constant 128 : i32
      %mul3A_929 = arith.muli %scan3A_351, %mul3A_928 : i32
      %add3A_930 = arith.constant 32 : i32
      %add3A_931 = arith.addi %mul3A_929, %add3A_930 : i32
      %add3A_932 = arith.constant 11 : i32
      %add3A_933 = arith.addi %add3A_931, %add3A_932 : i32
      %mul3A_934 = arith.constant 16 : i32
      %mul3A_935 = arith.muli %add3A_933, %mul3A_934 : i32
      %swap3A_936 = arith.index_cast %mul3A_935 : i32 to index
      %swap3A_937 = tpu.vector_load %arg12[%swap3A_936] {strides = array<i32>} : memref<49152xf32, #tpu.memory_space<vmem>>, vector<16xf32>,
      tpu.vector_store %arg12[%swap3A_936], %broadcast_in_dim3A_927 {strides = array<i32>} : memref<49152xf32, #tpu.memory_space<vmem>>, vector<16xf32>,
      %slice3A_938 = vector.extract_strided_slice %get3A_781 {offsets = [12], sizes = [1], strides = [1]} : vector<16xf32> to vector<1xf32>
      %squeeze3A_939 = vector.extract %slice3A_938[0] : f32 from vector<1xf32>
      %broadcast_in_dim3A_940 = vector.broadcast %squeeze3A_939 : f32 to vector<16xf32>
      %mul3A_941 = arith.constant 128 : i32
      %mul3A_942 = arith.muli %scan3A_351, %mul3A_941 : i32
      %add3A_943 = arith.constant 32 : i32
      %add3A_944 = arith.addi %mul3A_942, %add3A_943 : i32
      %add3A_945 = arith.constant 12 : i32
      %add3A_946 = arith.addi %add3A_944, %add3A_945 : i32
      %mul3A_947 = arith.constant 16 : i32
      %mul3A_948 = arith.muli %add3A_946, %mul3A_947 : i32
      %swap3A_949 = arith.index_cast %mul3A_948 : i32 to index
      %swap3A_950 = tpu.vector_load %arg12[%swap3A_949] {strides = array<i32>} : memref<49152xf32, #tpu.memory_space<vmem>>, vector<16xf32>,
      tpu.vector_store %arg12[%swap3A_949], %broadcast_in_dim3A_940 {strides = array<i32>} : memref<49152xf32, #tpu.memory_space<vmem>>, vector<16xf32>,
      %slice3A_951 = vector.extract_strided_slice %get3A_781 {offsets = [13], sizes = [1], strides = [1]} : vector<16xf32> to vector<1xf32>
      %squeeze3A_952 = vector.extract %slice3A_951[0] : f32 from vector<1xf32>
      %broadcast_in_dim3A_953 = vector.broadcast %squeeze3A_952 : f32 to vector<16xf32>
      %mul3A_954 = arith.constant 128 : i32
      %mul3A_955 = arith.muli %scan3A_351, %mul3A_954 : i32
      %add3A_956 = arith.constant 32 : i32
      %add3A_957 = arith.addi %mul3A_955, %add3A_956 : i32
      %add3A_958 = arith.constant 13 : i32
      %add3A_959 = arith.addi %add3A_957, %add3A_958 : i32
      %mul3A_960 = arith.constant 16 : i32
      %mul3A_961 = arith.muli %add3A_959, %mul3A_960 : i32
      %swap3A_962 = arith.index_cast %mul3A_961 : i32 to index
      %swap3A_963 = tpu.vector_load %arg12[%swap3A_962] {strides = array<i32>} : memref<49152xf32, #tpu.memory_space<vmem>>, vector<16xf32>,
      tpu.vector_store %arg12[%swap3A_962], %broadcast_in_dim3A_953 {strides = array<i32>} : memref<49152xf32, #tpu.memory_space<vmem>>, vector<16xf32>,
      %slice3A_964 = vector.extract_strided_slice %get3A_781 {offsets = [14], sizes = [1], strides = [1]} : vector<16xf32> to vector<1xf32>
      %squeeze3A_965 = vector.extract %slice3A_964[0] : f32 from vector<1xf32>
      %broadcast_in_dim3A_966 = vector.broadcast %squeeze3A_965 : f32 to vector<16xf32>
      %mul3A_967 = arith.constant 128 : i32
      %mul3A_968 = arith.muli %scan3A_351, %mul3A_967 : i32
      %add3A_969 = arith.constant 32 : i32
      %add3A_970 = arith.addi %mul3A_968, %add3A_969 : i32
      %add3A_971 = arith.constant 14 : i32
      %add3A_972 = arith.addi %add3A_970, %add3A_971 : i32
      %mul3A_973 = arith.constant 16 : i32
      %mul3A_974 = arith.muli %add3A_972, %mul3A_973 : i32
      %swap3A_975 = arith.index_cast %mul3A_974 : i32 to index
      %swap3A_976 = tpu.vector_load %arg12[%swap3A_975] {strides = array<i32>} : memref<49152xf32, #tpu.memory_space<vmem>>, vector<16xf32>,
      tpu.vector_store %arg12[%swap3A_975], %broadcast_in_dim3A_966 {strides = array<i32>} : memref<49152xf32, #tpu.memory_space<vmem>>, vector<16xf32>,
      %slice3A_977 = vector.extract_strided_slice %get3A_781 {offsets = [15], sizes = [1], strides = [1]} : vector<16xf32> to vector<1xf32>
      %squeeze3A_978 = vector.extract %slice3A_977[0] : f32 from vector<1xf32>
      %broadcast_in_dim3A_979 = vector.broadcast %squeeze3A_978 : f32 to vector<16xf32>
      %mul3A_980 = arith.constant 128 : i32
      %mul3A_981 = arith.muli %scan3A_351, %mul3A_980 : i32
      %add3A_982 = arith.constant 32 : i32
      %add3A_983 = arith.addi %mul3A_981, %add3A_982 : i32
      %add3A_984 = arith.constant 15 : i32
      %add3A_985 = arith.addi %add3A_983, %add3A_984 : i32
      %mul3A_986 = arith.constant 16 : i32
      %mul3A_987 = arith.muli %add3A_985, %mul3A_986 : i32
      %swap3A_988 = arith.index_cast %mul3A_987 : i32 to index
      %swap3A_989 = tpu.vector_load %arg12[%swap3A_988] {strides = array<i32>} : memref<49152xf32, #tpu.memory_space<vmem>>, vector<16xf32>,
      tpu.vector_store %arg12[%swap3A_988], %broadcast_in_dim3A_979 {strides = array<i32>} : memref<49152xf32, #tpu.memory_space<vmem>>, vector<16xf32>,
      %mul3A_990 = arith.constant 128 : i32
      %mul3A_991 = arith.muli %scan3A_351, %mul3A_990 : i32
      %add3A_992 = arith.constant 48 : i32
      %add3A_993 = arith.addi %mul3A_991, %add3A_992 : i32
      %get3A_994 = arith.index_cast %add3A_993 : i32 to index
      %get3A_995 = tpu.vector_load %arg11[%get3A_994] {strides = array<i32>} : memref<3072xf32, #tpu.memory_space<vmem>>, vector<16xf32>,
      %slice3A_996 = vector.extract_strided_slice %get3A_995 {offsets = [0], sizes = [1], strides = [1]} : vector<16xf32> to vector<1xf32>
      %squeeze3A_997 = vector.extract %slice3A_996[0] : f32 from vector<1xf32>
      %broadcast_in_dim3A_998 = vector.broadcast %squeeze3A_997 : f32 to vector<16xf32>
      %mul3A_999 = arith.constant 128 : i32
      %mul3A_1000 = arith.muli %scan3A_351, %mul3A_999 : i32
      %add3A_1001 = arith.constant 48 : i32
      %add3A_1002 = arith.addi %mul3A_1000, %add3A_1001 : i32
      %add3A_1003 = arith.constant 0 : i32
      %add3A_1004 = arith.addi %add3A_1002, %add3A_1003 : i32
      %mul3A_1005 = arith.constant 16 : i32
      %mul3A_1006 = arith.muli %add3A_1004, %mul3A_1005 : i32
      %swap3A_1007 = arith.index_cast %mul3A_1006 : i32 to index
      %swap3A_1008 = tpu.vector_load %arg12[%swap3A_1007] {strides = array<i32>} : memref<49152xf32, #tpu.memory_space<vmem>>, vector<16xf32>,
      tpu.vector_store %arg12[%swap3A_1007], %broadcast_in_dim3A_998 {strides = array<i32>} : memref<49152xf32, #tpu.memory_space<vmem>>, vector<16xf32>,
      %slice3A_1009 = vector.extract_strided_slice %get3A_995 {offsets = [1], sizes = [1], strides = [1]} : vector<16xf32> to vector<1xf32>
      %squeeze3A_1010 = vector.extract %slice3A_1009[0] : f32 from vector<1xf32>
      %broadcast_in_dim3A_1011 = vector.broadcast %squeeze3A_1010 : f32 to vector<16xf32>
      %mul3A_1012 = arith.constant 128 : i32
      %mul3A_1013 = arith.muli %scan3A_351, %mul3A_1012 : i32
      %add3A_1014 = arith.constant 48 : i32
      %add3A_1015 = arith.addi %mul3A_1013, %add3A_1014 : i32
      %add3A_1016 = arith.constant 1 : i32
      %add3A_1017 = arith.addi %add3A_1015, %add3A_1016 : i32
      %mul3A_1018 = arith.constant 16 : i32
      %mul3A_1019 = arith.muli %add3A_1017, %mul3A_1018 : i32
      %swap3A_1020 = arith.index_cast %mul3A_1019 : i32 to index
      %swap3A_1021 = tpu.vector_load %arg12[%swap3A_1020] {strides = array<i32>} : memref<49152xf32, #tpu.memory_space<vmem>>, vector<16xf32>,
      tpu.vector_store %arg12[%swap3A_1020], %broadcast_in_dim3A_1011 {strides = array<i32>} : memref<49152xf32, #tpu.memory_space<vmem>>, vector<16xf32>,
      %slice3A_1022 = vector.extract_strided_slice %get3A_995 {offsets = [2], sizes = [1], strides = [1]} : vector<16xf32> to vector<1xf32>
      %squeeze3A_1023 = vector.extract %slice3A_1022[0] : f32 from vector<1xf32>
      %broadcast_in_dim3A_1024 = vector.broadcast %squeeze3A_1023 : f32 to vector<16xf32>
      %mul3A_1025 = arith.constant 128 : i32
      %mul3A_1026 = arith.muli %scan3A_351, %mul3A_1025 : i32
      %add3A_1027 = arith.constant 48 : i32
      %add3A_1028 = arith.addi %mul3A_1026, %add3A_1027 : i32
      %add3A_1029 = arith.constant 2 : i32
      %add3A_1030 = arith.addi %add3A_1028, %add3A_1029 : i32
      %mul3A_1031 = arith.constant 16 : i32
      %mul3A_1032 = arith.muli %add3A_1030, %mul3A_1031 : i32
      %swap3A_1033 = arith.index_cast %mul3A_1032 : i32 to index
      %swap3A_1034 = tpu.vector_load %arg12[%swap3A_1033] {strides = array<i32>} : memref<49152xf32, #tpu.memory_space<vmem>>, vector<16xf32>,
      tpu.vector_store %arg12[%swap3A_1033], %broadcast_in_dim3A_1024 {strides = array<i32>} : memref<49152xf32, #tpu.memory_space<vmem>>, vector<16xf32>,
      %slice3A_1035 = vector.extract_strided_slice %get3A_995 {offsets = [3], sizes = [1], strides = [1]} : vector<16xf32> to vector<1xf32>
      %squeeze3A_1036 = vector.extract %slice3A_1035[0] : f32 from vector<1xf32>
      %broadcast_in_dim3A_1037 = vector.broadcast %squeeze3A_1036 : f32 to vector<16xf32>
      %mul3A_1038 = arith.constant 128 : i32
      %mul3A_1039 = arith.muli %scan3A_351, %mul3A_1038 : i32
      %add3A_1040 = arith.constant 48 : i32
      %add3A_1041 = arith.addi %mul3A_1039, %add3A_1040 : i32
      %add3A_1042 = arith.constant 3 : i32
      %add3A_1043 = arith.addi %add3A_1041, %add3A_1042 : i32
      %mul3A_1044 = arith.constant 16 : i32
      %mul3A_1045 = arith.muli %add3A_1043, %mul3A_1044 : i32
      %swap3A_1046 = arith.index_cast %mul3A_1045 : i32 to index
      %swap3A_1047 = tpu.vector_load %arg12[%swap3A_1046] {strides = array<i32>} : memref<49152xf32, #tpu.memory_space<vmem>>, vector<16xf32>,
      tpu.vector_store %arg12[%swap3A_1046], %broadcast_in_dim3A_1037 {strides = array<i32>} : memref<49152xf32, #tpu.memory_space<vmem>>, vector<16xf32>,
      %slice3A_1048 = vector.extract_strided_slice %get3A_995 {offsets = [4], sizes = [1], strides = [1]} : vector<16xf32> to vector<1xf32>
      %squeeze3A_1049 = vector.extract %slice3A_1048[0] : f32 from vector<1xf32>
      %broadcast_in_dim3A_1050 = vector.broadcast %squeeze3A_1049 : f32 to vector<16xf32>
      %mul3A_1051 = arith.constant 128 : i32
      %mul3A_1052 = arith.muli %scan3A_351, %mul3A_1051 : i32
      %add3A_1053 = arith.constant 48 : i32
      %add3A_1054 = arith.addi %mul3A_1052, %add3A_1053 : i32
      %add3A_1055 = arith.constant 4 : i32
      %add3A_1056 = arith.addi %add3A_1054, %add3A_1055 : i32
      %mul3A_1057 = arith.constant 16 : i32
      %mul3A_1058 = arith.muli %add3A_1056, %mul3A_1057 : i32
      %swap3A_1059 = arith.index_cast %mul3A_1058 : i32 to index
      %swap3A_1060 = tpu.vector_load %arg12[%swap3A_1059] {strides = array<i32>} : memref<49152xf32, #tpu.memory_space<vmem>>, vector<16xf32>,
      tpu.vector_store %arg12[%swap3A_1059], %broadcast_in_dim3A_1050 {strides = array<i32>} : memref<49152xf32, #tpu.memory_space<vmem>>, vector<16xf32>,
      %slice3A_1061 = vector.extract_strided_slice %get3A_995 {offsets = [5], sizes = [1], strides = [1]} : vector<16xf32> to vector<1xf32>
      %squeeze3A_1062 = vector.extract %slice3A_1061[0] : f32 from vector<1xf32>
      %broadcast_in_dim3A_1063 = vector.broadcast %squeeze3A_1062 : f32 to vector<16xf32>
      %mul3A_1064 = arith.constant 128 : i32
      %mul3A_1065 = arith.muli %scan3A_351, %mul3A_1064 : i32
      %add3A_1066 = arith.constant 48 : i32
      %add3A_1067 = arith.addi %mul3A_1065, %add3A_1066 : i32
      %add3A_1068 = arith.constant 5 : i32
      %add3A_1069 = arith.addi %add3A_1067, %add3A_1068 : i32
      %mul3A_1070 = arith.constant 16 : i32
      %mul3A_1071 = arith.muli %add3A_1069, %mul3A_1070 : i32
      %swap3A_1072 = arith.index_cast %mul3A_1071 : i32 to index
      %swap3A_1073 = tpu.vector_load %arg12[%swap3A_1072] {strides = array<i32>} : memref<49152xf32, #tpu.memory_space<vmem>>, vector<16xf32>,
      tpu.vector_store %arg12[%swap3A_1072], %broadcast_in_dim3A_1063 {strides = array<i32>} : memref<49152xf32, #tpu.memory_space<vmem>>, vector<16xf32>,
      %slice3A_1074 = vector.extract_strided_slice %get3A_995 {offsets = [6], sizes = [1], strides = [1]} : vector<16xf32> to vector<1xf32>
      %squeeze3A_1075 = vector.extract %slice3A_1074[0] : f32 from vector<1xf32>
      %broadcast_in_dim3A_1076 = vector.broadcast %squeeze3A_1075 : f32 to vector<16xf32>
      %mul3A_1077 = arith.constant 128 : i32
      %mul3A_1078 = arith.muli %scan3A_351, %mul3A_1077 : i32
      %add3A_1079 = arith.constant 48 : i32
      %add3A_1080 = arith.addi %mul3A_1078, %add3A_1079 : i32
      %add3A_1081 = arith.constant 6 : i32
      %add3A_1082 = arith.addi %add3A_1080, %add3A_1081 : i32
      %mul3A_1083 = arith.constant 16 : i32
      %mul3A_1084 = arith.muli %add3A_1082, %mul3A_1083 : i32
      %swap3A_1085 = arith.index_cast %mul3A_1084 : i32 to index
      %swap3A_1086 = tpu.vector_load %arg12[%swap3A_1085] {strides = array<i32>} : memref<49152xf32, #tpu.memory_space<vmem>>, vector<16xf32>,
      tpu.vector_store %arg12[%swap3A_1085], %broadcast_in_dim3A_1076 {strides = array<i32>} : memref<49152xf32, #tpu.memory_space<vmem>>, vector<16xf32>,
      %slice3A_1087 = vector.extract_strided_slice %get3A_995 {offsets = [7], sizes = [1], strides = [1]} : vector<16xf32> to vector<1xf32>
      %squeeze3A_1088 = vector.extract %slice3A_1087[0] : f32 from vector<1xf32>
      %broadcast_in_dim3A_1089 = vector.broadcast %squeeze3A_1088 : f32 to vector<16xf32>
      %mul3A_1090 = arith.constant 128 : i32
      %mul3A_1091 = arith.muli %scan3A_351, %mul3A_1090 : i32
      %add3A_1092 = arith.constant 48 : i32
      %add3A_1093 = arith.addi %mul3A_1091, %add3A_1092 : i32
      %add3A_1094 = arith.constant 7 : i32
      %add3A_1095 = arith.addi %add3A_1093, %add3A_1094 : i32
      %mul3A_1096 = arith.constant 16 : i32
      %mul3A_1097 = arith.muli %add3A_1095, %mul3A_1096 : i32
      %swap3A_1098 = arith.index_cast %mul3A_1097 : i32 to index
      %swap3A_1099 = tpu.vector_load %arg12[%swap3A_1098] {strides = array<i32>} : memref<49152xf32, #tpu.memory_space<vmem>>, vector<16xf32>,
      tpu.vector_store %arg12[%swap3A_1098], %broadcast_in_dim3A_1089 {strides = array<i32>} : memref<49152xf32, #tpu.memory_space<vmem>>, vector<16xf32>,
      %slice3A_1100 = vector.extract_strided_slice %get3A_995 {offsets = [8], sizes = [1], strides = [1]} : vector<16xf32> to vector<1xf32>
      %squeeze3A_1101 = vector.extract %slice3A_1100[0] : f32 from vector<1xf32>
      %broadcast_in_dim3A_1102 = vector.broadcast %squeeze3A_1101 : f32 to vector<16xf32>
      %mul3A_1103 = arith.constant 128 : i32
      %mul3A_1104 = arith.muli %scan3A_351, %mul3A_1103 : i32
      %add3A_1105 = arith.constant 48 : i32
      %add3A_1106 = arith.addi %mul3A_1104, %add3A_1105 : i32
      %add3A_1107 = arith.constant 8 : i32
      %add3A_1108 = arith.addi %add3A_1106, %add3A_1107 : i32
      %mul3A_1109 = arith.constant 16 : i32
      %mul3A_1110 = arith.muli %add3A_1108, %mul3A_1109 : i32
      %swap3A_1111 = arith.index_cast %mul3A_1110 : i32 to index
      %swap3A_1112 = tpu.vector_load %arg12[%swap3A_1111] {strides = array<i32>} : memref<49152xf32, #tpu.memory_space<vmem>>, vector<16xf32>,
      tpu.vector_store %arg12[%swap3A_1111], %broadcast_in_dim3A_1102 {strides = array<i32>} : memref<49152xf32, #tpu.memory_space<vmem>>, vector<16xf32>,
      %slice3A_1113 = vector.extract_strided_slice %get3A_995 {offsets = [9], sizes = [1], strides = [1]} : vector<16xf32> to vector<1xf32>
      %squeeze3A_1114 = vector.extract %slice3A_1113[0] : f32 from vector<1xf32>
      %broadcast_in_dim3A_1115 = vector.broadcast %squeeze3A_1114 : f32 to vector<16xf32>
      %mul3A_1116 = arith.constant 128 : i32
      %mul3A_1117 = arith.muli %scan3A_351, %mul3A_1116 : i32
      %add3A_1118 = arith.constant 48 : i32
      %add3A_1119 = arith.addi %mul3A_1117, %add3A_1118 : i32
      %add3A_1120 = arith.constant 9 : i32
      %add3A_1121 = arith.addi %add3A_1119, %add3A_1120 : i32
      %mul3A_1122 = arith.constant 16 : i32
      %mul3A_1123 = arith.muli %add3A_1121, %mul3A_1122 : i32
      %swap3A_1124 = arith.index_cast %mul3A_1123 : i32 to index
      %swap3A_1125 = tpu.vector_load %arg12[%swap3A_1124] {strides = array<i32>} : memref<49152xf32, #tpu.memory_space<vmem>>, vector<16xf32>,
      tpu.vector_store %arg12[%swap3A_1124], %broadcast_in_dim3A_1115 {strides = array<i32>} : memref<49152xf32, #tpu.memory_space<vmem>>, vector<16xf32>,
      %slice3A_1126 = vector.extract_strided_slice %get3A_995 {offsets = [10], sizes = [1], strides = [1]} : vector<16xf32> to vector<1xf32>
      %squeeze3A_1127 = vector.extract %slice3A_1126[0] : f32 from vector<1xf32>
      %broadcast_in_dim3A_1128 = vector.broadcast %squeeze3A_1127 : f32 to vector<16xf32>
      %mul3A_1129 = arith.constant 128 : i32
      %mul3A_1130 = arith.muli %scan3A_351, %mul3A_1129 : i32
      %add3A_1131 = arith.constant 48 : i32
      %add3A_1132 = arith.addi %mul3A_1130, %add3A_1131 : i32
      %add3A_1133 = arith.constant 10 : i32
      %add3A_1134 = arith.addi %add3A_1132, %add3A_1133 : i32
      %mul3A_1135 = arith.constant 16 : i32
      %mul3A_1136 = arith.muli %add3A_1134, %mul3A_1135 : i32
      %swap3A_1137 = arith.index_cast %mul3A_1136 : i32 to index
      %swap3A_1138 = tpu.vector_load %arg12[%swap3A_1137] {strides = array<i32>} : memref<49152xf32, #tpu.memory_space<vmem>>, vector<16xf32>,
      tpu.vector_store %arg12[%swap3A_1137], %broadcast_in_dim3A_1128 {strides = array<i32>} : memref<49152xf32, #tpu.memory_space<vmem>>, vector<16xf32>,
      %slice3A_1139 = vector.extract_strided_slice %get3A_995 {offsets = [11], sizes = [1], strides = [1]} : vector<16xf32> to vector<1xf32>
      %squeeze3A_1140 = vector.extract %slice3A_1139[0] : f32 from vector<1xf32>
      %broadcast_in_dim3A_1141 = vector.broadcast %squeeze3A_1140 : f32 to vector<16xf32>
      %mul3A_1142 = arith.constant 128 : i32
      %mul3A_1143 = arith.muli %scan3A_351, %mul3A_1142 : i32
      %add3A_1144 = arith.constant 48 : i32
      %add3A_1145 = arith.addi %mul3A_1143, %add3A_1144 : i32
      %add3A_1146 = arith.constant 11 : i32
      %add3A_1147 = arith.addi %add3A_1145, %add3A_1146 : i32
      %mul3A_1148 = arith.constant 16 : i32
      %mul3A_1149 = arith.muli %add3A_1147, %mul3A_1148 : i32
      %swap3A_1150 = arith.index_cast %mul3A_1149 : i32 to index
      %swap3A_1151 = tpu.vector_load %arg12[%swap3A_1150] {strides = array<i32>} : memref<49152xf32, #tpu.memory_space<vmem>>, vector<16xf32>,
      tpu.vector_store %arg12[%swap3A_1150], %broadcast_in_dim3A_1141 {strides = array<i32>} : memref<49152xf32, #tpu.memory_space<vmem>>, vector<16xf32>,
      %slice3A_1152 = vector.extract_strided_slice %get3A_995 {offsets = [12], sizes = [1], strides = [1]} : vector<16xf32> to vector<1xf32>
      %squeeze3A_1153 = vector.extract %slice3A_1152[0] : f32 from vector<1xf32>
      %broadcast_in_dim3A_1154 = vector.broadcast %squeeze3A_1153 : f32 to vector<16xf32>
      %mul3A_1155 = arith.constant 128 : i32
      %mul3A_1156 = arith.muli %scan3A_351, %mul3A_1155 : i32
      %add3A_1157 = arith.constant 48 : i32
      %add3A_1158 = arith.addi %mul3A_1156, %add3A_1157 : i32
      %add3A_1159 = arith.constant 12 : i32
      %add3A_1160 = arith.addi %add3A_1158, %add3A_1159 : i32
      %mul3A_1161 = arith.constant 16 : i32
      %mul3A_1162 = arith.muli %add3A_1160, %mul3A_1161 : i32
      %swap3A_1163 = arith.index_cast %mul3A_1162 : i32 to index
      %swap3A_1164 = tpu.vector_load %arg12[%swap3A_1163] {strides = array<i32>} : memref<49152xf32, #tpu.memory_space<vmem>>, vector<16xf32>,
      tpu.vector_store %arg12[%swap3A_1163], %broadcast_in_dim3A_1154 {strides = array<i32>} : memref<49152xf32, #tpu.memory_space<vmem>>, vector<16xf32>,
      %slice3A_1165 = vector.extract_strided_slice %get3A_995 {offsets = [13], sizes = [1], strides = [1]} : vector<16xf32> to vector<1xf32>
      %squeeze3A_1166 = vector.extract %slice3A_1165[0] : f32 from vector<1xf32>
      %broadcast_in_dim3A_1167 = vector.broadcast %squeeze3A_1166 : f32 to vector<16xf32>
      %mul3A_1168 = arith.constant 128 : i32
      %mul3A_1169 = arith.muli %scan3A_351, %mul3A_1168 : i32
      %add3A_1170 = arith.constant 48 : i32
      %add3A_1171 = arith.addi %mul3A_1169, %add3A_1170 : i32
      %add3A_1172 = arith.constant 13 : i32
      %add3A_1173 = arith.addi %add3A_1171, %add3A_1172 : i32
      %mul3A_1174 = arith.constant 16 : i32
      %mul3A_1175 = arith.muli %add3A_1173, %mul3A_1174 : i32
      %swap3A_1176 = arith.index_cast %mul3A_1175 : i32 to index
      %swap3A_1177 = tpu.vector_load %arg12[%swap3A_1176] {strides = array<i32>} : memref<49152xf32, #tpu.memory_space<vmem>>, vector<16xf32>,
      tpu.vector_store %arg12[%swap3A_1176], %broadcast_in_dim3A_1167 {strides = array<i32>} : memref<49152xf32, #tpu.memory_space<vmem>>, vector<16xf32>,
      %slice3A_1178 = vector.extract_strided_slice %get3A_995 {offsets = [14], sizes = [1], strides = [1]} : vector<16xf32> to vector<1xf32>
      %squeeze3A_1179 = vector.extract %slice3A_1178[0] : f32 from vector<1xf32>
      %broadcast_in_dim3A_1180 = vector.broadcast %squeeze3A_1179 : f32 to vector<16xf32>
      %mul3A_1181 = arith.constant 128 : i32
      %mul3A_1182 = arith.muli %scan3A_351, %mul3A_1181 : i32
      %add3A_1183 = arith.constant 48 : i32
      %add3A_1184 = arith.addi %mul3A_1182, %add3A_1183 : i32
      %add3A_1185 = arith.constant 14 : i32
      %add3A_1186 = arith.addi %add3A_1184, %add3A_1185 : i32
      %mul3A_1187 = arith.constant 16 : i32
      %mul3A_1188 = arith.muli %add3A_1186, %mul3A_1187 : i32
      %swap3A_1189 = arith.index_cast %mul3A_1188 : i32 to index
      %swap3A_1190 = tpu.vector_load %arg12[%swap3A_1189] {strides = array<i32>} : memref<49152xf32, #tpu.memory_space<vmem>>, vector<16xf32>,
      tpu.vector_store %arg12[%swap3A_1189], %broadcast_in_dim3A_1180 {strides = array<i32>} : memref<49152xf32, #tpu.memory_space<vmem>>, vector<16xf32>,
      %slice3A_1191 = vector.extract_strided_slice %get3A_995 {offsets = [15], sizes = [1], strides = [1]} : vector<16xf32> to vector<1xf32>
      %squeeze3A_1192 = vector.extract %slice3A_1191[0] : f32 from vector<1xf32>
      %broadcast_in_dim3A_1193 = vector.broadcast %squeeze3A_1192 : f32 to vector<16xf32>
      %mul3A_1194 = arith.constant 128 : i32
      %mul3A_1195 = arith.muli %scan3A_351, %mul3A_1194 : i32
      %add3A_1196 = arith.constant 48 : i32
      %add3A_1197 = arith.addi %mul3A_1195, %add3A_1196 : i32
      %add3A_1198 = arith.constant 15 : i32
      %add3A_1199 = arith.addi %add3A_1197, %add3A_1198 : i32
      %mul3A_1200 = arith.constant 16 : i32
      %mul3A_1201 = arith.muli %add3A_1199, %mul3A_1200 : i32
      %swap3A_1202 = arith.index_cast %mul3A_1201 : i32 to index
      %swap3A_1203 = tpu.vector_load %arg12[%swap3A_1202] {strides = array<i32>} : memref<49152xf32, #tpu.memory_space<vmem>>, vector<16xf32>,
      tpu.vector_store %arg12[%swap3A_1202], %broadcast_in_dim3A_1193 {strides = array<i32>} : memref<49152xf32, #tpu.memory_space<vmem>>, vector<16xf32>,
      %mul3A_1204 = arith.constant 128 : i32
      %mul3A_1205 = arith.muli %scan3A_351, %mul3A_1204 : i32
      %add3A_1206 = arith.constant 64 : i32
      %add3A_1207 = arith.addi %mul3A_1205, %add3A_1206 : i32
      %get3A_1208 = arith.index_cast %add3A_1207 : i32 to index
      %get3A_1209 = tpu.vector_load %arg11[%get3A_1208] {strides = array<i32>} : memref<3072xf32, #tpu.memory_space<vmem>>, vector<16xf32>,
      %slice3A_1210 = vector.extract_strided_slice %get3A_1209 {offsets = [0], sizes = [1], strides = [1]} : vector<16xf32> to vector<1xf32>
      %squeeze3A_1211 = vector.extract %slice3A_1210[0] : f32 from vector<1xf32>
      %broadcast_in_dim3A_1212 = vector.broadcast %squeeze3A_1211 : f32 to vector<16xf32>
      %mul3A_1213 = arith.constant 128 : i32
      %mul3A_1214 = arith.muli %scan3A_351, %mul3A_1213 : i32
      %add3A_1215 = arith.constant 64 : i32
      %add3A_1216 = arith.addi %mul3A_1214, %add3A_1215 : i32
      %add3A_1217 = arith.constant 0 : i32
      %add3A_1218 = arith.addi %add3A_1216, %add3A_1217 : i32
      %mul3A_1219 = arith.constant 16 : i32
      %mul3A_1220 = arith.muli %add3A_1218, %mul3A_1219 : i32
      %swap3A_1221 = arith.index_cast %mul3A_1220 : i32 to index
      %swap3A_1222 = tpu.vector_load %arg12[%swap3A_1221] {strides = array<i32>} : memref<49152xf32, #tpu.memory_space<vmem>>, vector<16xf32>,
      tpu.vector_store %arg12[%swap3A_1221], %broadcast_in_dim3A_1212 {strides = array<i32>} : memref<49152xf32, #tpu.memory_space<vmem>>, vector<16xf32>,
      %slice3A_1223 = vector.extract_strided_slice %get3A_1209 {offsets = [1], sizes = [1], strides = [1]} : vector<16xf32> to vector<1xf32>
      %squeeze3A_1224 = vector.extract %slice3A_1223[0] : f32 from vector<1xf32>
      %broadcast_in_dim3A_1225 = vector.broadcast %squeeze3A_1224 : f32 to vector<16xf32>
      %mul3A_1226 = arith.constant 128 : i32
      %mul3A_1227 = arith.muli %scan3A_351, %mul3A_1226 : i32
      %add3A_1228 = arith.constant 64 : i32
      %add3A_1229 = arith.addi %mul3A_1227, %add3A_1228 : i32
      %add3A_1230 = arith.constant 1 : i32
      %add3A_1231 = arith.addi %add3A_1229, %add3A_1230 : i32
      %mul3A_1232 = arith.constant 16 : i32
      %mul3A_1233 = arith.muli %add3A_1231, %mul3A_1232 : i32
      %swap3A_1234 = arith.index_cast %mul3A_1233 : i32 to index
      %swap3A_1235 = tpu.vector_load %arg12[%swap3A_1234] {strides = array<i32>} : memref<49152xf32, #tpu.memory_space<vmem>>, vector<16xf32>,
      tpu.vector_store %arg12[%swap3A_1234], %broadcast_in_dim3A_1225 {strides = array<i32>} : memref<49152xf32, #tpu.memory_space<vmem>>, vector<16xf32>,
      %slice3A_1236 = vector.extract_strided_slice %get3A_1209 {offsets = [2], sizes = [1], strides = [1]} : vector<16xf32> to vector<1xf32>
      %squeeze3A_1237 = vector.extract %slice3A_1236[0] : f32 from vector<1xf32>
      %broadcast_in_dim3A_1238 = vector.broadcast %squeeze3A_1237 : f32 to vector<16xf32>
      %mul3A_1239 = arith.constant 128 : i32
      %mul3A_1240 = arith.muli %scan3A_351, %mul3A_1239 : i32
      %add3A_1241 = arith.constant 64 : i32
      %add3A_1242 = arith.addi %mul3A_1240, %add3A_1241 : i32
      %add3A_1243 = arith.constant 2 : i32
      %add3A_1244 = arith.addi %add3A_1242, %add3A_1243 : i32
      %mul3A_1245 = arith.constant 16 : i32
      %mul3A_1246 = arith.muli %add3A_1244, %mul3A_1245 : i32
      %swap3A_1247 = arith.index_cast %mul3A_1246 : i32 to index
      %swap3A_1248 = tpu.vector_load %arg12[%swap3A_1247] {strides = array<i32>} : memref<49152xf32, #tpu.memory_space<vmem>>, vector<16xf32>,
      tpu.vector_store %arg12[%swap3A_1247], %broadcast_in_dim3A_1238 {strides = array<i32>} : memref<49152xf32, #tpu.memory_space<vmem>>, vector<16xf32>,
      %slice3A_1249 = vector.extract_strided_slice %get3A_1209 {offsets = [3], sizes = [1], strides = [1]} : vector<16xf32> to vector<1xf32>
      %squeeze3A_1250 = vector.extract %slice3A_1249[0] : f32 from vector<1xf32>
      %broadcast_in_dim3A_1251 = vector.broadcast %squeeze3A_1250 : f32 to vector<16xf32>
      %mul3A_1252 = arith.constant 128 : i32
      %mul3A_1253 = arith.muli %scan3A_351, %mul3A_1252 : i32
      %add3A_1254 = arith.constant 64 : i32
      %add3A_1255 = arith.addi %mul3A_1253, %add3A_1254 : i32
      %add3A_1256 = arith.constant 3 : i32
      %add3A_1257 = arith.addi %add3A_1255, %add3A_1256 : i32
      %mul3A_1258 = arith.constant 16 : i32
      %mul3A_1259 = arith.muli %add3A_1257, %mul3A_1258 : i32
      %swap3A_1260 = arith.index_cast %mul3A_1259 : i32 to index
      %swap3A_1261 = tpu.vector_load %arg12[%swap3A_1260] {strides = array<i32>} : memref<49152xf32, #tpu.memory_space<vmem>>, vector<16xf32>,
      tpu.vector_store %arg12[%swap3A_1260], %broadcast_in_dim3A_1251 {strides = array<i32>} : memref<49152xf32, #tpu.memory_space<vmem>>, vector<16xf32>,
      %slice3A_1262 = vector.extract_strided_slice %get3A_1209 {offsets = [4], sizes = [1], strides = [1]} : vector<16xf32> to vector<1xf32>
      %squeeze3A_1263 = vector.extract %slice3A_1262[0] : f32 from vector<1xf32>
      %broadcast_in_dim3A_1264 = vector.broadcast %squeeze3A_1263 : f32 to vector<16xf32>
      %mul3A_1265 = arith.constant 128 : i32
      %mul3A_1266 = arith.muli %scan3A_351, %mul3A_1265 : i32
      %add3A_1267 = arith.constant 64 : i32
      %add3A_1268 = arith.addi %mul3A_1266, %add3A_1267 : i32
      %add3A_1269 = arith.constant 4 : i32
      %add3A_1270 = arith.addi %add3A_1268, %add3A_1269 : i32
      %mul3A_1271 = arith.constant 16 : i32
      %mul3A_1272 = arith.muli %add3A_1270, %mul3A_1271 : i32
      %swap3A_1273 = arith.index_cast %mul3A_1272 : i32 to index
      %swap3A_1274 = tpu.vector_load %arg12[%swap3A_1273] {strides = array<i32>} : memref<49152xf32, #tpu.memory_space<vmem>>, vector<16xf32>,
      tpu.vector_store %arg12[%swap3A_1273], %broadcast_in_dim3A_1264 {strides = array<i32>} : memref<49152xf32, #tpu.memory_space<vmem>>, vector<16xf32>,
      %slice3A_1275 = vector.extract_strided_slice %get3A_1209 {offsets = [5], sizes = [1], strides = [1]} : vector<16xf32> to vector<1xf32>
      %squeeze3A_1276 = vector.extract %slice3A_1275[0] : f32 from vector<1xf32>
      %broadcast_in_dim3A_1277 = vector.broadcast %squeeze3A_1276 : f32 to vector<16xf32>
      %mul3A_1278 = arith.constant 128 : i32
      %mul3A_1279 = arith.muli %scan3A_351, %mul3A_1278 : i32
      %add3A_1280 = arith.constant 64 : i32
      %add3A_1281 = arith.addi %mul3A_1279, %add3A_1280 : i32
      %add3A_1282 = arith.constant 5 : i32
      %add3A_1283 = arith.addi %add3A_1281, %add3A_1282 : i32
      %mul3A_1284 = arith.constant 16 : i32
      %mul3A_1285 = arith.muli %add3A_1283, %mul3A_1284 : i32
      %swap3A_1286 = arith.index_cast %mul3A_1285 : i32 to index
      %swap3A_1287 = tpu.vector_load %arg12[%swap3A_1286] {strides = array<i32>} : memref<49152xf32, #tpu.memory_space<vmem>>, vector<16xf32>,
      tpu.vector_store %arg12[%swap3A_1286], %broadcast_in_dim3A_1277 {strides = array<i32>} : memref<49152xf32, #tpu.memory_space<vmem>>, vector<16xf32>,
      %slice3A_1288 = vector.extract_strided_slice %get3A_1209 {offsets = [6], sizes = [1], strides = [1]} : vector<16xf32> to vector<1xf32>
      %squeeze3A_1289 = vector.extract %slice3A_1288[0] : f32 from vector<1xf32>
      %broadcast_in_dim3A_1290 = vector.broadcast %squeeze3A_1289 : f32 to vector<16xf32>
      %mul3A_1291 = arith.constant 128 : i32
      %mul3A_1292 = arith.muli %scan3A_351, %mul3A_1291 : i32
      %add3A_1293 = arith.constant 64 : i32
      %add3A_1294 = arith.addi %mul3A_1292, %add3A_1293 : i32
      %add3A_1295 = arith.constant 6 : i32
      %add3A_1296 = arith.addi %add3A_1294, %add3A_1295 : i32
      %mul3A_1297 = arith.constant 16 : i32
      %mul3A_1298 = arith.muli %add3A_1296, %mul3A_1297 : i32
      %swap3A_1299 = arith.index_cast %mul3A_1298 : i32 to index
      %swap3A_1300 = tpu.vector_load %arg12[%swap3A_1299] {strides = array<i32>} : memref<49152xf32, #tpu.memory_space<vmem>>, vector<16xf32>,
      tpu.vector_store %arg12[%swap3A_1299], %broadcast_in_dim3A_1290 {strides = array<i32>} : memref<49152xf32, #tpu.memory_space<vmem>>, vector<16xf32>,
      %slice3A_1301 = vector.extract_strided_slice %get3A_1209 {offsets = [7], sizes = [1], strides = [1]} : vector<16xf32> to vector<1xf32>
      %squeeze3A_1302 = vector.extract %slice3A_1301[0] : f32 from vector<1xf32>
      %broadcast_in_dim3A_1303 = vector.broadcast %squeeze3A_1302 : f32 to vector<16xf32>
      %mul3A_1304 = arith.constant 128 : i32
      %mul3A_1305 = arith.muli %scan3A_351, %mul3A_1304 : i32
      %add3A_1306 = arith.constant 64 : i32
      %add3A_1307 = arith.addi %mul3A_1305, %add3A_1306 : i32
      %add3A_1308 = arith.constant 7 : i32
      %add3A_1309 = arith.addi %add3A_1307, %add3A_1308 : i32
      %mul3A_1310 = arith.constant 16 : i32
      %mul3A_1311 = arith.muli %add3A_1309, %mul3A_1310 : i32
      %swap3A_1312 = arith.index_cast %mul3A_1311 : i32 to index
      %swap3A_1313 = tpu.vector_load %arg12[%swap3A_1312] {strides = array<i32>} : memref<49152xf32, #tpu.memory_space<vmem>>, vector<16xf32>,
      tpu.vector_store %arg12[%swap3A_1312], %broadcast_in_dim3A_1303 {strides = array<i32>} : memref<49152xf32, #tpu.memory_space<vmem>>, vector<16xf32>,
      %slice3A_1314 = vector.extract_strided_slice %get3A_1209 {offsets = [8], sizes = [1], strides = [1]} : vector<16xf32> to vector<1xf32>
      %squeeze3A_1315 = vector.extract %slice3A_1314[0] : f32 from vector<1xf32>
      %broadcast_in_dim3A_1316 = vector.broadcast %squeeze3A_1315 : f32 to vector<16xf32>
      %mul3A_1317 = arith.constant 128 : i32
      %mul3A_1318 = arith.muli %scan3A_351, %mul3A_1317 : i32
      %add3A_1319 = arith.constant 64 : i32
      %add3A_1320 = arith.addi %mul3A_1318, %add3A_1319 : i32
      %add3A_1321 = arith.constant 8 : i32
      %add3A_1322 = arith.addi %add3A_1320, %add3A_1321 : i32
      %mul3A_1323 = arith.constant 16 : i32
      %mul3A_1324 = arith.muli %add3A_1322, %mul3A_1323 : i32
      %swap3A_1325 = arith.index_cast %mul3A_1324 : i32 to index
      %swap3A_1326 = tpu.vector_load %arg12[%swap3A_1325] {strides = array<i32>} : memref<49152xf32, #tpu.memory_space<vmem>>, vector<16xf32>,
      tpu.vector_store %arg12[%swap3A_1325], %broadcast_in_dim3A_1316 {strides = array<i32>} : memref<49152xf32, #tpu.memory_space<vmem>>, vector<16xf32>,
      %slice3A_1327 = vector.extract_strided_slice %get3A_1209 {offsets = [9], sizes = [1], strides = [1]} : vector<16xf32> to vector<1xf32>
      %squeeze3A_1328 = vector.extract %slice3A_1327[0] : f32 from vector<1xf32>
      %broadcast_in_dim3A_1329 = vector.broadcast %squeeze3A_1328 : f32 to vector<16xf32>
      %mul3A_1330 = arith.constant 128 : i32
      %mul3A_1331 = arith.muli %scan3A_351, %mul3A_1330 : i32
      %add3A_1332 = arith.constant 64 : i32
      %add3A_1333 = arith.addi %mul3A_1331, %add3A_1332 : i32
      %add3A_1334 = arith.constant 9 : i32
      %add3A_1335 = arith.addi %add3A_1333, %add3A_1334 : i32
      %mul3A_1336 = arith.constant 16 : i32
      %mul3A_1337 = arith.muli %add3A_1335, %mul3A_1336 : i32
      %swap3A_1338 = arith.index_cast %mul3A_1337 : i32 to index
      %swap3A_1339 = tpu.vector_load %arg12[%swap3A_1338] {strides = array<i32>} : memref<49152xf32, #tpu.memory_space<vmem>>, vector<16xf32>,
      tpu.vector_store %arg12[%swap3A_1338], %broadcast_in_dim3A_1329 {strides = array<i32>} : memref<49152xf32, #tpu.memory_space<vmem>>, vector<16xf32>,
      %slice3A_1340 = vector.extract_strided_slice %get3A_1209 {offsets = [10], sizes = [1], strides = [1]} : vector<16xf32> to vector<1xf32>
      %squeeze3A_1341 = vector.extract %slice3A_1340[0] : f32 from vector<1xf32>
      %broadcast_in_dim3A_1342 = vector.broadcast %squeeze3A_1341 : f32 to vector<16xf32>
      %mul3A_1343 = arith.constant 128 : i32
      %mul3A_1344 = arith.muli %scan3A_351, %mul3A_1343 : i32
      %add3A_1345 = arith.constant 64 : i32
      %add3A_1346 = arith.addi %mul3A_1344, %add3A_1345 : i32
      %add3A_1347 = arith.constant 10 : i32
      %add3A_1348 = arith.addi %add3A_1346, %add3A_1347 : i32
      %mul3A_1349 = arith.constant 16 : i32
      %mul3A_1350 = arith.muli %add3A_1348, %mul3A_1349 : i32
      %swap3A_1351 = arith.index_cast %mul3A_1350 : i32 to index
      %swap3A_1352 = tpu.vector_load %arg12[%swap3A_1351] {strides = array<i32>} : memref<49152xf32, #tpu.memory_space<vmem>>, vector<16xf32>,
      tpu.vector_store %arg12[%swap3A_1351], %broadcast_in_dim3A_1342 {strides = array<i32>} : memref<49152xf32, #tpu.memory_space<vmem>>, vector<16xf32>,
      %slice3A_1353 = vector.extract_strided_slice %get3A_1209 {offsets = [11], sizes = [1], strides = [1]} : vector<16xf32> to vector<1xf32>
      %squeeze3A_1354 = vector.extract %slice3A_1353[0] : f32 from vector<1xf32>
      %broadcast_in_dim3A_1355 = vector.broadcast %squeeze3A_1354 : f32 to vector<16xf32>
      %mul3A_1356 = arith.constant 128 : i32
      %mul3A_1357 = arith.muli %scan3A_351, %mul3A_1356 : i32
      %add3A_1358 = arith.constant 64 : i32
      %add3A_1359 = arith.addi %mul3A_1357, %add3A_1358 : i32
      %add3A_1360 = arith.constant 11 : i32
      %add3A_1361 = arith.addi %add3A_1359, %add3A_1360 : i32
      %mul3A_1362 = arith.constant 16 : i32
      %mul3A_1363 = arith.muli %add3A_1361, %mul3A_1362 : i32
      %swap3A_1364 = arith.index_cast %mul3A_1363 : i32 to index
      %swap3A_1365 = tpu.vector_load %arg12[%swap3A_1364] {strides = array<i32>} : memref<49152xf32, #tpu.memory_space<vmem>>, vector<16xf32>,
      tpu.vector_store %arg12[%swap3A_1364], %broadcast_in_dim3A_1355 {strides = array<i32>} : memref<49152xf32, #tpu.memory_space<vmem>>, vector<16xf32>,
      %slice3A_1366 = vector.extract_strided_slice %get3A_1209 {offsets = [12], sizes = [1], strides = [1]} : vector<16xf32> to vector<1xf32>
      %squeeze3A_1367 = vector.extract %slice3A_1366[0] : f32 from vector<1xf32>
      %broadcast_in_dim3A_1368 = vector.broadcast %squeeze3A_1367 : f32 to vector<16xf32>
      %mul3A_1369 = arith.constant 128 : i32
      %mul3A_1370 = arith.muli %scan3A_351, %mul3A_1369 : i32
      %add3A_1371 = arith.constant 64 : i32
      %add3A_1372 = arith.addi %mul3A_1370, %add3A_1371 : i32
      %add3A_1373 = arith.constant 12 : i32
      %add3A_1374 = arith.addi %add3A_1372, %add3A_1373 : i32
      %mul3A_1375 = arith.constant 16 : i32
      %mul3A_1376 = arith.muli %add3A_1374, %mul3A_1375 : i32
      %swap3A_1377 = arith.index_cast %mul3A_1376 : i32 to index
      %swap3A_1378 = tpu.vector_load %arg12[%swap3A_1377] {strides = array<i32>} : memref<49152xf32, #tpu.memory_space<vmem>>, vector<16xf32>,
      tpu.vector_store %arg12[%swap3A_1377], %broadcast_in_dim3A_1368 {strides = array<i32>} : memref<49152xf32, #tpu.memory_space<vmem>>, vector<16xf32>,
      %slice3A_1379 = vector.extract_strided_slice %get3A_1209 {offsets = [13], sizes = [1], strides = [1]} : vector<16xf32> to vector<1xf32>
      %squeeze3A_1380 = vector.extract %slice3A_1379[0] : f32 from vector<1xf32>
      %broadcast_in_dim3A_1381 = vector.broadcast %squeeze3A_1380 : f32 to vector<16xf32>
      %mul3A_1382 = arith.constant 128 : i32
      %mul3A_1383 = arith.muli %scan3A_351, %mul3A_1382 : i32
      %add3A_1384 = arith.constant 64 : i32
      %add3A_1385 = arith.addi %mul3A_1383, %add3A_1384 : i32
      %add3A_1386 = arith.constant 13 : i32
      %add3A_1387 = arith.addi %add3A_1385, %add3A_1386 : i32
      %mul3A_1388 = arith.constant 16 : i32
      %mul3A_1389 = arith.muli %add3A_1387, %mul3A_1388 : i32
      %swap3A_1390 = arith.index_cast %mul3A_1389 : i32 to index
      %swap3A_1391 = tpu.vector_load %arg12[%swap3A_1390] {strides = array<i32>} : memref<49152xf32, #tpu.memory_space<vmem>>, vector<16xf32>,
      tpu.vector_store %arg12[%swap3A_1390], %broadcast_in_dim3A_1381 {strides = array<i32>} : memref<49152xf32, #tpu.memory_space<vmem>>, vector<16xf32>,
      %slice3A_1392 = vector.extract_strided_slice %get3A_1209 {offsets = [14], sizes = [1], strides = [1]} : vector<16xf32> to vector<1xf32>
      %squeeze3A_1393 = vector.extract %slice3A_1392[0] : f32 from vector<1xf32>
      %broadcast_in_dim3A_1394 = vector.broadcast %squeeze3A_1393 : f32 to vector<16xf32>
      %mul3A_1395 = arith.constant 128 : i32
      %mul3A_1396 = arith.muli %scan3A_351, %mul3A_1395 : i32
      %add3A_1397 = arith.constant 64 : i32
      %add3A_1398 = arith.addi %mul3A_1396, %add3A_1397 : i32
      %add3A_1399 = arith.constant 14 : i32
      %add3A_1400 = arith.addi %add3A_1398, %add3A_1399 : i32
      %mul3A_1401 = arith.constant 16 : i32
      %mul3A_1402 = arith.muli %add3A_1400, %mul3A_1401 : i32
      %swap3A_1403 = arith.index_cast %mul3A_1402 : i32 to index
      %swap3A_1404 = tpu.vector_load %arg12[%swap3A_1403] {strides = array<i32>} : memref<49152xf32, #tpu.memory_space<vmem>>, vector<16xf32>,
      tpu.vector_store %arg12[%swap3A_1403], %broadcast_in_dim3A_1394 {strides = array<i32>} : memref<49152xf32, #tpu.memory_space<vmem>>, vector<16xf32>,
      %slice3A_1405 = vector.extract_strided_slice %get3A_1209 {offsets = [15], sizes = [1], strides = [1]} : vector<16xf32> to vector<1xf32>
      %squeeze3A_1406 = vector.extract %slice3A_1405[0] : f32 from vector<1xf32>
      %broadcast_in_dim3A_1407 = vector.broadcast %squeeze3A_1406 : f32 to vector<16xf32>
      %mul3A_1408 = arith.constant 128 : i32
      %mul3A_1409 = arith.muli %scan3A_351, %mul3A_1408 : i32
      %add3A_1410 = arith.constant 64 : i32
      %add3A_1411 = arith.addi %mul3A_1409, %add3A_1410 : i32
      %add3A_1412 = arith.constant 15 : i32
      %add3A_1413 = arith.addi %add3A_1411, %add3A_1412 : i32
      %mul3A_1414 = arith.constant 16 : i32
      %mul3A_1415 = arith.muli %add3A_1413, %mul3A_1414 : i32
      %swap3A_1416 = arith.index_cast %mul3A_1415 : i32 to index
      %swap3A_1417 = tpu.vector_load %arg12[%swap3A_1416] {strides = array<i32>} : memref<49152xf32, #tpu.memory_space<vmem>>, vector<16xf32>,
      tpu.vector_store %arg12[%swap3A_1416], %broadcast_in_dim3A_1407 {strides = array<i32>} : memref<49152xf32, #tpu.memory_space<vmem>>, vector<16xf32>,
      %mul3A_1418 = arith.constant 128 : i32
      %mul3A_1419 = arith.muli %scan3A_351, %mul3A_1418 : i32
      %add3A_1420 = arith.constant 80 : i32
      %add3A_1421 = arith.addi %mul3A_1419, %add3A_1420 : i32
      %get3A_1422 = arith.index_cast %add3A_1421 : i32 to index
      %get3A_1423 = tpu.vector_load %arg11[%get3A_1422] {strides = array<i32>} : memref<3072xf32, #tpu.memory_space<vmem>>, vector<16xf32>,
      %slice3A_1424 = vector.extract_strided_slice %get3A_1423 {offsets = [0], sizes = [1], strides = [1]} : vector<16xf32> to vector<1xf32>
      %squeeze3A_1425 = vector.extract %slice3A_1424[0] : f32 from vector<1xf32>
      %broadcast_in_dim3A_1426 = vector.broadcast %squeeze3A_1425 : f32 to vector<16xf32>
      %mul3A_1427 = arith.constant 128 : i32
      %mul3A_1428 = arith.muli %scan3A_351, %mul3A_1427 : i32
      %add3A_1429 = arith.constant 80 : i32
      %add3A_1430 = arith.addi %mul3A_1428, %add3A_1429 : i32
      %add3A_1431 = arith.constant 0 : i32
      %add3A_1432 = arith.addi %add3A_1430, %add3A_1431 : i32
      %mul3A_1433 = arith.constant 16 : i32
      %mul3A_1434 = arith.muli %add3A_1432, %mul3A_1433 : i32
      %swap3A_1435 = arith.index_cast %mul3A_1434 : i32 to index
      %swap3A_1436 = tpu.vector_load %arg12[%swap3A_1435] {strides = array<i32>} : memref<49152xf32, #tpu.memory_space<vmem>>, vector<16xf32>,
      tpu.vector_store %arg12[%swap3A_1435], %broadcast_in_dim3A_1426 {strides = array<i32>} : memref<49152xf32, #tpu.memory_space<vmem>>, vector<16xf32>,
      %slice3A_1437 = vector.extract_strided_slice %get3A_1423 {offsets = [1], sizes = [1], strides = [1]} : vector<16xf32> to vector<1xf32>
      %squeeze3A_1438 = vector.extract %slice3A_1437[0] : f32 from vector<1xf32>
      %broadcast_in_dim3A_1439 = vector.broadcast %squeeze3A_1438 : f32 to vector<16xf32>
      %mul3A_1440 = arith.constant 128 : i32
      %mul3A_1441 = arith.muli %scan3A_351, %mul3A_1440 : i32
      %add3A_1442 = arith.constant 80 : i32
      %add3A_1443 = arith.addi %mul3A_1441, %add3A_1442 : i32
      %add3A_1444 = arith.constant 1 : i32
      %add3A_1445 = arith.addi %add3A_1443, %add3A_1444 : i32
      %mul3A_1446 = arith.constant 16 : i32
      %mul3A_1447 = arith.muli %add3A_1445, %mul3A_1446 : i32
      %swap3A_1448 = arith.index_cast %mul3A_1447 : i32 to index
      %swap3A_1449 = tpu.vector_load %arg12[%swap3A_1448] {strides = array<i32>} : memref<49152xf32, #tpu.memory_space<vmem>>, vector<16xf32>,
      tpu.vector_store %arg12[%swap3A_1448], %broadcast_in_dim3A_1439 {strides = array<i32>} : memref<49152xf32, #tpu.memory_space<vmem>>, vector<16xf32>,
      %slice3A_1450 = vector.extract_strided_slice %get3A_1423 {offsets = [2], sizes = [1], strides = [1]} : vector<16xf32> to vector<1xf32>
      %squeeze3A_1451 = vector.extract %slice3A_1450[0] : f32 from vector<1xf32>
      %broadcast_in_dim3A_1452 = vector.broadcast %squeeze3A_1451 : f32 to vector<16xf32>
      %mul3A_1453 = arith.constant 128 : i32
      %mul3A_1454 = arith.muli %scan3A_351, %mul3A_1453 : i32
      %add3A_1455 = arith.constant 80 : i32
      %add3A_1456 = arith.addi %mul3A_1454, %add3A_1455 : i32
      %add3A_1457 = arith.constant 2 : i32
      %add3A_1458 = arith.addi %add3A_1456, %add3A_1457 : i32
      %mul3A_1459 = arith.constant 16 : i32
      %mul3A_1460 = arith.muli %add3A_1458, %mul3A_1459 : i32
      %swap3A_1461 = arith.index_cast %mul3A_1460 : i32 to index
      %swap3A_1462 = tpu.vector_load %arg12[%swap3A_1461] {strides = array<i32>} : memref<49152xf32, #tpu.memory_space<vmem>>, vector<16xf32>,
      tpu.vector_store %arg12[%swap3A_1461], %broadcast_in_dim3A_1452 {strides = array<i32>} : memref<49152xf32, #tpu.memory_space<vmem>>, vector<16xf32>,
      %slice3A_1463 = vector.extract_strided_slice %get3A_1423 {offsets = [3], sizes = [1], strides = [1]} : vector<16xf32> to vector<1xf32>
      %squeeze3A_1464 = vector.extract %slice3A_1463[0] : f32 from vector<1xf32>
      %broadcast_in_dim3A_1465 = vector.broadcast %squeeze3A_1464 : f32 to vector<16xf32>
      %mul3A_1466 = arith.constant 128 : i32
      %mul3A_1467 = arith.muli %scan3A_351, %mul3A_1466 : i32
      %add3A_1468 = arith.constant 80 : i32
      %add3A_1469 = arith.addi %mul3A_1467, %add3A_1468 : i32
      %add3A_1470 = arith.constant 3 : i32
      %add3A_1471 = arith.addi %add3A_1469, %add3A_1470 : i32
      %mul3A_1472 = arith.constant 16 : i32
      %mul3A_1473 = arith.muli %add3A_1471, %mul3A_1472 : i32
      %swap3A_1474 = arith.index_cast %mul3A_1473 : i32 to index
      %swap3A_1475 = tpu.vector_load %arg12[%swap3A_1474] {strides = array<i32>} : memref<49152xf32, #tpu.memory_space<vmem>>, vector<16xf32>,
      tpu.vector_store %arg12[%swap3A_1474], %broadcast_in_dim3A_1465 {strides = array<i32>} : memref<49152xf32, #tpu.memory_space<vmem>>, vector<16xf32>,
      %slice3A_1476 = vector.extract_strided_slice %get3A_1423 {offsets = [4], sizes = [1], strides = [1]} : vector<16xf32> to vector<1xf32>
      %squeeze3A_1477 = vector.extract %slice3A_1476[0] : f32 from vector<1xf32>
      %broadcast_in_dim3A_1478 = vector.broadcast %squeeze3A_1477 : f32 to vector<16xf32>
      %mul3A_1479 = arith.constant 128 : i32
      %mul3A_1480 = arith.muli %scan3A_351, %mul3A_1479 : i32
      %add3A_1481 = arith.constant 80 : i32
      %add3A_1482 = arith.addi %mul3A_1480, %add3A_1481 : i32
      %add3A_1483 = arith.constant 4 : i32
      %add3A_1484 = arith.addi %add3A_1482, %add3A_1483 : i32
      %mul3A_1485 = arith.constant 16 : i32
      %mul3A_1486 = arith.muli %add3A_1484, %mul3A_1485 : i32
      %swap3A_1487 = arith.index_cast %mul3A_1486 : i32 to index
      %swap3A_1488 = tpu.vector_load %arg12[%swap3A_1487] {strides = array<i32>} : memref<49152xf32, #tpu.memory_space<vmem>>, vector<16xf32>,
      tpu.vector_store %arg12[%swap3A_1487], %broadcast_in_dim3A_1478 {strides = array<i32>} : memref<49152xf32, #tpu.memory_space<vmem>>, vector<16xf32>,
      %slice3A_1489 = vector.extract_strided_slice %get3A_1423 {offsets = [5], sizes = [1], strides = [1]} : vector<16xf32> to vector<1xf32>
      %squeeze3A_1490 = vector.extract %slice3A_1489[0] : f32 from vector<1xf32>
      %broadcast_in_dim3A_1491 = vector.broadcast %squeeze3A_1490 : f32 to vector<16xf32>
      %mul3A_1492 = arith.constant 128 : i32
      %mul3A_1493 = arith.muli %scan3A_351, %mul3A_1492 : i32
      %add3A_1494 = arith.constant 80 : i32
      %add3A_1495 = arith.addi %mul3A_1493, %add3A_1494 : i32
      %add3A_1496 = arith.constant 5 : i32
      %add3A_1497 = arith.addi %add3A_1495, %add3A_1496 : i32
      %mul3A_1498 = arith.constant 16 : i32
      %mul3A_1499 = arith.muli %add3A_1497, %mul3A_1498 : i32
      %swap3A_1500 = arith.index_cast %mul3A_1499 : i32 to index
      %swap3A_1501 = tpu.vector_load %arg12[%swap3A_1500] {strides = array<i32>} : memref<49152xf32, #tpu.memory_space<vmem>>, vector<16xf32>,
      tpu.vector_store %arg12[%swap3A_1500], %broadcast_in_dim3A_1491 {strides = array<i32>} : memref<49152xf32, #tpu.memory_space<vmem>>, vector<16xf32>,
      %slice3A_1502 = vector.extract_strided_slice %get3A_1423 {offsets = [6], sizes = [1], strides = [1]} : vector<16xf32> to vector<1xf32>
      %squeeze3A_1503 = vector.extract %slice3A_1502[0] : f32 from vector<1xf32>
      %broadcast_in_dim3A_1504 = vector.broadcast %squeeze3A_1503 : f32 to vector<16xf32>
      %mul3A_1505 = arith.constant 128 : i32
      %mul3A_1506 = arith.muli %scan3A_351, %mul3A_1505 : i32
      %add3A_1507 = arith.constant 80 : i32
      %add3A_1508 = arith.addi %mul3A_1506, %add3A_1507 : i32
      %add3A_1509 = arith.constant 6 : i32
      %add3A_1510 = arith.addi %add3A_1508, %add3A_1509 : i32
      %mul3A_1511 = arith.constant 16 : i32
      %mul3A_1512 = arith.muli %add3A_1510, %mul3A_1511 : i32
      %swap3A_1513 = arith.index_cast %mul3A_1512 : i32 to index
      %swap3A_1514 = tpu.vector_load %arg12[%swap3A_1513] {strides = array<i32>} : memref<49152xf32, #tpu.memory_space<vmem>>, vector<16xf32>,
      tpu.vector_store %arg12[%swap3A_1513], %broadcast_in_dim3A_1504 {strides = array<i32>} : memref<49152xf32, #tpu.memory_space<vmem>>, vector<16xf32>,
      %slice3A_1515 = vector.extract_strided_slice %get3A_1423 {offsets = [7], sizes = [1], strides = [1]} : vector<16xf32> to vector<1xf32>
      %squeeze3A_1516 = vector.extract %slice3A_1515[0] : f32 from vector<1xf32>
      %broadcast_in_dim3A_1517 = vector.broadcast %squeeze3A_1516 : f32 to vector<16xf32>
      %mul3A_1518 = arith.constant 128 : i32
      %mul3A_1519 = arith.muli %scan3A_351, %mul3A_1518 : i32
      %add3A_1520 = arith.constant 80 : i32
      %add3A_1521 = arith.addi %mul3A_1519, %add3A_1520 : i32
      %add3A_1522 = arith.constant 7 : i32
      %add3A_1523 = arith.addi %add3A_1521, %add3A_1522 : i32
      %mul3A_1524 = arith.constant 16 : i32
      %mul3A_1525 = arith.muli %add3A_1523, %mul3A_1524 : i32
      %swap3A_1526 = arith.index_cast %mul3A_1525 : i32 to index
      %swap3A_1527 = tpu.vector_load %arg12[%swap3A_1526] {strides = array<i32>} : memref<49152xf32, #tpu.memory_space<vmem>>, vector<16xf32>,
      tpu.vector_store %arg12[%swap3A_1526], %broadcast_in_dim3A_1517 {strides = array<i32>} : memref<49152xf32, #tpu.memory_space<vmem>>, vector<16xf32>,
      %slice3A_1528 = vector.extract_strided_slice %get3A_1423 {offsets = [8], sizes = [1], strides = [1]} : vector<16xf32> to vector<1xf32>
      %squeeze3A_1529 = vector.extract %slice3A_1528[0] : f32 from vector<1xf32>
      %broadcast_in_dim3A_1530 = vector.broadcast %squeeze3A_1529 : f32 to vector<16xf32>
      %mul3A_1531 = arith.constant 128 : i32
      %mul3A_1532 = arith.muli %scan3A_351, %mul3A_1531 : i32
      %add3A_1533 = arith.constant 80 : i32
      %add3A_1534 = arith.addi %mul3A_1532, %add3A_1533 : i32
      %add3A_1535 = arith.constant 8 : i32
      %add3A_1536 = arith.addi %add3A_1534, %add3A_1535 : i32
      %mul3A_1537 = arith.constant 16 : i32
      %mul3A_1538 = arith.muli %add3A_1536, %mul3A_1537 : i32
      %swap3A_1539 = arith.index_cast %mul3A_1538 : i32 to index
      %swap3A_1540 = tpu.vector_load %arg12[%swap3A_1539] {strides = array<i32>} : memref<49152xf32, #tpu.memory_space<vmem>>, vector<16xf32>,
      tpu.vector_store %arg12[%swap3A_1539], %broadcast_in_dim3A_1530 {strides = array<i32>} : memref<49152xf32, #tpu.memory_space<vmem>>, vector<16xf32>,
      %slice3A_1541 = vector.extract_strided_slice %get3A_1423 {offsets = [9], sizes = [1], strides = [1]} : vector<16xf32> to vector<1xf32>
      %squeeze3A_1542 = vector.extract %slice3A_1541[0] : f32 from vector<1xf32>
      %broadcast_in_dim3A_1543 = vector.broadcast %squeeze3A_1542 : f32 to vector<16xf32>
      %mul3A_1544 = arith.constant 128 : i32
      %mul3A_1545 = arith.muli %scan3A_351, %mul3A_1544 : i32
      %add3A_1546 = arith.constant 80 : i32
      %add3A_1547 = arith.addi %mul3A_1545, %add3A_1546 : i32
      %add3A_1548 = arith.constant 9 : i32
      %add3A_1549 = arith.addi %add3A_1547, %add3A_1548 : i32
      %mul3A_1550 = arith.constant 16 : i32
      %mul3A_1551 = arith.muli %add3A_1549, %mul3A_1550 : i32
      %swap3A_1552 = arith.index_cast %mul3A_1551 : i32 to index
      %swap3A_1553 = tpu.vector_load %arg12[%swap3A_1552] {strides = array<i32>} : memref<49152xf32, #tpu.memory_space<vmem>>, vector<16xf32>,
      tpu.vector_store %arg12[%swap3A_1552], %broadcast_in_dim3A_1543 {strides = array<i32>} : memref<49152xf32, #tpu.memory_space<vmem>>, vector<16xf32>,
      %slice3A_1554 = vector.extract_strided_slice %get3A_1423 {offsets = [10], sizes = [1], strides = [1]} : vector<16xf32> to vector<1xf32>
      %squeeze3A_1555 = vector.extract %slice3A_1554[0] : f32 from vector<1xf32>
      %broadcast_in_dim3A_1556 = vector.broadcast %squeeze3A_1555 : f32 to vector<16xf32>
      %mul3A_1557 = arith.constant 128 : i32
      %mul3A_1558 = arith.muli %scan3A_351, %mul3A_1557 : i32
      %add3A_1559 = arith.constant 80 : i32
      %add3A_1560 = arith.addi %mul3A_1558, %add3A_1559 : i32
      %add3A_1561 = arith.constant 10 : i32
      %add3A_1562 = arith.addi %add3A_1560, %add3A_1561 : i32
      %mul3A_1563 = arith.constant 16 : i32
      %mul3A_1564 = arith.muli %add3A_1562, %mul3A_1563 : i32
      %swap3A_1565 = arith.index_cast %mul3A_1564 : i32 to index
      %swap3A_1566 = tpu.vector_load %arg12[%swap3A_1565] {strides = array<i32>} : memref<49152xf32, #tpu.memory_space<vmem>>, vector<16xf32>,
      tpu.vector_store %arg12[%swap3A_1565], %broadcast_in_dim3A_1556 {strides = array<i32>} : memref<49152xf32, #tpu.memory_space<vmem>>, vector<16xf32>,
      %slice3A_1567 = vector.extract_strided_slice %get3A_1423 {offsets = [11], sizes = [1], strides = [1]} : vector<16xf32> to vector<1xf32>
      %squeeze3A_1568 = vector.extract %slice3A_1567[0] : f32 from vector<1xf32>
      %broadcast_in_dim3A_1569 = vector.broadcast %squeeze3A_1568 : f32 to vector<16xf32>
      %mul3A_1570 = arith.constant 128 : i32
      %mul3A_1571 = arith.muli %scan3A_351, %mul3A_1570 : i32
      %add3A_1572 = arith.constant 80 : i32
      %add3A_1573 = arith.addi %mul3A_1571, %add3A_1572 : i32
      %add3A_1574 = arith.constant 11 : i32
      %add3A_1575 = arith.addi %add3A_1573, %add3A_1574 : i32
      %mul3A_1576 = arith.constant 16 : i32
      %mul3A_1577 = arith.muli %add3A_1575, %mul3A_1576 : i32
      %swap3A_1578 = arith.index_cast %mul3A_1577 : i32 to index
      %swap3A_1579 = tpu.vector_load %arg12[%swap3A_1578] {strides = array<i32>} : memref<49152xf32, #tpu.memory_space<vmem>>, vector<16xf32>,
      tpu.vector_store %arg12[%swap3A_1578], %broadcast_in_dim3A_1569 {strides = array<i32>} : memref<49152xf32, #tpu.memory_space<vmem>>, vector<16xf32>,
      %slice3A_1580 = vector.extract_strided_slice %get3A_1423 {offsets = [12], sizes = [1], strides = [1]} : vector<16xf32> to vector<1xf32>
      %squeeze3A_1581 = vector.extract %slice3A_1580[0] : f32 from vector<1xf32>
      %broadcast_in_dim3A_1582 = vector.broadcast %squeeze3A_1581 : f32 to vector<16xf32>
      %mul3A_1583 = arith.constant 128 : i32
      %mul3A_1584 = arith.muli %scan3A_351, %mul3A_1583 : i32
      %add3A_1585 = arith.constant 80 : i32
      %add3A_1586 = arith.addi %mul3A_1584, %add3A_1585 : i32
      %add3A_1587 = arith.constant 12 : i32
      %add3A_1588 = arith.addi %add3A_1586, %add3A_1587 : i32
      %mul3A_1589 = arith.constant 16 : i32
      %mul3A_1590 = arith.muli %add3A_1588, %mul3A_1589 : i32
      %swap3A_1591 = arith.index_cast %mul3A_1590 : i32 to index
      %swap3A_1592 = tpu.vector_load %arg12[%swap3A_1591] {strides = array<i32>} : memref<49152xf32, #tpu.memory_space<vmem>>, vector<16xf32>,
      tpu.vector_store %arg12[%swap3A_1591], %broadcast_in_dim3A_1582 {strides = array<i32>} : memref<49152xf32, #tpu.memory_space<vmem>>, vector<16xf32>,
      %slice3A_1593 = vector.extract_strided_slice %get3A_1423 {offsets = [13], sizes = [1], strides = [1]} : vector<16xf32> to vector<1xf32>
      %squeeze3A_1594 = vector.extract %slice3A_1593[0] : f32 from vector<1xf32>
      %broadcast_in_dim3A_1595 = vector.broadcast %squeeze3A_1594 : f32 to vector<16xf32>
      %mul3A_1596 = arith.constant 128 : i32
      %mul3A_1597 = arith.muli %scan3A_351, %mul3A_1596 : i32
      %add3A_1598 = arith.constant 80 : i32
      %add3A_1599 = arith.addi %mul3A_1597, %add3A_1598 : i32
      %add3A_1600 = arith.constant 13 : i32
      %add3A_1601 = arith.addi %add3A_1599, %add3A_1600 : i32
      %mul3A_1602 = arith.constant 16 : i32
      %mul3A_1603 = arith.muli %add3A_1601, %mul3A_1602 : i32
      %swap3A_1604 = arith.index_cast %mul3A_1603 : i32 to index
      %swap3A_1605 = tpu.vector_load %arg12[%swap3A_1604] {strides = array<i32>} : memref<49152xf32, #tpu.memory_space<vmem>>, vector<16xf32>,
      tpu.vector_store %arg12[%swap3A_1604], %broadcast_in_dim3A_1595 {strides = array<i32>} : memref<49152xf32, #tpu.memory_space<vmem>>, vector<16xf32>,
      %slice3A_1606 = vector.extract_strided_slice %get3A_1423 {offsets = [14], sizes = [1], strides = [1]} : vector<16xf32> to vector<1xf32>
      %squeeze3A_1607 = vector.extract %slice3A_1606[0] : f32 from vector<1xf32>
      %broadcast_in_dim3A_1608 = vector.broadcast %squeeze3A_1607 : f32 to vector<16xf32>
      %mul3A_1609 = arith.constant 128 : i32
      %mul3A_1610 = arith.muli %scan3A_351, %mul3A_1609 : i32
      %add3A_1611 = arith.constant 80 : i32
      %add3A_1612 = arith.addi %mul3A_1610, %add3A_1611 : i32
      %add3A_1613 = arith.constant 14 : i32
      %add3A_1614 = arith.addi %add3A_1612, %add3A_1613 : i32
      %mul3A_1615 = arith.constant 16 : i32
      %mul3A_1616 = arith.muli %add3A_1614, %mul3A_1615 : i32
      %swap3A_1617 = arith.index_cast %mul3A_1616 : i32 to index
      %swap3A_1618 = tpu.vector_load %arg12[%swap3A_1617] {strides = array<i32>} : memref<49152xf32, #tpu.memory_space<vmem>>, vector<16xf32>,
      tpu.vector_store %arg12[%swap3A_1617], %broadcast_in_dim3A_1608 {strides = array<i32>} : memref<49152xf32, #tpu.memory_space<vmem>>, vector<16xf32>,
      %slice3A_1619 = vector.extract_strided_slice %get3A_1423 {offsets = [15], sizes = [1], strides = [1]} : vector<16xf32> to vector<1xf32>
      %squeeze3A_1620 = vector.extract %slice3A_1619[0] : f32 from vector<1xf32>
      %broadcast_in_dim3A_1621 = vector.broadcast %squeeze3A_1620 : f32 to vector<16xf32>
      %mul3A_1622 = arith.constant 128 : i32
      %mul3A_1623 = arith.muli %scan3A_351, %mul3A_1622 : i32
      %add3A_1624 = arith.constant 80 : i32
      %add3A_1625 = arith.addi %mul3A_1623, %add3A_1624 : i32
      %add3A_1626 = arith.constant 15 : i32
      %add3A_1627 = arith.addi %add3A_1625, %add3A_1626 : i32
      %mul3A_1628 = arith.constant 16 : i32
      %mul3A_1629 = arith.muli %add3A_1627, %mul3A_1628 : i32
      %swap3A_1630 = arith.index_cast %mul3A_1629 : i32 to index
      %swap3A_1631 = tpu.vector_load %arg12[%swap3A_1630] {strides = array<i32>} : memref<49152xf32, #tpu.memory_space<vmem>>, vector<16xf32>,
      tpu.vector_store %arg12[%swap3A_1630], %broadcast_in_dim3A_1621 {strides = array<i32>} : memref<49152xf32, #tpu.memory_space<vmem>>, vector<16xf32>,
      %mul3A_1632 = arith.constant 128 : i32
      %mul3A_1633 = arith.muli %scan3A_351, %mul3A_1632 : i32
      %add3A_1634 = arith.constant 96 : i32
      %add3A_1635 = arith.addi %mul3A_1633, %add3A_1634 : i32
      %get3A_1636 = arith.index_cast %add3A_1635 : i32 to index
      %get3A_1637 = tpu.vector_load %arg11[%get3A_1636] {strides = array<i32>} : memref<3072xf32, #tpu.memory_space<vmem>>, vector<16xf32>,
      %slice3A_1638 = vector.extract_strided_slice %get3A_1637 {offsets = [0], sizes = [1], strides = [1]} : vector<16xf32> to vector<1xf32>
      %squeeze3A_1639 = vector.extract %slice3A_1638[0] : f32 from vector<1xf32>
      %broadcast_in_dim3A_1640 = vector.broadcast %squeeze3A_1639 : f32 to vector<16xf32>
      %mul3A_1641 = arith.constant 128 : i32
      %mul3A_1642 = arith.muli %scan3A_351, %mul3A_1641 : i32
      %add3A_1643 = arith.constant 96 : i32
      %add3A_1644 = arith.addi %mul3A_1642, %add3A_1643 : i32
      %add3A_1645 = arith.constant 0 : i32
      %add3A_1646 = arith.addi %add3A_1644, %add3A_1645 : i32
      %mul3A_1647 = arith.constant 16 : i32
      %mul3A_1648 = arith.muli %add3A_1646, %mul3A_1647 : i32
      %swap3A_1649 = arith.index_cast %mul3A_1648 : i32 to index
      %swap3A_1650 = tpu.vector_load %arg12[%swap3A_1649] {strides = array<i32>} : memref<49152xf32, #tpu.memory_space<vmem>>, vector<16xf32>,
      tpu.vector_store %arg12[%swap3A_1649], %broadcast_in_dim3A_1640 {strides = array<i32>} : memref<49152xf32, #tpu.memory_space<vmem>>, vector<16xf32>,
      %slice3A_1651 = vector.extract_strided_slice %get3A_1637 {offsets = [1], sizes = [1], strides = [1]} : vector<16xf32> to vector<1xf32>
      %squeeze3A_1652 = vector.extract %slice3A_1651[0] : f32 from vector<1xf32>
      %broadcast_in_dim3A_1653 = vector.broadcast %squeeze3A_1652 : f32 to vector<16xf32>
      %mul3A_1654 = arith.constant 128 : i32
      %mul3A_1655 = arith.muli %scan3A_351, %mul3A_1654 : i32
      %add3A_1656 = arith.constant 96 : i32
      %add3A_1657 = arith.addi %mul3A_1655, %add3A_1656 : i32
      %add3A_1658 = arith.constant 1 : i32
      %add3A_1659 = arith.addi %add3A_1657, %add3A_1658 : i32
      %mul3A_1660 = arith.constant 16 : i32
      %mul3A_1661 = arith.muli %add3A_1659, %mul3A_1660 : i32
      %swap3A_1662 = arith.index_cast %mul3A_1661 : i32 to index
      %swap3A_1663 = tpu.vector_load %arg12[%swap3A_1662] {strides = array<i32>} : memref<49152xf32, #tpu.memory_space<vmem>>, vector<16xf32>,
      tpu.vector_store %arg12[%swap3A_1662], %broadcast_in_dim3A_1653 {strides = array<i32>} : memref<49152xf32, #tpu.memory_space<vmem>>, vector<16xf32>,
      %slice3A_1664 = vector.extract_strided_slice %get3A_1637 {offsets = [2], sizes = [1], strides = [1]} : vector<16xf32> to vector<1xf32>
      %squeeze3A_1665 = vector.extract %slice3A_1664[0] : f32 from vector<1xf32>
      %broadcast_in_dim3A_1666 = vector.broadcast %squeeze3A_1665 : f32 to vector<16xf32>
      %mul3A_1667 = arith.constant 128 : i32
      %mul3A_1668 = arith.muli %scan3A_351, %mul3A_1667 : i32
      %add3A_1669 = arith.constant 96 : i32
      %add3A_1670 = arith.addi %mul3A_1668, %add3A_1669 : i32
      %add3A_1671 = arith.constant 2 : i32
      %add3A_1672 = arith.addi %add3A_1670, %add3A_1671 : i32
      %mul3A_1673 = arith.constant 16 : i32
      %mul3A_1674 = arith.muli %add3A_1672, %mul3A_1673 : i32
      %swap3A_1675 = arith.index_cast %mul3A_1674 : i32 to index
      %swap3A_1676 = tpu.vector_load %arg12[%swap3A_1675] {strides = array<i32>} : memref<49152xf32, #tpu.memory_space<vmem>>, vector<16xf32>,
      tpu.vector_store %arg12[%swap3A_1675], %broadcast_in_dim3A_1666 {strides = array<i32>} : memref<49152xf32, #tpu.memory_space<vmem>>, vector<16xf32>,
      %slice3A_1677 = vector.extract_strided_slice %get3A_1637 {offsets = [3], sizes = [1], strides = [1]} : vector<16xf32> to vector<1xf32>
      %squeeze3A_1678 = vector.extract %slice3A_1677[0] : f32 from vector<1xf32>
      %broadcast_in_dim3A_1679 = vector.broadcast %squeeze3A_1678 : f32 to vector<16xf32>
      %mul3A_1680 = arith.constant 128 : i32
      %mul3A_1681 = arith.muli %scan3A_351, %mul3A_1680 : i32
      %add3A_1682 = arith.constant 96 : i32
      %add3A_1683 = arith.addi %mul3A_1681, %add3A_1682 : i32
      %add3A_1684 = arith.constant 3 : i32
      %add3A_1685 = arith.addi %add3A_1683, %add3A_1684 : i32
      %mul3A_1686 = arith.constant 16 : i32
      %mul3A_1687 = arith.muli %add3A_1685, %mul3A_1686 : i32
      %swap3A_1688 = arith.index_cast %mul3A_1687 : i32 to index
      %swap3A_1689 = tpu.vector_load %arg12[%swap3A_1688] {strides = array<i32>} : memref<49152xf32, #tpu.memory_space<vmem>>, vector<16xf32>,
      tpu.vector_store %arg12[%swap3A_1688], %broadcast_in_dim3A_1679 {strides = array<i32>} : memref<49152xf32, #tpu.memory_space<vmem>>, vector<16xf32>,
      %slice3A_1690 = vector.extract_strided_slice %get3A_1637 {offsets = [4], sizes = [1], strides = [1]} : vector<16xf32> to vector<1xf32>
      %squeeze3A_1691 = vector.extract %slice3A_1690[0] : f32 from vector<1xf32>
      %broadcast_in_dim3A_1692 = vector.broadcast %squeeze3A_1691 : f32 to vector<16xf32>
      %mul3A_1693 = arith.constant 128 : i32
      %mul3A_1694 = arith.muli %scan3A_351, %mul3A_1693 : i32
      %add3A_1695 = arith.constant 96 : i32
      %add3A_1696 = arith.addi %mul3A_1694, %add3A_1695 : i32
      %add3A_1697 = arith.constant 4 : i32
      %add3A_1698 = arith.addi %add3A_1696, %add3A_1697 : i32
      %mul3A_1699 = arith.constant 16 : i32
      %mul3A_1700 = arith.muli %add3A_1698, %mul3A_1699 : i32
      %swap3A_1701 = arith.index_cast %mul3A_1700 : i32 to index
      %swap3A_1702 = tpu.vector_load %arg12[%swap3A_1701] {strides = array<i32>} : memref<49152xf32, #tpu.memory_space<vmem>>, vector<16xf32>,
      tpu.vector_store %arg12[%swap3A_1701], %broadcast_in_dim3A_1692 {strides = array<i32>} : memref<49152xf32, #tpu.memory_space<vmem>>, vector<16xf32>,
      %slice3A_1703 = vector.extract_strided_slice %get3A_1637 {offsets = [5], sizes = [1], strides = [1]} : vector<16xf32> to vector<1xf32>
      %squeeze3A_1704 = vector.extract %slice3A_1703[0] : f32 from vector<1xf32>
      %broadcast_in_dim3A_1705 = vector.broadcast %squeeze3A_1704 : f32 to vector<16xf32>
      %mul3A_1706 = arith.constant 128 : i32
      %mul3A_1707 = arith.muli %scan3A_351, %mul3A_1706 : i32
      %add3A_1708 = arith.constant 96 : i32
      %add3A_1709 = arith.addi %mul3A_1707, %add3A_1708 : i32
      %add3A_1710 = arith.constant 5 : i32
      %add3A_1711 = arith.addi %add3A_1709, %add3A_1710 : i32
      %mul3A_1712 = arith.constant 16 : i32
      %mul3A_1713 = arith.muli %add3A_1711, %mul3A_1712 : i32
      %swap3A_1714 = arith.index_cast %mul3A_1713 : i32 to index
      %swap3A_1715 = tpu.vector_load %arg12[%swap3A_1714] {strides = array<i32>} : memref<49152xf32, #tpu.memory_space<vmem>>, vector<16xf32>,
      tpu.vector_store %arg12[%swap3A_1714], %broadcast_in_dim3A_1705 {strides = array<i32>} : memref<49152xf32, #tpu.memory_space<vmem>>, vector<16xf32>,
      %slice3A_1716 = vector.extract_strided_slice %get3A_1637 {offsets = [6], sizes = [1], strides = [1]} : vector<16xf32> to vector<1xf32>
      %squeeze3A_1717 = vector.extract %slice3A_1716[0] : f32 from vector<1xf32>
      %broadcast_in_dim3A_1718 = vector.broadcast %squeeze3A_1717 : f32 to vector<16xf32>
      %mul3A_1719 = arith.constant 128 : i32
      %mul3A_1720 = arith.muli %scan3A_351, %mul3A_1719 : i32
      %add3A_1721 = arith.constant 96 : i32
      %add3A_1722 = arith.addi %mul3A_1720, %add3A_1721 : i32
      %add3A_1723 = arith.constant 6 : i32
      %add3A_1724 = arith.addi %add3A_1722, %add3A_1723 : i32
      %mul3A_1725 = arith.constant 16 : i32
      %mul3A_1726 = arith.muli %add3A_1724, %mul3A_1725 : i32
      %swap3A_1727 = arith.index_cast %mul3A_1726 : i32 to index
      %swap3A_1728 = tpu.vector_load %arg12[%swap3A_1727] {strides = array<i32>} : memref<49152xf32, #tpu.memory_space<vmem>>, vector<16xf32>,
      tpu.vector_store %arg12[%swap3A_1727], %broadcast_in_dim3A_1718 {strides = array<i32>} : memref<49152xf32, #tpu.memory_space<vmem>>, vector<16xf32>,
      %slice3A_1729 = vector.extract_strided_slice %get3A_1637 {offsets = [7], sizes = [1], strides = [1]} : vector<16xf32> to vector<1xf32>
      %squeeze3A_1730 = vector.extract %slice3A_1729[0] : f32 from vector<1xf32>
      %broadcast_in_dim3A_1731 = vector.broadcast %squeeze3A_1730 : f32 to vector<16xf32>
      %mul3A_1732 = arith.constant 128 : i32
      %mul3A_1733 = arith.muli %scan3A_351, %mul3A_1732 : i32
      %add3A_1734 = arith.constant 96 : i32
      %add3A_1735 = arith.addi %mul3A_1733, %add3A_1734 : i32
      %add3A_1736 = arith.constant 7 : i32
      %add3A_1737 = arith.addi %add3A_1735, %add3A_1736 : i32
      %mul3A_1738 = arith.constant 16 : i32
      %mul3A_1739 = arith.muli %add3A_1737, %mul3A_1738 : i32
      %swap3A_1740 = arith.index_cast %mul3A_1739 : i32 to index
      %swap3A_1741 = tpu.vector_load %arg12[%swap3A_1740] {strides = array<i32>} : memref<49152xf32, #tpu.memory_space<vmem>>, vector<16xf32>,
      tpu.vector_store %arg12[%swap3A_1740], %broadcast_in_dim3A_1731 {strides = array<i32>} : memref<49152xf32, #tpu.memory_space<vmem>>, vector<16xf32>,
      %slice3A_1742 = vector.extract_strided_slice %get3A_1637 {offsets = [8], sizes = [1], strides = [1]} : vector<16xf32> to vector<1xf32>
      %squeeze3A_1743 = vector.extract %slice3A_1742[0] : f32 from vector<1xf32>
      %broadcast_in_dim3A_1744 = vector.broadcast %squeeze3A_1743 : f32 to vector<16xf32>
      %mul3A_1745 = arith.constant 128 : i32
      %mul3A_1746 = arith.muli %scan3A_351, %mul3A_1745 : i32
      %add3A_1747 = arith.constant 96 : i32
      %add3A_1748 = arith.addi %mul3A_1746, %add3A_1747 : i32
      %add3A_1749 = arith.constant 8 : i32
      %add3A_1750 = arith.addi %add3A_1748, %add3A_1749 : i32
      %mul3A_1751 = arith.constant 16 : i32
      %mul3A_1752 = arith.muli %add3A_1750, %mul3A_1751 : i32
      %swap3A_1753 = arith.index_cast %mul3A_1752 : i32 to index
      %swap3A_1754 = tpu.vector_load %arg12[%swap3A_1753] {strides = array<i32>} : memref<49152xf32, #tpu.memory_space<vmem>>, vector<16xf32>,
      tpu.vector_store %arg12[%swap3A_1753], %broadcast_in_dim3A_1744 {strides = array<i32>} : memref<49152xf32, #tpu.memory_space<vmem>>, vector<16xf32>,
      %slice3A_1755 = vector.extract_strided_slice %get3A_1637 {offsets = [9], sizes = [1], strides = [1]} : vector<16xf32> to vector<1xf32>
      %squeeze3A_1756 = vector.extract %slice3A_1755[0] : f32 from vector<1xf32>
      %broadcast_in_dim3A_1757 = vector.broadcast %squeeze3A_1756 : f32 to vector<16xf32>
      %mul3A_1758 = arith.constant 128 : i32
      %mul3A_1759 = arith.muli %scan3A_351, %mul3A_1758 : i32
      %add3A_1760 = arith.constant 96 : i32
      %add3A_1761 = arith.addi %mul3A_1759, %add3A_1760 : i32
      %add3A_1762 = arith.constant 9 : i32
      %add3A_1763 = arith.addi %add3A_1761, %add3A_1762 : i32
      %mul3A_1764 = arith.constant 16 : i32
      %mul3A_1765 = arith.muli %add3A_1763, %mul3A_1764 : i32
      %swap3A_1766 = arith.index_cast %mul3A_1765 : i32 to index
      %swap3A_1767 = tpu.vector_load %arg12[%swap3A_1766] {strides = array<i32>} : memref<49152xf32, #tpu.memory_space<vmem>>, vector<16xf32>,
      tpu.vector_store %arg12[%swap3A_1766], %broadcast_in_dim3A_1757 {strides = array<i32>} : memref<49152xf32, #tpu.memory_space<vmem>>, vector<16xf32>,
      %slice3A_1768 = vector.extract_strided_slice %get3A_1637 {offsets = [10], sizes = [1], strides = [1]} : vector<16xf32> to vector<1xf32>
      %squeeze3A_1769 = vector.extract %slice3A_1768[0] : f32 from vector<1xf32>
      %broadcast_in_dim3A_1770 = vector.broadcast %squeeze3A_1769 : f32 to vector<16xf32>
      %mul3A_1771 = arith.constant 128 : i32
      %mul3A_1772 = arith.muli %scan3A_351, %mul3A_1771 : i32
      %add3A_1773 = arith.constant 96 : i32
      %add3A_1774 = arith.addi %mul3A_1772, %add3A_1773 : i32
      %add3A_1775 = arith.constant 10 : i32
      %add3A_1776 = arith.addi %add3A_1774, %add3A_1775 : i32
      %mul3A_1777 = arith.constant 16 : i32
      %mul3A_1778 = arith.muli %add3A_1776, %mul3A_1777 : i32
      %swap3A_1779 = arith.index_cast %mul3A_1778 : i32 to index
      %swap3A_1780 = tpu.vector_load %arg12[%swap3A_1779] {strides = array<i32>} : memref<49152xf32, #tpu.memory_space<vmem>>, vector<16xf32>,
      tpu.vector_store %arg12[%swap3A_1779], %broadcast_in_dim3A_1770 {strides = array<i32>} : memref<49152xf32, #tpu.memory_space<vmem>>, vector<16xf32>,
      %slice3A_1781 = vector.extract_strided_slice %get3A_1637 {offsets = [11], sizes = [1], strides = [1]} : vector<16xf32> to vector<1xf32>
      %squeeze3A_1782 = vector.extract %slice3A_1781[0] : f32 from vector<1xf32>
      %broadcast_in_dim3A_1783 = vector.broadcast %squeeze3A_1782 : f32 to vector<16xf32>
      %mul3A_1784 = arith.constant 128 : i32
      %mul3A_1785 = arith.muli %scan3A_351, %mul3A_1784 : i32
      %add3A_1786 = arith.constant 96 : i32
      %add3A_1787 = arith.addi %mul3A_1785, %add3A_1786 : i32
      %add3A_1788 = arith.constant 11 : i32
      %add3A_1789 = arith.addi %add3A_1787, %add3A_1788 : i32
      %mul3A_1790 = arith.constant 16 : i32
      %mul3A_1791 = arith.muli %add3A_1789, %mul3A_1790 : i32
      %swap3A_1792 = arith.index_cast %mul3A_1791 : i32 to index
      %swap3A_1793 = tpu.vector_load %arg12[%swap3A_1792] {strides = array<i32>} : memref<49152xf32, #tpu.memory_space<vmem>>, vector<16xf32>,
      tpu.vector_store %arg12[%swap3A_1792], %broadcast_in_dim3A_1783 {strides = array<i32>} : memref<49152xf32, #tpu.memory_space<vmem>>, vector<16xf32>,
      %slice3A_1794 = vector.extract_strided_slice %get3A_1637 {offsets = [12], sizes = [1], strides = [1]} : vector<16xf32> to vector<1xf32>
      %squeeze3A_1795 = vector.extract %slice3A_1794[0] : f32 from vector<1xf32>
      %broadcast_in_dim3A_1796 = vector.broadcast %squeeze3A_1795 : f32 to vector<16xf32>
      %mul3A_1797 = arith.constant 128 : i32
      %mul3A_1798 = arith.muli %scan3A_351, %mul3A_1797 : i32
      %add3A_1799 = arith.constant 96 : i32
      %add3A_1800 = arith.addi %mul3A_1798, %add3A_1799 : i32
      %add3A_1801 = arith.constant 12 : i32
      %add3A_1802 = arith.addi %add3A_1800, %add3A_1801 : i32
      %mul3A_1803 = arith.constant 16 : i32
      %mul3A_1804 = arith.muli %add3A_1802, %mul3A_1803 : i32
      %swap3A_1805 = arith.index_cast %mul3A_1804 : i32 to index
      %swap3A_1806 = tpu.vector_load %arg12[%swap3A_1805] {strides = array<i32>} : memref<49152xf32, #tpu.memory_space<vmem>>, vector<16xf32>,
      tpu.vector_store %arg12[%swap3A_1805], %broadcast_in_dim3A_1796 {strides = array<i32>} : memref<49152xf32, #tpu.memory_space<vmem>>, vector<16xf32>,
      %slice3A_1807 = vector.extract_strided_slice %get3A_1637 {offsets = [13], sizes = [1], strides = [1]} : vector<16xf32> to vector<1xf32>
      %squeeze3A_1808 = vector.extract %slice3A_1807[0] : f32 from vector<1xf32>
      %broadcast_in_dim3A_1809 = vector.broadcast %squeeze3A_1808 : f32 to vector<16xf32>
      %mul3A_1810 = arith.constant 128 : i32
      %mul3A_1811 = arith.muli %scan3A_351, %mul3A_1810 : i32
      %add3A_1812 = arith.constant 96 : i32
      %add3A_1813 = arith.addi %mul3A_1811, %add3A_1812 : i32
      %add3A_1814 = arith.constant 13 : i32
      %add3A_1815 = arith.addi %add3A_1813, %add3A_1814 : i32
      %mul3A_1816 = arith.constant 16 : i32
      %mul3A_1817 = arith.muli %add3A_1815, %mul3A_1816 : i32
      %swap3A_1818 = arith.index_cast %mul3A_1817 : i32 to index
      %swap3A_1819 = tpu.vector_load %arg12[%swap3A_1818] {strides = array<i32>} : memref<49152xf32, #tpu.memory_space<vmem>>, vector<16xf32>,
      tpu.vector_store %arg12[%swap3A_1818], %broadcast_in_dim3A_1809 {strides = array<i32>} : memref<49152xf32, #tpu.memory_space<vmem>>, vector<16xf32>,
      %slice3A_1820 = vector.extract_strided_slice %get3A_1637 {offsets = [14], sizes = [1], strides = [1]} : vector<16xf32> to vector<1xf32>
      %squeeze3A_1821 = vector.extract %slice3A_1820[0] : f32 from vector<1xf32>
      %broadcast_in_dim3A_1822 = vector.broadcast %squeeze3A_1821 : f32 to vector<16xf32>
      %mul3A_1823 = arith.constant 128 : i32
      %mul3A_1824 = arith.muli %scan3A_351, %mul3A_1823 : i32
      %add3A_1825 = arith.constant 96 : i32
      %add3A_1826 = arith.addi %mul3A_1824, %add3A_1825 : i32
      %add3A_1827 = arith.constant 14 : i32
      %add3A_1828 = arith.addi %add3A_1826, %add3A_1827 : i32
      %mul3A_1829 = arith.constant 16 : i32
      %mul3A_1830 = arith.muli %add3A_1828, %mul3A_1829 : i32
      %swap3A_1831 = arith.index_cast %mul3A_1830 : i32 to index
      %swap3A_1832 = tpu.vector_load %arg12[%swap3A_1831] {strides = array<i32>} : memref<49152xf32, #tpu.memory_space<vmem>>, vector<16xf32>,
      tpu.vector_store %arg12[%swap3A_1831], %broadcast_in_dim3A_1822 {strides = array<i32>} : memref<49152xf32, #tpu.memory_space<vmem>>, vector<16xf32>,
      %slice3A_1833 = vector.extract_strided_slice %get3A_1637 {offsets = [15], sizes = [1], strides = [1]} : vector<16xf32> to vector<1xf32>
      %squeeze3A_1834 = vector.extract %slice3A_1833[0] : f32 from vector<1xf32>
      %broadcast_in_dim3A_1835 = vector.broadcast %squeeze3A_1834 : f32 to vector<16xf32>
      %mul3A_1836 = arith.constant 128 : i32
      %mul3A_1837 = arith.muli %scan3A_351, %mul3A_1836 : i32
      %add3A_1838 = arith.constant 96 : i32
      %add3A_1839 = arith.addi %mul3A_1837, %add3A_1838 : i32
      %add3A_1840 = arith.constant 15 : i32
      %add3A_1841 = arith.addi %add3A_1839, %add3A_1840 : i32
      %mul3A_1842 = arith.constant 16 : i32
      %mul3A_1843 = arith.muli %add3A_1841, %mul3A_1842 : i32
      %swap3A_1844 = arith.index_cast %mul3A_1843 : i32 to index
      %swap3A_1845 = tpu.vector_load %arg12[%swap3A_1844] {strides = array<i32>} : memref<49152xf32, #tpu.memory_space<vmem>>, vector<16xf32>,
      tpu.vector_store %arg12[%swap3A_1844], %broadcast_in_dim3A_1835 {strides = array<i32>} : memref<49152xf32, #tpu.memory_space<vmem>>, vector<16xf32>,
      %mul3A_1846 = arith.constant 128 : i32
      %mul3A_1847 = arith.muli %scan3A_351, %mul3A_1846 : i32
      %add3A_1848 = arith.constant 112 : i32
      %add3A_1849 = arith.addi %mul3A_1847, %add3A_1848 : i32
      %get3A_1850 = arith.index_cast %add3A_1849 : i32 to index
      %get3A_1851 = tpu.vector_load %arg11[%get3A_1850] {strides = array<i32>} : memref<3072xf32, #tpu.memory_space<vmem>>, vector<16xf32>,
      %slice3A_1852 = vector.extract_strided_slice %get3A_1851 {offsets = [0], sizes = [1], strides = [1]} : vector<16xf32> to vector<1xf32>
      %squeeze3A_1853 = vector.extract %slice3A_1852[0] : f32 from vector<1xf32>
      %broadcast_in_dim3A_1854 = vector.broadcast %squeeze3A_1853 : f32 to vector<16xf32>
      %mul3A_1855 = arith.constant 128 : i32
      %mul3A_1856 = arith.muli %scan3A_351, %mul3A_1855 : i32
      %add3A_1857 = arith.constant 112 : i32
      %add3A_1858 = arith.addi %mul3A_1856, %add3A_1857 : i32
      %add3A_1859 = arith.constant 0 : i32
      %add3A_1860 = arith.addi %add3A_1858, %add3A_1859 : i32
      %mul3A_1861 = arith.constant 16 : i32
      %mul3A_1862 = arith.muli %add3A_1860, %mul3A_1861 : i32
      %swap3A_1863 = arith.index_cast %mul3A_1862 : i32 to index
      %swap3A_1864 = tpu.vector_load %arg12[%swap3A_1863] {strides = array<i32>} : memref<49152xf32, #tpu.memory_space<vmem>>, vector<16xf32>,
      tpu.vector_store %arg12[%swap3A_1863], %broadcast_in_dim3A_1854 {strides = array<i32>} : memref<49152xf32, #tpu.memory_space<vmem>>, vector<16xf32>,
      %slice3A_1865 = vector.extract_strided_slice %get3A_1851 {offsets = [1], sizes = [1], strides = [1]} : vector<16xf32> to vector<1xf32>
      %squeeze3A_1866 = vector.extract %slice3A_1865[0] : f32 from vector<1xf32>
      %broadcast_in_dim3A_1867 = vector.broadcast %squeeze3A_1866 : f32 to vector<16xf32>
      %mul3A_1868 = arith.constant 128 : i32
      %mul3A_1869 = arith.muli %scan3A_351, %mul3A_1868 : i32
      %add3A_1870 = arith.constant 112 : i32
      %add3A_1871 = arith.addi %mul3A_1869, %add3A_1870 : i32
      %add3A_1872 = arith.constant 1 : i32
      %add3A_1873 = arith.addi %add3A_1871, %add3A_1872 : i32
      %mul3A_1874 = arith.constant 16 : i32
      %mul3A_1875 = arith.muli %add3A_1873, %mul3A_1874 : i32
      %swap3A_1876 = arith.index_cast %mul3A_1875 : i32 to index
      %swap3A_1877 = tpu.vector_load %arg12[%swap3A_1876] {strides = array<i32>} : memref<49152xf32, #tpu.memory_space<vmem>>, vector<16xf32>,
      tpu.vector_store %arg12[%swap3A_1876], %broadcast_in_dim3A_1867 {strides = array<i32>} : memref<49152xf32, #tpu.memory_space<vmem>>, vector<16xf32>,
      %slice3A_1878 = vector.extract_strided_slice %get3A_1851 {offsets = [2], sizes = [1], strides = [1]} : vector<16xf32> to vector<1xf32>
      %squeeze3A_1879 = vector.extract %slice3A_1878[0] : f32 from vector<1xf32>
      %broadcast_in_dim3A_1880 = vector.broadcast %squeeze3A_1879 : f32 to vector<16xf32>
      %mul3A_1881 = arith.constant 128 : i32
      %mul3A_1882 = arith.muli %scan3A_351, %mul3A_1881 : i32
      %add3A_1883 = arith.constant 112 : i32
      %add3A_1884 = arith.addi %mul3A_1882, %add3A_1883 : i32
      %add3A_1885 = arith.constant 2 : i32
      %add3A_1886 = arith.addi %add3A_1884, %add3A_1885 : i32
      %mul3A_1887 = arith.constant 16 : i32
      %mul3A_1888 = arith.muli %add3A_1886, %mul3A_1887 : i32
      %swap3A_1889 = arith.index_cast %mul3A_1888 : i32 to index
      %swap3A_1890 = tpu.vector_load %arg12[%swap3A_1889] {strides = array<i32>} : memref<49152xf32, #tpu.memory_space<vmem>>, vector<16xf32>,
      tpu.vector_store %arg12[%swap3A_1889], %broadcast_in_dim3A_1880 {strides = array<i32>} : memref<49152xf32, #tpu.memory_space<vmem>>, vector<16xf32>,
      %slice3A_1891 = vector.extract_strided_slice %get3A_1851 {offsets = [3], sizes = [1], strides = [1]} : vector<16xf32> to vector<1xf32>
      %squeeze3A_1892 = vector.extract %slice3A_1891[0] : f32 from vector<1xf32>
      %broadcast_in_dim3A_1893 = vector.broadcast %squeeze3A_1892 : f32 to vector<16xf32>
      %mul3A_1894 = arith.constant 128 : i32
      %mul3A_1895 = arith.muli %scan3A_351, %mul3A_1894 : i32
      %add3A_1896 = arith.constant 112 : i32
      %add3A_1897 = arith.addi %mul3A_1895, %add3A_1896 : i32
      %add3A_1898 = arith.constant 3 : i32
      %add3A_1899 = arith.addi %add3A_1897, %add3A_1898 : i32
      %mul3A_1900 = arith.constant 16 : i32
      %mul3A_1901 = arith.muli %add3A_1899, %mul3A_1900 : i32
      %swap3A_1902 = arith.index_cast %mul3A_1901 : i32 to index
      %swap3A_1903 = tpu.vector_load %arg12[%swap3A_1902] {strides = array<i32>} : memref<49152xf32, #tpu.memory_space<vmem>>, vector<16xf32>,
      tpu.vector_store %arg12[%swap3A_1902], %broadcast_in_dim3A_1893 {strides = array<i32>} : memref<49152xf32, #tpu.memory_space<vmem>>, vector<16xf32>,
      %slice3A_1904 = vector.extract_strided_slice %get3A_1851 {offsets = [4], sizes = [1], strides = [1]} : vector<16xf32> to vector<1xf32>
      %squeeze3A_1905 = vector.extract %slice3A_1904[0] : f32 from vector<1xf32>
      %broadcast_in_dim3A_1906 = vector.broadcast %squeeze3A_1905 : f32 to vector<16xf32>
      %mul3A_1907 = arith.constant 128 : i32
      %mul3A_1908 = arith.muli %scan3A_351, %mul3A_1907 : i32
      %add3A_1909 = arith.constant 112 : i32
      %add3A_1910 = arith.addi %mul3A_1908, %add3A_1909 : i32
      %add3A_1911 = arith.constant 4 : i32
      %add3A_1912 = arith.addi %add3A_1910, %add3A_1911 : i32
      %mul3A_1913 = arith.constant 16 : i32
      %mul3A_1914 = arith.muli %add3A_1912, %mul3A_1913 : i32
      %swap3A_1915 = arith.index_cast %mul3A_1914 : i32 to index
      %swap3A_1916 = tpu.vector_load %arg12[%swap3A_1915] {strides = array<i32>} : memref<49152xf32, #tpu.memory_space<vmem>>, vector<16xf32>,
      tpu.vector_store %arg12[%swap3A_1915], %broadcast_in_dim3A_1906 {strides = array<i32>} : memref<49152xf32, #tpu.memory_space<vmem>>, vector<16xf32>,
      %slice3A_1917 = vector.extract_strided_slice %get3A_1851 {offsets = [5], sizes = [1], strides = [1]} : vector<16xf32> to vector<1xf32>
      %squeeze3A_1918 = vector.extract %slice3A_1917[0] : f32 from vector<1xf32>
      %broadcast_in_dim3A_1919 = vector.broadcast %squeeze3A_1918 : f32 to vector<16xf32>
      %mul3A_1920 = arith.constant 128 : i32
      %mul3A_1921 = arith.muli %scan3A_351, %mul3A_1920 : i32
      %add3A_1922 = arith.constant 112 : i32
      %add3A_1923 = arith.addi %mul3A_1921, %add3A_1922 : i32
      %add3A_1924 = arith.constant 5 : i32
      %add3A_1925 = arith.addi %add3A_1923, %add3A_1924 : i32
      %mul3A_1926 = arith.constant 16 : i32
      %mul3A_1927 = arith.muli %add3A_1925, %mul3A_1926 : i32
      %swap3A_1928 = arith.index_cast %mul3A_1927 : i32 to index
      %swap3A_1929 = tpu.vector_load %arg12[%swap3A_1928] {strides = array<i32>} : memref<49152xf32, #tpu.memory_space<vmem>>, vector<16xf32>,
      tpu.vector_store %arg12[%swap3A_1928], %broadcast_in_dim3A_1919 {strides = array<i32>} : memref<49152xf32, #tpu.memory_space<vmem>>, vector<16xf32>,
      %slice3A_1930 = vector.extract_strided_slice %get3A_1851 {offsets = [6], sizes = [1], strides = [1]} : vector<16xf32> to vector<1xf32>
      %squeeze3A_1931 = vector.extract %slice3A_1930[0] : f32 from vector<1xf32>
      %broadcast_in_dim3A_1932 = vector.broadcast %squeeze3A_1931 : f32 to vector<16xf32>
      %mul3A_1933 = arith.constant 128 : i32
      %mul3A_1934 = arith.muli %scan3A_351, %mul3A_1933 : i32
      %add3A_1935 = arith.constant 112 : i32
      %add3A_1936 = arith.addi %mul3A_1934, %add3A_1935 : i32
      %add3A_1937 = arith.constant 6 : i32
      %add3A_1938 = arith.addi %add3A_1936, %add3A_1937 : i32
      %mul3A_1939 = arith.constant 16 : i32
      %mul3A_1940 = arith.muli %add3A_1938, %mul3A_1939 : i32
      %swap3A_1941 = arith.index_cast %mul3A_1940 : i32 to index
      %swap3A_1942 = tpu.vector_load %arg12[%swap3A_1941] {strides = array<i32>} : memref<49152xf32, #tpu.memory_space<vmem>>, vector<16xf32>,
      tpu.vector_store %arg12[%swap3A_1941], %broadcast_in_dim3A_1932 {strides = array<i32>} : memref<49152xf32, #tpu.memory_space<vmem>>, vector<16xf32>,
      %slice3A_1943 = vector.extract_strided_slice %get3A_1851 {offsets = [7], sizes = [1], strides = [1]} : vector<16xf32> to vector<1xf32>
      %squeeze3A_1944 = vector.extract %slice3A_1943[0] : f32 from vector<1xf32>
      %broadcast_in_dim3A_1945 = vector.broadcast %squeeze3A_1944 : f32 to vector<16xf32>
      %mul3A_1946 = arith.constant 128 : i32
      %mul3A_1947 = arith.muli %scan3A_351, %mul3A_1946 : i32
      %add3A_1948 = arith.constant 112 : i32
      %add3A_1949 = arith.addi %mul3A_1947, %add3A_1948 : i32
      %add3A_1950 = arith.constant 7 : i32
      %add3A_1951 = arith.addi %add3A_1949, %add3A_1950 : i32
      %mul3A_1952 = arith.constant 16 : i32
      %mul3A_1953 = arith.muli %add3A_1951, %mul3A_1952 : i32
      %swap3A_1954 = arith.index_cast %mul3A_1953 : i32 to index
      %swap3A_1955 = tpu.vector_load %arg12[%swap3A_1954] {strides = array<i32>} : memref<49152xf32, #tpu.memory_space<vmem>>, vector<16xf32>,
      tpu.vector_store %arg12[%swap3A_1954], %broadcast_in_dim3A_1945 {strides = array<i32>} : memref<49152xf32, #tpu.memory_space<vmem>>, vector<16xf32>,
      %slice3A_1956 = vector.extract_strided_slice %get3A_1851 {offsets = [8], sizes = [1], strides = [1]} : vector<16xf32> to vector<1xf32>
      %squeeze3A_1957 = vector.extract %slice3A_1956[0] : f32 from vector<1xf32>
      %broadcast_in_dim3A_1958 = vector.broadcast %squeeze3A_1957 : f32 to vector<16xf32>
      %mul3A_1959 = arith.constant 128 : i32
      %mul3A_1960 = arith.muli %scan3A_351, %mul3A_1959 : i32
      %add3A_1961 = arith.constant 112 : i32
      %add3A_1962 = arith.addi %mul3A_1960, %add3A_1961 : i32
      %add3A_1963 = arith.constant 8 : i32
      %add3A_1964 = arith.addi %add3A_1962, %add3A_1963 : i32
      %mul3A_1965 = arith.constant 16 : i32
      %mul3A_1966 = arith.muli %add3A_1964, %mul3A_1965 : i32
      %swap3A_1967 = arith.index_cast %mul3A_1966 : i32 to index
      %swap3A_1968 = tpu.vector_load %arg12[%swap3A_1967] {strides = array<i32>} : memref<49152xf32, #tpu.memory_space<vmem>>, vector<16xf32>,
      tpu.vector_store %arg12[%swap3A_1967], %broadcast_in_dim3A_1958 {strides = array<i32>} : memref<49152xf32, #tpu.memory_space<vmem>>, vector<16xf32>,
      %slice3A_1969 = vector.extract_strided_slice %get3A_1851 {offsets = [9], sizes = [1], strides = [1]} : vector<16xf32> to vector<1xf32>
      %squeeze3A_1970 = vector.extract %slice3A_1969[0] : f32 from vector<1xf32>
      %broadcast_in_dim3A_1971 = vector.broadcast %squeeze3A_1970 : f32 to vector<16xf32>
      %mul3A_1972 = arith.constant 128 : i32
      %mul3A_1973 = arith.muli %scan3A_351, %mul3A_1972 : i32
      %add3A_1974 = arith.constant 112 : i32
      %add3A_1975 = arith.addi %mul3A_1973, %add3A_1974 : i32
      %add3A_1976 = arith.constant 9 : i32
      %add3A_1977 = arith.addi %add3A_1975, %add3A_1976 : i32
      %mul3A_1978 = arith.constant 16 : i32
      %mul3A_1979 = arith.muli %add3A_1977, %mul3A_1978 : i32
      %swap3A_1980 = arith.index_cast %mul3A_1979 : i32 to index
      %swap3A_1981 = tpu.vector_load %arg12[%swap3A_1980] {strides = array<i32>} : memref<49152xf32, #tpu.memory_space<vmem>>, vector<16xf32>,
      tpu.vector_store %arg12[%swap3A_1980], %broadcast_in_dim3A_1971 {strides = array<i32>} : memref<49152xf32, #tpu.memory_space<vmem>>, vector<16xf32>,
      %slice3A_1982 = vector.extract_strided_slice %get3A_1851 {offsets = [10], sizes = [1], strides = [1]} : vector<16xf32> to vector<1xf32>
      %squeeze3A_1983 = vector.extract %slice3A_1982[0] : f32 from vector<1xf32>
      %broadcast_in_dim3A_1984 = vector.broadcast %squeeze3A_1983 : f32 to vector<16xf32>
      %mul3A_1985 = arith.constant 128 : i32
      %mul3A_1986 = arith.muli %scan3A_351, %mul3A_1985 : i32
      %add3A_1987 = arith.constant 112 : i32
      %add3A_1988 = arith.addi %mul3A_1986, %add3A_1987 : i32
      %add3A_1989 = arith.constant 10 : i32
      %add3A_1990 = arith.addi %add3A_1988, %add3A_1989 : i32
      %mul3A_1991 = arith.constant 16 : i32
      %mul3A_1992 = arith.muli %add3A_1990, %mul3A_1991 : i32
      %swap3A_1993 = arith.index_cast %mul3A_1992 : i32 to index
      %swap3A_1994 = tpu.vector_load %arg12[%swap3A_1993] {strides = array<i32>} : memref<49152xf32, #tpu.memory_space<vmem>>, vector<16xf32>,
      tpu.vector_store %arg12[%swap3A_1993], %broadcast_in_dim3A_1984 {strides = array<i32>} : memref<49152xf32, #tpu.memory_space<vmem>>, vector<16xf32>,
      %slice3A_1995 = vector.extract_strided_slice %get3A_1851 {offsets = [11], sizes = [1], strides = [1]} : vector<16xf32> to vector<1xf32>
      %squeeze3A_1996 = vector.extract %slice3A_1995[0] : f32 from vector<1xf32>
      %broadcast_in_dim3A_1997 = vector.broadcast %squeeze3A_1996 : f32 to vector<16xf32>
      %mul3A_1998 = arith.constant 128 : i32
      %mul3A_1999 = arith.muli %scan3A_351, %mul3A_1998 : i32
      %add3A_2000 = arith.constant 112 : i32
      %add3A_2001 = arith.addi %mul3A_1999, %add3A_2000 : i32
      %add3A_2002 = arith.constant 11 : i32
      %add3A_2003 = arith.addi %add3A_2001, %add3A_2002 : i32
      %mul3A_2004 = arith.constant 16 : i32
      %mul3A_2005 = arith.muli %add3A_2003, %mul3A_2004 : i32
      %swap3A_2006 = arith.index_cast %mul3A_2005 : i32 to index
      %swap3A_2007 = tpu.vector_load %arg12[%swap3A_2006] {strides = array<i32>} : memref<49152xf32, #tpu.memory_space<vmem>>, vector<16xf32>,
      tpu.vector_store %arg12[%swap3A_2006], %broadcast_in_dim3A_1997 {strides = array<i32>} : memref<49152xf32, #tpu.memory_space<vmem>>, vector<16xf32>,
      %slice3A_2008 = vector.extract_strided_slice %get3A_1851 {offsets = [12], sizes = [1], strides = [1]} : vector<16xf32> to vector<1xf32>
      %squeeze3A_2009 = vector.extract %slice3A_2008[0] : f32 from vector<1xf32>
      %broadcast_in_dim3A_2010 = vector.broadcast %squeeze3A_2009 : f32 to vector<16xf32>
      %mul3A_2011 = arith.constant 128 : i32
      %mul3A_2012 = arith.muli %scan3A_351, %mul3A_2011 : i32
      %add3A_2013 = arith.constant 112 : i32
      %add3A_2014 = arith.addi %mul3A_2012, %add3A_2013 : i32
      %add3A_2015 = arith.constant 12 : i32
      %add3A_2016 = arith.addi %add3A_2014, %add3A_2015 : i32
      %mul3A_2017 = arith.constant 16 : i32
      %mul3A_2018 = arith.muli %add3A_2016, %mul3A_2017 : i32
      %swap3A_2019 = arith.index_cast %mul3A_2018 : i32 to index
      %swap3A_2020 = tpu.vector_load %arg12[%swap3A_2019] {strides = array<i32>} : memref<49152xf32, #tpu.memory_space<vmem>>, vector<16xf32>,
      tpu.vector_store %arg12[%swap3A_2019], %broadcast_in_dim3A_2010 {strides = array<i32>} : memref<49152xf32, #tpu.memory_space<vmem>>, vector<16xf32>,
      %slice3A_2021 = vector.extract_strided_slice %get3A_1851 {offsets = [13], sizes = [1], strides = [1]} : vector<16xf32> to vector<1xf32>
      %squeeze3A_2022 = vector.extract %slice3A_2021[0] : f32 from vector<1xf32>
      %broadcast_in_dim3A_2023 = vector.broadcast %squeeze3A_2022 : f32 to vector<16xf32>
      %mul3A_2024 = arith.constant 128 : i32
      %mul3A_2025 = arith.muli %scan3A_351, %mul3A_2024 : i32
      %add3A_2026 = arith.constant 112 : i32
      %add3A_2027 = arith.addi %mul3A_2025, %add3A_2026 : i32
      %add3A_2028 = arith.constant 13 : i32
      %add3A_2029 = arith.addi %add3A_2027, %add3A_2028 : i32
      %mul3A_2030 = arith.constant 16 : i32
      %mul3A_2031 = arith.muli %add3A_2029, %mul3A_2030 : i32
      %swap3A_2032 = arith.index_cast %mul3A_2031 : i32 to index
      %swap3A_2033 = tpu.vector_load %arg12[%swap3A_2032] {strides = array<i32>} : memref<49152xf32, #tpu.memory_space<vmem>>, vector<16xf32>,
      tpu.vector_store %arg12[%swap3A_2032], %broadcast_in_dim3A_2023 {strides = array<i32>} : memref<49152xf32, #tpu.memory_space<vmem>>, vector<16xf32>,
      %slice3A_2034 = vector.extract_strided_slice %get3A_1851 {offsets = [14], sizes = [1], strides = [1]} : vector<16xf32> to vector<1xf32>
      %squeeze3A_2035 = vector.extract %slice3A_2034[0] : f32 from vector<1xf32>
      %broadcast_in_dim3A_2036 = vector.broadcast %squeeze3A_2035 : f32 to vector<16xf32>
      %mul3A_2037 = arith.constant 128 : i32
      %mul3A_2038 = arith.muli %scan3A_351, %mul3A_2037 : i32
      %add3A_2039 = arith.constant 112 : i32
      %add3A_2040 = arith.addi %mul3A_2038, %add3A_2039 : i32
      %add3A_2041 = arith.constant 14 : i32
      %add3A_2042 = arith.addi %add3A_2040, %add3A_2041 : i32
      %mul3A_2043 = arith.constant 16 : i32
      %mul3A_2044 = arith.muli %add3A_2042, %mul3A_2043 : i32
      %swap3A_2045 = arith.index_cast %mul3A_2044 : i32 to index
      %swap3A_2046 = tpu.vector_load %arg12[%swap3A_2045] {strides = array<i32>} : memref<49152xf32, #tpu.memory_space<vmem>>, vector<16xf32>,
      tpu.vector_store %arg12[%swap3A_2045], %broadcast_in_dim3A_2036 {strides = array<i32>} : memref<49152xf32, #tpu.memory_space<vmem>>, vector<16xf32>,
      %slice3A_2047 = vector.extract_strided_slice %get3A_1851 {offsets = [15], sizes = [1], strides = [1]} : vector<16xf32> to vector<1xf32>
      %squeeze3A_2048 = vector.extract %slice3A_2047[0] : f32 from vector<1xf32>
      %broadcast_in_dim3A_2049 = vector.broadcast %squeeze3A_2048 : f32 to vector<16xf32>
      %mul3A_2050 = arith.constant 128 : i32
      %mul3A_2051 = arith.muli %scan3A_351, %mul3A_2050 : i32
      %add3A_2052 = arith.constant 112 : i32
      %add3A_2053 = arith.addi %mul3A_2051, %add3A_2052 : i32
      %add3A_2054 = arith.constant 15 : i32
      %add3A_2055 = arith.addi %add3A_2053, %add3A_2054 : i32
      %mul3A_2056 = arith.constant 16 : i32
      %mul3A_2057 = arith.muli %add3A_2055, %mul3A_2056 : i32
      %swap3A_2058 = arith.index_cast %mul3A_2057 : i32 to index
      %swap3A_2059 = tpu.vector_load %arg12[%swap3A_2058] {strides = array<i32>} : memref<49152xf32, #tpu.memory_space<vmem>>, vector<16xf32>,
      tpu.vector_store %arg12[%swap3A_2058], %broadcast_in_dim3A_2049 {strides = array<i32>} : memref<49152xf32, #tpu.memory_space<vmem>>, vector<16xf32>,
    }
    %scan3A_309 = arith.constant 24 : i32
    %broadcast_in_dim3A = arith.constant 0x7F800000 : f32
    %broadcast_in_dim3A_310 = vector.broadcast %broadcast_in_dim3A : f32 to vector<16xf32>
    %broadcast_in_dim3A_311 = arith.constant 0 : i32
    %broadcast_in_dim3A_312 = vector.broadcast %broadcast_in_dim3A_311 : i32 to vector<16xi32>
    %scan3A_313 = arith.constant 0 : i32
    %scan3A_314 = arith.constant 0 : i32
    %scan3A_315 = arith.constant 16 : i32
    %scan3A_316 = arith.addi %scan3A_314, %scan3A_315 : i32
    %scan3A_317 = arith.constant 1 : i32
    scf.for %scan3A_351 = %scan3A_314 to %scan3A_316 step %scan3A_317  : i32 {
      %and3A = arith.constant 7 : i32
      %and3A_352 = arith.andi %scan3A_351, %and3A : i32
      %mul3A_353 = arith.constant 128 : i32
      %mul3A_354 = arith.muli %scan3A_351, %mul3A_353 : i32
      %add3A_355 = arith.constant 0 : i32
      %add3A_356 = arith.addi %mul3A_354, %add3A_355 : i32
      %get3A = arith.index_cast %add3A_356 : i32 to index
      %get3A_357 = tpu.vector_load %arg6[%get3A] {strides = array<i32>} : memref<2048xf32, #tpu.memory_space<vmem>>, vector<16xf32>,
      %add3A_358 = arith.constant 0 : i32
      %add3A_359 = arith.addi %mul3A_354, %add3A_358 : i32
      %get3A_360 = arith.index_cast %add3A_359 : i32 to index
      %get3A_361 = tpu.vector_load %arg7[%get3A_360] {strides = array<i32>} : memref<2048xf32, #tpu.memory_space<vmem>>, vector<16xf32>,
      %add3A_362 = arith.constant 0 : i32
      %add3A_363 = arith.addi %mul3A_354, %add3A_362 : i32
      %get3A_364 = arith.index_cast %add3A_363 : i32 to index
      %get3A_365 = tpu.vector_load %arg8[%get3A_364] {strides = array<i32>} : memref<2048xf32, #tpu.memory_space<vmem>>, vector<16xf32>,
      %add3A_366 = arith.constant 16 : i32
      %add3A_367 = arith.addi %mul3A_354, %add3A_366 : i32
      %get3A_368 = arith.index_cast %add3A_367 : i32 to index
      %get3A_369 = tpu.vector_load %arg6[%get3A_368] {strides = array<i32>} : memref<2048xf32, #tpu.memory_space<vmem>>, vector<16xf32>,
      %add3A_370 = arith.constant 16 : i32
      %add3A_371 = arith.addi %mul3A_354, %add3A_370 : i32
      %get3A_372 = arith.index_cast %add3A_371 : i32 to index
      %get3A_373 = tpu.vector_load %arg7[%get3A_372] {strides = array<i32>} : memref<2048xf32, #tpu.memory_space<vmem>>, vector<16xf32>,
      %add3A_374 = arith.constant 16 : i32
      %add3A_375 = arith.addi %mul3A_354, %add3A_374 : i32
      %get3A_376 = arith.index_cast %add3A_375 : i32 to index
      %get3A_377 = tpu.vector_load %arg8[%get3A_376] {strides = array<i32>} : memref<2048xf32, #tpu.memory_space<vmem>>, vector<16xf32>,
      %add3A_378 = arith.constant 32 : i32
      %add3A_379 = arith.addi %mul3A_354, %add3A_378 : i32
      %get3A_380 = arith.index_cast %add3A_379 : i32 to index
      %get3A_381 = tpu.vector_load %arg6[%get3A_380] {strides = array<i32>} : memref<2048xf32, #tpu.memory_space<vmem>>, vector<16xf32>,
      %add3A_382 = arith.constant 32 : i32
      %add3A_383 = arith.addi %mul3A_354, %add3A_382 : i32
      %get3A_384 = arith.index_cast %add3A_383 : i32 to index
      %get3A_385 = tpu.vector_load %arg7[%get3A_384] {strides = array<i32>} : memref<2048xf32, #tpu.memory_space<vmem>>, vector<16xf32>,
      %add3A_386 = arith.constant 32 : i32
      %add3A_387 = arith.addi %mul3A_354, %add3A_386 : i32
      %get3A_388 = arith.index_cast %add3A_387 : i32 to index
      %get3A_389 = tpu.vector_load %arg8[%get3A_388] {strides = array<i32>} : memref<2048xf32, #tpu.memory_space<vmem>>, vector<16xf32>,
      %add3A_390 = arith.constant 48 : i32
      %add3A_391 = arith.addi %mul3A_354, %add3A_390 : i32
      %get3A_392 = arith.index_cast %add3A_391 : i32 to index
      %get3A_393 = tpu.vector_load %arg6[%get3A_392] {strides = array<i32>} : memref<2048xf32, #tpu.memory_space<vmem>>, vector<16xf32>,
      %add3A_394 = arith.constant 48 : i32
      %add3A_395 = arith.addi %mul3A_354, %add3A_394 : i32
      %get3A_396 = arith.index_cast %add3A_395 : i32 to index
      %get3A_397 = tpu.vector_load %arg7[%get3A_396] {strides = array<i32>} : memref<2048xf32, #tpu.memory_space<vmem>>, vector<16xf32>,
      %add3A_398 = arith.constant 48 : i32
      %add3A_399 = arith.addi %mul3A_354, %add3A_398 : i32
      %get3A_400 = arith.index_cast %add3A_399 : i32 to index
      %get3A_401 = tpu.vector_load %arg8[%get3A_400] {strides = array<i32>} : memref<2048xf32, #tpu.memory_space<vmem>>, vector<16xf32>,
      %add3A_402 = arith.constant 64 : i32
      %add3A_403 = arith.addi %mul3A_354, %add3A_402 : i32
      %get3A_404 = arith.index_cast %add3A_403 : i32 to index
      %get3A_405 = tpu.vector_load %arg6[%get3A_404] {strides = array<i32>} : memref<2048xf32, #tpu.memory_space<vmem>>, vector<16xf32>,
      %add3A_406 = arith.constant 64 : i32
      %add3A_407 = arith.addi %mul3A_354, %add3A_406 : i32
      %get3A_408 = arith.index_cast %add3A_407 : i32 to index
      %get3A_409 = tpu.vector_load %arg7[%get3A_408] {strides = array<i32>} : memref<2048xf32, #tpu.memory_space<vmem>>, vector<16xf32>,
      %add3A_410 = arith.constant 64 : i32
      %add3A_411 = arith.addi %mul3A_354, %add3A_410 : i32
      %get3A_412 = arith.index_cast %add3A_411 : i32 to index
      %get3A_413 = tpu.vector_load %arg8[%get3A_412] {strides = array<i32>} : memref<2048xf32, #tpu.memory_space<vmem>>, vector<16xf32>,
      %add3A_414 = arith.constant 80 : i32
      %add3A_415 = arith.addi %mul3A_354, %add3A_414 : i32
      %get3A_416 = arith.index_cast %add3A_415 : i32 to index
      %get3A_417 = tpu.vector_load %arg6[%get3A_416] {strides = array<i32>} : memref<2048xf32, #tpu.memory_space<vmem>>, vector<16xf32>,
      %add3A_418 = arith.constant 80 : i32
      %add3A_419 = arith.addi %mul3A_354, %add3A_418 : i32
      %get3A_420 = arith.index_cast %add3A_419 : i32 to index
      %get3A_421 = tpu.vector_load %arg7[%get3A_420] {strides = array<i32>} : memref<2048xf32, #tpu.memory_space<vmem>>, vector<16xf32>,
      %add3A_422 = arith.constant 80 : i32
      %add3A_423 = arith.addi %mul3A_354, %add3A_422 : i32
      %get3A_424 = arith.index_cast %add3A_423 : i32 to index
      %get3A_425 = tpu.vector_load %arg8[%get3A_424] {strides = array<i32>} : memref<2048xf32, #tpu.memory_space<vmem>>, vector<16xf32>,
      %add3A_426 = arith.constant 96 : i32
      %add3A_427 = arith.addi %mul3A_354, %add3A_426 : i32
      %get3A_428 = arith.index_cast %add3A_427 : i32 to index
      %get3A_429 = tpu.vector_load %arg6[%get3A_428] {strides = array<i32>} : memref<2048xf32, #tpu.memory_space<vmem>>, vector<16xf32>,
      %add3A_430 = arith.constant 96 : i32
      %add3A_431 = arith.addi %mul3A_354, %add3A_430 : i32
      %get3A_432 = arith.index_cast %add3A_431 : i32 to index
      %get3A_433 = tpu.vector_load %arg7[%get3A_432] {strides = array<i32>} : memref<2048xf32, #tpu.memory_space<vmem>>, vector<16xf32>,
      %add3A_434 = arith.constant 96 : i32
      %add3A_435 = arith.addi %mul3A_354, %add3A_434 : i32
      %get3A_436 = arith.index_cast %add3A_435 : i32 to index
      %get3A_437 = tpu.vector_load %arg8[%get3A_436] {strides = array<i32>} : memref<2048xf32, #tpu.memory_space<vmem>>, vector<16xf32>,
      %add3A_438 = arith.constant 112 : i32
      %add3A_439 = arith.addi %mul3A_354, %add3A_438 : i32
      %get3A_440 = arith.index_cast %add3A_439 : i32 to index
      %get3A_441 = tpu.vector_load %arg6[%get3A_440] {strides = array<i32>} : memref<2048xf32, #tpu.memory_space<vmem>>, vector<16xf32>,
      %add3A_442 = arith.constant 112 : i32
      %add3A_443 = arith.addi %mul3A_354, %add3A_442 : i32
      %get3A_444 = arith.index_cast %add3A_443 : i32 to index
      %get3A_445 = tpu.vector_load %arg7[%get3A_444] {strides = array<i32>} : memref<2048xf32, #tpu.memory_space<vmem>>, vector<16xf32>,
      %add3A_446 = arith.constant 112 : i32
      %add3A_447 = arith.addi %mul3A_354, %add3A_446 : i32
      %get3A_448 = arith.index_cast %add3A_447 : i32 to index
      %get3A_449 = tpu.vector_load %arg8[%get3A_448] {strides = array<i32>} : memref<2048xf32, #tpu.memory_space<vmem>>, vector<16xf32>,
      %mul3A_450 = arith.constant 2048 : i32
      %mul3A_451 = arith.muli %and3A_352, %mul3A_450 : i32
      %scan3A_452 = arith.constant 0 : i32
      %scan3A_453 = arith.constant 128 : i32
      %scan3A_454 = arith.addi %scan3A_452, %scan3A_453 : i32
      %scan3A_455 = arith.constant 1 : i32
      %scan3A_456:16 = scf.for %scan3A_546 = %scan3A_452 to %scan3A_454 step %scan3A_455 iter_args(%scan3A_547 = %broadcast_in_dim3A_310, %scan3A_548 = %broadcast_in_dim3A_310, %scan3A_549 = %broadcast_in_dim3A_310, %scan3A_550 = %broadcast_in_dim3A_310, %scan3A_551 = %broadcast_in_dim3A_310, %scan3A_552 = %broadcast_in_dim3A_310, %scan3A_553 = %broadcast_in_dim3A_310, %scan3A_554 = %broadcast_in_dim3A_310, %scan3A_555 = %broadcast_in_dim3A_312, %scan3A_556 = %broadcast_in_dim3A_312, %scan3A_557 = %broadcast_in_dim3A_312, %scan3A_558 = %broadcast_in_dim3A_312, %scan3A_559 = %broadcast_in_dim3A_312, %scan3A_560 = %broadcast_in_dim3A_312, %scan3A_561 = %broadcast_in_dim3A_312, %scan3A_562 = %broadcast_in_dim3A_312) -> (vector<16xf32>, vector<16xf32>, vector<16xf32>, vector<16xf32>, vector<16xf32>, vector<16xf32>, vector<16xf32>, vector<16xf32>, vector<16xi32>, vector<16xi32>, vector<16xi32>, vector<16xi32>, vector<16xi32>, vector<16xi32>, vector<16xi32>, vector<16xi32>)  : i32 {
        %mul3A_563 = arith.constant 16 : i32
        %mul3A_564 = arith.muli %scan3A_546, %mul3A_563 : i32
        %broadcast_in_dim3A_565 = vector.broadcast %scan3A_546 : i32 to vector<16xi32>
        %add3A_566 = arith.addi %mul3A_451, %mul3A_564 : i32
        %get3A_567 = arith.index_cast %add3A_566 : i32 to index
        %get3A_568 = tpu.vector_load %arg12[%get3A_567] {strides = array<i32>} : memref<49152xf32, #tpu.memory_space<vmem>>, vector<16xf32>,
        %add3A_569 = arith.constant 16384 : i32
        %add3A_570 = arith.addi %add3A_569, %mul3A_451 : i32
        %add3A_571 = arith.addi %add3A_570, %mul3A_564 : i32
        %get3A_572 = arith.index_cast %add3A_571 : i32 to index
        %get3A_573 = tpu.vector_load %arg12[%get3A_572] {strides = array<i32>} : memref<49152xf32, #tpu.memory_space<vmem>>, vector<16xf32>,
        %add3A_574 = arith.constant 32768 : i32
        %add3A_575 = arith.addi %add3A_574, %mul3A_451 : i32
        %add3A_576 = arith.addi %add3A_575, %mul3A_564 : i32
        %get3A_577 = arith.index_cast %add3A_576 : i32 to index
        %get3A_578 = tpu.vector_load %arg12[%get3A_577] {strides = array<i32>} : memref<49152xf32, #tpu.memory_space<vmem>>, vector<16xf32>,
        %sub3A = arith.subf %get3A_357, %get3A_568 : vector<16xf32>
        %sub3A_579 = arith.subf %get3A_361, %get3A_573 : vector<16xf32>
        %sub3A_580 = arith.subf %get3A_365, %get3A_578 : vector<16xf32>
        %mul3A_581 = arith.mulf %sub3A, %sub3A : vector<16xf32>
        %mul3A_582 = arith.mulf %sub3A_579, %sub3A_579 : vector<16xf32>
        %add3A_583 = arith.addf %mul3A_581, %mul3A_582 : vector<16xf32>
        %mul3A_584 = arith.mulf %sub3A_580, %sub3A_580 : vector<16xf32>
        %add3A_585 = arith.addf %add3A_583, %mul3A_584 : vector<16xf32>
        %lt3A = arith.cmpf olt, %add3A_585, %scan3A_547 : vector<16xf32>
        %select_n3A = arith.select %lt3A, %add3A_585, %scan3A_547 : vector<16xi1>, vector<16xf32>
        %select_n3A_586 = arith.select %lt3A, %broadcast_in_dim3A_565, %scan3A_555 : vector<16xi1>, vector<16xi32>
        %sub3A_587 = arith.subf %get3A_369, %get3A_568 : vector<16xf32>
        %sub3A_588 = arith.subf %get3A_373, %get3A_573 : vector<16xf32>
        %sub3A_589 = arith.subf %get3A_377, %get3A_578 : vector<16xf32>
        %mul3A_590 = arith.mulf %sub3A_587, %sub3A_587 : vector<16xf32>
        %mul3A_591 = arith.mulf %sub3A_588, %sub3A_588 : vector<16xf32>
        %add3A_592 = arith.addf %mul3A_590, %mul3A_591 : vector<16xf32>
        %mul3A_593 = arith.mulf %sub3A_589, %sub3A_589 : vector<16xf32>
        %add3A_594 = arith.addf %add3A_592, %mul3A_593 : vector<16xf32>
        %lt3A_595 = arith.cmpf olt, %add3A_594, %scan3A_548 : vector<16xf32>
        %select_n3A_596 = arith.select %lt3A_595, %add3A_594, %scan3A_548 : vector<16xi1>, vector<16xf32>
        %select_n3A_597 = arith.select %lt3A_595, %broadcast_in_dim3A_565, %scan3A_556 : vector<16xi1>, vector<16xi32>
        %sub3A_598 = arith.subf %get3A_381, %get3A_568 : vector<16xf32>
        %sub3A_599 = arith.subf %get3A_385, %get3A_573 : vector<16xf32>
        %sub3A_600 = arith.subf %get3A_389, %get3A_578 : vector<16xf32>
        %mul3A_601 = arith.mulf %sub3A_598, %sub3A_598 : vector<16xf32>
        %mul3A_602 = arith.mulf %sub3A_599, %sub3A_599 : vector<16xf32>
        %add3A_603 = arith.addf %mul3A_601, %mul3A_602 : vector<16xf32>
        %mul3A_604 = arith.mulf %sub3A_600, %sub3A_600 : vector<16xf32>
        %add3A_605 = arith.addf %add3A_603, %mul3A_604 : vector<16xf32>
        %lt3A_606 = arith.cmpf olt, %add3A_605, %scan3A_549 : vector<16xf32>
        %select_n3A_607 = arith.select %lt3A_606, %add3A_605, %scan3A_549 : vector<16xi1>, vector<16xf32>
        %select_n3A_608 = arith.select %lt3A_606, %broadcast_in_dim3A_565, %scan3A_557 : vector<16xi1>, vector<16xi32>
        %sub3A_609 = arith.subf %get3A_393, %get3A_568 : vector<16xf32>
        %sub3A_610 = arith.subf %get3A_397, %get3A_573 : vector<16xf32>
        %sub3A_611 = arith.subf %get3A_401, %get3A_578 : vector<16xf32>
        %mul3A_612 = arith.mulf %sub3A_609, %sub3A_609 : vector<16xf32>
        %mul3A_613 = arith.mulf %sub3A_610, %sub3A_610 : vector<16xf32>
        %add3A_614 = arith.addf %mul3A_612, %mul3A_613 : vector<16xf32>
        %mul3A_615 = arith.mulf %sub3A_611, %sub3A_611 : vector<16xf32>
        %add3A_616 = arith.addf %add3A_614, %mul3A_615 : vector<16xf32>
        %lt3A_617 = arith.cmpf olt, %add3A_616, %scan3A_550 : vector<16xf32>
        %select_n3A_618 = arith.select %lt3A_617, %add3A_616, %scan3A_550 : vector<16xi1>, vector<16xf32>
        %select_n3A_619 = arith.select %lt3A_617, %broadcast_in_dim3A_565, %scan3A_558 : vector<16xi1>, vector<16xi32>
        %sub3A_620 = arith.subf %get3A_405, %get3A_568 : vector<16xf32>
        %sub3A_621 = arith.subf %get3A_409, %get3A_573 : vector<16xf32>
        %sub3A_622 = arith.subf %get3A_413, %get3A_578 : vector<16xf32>
        %mul3A_623 = arith.mulf %sub3A_620, %sub3A_620 : vector<16xf32>
        %mul3A_624 = arith.mulf %sub3A_621, %sub3A_621 : vector<16xf32>
        %add3A_625 = arith.addf %mul3A_623, %mul3A_624 : vector<16xf32>
        %mul3A_626 = arith.mulf %sub3A_622, %sub3A_622 : vector<16xf32>
        %add3A_627 = arith.addf %add3A_625, %mul3A_626 : vector<16xf32>
        %lt3A_628 = arith.cmpf olt, %add3A_627, %scan3A_551 : vector<16xf32>
        %select_n3A_629 = arith.select %lt3A_628, %add3A_627, %scan3A_551 : vector<16xi1>, vector<16xf32>
        %select_n3A_630 = arith.select %lt3A_628, %broadcast_in_dim3A_565, %scan3A_559 : vector<16xi1>, vector<16xi32>
        %sub3A_631 = arith.subf %get3A_417, %get3A_568 : vector<16xf32>
        %sub3A_632 = arith.subf %get3A_421, %get3A_573 : vector<16xf32>
        %sub3A_633 = arith.subf %get3A_425, %get3A_578 : vector<16xf32>
        %mul3A_634 = arith.mulf %sub3A_631, %sub3A_631 : vector<16xf32>
        %mul3A_635 = arith.mulf %sub3A_632, %sub3A_632 : vector<16xf32>
        %add3A_636 = arith.addf %mul3A_634, %mul3A_635 : vector<16xf32>
        %mul3A_637 = arith.mulf %sub3A_633, %sub3A_633 : vector<16xf32>
        %add3A_638 = arith.addf %add3A_636, %mul3A_637 : vector<16xf32>
        %lt3A_639 = arith.cmpf olt, %add3A_638, %scan3A_552 : vector<16xf32>
        %select_n3A_640 = arith.select %lt3A_639, %add3A_638, %scan3A_552 : vector<16xi1>, vector<16xf32>
        %select_n3A_641 = arith.select %lt3A_639, %broadcast_in_dim3A_565, %scan3A_560 : vector<16xi1>, vector<16xi32>
        %sub3A_642 = arith.subf %get3A_429, %get3A_568 : vector<16xf32>
        %sub3A_643 = arith.subf %get3A_433, %get3A_573 : vector<16xf32>
        %sub3A_644 = arith.subf %get3A_437, %get3A_578 : vector<16xf32>
        %mul3A_645 = arith.mulf %sub3A_642, %sub3A_642 : vector<16xf32>
        %mul3A_646 = arith.mulf %sub3A_643, %sub3A_643 : vector<16xf32>
        %add3A_647 = arith.addf %mul3A_645, %mul3A_646 : vector<16xf32>
        %mul3A_648 = arith.mulf %sub3A_644, %sub3A_644 : vector<16xf32>
        %add3A_649 = arith.addf %add3A_647, %mul3A_648 : vector<16xf32>
        %lt3A_650 = arith.cmpf olt, %add3A_649, %scan3A_553 : vector<16xf32>
        %select_n3A_651 = arith.select %lt3A_650, %add3A_649, %scan3A_553 : vector<16xi1>, vector<16xf32>
        %select_n3A_652 = arith.select %lt3A_650, %broadcast_in_dim3A_565, %scan3A_561 : vector<16xi1>, vector<16xi32>
        %sub3A_653 = arith.subf %get3A_441, %get3A_568 : vector<16xf32>
        %sub3A_654 = arith.subf %get3A_445, %get3A_573 : vector<16xf32>
        %sub3A_655 = arith.subf %get3A_449, %get3A_578 : vector<16xf32>
        %mul3A_656 = arith.mulf %sub3A_653, %sub3A_653 : vector<16xf32>
        %mul3A_657 = arith.mulf %sub3A_654, %sub3A_654 : vector<16xf32>
        %add3A_658 = arith.addf %mul3A_656, %mul3A_657 : vector<16xf32>
        %mul3A_659 = arith.mulf %sub3A_655, %sub3A_655 : vector<16xf32>
        %add3A_660 = arith.addf %add3A_658, %mul3A_659 : vector<16xf32>
        %lt3A_661 = arith.cmpf olt, %add3A_660, %scan3A_554 : vector<16xf32>
        %select_n3A_662 = arith.select %lt3A_661, %add3A_660, %scan3A_554 : vector<16xi1>, vector<16xf32>
        %select_n3A_663 = arith.select %lt3A_661, %broadcast_in_dim3A_565, %scan3A_562 : vector<16xi1>, vector<16xi32>
        scf.yield %select_n3A, %select_n3A_596, %select_n3A_607, %select_n3A_618, %select_n3A_629, %select_n3A_640, %select_n3A_651, %select_n3A_662, %select_n3A_586, %select_n3A_597, %select_n3A_608, %select_n3A_619, %select_n3A_630, %select_n3A_641, %select_n3A_652, %select_n3A_663 : vector<16xf32>, vector<16xf32>, vector<16xf32>, vector<16xf32>, vector<16xf32>, vector<16xf32>, vector<16xf32>, vector<16xf32>, vector<16xi32>, vector<16xi32>, vector<16xi32>, vector<16xi32>, vector<16xi32>, vector<16xi32>, vector<16xi32>, vector<16xi32>
      }
      %scan3A_457 = arith.constant 128 : i32
      %shift_right_arithmetic3A = arith.constant 3 : i32
      %shift_right_arithmetic3A_458 = arith.shrsi %scan3A_351, %shift_right_arithmetic3A : i32
      %mul3A_459 = arith.constant 2 : i32
      %mul3A_460 = arith.muli %and3A_352, %mul3A_459 : i32
      %mul3A_461 = arith.constant 256 : i32
      %mul3A_462 = arith.muli %mul3A_460, %mul3A_461 : i32
      %mul3A_463 = arith.constant 256 : i32
      %mul3A_464 = arith.muli %shift_right_arithmetic3A_458, %mul3A_463 : i32
      %add3A_465 = arith.addi %mul3A_462, %mul3A_464 : i32
      %broadcast_in_dim3A_466 = vector.broadcast %and3A_352 : i32 to vector<16xi32>
      %add3A_467 = arith.constant 0 : i32
      %add3A_468 = arith.addi %add3A_465, %add3A_467 : i32
      %swap3A = arith.index_cast %add3A_468 : i32 to index
      %swap3A_469 = tpu.vector_load %arg13[%swap3A] {strides = array<i32>} : memref<4096xi32, #tpu.memory_space<vmem>>, vector<16xi32>,
      tpu.vector_store %arg13[%swap3A], %broadcast_in_dim3A_466 {strides = array<i32>} : memref<4096xi32, #tpu.memory_space<vmem>>, vector<16xi32>,
      %add3A_470 = arith.constant 128 : i32
      %add3A_471 = arith.addi %add3A_465, %add3A_470 : i32
      %add3A_472 = arith.constant 0 : i32
      %add3A_473 = arith.addi %add3A_471, %add3A_472 : i32
      %swap3A_474 = arith.index_cast %add3A_473 : i32 to index
      %swap3A_475 = tpu.vector_load %arg13[%swap3A_474] {strides = array<i32>} : memref<4096xi32, #tpu.memory_space<vmem>>, vector<16xi32>,
      tpu.vector_store %arg13[%swap3A_474], %scan3A_456#8 {strides = array<i32>} : memref<4096xi32, #tpu.memory_space<vmem>>, vector<16xi32>,
      %add3A_476 = arith.constant 16 : i32
      %add3A_477 = arith.addi %add3A_465, %add3A_476 : i32
      %swap3A_478 = arith.index_cast %add3A_477 : i32 to index
      %swap3A_479 = tpu.vector_load %arg13[%swap3A_478] {strides = array<i32>} : memref<4096xi32, #tpu.memory_space<vmem>>, vector<16xi32>,
      tpu.vector_store %arg13[%swap3A_478], %broadcast_in_dim3A_466 {strides = array<i32>} : memref<4096xi32, #tpu.memory_space<vmem>>, vector<16xi32>,
      %add3A_480 = arith.constant 128 : i32
      %add3A_481 = arith.addi %add3A_465, %add3A_480 : i32
      %add3A_482 = arith.constant 16 : i32
      %add3A_483 = arith.addi %add3A_481, %add3A_482 : i32
      %swap3A_484 = arith.index_cast %add3A_483 : i32 to index
      %swap3A_485 = tpu.vector_load %arg13[%swap3A_484] {strides = array<i32>} : memref<4096xi32, #tpu.memory_space<vmem>>, vector<16xi32>,
      tpu.vector_store %arg13[%swap3A_484], %scan3A_456#9 {strides = array<i32>} : memref<4096xi32, #tpu.memory_space<vmem>>, vector<16xi32>,
      %add3A_486 = arith.constant 32 : i32
      %add3A_487 = arith.addi %add3A_465, %add3A_486 : i32
      %swap3A_488 = arith.index_cast %add3A_487 : i32 to index
      %swap3A_489 = tpu.vector_load %arg13[%swap3A_488] {strides = array<i32>} : memref<4096xi32, #tpu.memory_space<vmem>>, vector<16xi32>,
      tpu.vector_store %arg13[%swap3A_488], %broadcast_in_dim3A_466 {strides = array<i32>} : memref<4096xi32, #tpu.memory_space<vmem>>, vector<16xi32>,
      %add3A_490 = arith.constant 128 : i32
      %add3A_491 = arith.addi %add3A_465, %add3A_490 : i32
      %add3A_492 = arith.constant 32 : i32
      %add3A_493 = arith.addi %add3A_491, %add3A_492 : i32
      %swap3A_494 = arith.index_cast %add3A_493 : i32 to index
      %swap3A_495 = tpu.vector_load %arg13[%swap3A_494] {strides = array<i32>} : memref<4096xi32, #tpu.memory_space<vmem>>, vector<16xi32>,
      tpu.vector_store %arg13[%swap3A_494], %scan3A_456#10 {strides = array<i32>} : memref<4096xi32, #tpu.memory_space<vmem>>, vector<16xi32>,
      %add3A_496 = arith.constant 48 : i32
      %add3A_497 = arith.addi %add3A_465, %add3A_496 : i32
      %swap3A_498 = arith.index_cast %add3A_497 : i32 to index
      %swap3A_499 = tpu.vector_load %arg13[%swap3A_498] {strides = array<i32>} : memref<4096xi32, #tpu.memory_space<vmem>>, vector<16xi32>,
      tpu.vector_store %arg13[%swap3A_498], %broadcast_in_dim3A_466 {strides = array<i32>} : memref<4096xi32, #tpu.memory_space<vmem>>, vector<16xi32>,
      %add3A_500 = arith.constant 128 : i32
      %add3A_501 = arith.addi %add3A_465, %add3A_500 : i32
      %add3A_502 = arith.constant 48 : i32
      %add3A_503 = arith.addi %add3A_501, %add3A_502 : i32
      %swap3A_504 = arith.index_cast %add3A_503 : i32 to index
      %swap3A_505 = tpu.vector_load %arg13[%swap3A_504] {strides = array<i32>} : memref<4096xi32, #tpu.memory_space<vmem>>, vector<16xi32>,
      tpu.vector_store %arg13[%swap3A_504], %scan3A_456#11 {strides = array<i32>} : memref<4096xi32, #tpu.memory_space<vmem>>, vector<16xi32>,
      %add3A_506 = arith.constant 64 : i32
      %add3A_507 = arith.addi %add3A_465, %add3A_506 : i32
      %swap3A_508 = arith.index_cast %add3A_507 : i32 to index
      %swap3A_509 = tpu.vector_load %arg13[%swap3A_508] {strides = array<i32>} : memref<4096xi32, #tpu.memory_space<vmem>>, vector<16xi32>,
      tpu.vector_store %arg13[%swap3A_508], %broadcast_in_dim3A_466 {strides = array<i32>} : memref<4096xi32, #tpu.memory_space<vmem>>, vector<16xi32>,
      %add3A_510 = arith.constant 128 : i32
      %add3A_511 = arith.addi %add3A_465, %add3A_510 : i32
      %add3A_512 = arith.constant 64 : i32
      %add3A_513 = arith.addi %add3A_511, %add3A_512 : i32
      %swap3A_514 = arith.index_cast %add3A_513 : i32 to index
      %swap3A_515 = tpu.vector_load %arg13[%swap3A_514] {strides = array<i32>} : memref<4096xi32, #tpu.memory_space<vmem>>, vector<16xi32>,
      tpu.vector_store %arg13[%swap3A_514], %scan3A_456#12 {strides = array<i32>} : memref<4096xi32, #tpu.memory_space<vmem>>, vector<16xi32>,
      %add3A_516 = arith.constant 80 : i32
      %add3A_517 = arith.addi %add3A_465, %add3A_516 : i32
      %swap3A_518 = arith.index_cast %add3A_517 : i32 to index
      %swap3A_519 = tpu.vector_load %arg13[%swap3A_518] {strides = array<i32>} : memref<4096xi32, #tpu.memory_space<vmem>>, vector<16xi32>,
      tpu.vector_store %arg13[%swap3A_518], %broadcast_in_dim3A_466 {strides = array<i32>} : memref<4096xi32, #tpu.memory_space<vmem>>, vector<16xi32>,
      %add3A_520 = arith.constant 128 : i32
      %add3A_521 = arith.addi %add3A_465, %add3A_520 : i32
      %add3A_522 = arith.constant 80 : i32
      %add3A_523 = arith.addi %add3A_521, %add3A_522 : i32
      %swap3A_524 = arith.index_cast %add3A_523 : i32 to index
      %swap3A_525 = tpu.vector_load %arg13[%swap3A_524] {strides = array<i32>} : memref<4096xi32, #tpu.memory_space<vmem>>, vector<16xi32>,
      tpu.vector_store %arg13[%swap3A_524], %scan3A_456#13 {strides = array<i32>} : memref<4096xi32, #tpu.memory_space<vmem>>, vector<16xi32>,
      %add3A_526 = arith.constant 96 : i32
      %add3A_527 = arith.addi %add3A_465, %add3A_526 : i32
      %swap3A_528 = arith.index_cast %add3A_527 : i32 to index
      %swap3A_529 = tpu.vector_load %arg13[%swap3A_528] {strides = array<i32>} : memref<4096xi32, #tpu.memory_space<vmem>>, vector<16xi32>,
      tpu.vector_store %arg13[%swap3A_528], %broadcast_in_dim3A_466 {strides = array<i32>} : memref<4096xi32, #tpu.memory_space<vmem>>, vector<16xi32>,
      %add3A_530 = arith.constant 128 : i32
      %add3A_531 = arith.addi %add3A_465, %add3A_530 : i32
      %add3A_532 = arith.constant 96 : i32
      %add3A_533 = arith.addi %add3A_531, %add3A_532 : i32
      %swap3A_534 = arith.index_cast %add3A_533 : i32 to index
      %swap3A_535 = tpu.vector_load %arg13[%swap3A_534] {strides = array<i32>} : memref<4096xi32, #tpu.memory_space<vmem>>, vector<16xi32>,
      tpu.vector_store %arg13[%swap3A_534], %scan3A_456#14 {strides = array<i32>} : memref<4096xi32, #tpu.memory_space<vmem>>, vector<16xi32>,
      %add3A_536 = arith.constant 112 : i32
      %add3A_537 = arith.addi %add3A_465, %add3A_536 : i32
      %swap3A_538 = arith.index_cast %add3A_537 : i32 to index
      %swap3A_539 = tpu.vector_load %arg13[%swap3A_538] {strides = array<i32>} : memref<4096xi32, #tpu.memory_space<vmem>>, vector<16xi32>,
      tpu.vector_store %arg13[%swap3A_538], %broadcast_in_dim3A_466 {strides = array<i32>} : memref<4096xi32, #tpu.memory_space<vmem>>, vector<16xi32>,
      %add3A_540 = arith.constant 128 : i32
      %add3A_541 = arith.addi %add3A_465, %add3A_540 : i32
      %add3A_542 = arith.constant 112 : i32
      %add3A_543 = arith.addi %add3A_541, %add3A_542 : i32
      %swap3A_544 = arith.index_cast %add3A_543 : i32 to index
      %swap3A_545 = tpu.vector_load %arg13[%swap3A_544] {strides = array<i32>} : memref<4096xi32, #tpu.memory_space<vmem>>, vector<16xi32>,
      tpu.vector_store %arg13[%swap3A_544], %scan3A_456#15 {strides = array<i32>} : memref<4096xi32, #tpu.memory_space<vmem>>, vector<16xi32>,
    }
    %scan3A_318 = arith.constant 16 : i32
    %mul3A_319 = arith.constant 512 : i32
    %mul3A_320 = arith.muli %add3A, %mul3A_319 : i32
    %add3A_321 = arith.constant 0 : i32
    %add3A_322 = arith.addi %add3A_321, %mul3A_320 : i32
    "tpu.region"() ({
      %run_scoped3A = tpu.sem_alloc : memref<!tpu.dma_semaphore, #tpu.memory_space<semaphore_mem>>
      %dma_start3A_351 = arith.constant 0 : i32
      %dma_start3A_352 = tpu.memref_slice %arg13[%dma_start3A_351] : memref<4096xi32, #tpu.memory_space<vmem>> -> memref<512xi32, #tpu.memory_space<vmem>>
      %dma_start3A_353 = tpu.memref_slice %arg5[%add3A_322] : memref<131072xi32, #tpu.memory_space<hbm>> -> memref<512xi32, #tpu.memory_space<hbm>>
      %dma_start3A_354 = tpu.memref_slice %arg5[%add3A_322] : memref<131072xi32, #tpu.memory_space<hbm>> -> memref<512xi32, #tpu.memory_space<hbm>>
      %dma_start3A_355 = arith.constant 0 : i32
      %dma_start3A_356 = tpu.memref_slice %arg13[%dma_start3A_355] : memref<4096xi32, #tpu.memory_space<vmem>> -> memref<512xi32, #tpu.memory_space<vmem>>
      tpu.enqueue_dma source(%dma_start3A_356 : memref<512xi32, #tpu.memory_space<vmem>>) target(%dma_start3A_354 : memref<512xi32, #tpu.memory_space<hbm>>) target_semaphore(%run_scoped3A : memref<!tpu.dma_semaphore, #tpu.memory_space<semaphore_mem>>)
      %dma_wait3A_357 = arith.constant 0 : i32
      %dma_wait3A_358 = tpu.memref_slice %arg13[%dma_wait3A_357] : memref<4096xi32, #tpu.memory_space<vmem>> -> memref<512xi32, #tpu.memory_space<vmem>>
      %dma_wait3A_359 = tpu.memref_slice %arg5[%add3A_322] : memref<131072xi32, #tpu.memory_space<hbm>> -> memref<512xi32, #tpu.memory_space<hbm>>
      %dma_wait3A_360 = tpu.memref_slice %arg5[%add3A_322] : memref<131072xi32, #tpu.memory_space<hbm>> -> memref<512xi32, #tpu.memory_space<hbm>>
      %dma_wait3A_361 = arith.constant 0 : i32
      %dma_wait3A_362 = tpu.memref_slice %arg13[%dma_wait3A_361] : memref<4096xi32, #tpu.memory_space<vmem>> -> memref<512xi32, #tpu.memory_space<vmem>>
      tpu.wait_dma2 semaphore(%run_scoped3A : memref<!tpu.dma_semaphore, #tpu.memory_space<semaphore_mem>>) src(%dma_wait3A_362 : memref<512xi32, #tpu.memory_space<vmem>>) dst(%dma_wait3A_360 : memref<512xi32, #tpu.memory_space<hbm>>)
      tpu.yield
    }) : () -> ()
    %mul3A_323 = arith.constant 512 : i32
    %mul3A_324 = arith.muli %add3A, %mul3A_323 : i32
    %add3A_325 = arith.constant 16384 : i32
    %add3A_326 = arith.addi %add3A_325, %mul3A_324 : i32
    "tpu.region"() ({
      %run_scoped3A = tpu.sem_alloc : memref<!tpu.dma_semaphore, #tpu.memory_space<semaphore_mem>>
      %dma_start3A_351 = arith.constant 512 : i32
      %dma_start3A_352 = tpu.memref_slice %arg13[%dma_start3A_351] : memref<4096xi32, #tpu.memory_space<vmem>> -> memref<512xi32, #tpu.memory_space<vmem>>
      %dma_start3A_353 = tpu.memref_slice %arg5[%add3A_326] : memref<131072xi32, #tpu.memory_space<hbm>> -> memref<512xi32, #tpu.memory_space<hbm>>
      %dma_start3A_354 = tpu.memref_slice %arg5[%add3A_326] : memref<131072xi32, #tpu.memory_space<hbm>> -> memref<512xi32, #tpu.memory_space<hbm>>
      %dma_start3A_355 = arith.constant 512 : i32
      %dma_start3A_356 = tpu.memref_slice %arg13[%dma_start3A_355] : memref<4096xi32, #tpu.memory_space<vmem>> -> memref<512xi32, #tpu.memory_space<vmem>>
      tpu.enqueue_dma source(%dma_start3A_356 : memref<512xi32, #tpu.memory_space<vmem>>) target(%dma_start3A_354 : memref<512xi32, #tpu.memory_space<hbm>>) target_semaphore(%run_scoped3A : memref<!tpu.dma_semaphore, #tpu.memory_space<semaphore_mem>>)
      %dma_wait3A_357 = arith.constant 512 : i32
      %dma_wait3A_358 = tpu.memref_slice %arg13[%dma_wait3A_357] : memref<4096xi32, #tpu.memory_space<vmem>> -> memref<512xi32, #tpu.memory_space<vmem>>
      %dma_wait3A_359 = tpu.memref_slice %arg5[%add3A_326] : memref<131072xi32, #tpu.memory_space<hbm>> -> memref<512xi32, #tpu.memory_space<hbm>>
      %dma_wait3A_360 = tpu.memref_slice %arg5[%add3A_326] : memref<131072xi32, #tpu.memory_space<hbm>> -> memref<512xi32, #tpu.memory_space<hbm>>
      %dma_wait3A_361 = arith.constant 512 : i32
      %dma_wait3A_362 = tpu.memref_slice %arg13[%dma_wait3A_361] : memref<4096xi32, #tpu.memory_space<vmem>> -> memref<512xi32, #tpu.memory_space<vmem>>
      tpu.wait_dma2 semaphore(%run_scoped3A : memref<!tpu.dma_semaphore, #tpu.memory_space<semaphore_mem>>) src(%dma_wait3A_362 : memref<512xi32, #tpu.memory_space<vmem>>) dst(%dma_wait3A_360 : memref<512xi32, #tpu.memory_space<hbm>>)
      tpu.yield
    }) : () -> ()
    %mul3A_327 = arith.constant 512 : i32
    %mul3A_328 = arith.muli %add3A, %mul3A_327 : i32
    %add3A_329 = arith.constant 32768 : i32
    %add3A_330 = arith.addi %add3A_329, %mul3A_328 : i32
    "tpu.region"() ({
      %run_scoped3A = tpu.sem_alloc : memref<!tpu.dma_semaphore, #tpu.memory_space<semaphore_mem>>
      %dma_start3A_351 = arith.constant 1024 : i32
      %dma_start3A_352 = tpu.memref_slice %arg13[%dma_start3A_351] : memref<4096xi32, #tpu.memory_space<vmem>> -> memref<512xi32, #tpu.memory_space<vmem>>
      %dma_start3A_353 = tpu.memref_slice %arg5[%add3A_330] : memref<131072xi32, #tpu.memory_space<hbm>> -> memref<512xi32, #tpu.memory_space<hbm>>
      %dma_start3A_354 = tpu.memref_slice %arg5[%add3A_330] : memref<131072xi32, #tpu.memory_space<hbm>> -> memref<512xi32, #tpu.memory_space<hbm>>
      %dma_start3A_355 = arith.constant 1024 : i32
      %dma_start3A_356 = tpu.memref_slice %arg13[%dma_start3A_355] : memref<4096xi32, #tpu.memory_space<vmem>> -> memref<512xi32, #tpu.memory_space<vmem>>
      tpu.enqueue_dma source(%dma_start3A_356 : memref<512xi32, #tpu.memory_space<vmem>>) target(%dma_start3A_354 : memref<512xi32, #tpu.memory_space<hbm>>) target_semaphore(%run_scoped3A : memref<!tpu.dma_semaphore, #tpu.memory_space<semaphore_mem>>)
      %dma_wait3A_357 = arith.constant 1024 : i32
      %dma_wait3A_358 = tpu.memref_slice %arg13[%dma_wait3A_357] : memref<4096xi32, #tpu.memory_space<vmem>> -> memref<512xi32, #tpu.memory_space<vmem>>
      %dma_wait3A_359 = tpu.memref_slice %arg5[%add3A_330] : memref<131072xi32, #tpu.memory_space<hbm>> -> memref<512xi32, #tpu.memory_space<hbm>>
      %dma_wait3A_360 = tpu.memref_slice %arg5[%add3A_330] : memref<131072xi32, #tpu.memory_space<hbm>> -> memref<512xi32, #tpu.memory_space<hbm>>
      %dma_wait3A_361 = arith.constant 1024 : i32
      %dma_wait3A_362 = tpu.memref_slice %arg13[%dma_wait3A_361] : memref<4096xi32, #tpu.memory_space<vmem>> -> memref<512xi32, #tpu.memory_space<vmem>>
      tpu.wait_dma2 semaphore(%run_scoped3A : memref<!tpu.dma_semaphore, #tpu.memory_space<semaphore_mem>>) src(%dma_wait3A_362 : memref<512xi32, #tpu.memory_space<vmem>>) dst(%dma_wait3A_360 : memref<512xi32, #tpu.memory_space<hbm>>)
      tpu.yield
    }) : () -> ()
    %mul3A_331 = arith.constant 512 : i32
    %mul3A_332 = arith.muli %add3A, %mul3A_331 : i32
    %add3A_333 = arith.constant 49152 : i32
    %add3A_334 = arith.addi %add3A_333, %mul3A_332 : i32
    "tpu.region"() ({
      %run_scoped3A = tpu.sem_alloc : memref<!tpu.dma_semaphore, #tpu.memory_space<semaphore_mem>>
      %dma_start3A_351 = arith.constant 1536 : i32
      %dma_start3A_352 = tpu.memref_slice %arg13[%dma_start3A_351] : memref<4096xi32, #tpu.memory_space<vmem>> -> memref<512xi32, #tpu.memory_space<vmem>>
      %dma_start3A_353 = tpu.memref_slice %arg5[%add3A_334] : memref<131072xi32, #tpu.memory_space<hbm>> -> memref<512xi32, #tpu.memory_space<hbm>>
      %dma_start3A_354 = tpu.memref_slice %arg5[%add3A_334] : memref<131072xi32, #tpu.memory_space<hbm>> -> memref<512xi32, #tpu.memory_space<hbm>>
      %dma_start3A_355 = arith.constant 1536 : i32
      %dma_start3A_356 = tpu.memref_slice %arg13[%dma_start3A_355] : memref<4096xi32, #tpu.memory_space<vmem>> -> memref<512xi32, #tpu.memory_space<vmem>>
      tpu.enqueue_dma source(%dma_start3A_356 : memref<512xi32, #tpu.memory_space<vmem>>) target(%dma_start3A_354 : memref<512xi32, #tpu.memory_space<hbm>>) target_semaphore(%run_scoped3A : memref<!tpu.dma_semaphore, #tpu.memory_space<semaphore_mem>>)
      %dma_wait3A_357 = arith.constant 1536 : i32
      %dma_wait3A_358 = tpu.memref_slice %arg13[%dma_wait3A_357] : memref<4096xi32, #tpu.memory_space<vmem>> -> memref<512xi32, #tpu.memory_space<vmem>>
      %dma_wait3A_359 = tpu.memref_slice %arg5[%add3A_334] : memref<131072xi32, #tpu.memory_space<hbm>> -> memref<512xi32, #tpu.memory_space<hbm>>
      %dma_wait3A_360 = tpu.memref_slice %arg5[%add3A_334] : memref<131072xi32, #tpu.memory_space<hbm>> -> memref<512xi32, #tpu.memory_space<hbm>>
      %dma_wait3A_361 = arith.constant 1536 : i32
      %dma_wait3A_362 = tpu.memref_slice %arg13[%dma_wait3A_361] : memref<4096xi32, #tpu.memory_space<vmem>> -> memref<512xi32, #tpu.memory_space<vmem>>
      tpu.wait_dma2 semaphore(%run_scoped3A : memref<!tpu.dma_semaphore, #tpu.memory_space<semaphore_mem>>) src(%dma_wait3A_362 : memref<512xi32, #tpu.memory_space<vmem>>) dst(%dma_wait3A_360 : memref<512xi32, #tpu.memory_space<hbm>>)
      tpu.yield
    }) : () -> ()
    %mul3A_335 = arith.constant 512 : i32
    %mul3A_336 = arith.muli %add3A, %mul3A_335 : i32
    %add3A_337 = arith.constant 65536 : i32
    %add3A_338 = arith.addi %add3A_337, %mul3A_336 : i32
    "tpu.region"() ({
      %run_scoped3A = tpu.sem_alloc : memref<!tpu.dma_semaphore, #tpu.memory_space<semaphore_mem>>
      %dma_start3A_351 = arith.constant 2048 : i32
      %dma_start3A_352 = tpu.memref_slice %arg13[%dma_start3A_351] : memref<4096xi32, #tpu.memory_space<vmem>> -> memref<512xi32, #tpu.memory_space<vmem>>
      %dma_start3A_353 = tpu.memref_slice %arg5[%add3A_338] : memref<131072xi32, #tpu.memory_space<hbm>> -> memref<512xi32, #tpu.memory_space<hbm>>
      %dma_start3A_354 = tpu.memref_slice %arg5[%add3A_338] : memref<131072xi32, #tpu.memory_space<hbm>> -> memref<512xi32, #tpu.memory_space<hbm>>
      %dma_start3A_355 = arith.constant 2048 : i32
      %dma_start3A_356 = tpu.memref_slice %arg13[%dma_start3A_355] : memref<4096xi32, #tpu.memory_space<vmem>> -> memref<512xi32, #tpu.memory_space<vmem>>
      tpu.enqueue_dma source(%dma_start3A_356 : memref<512xi32, #tpu.memory_space<vmem>>) target(%dma_start3A_354 : memref<512xi32, #tpu.memory_space<hbm>>) target_semaphore(%run_scoped3A : memref<!tpu.dma_semaphore, #tpu.memory_space<semaphore_mem>>)
      %dma_wait3A_357 = arith.constant 2048 : i32
      %dma_wait3A_358 = tpu.memref_slice %arg13[%dma_wait3A_357] : memref<4096xi32, #tpu.memory_space<vmem>> -> memref<512xi32, #tpu.memory_space<vmem>>
      %dma_wait3A_359 = tpu.memref_slice %arg5[%add3A_338] : memref<131072xi32, #tpu.memory_space<hbm>> -> memref<512xi32, #tpu.memory_space<hbm>>
      %dma_wait3A_360 = tpu.memref_slice %arg5[%add3A_338] : memref<131072xi32, #tpu.memory_space<hbm>> -> memref<512xi32, #tpu.memory_space<hbm>>
      %dma_wait3A_361 = arith.constant 2048 : i32
      %dma_wait3A_362 = tpu.memref_slice %arg13[%dma_wait3A_361] : memref<4096xi32, #tpu.memory_space<vmem>> -> memref<512xi32, #tpu.memory_space<vmem>>
      tpu.wait_dma2 semaphore(%run_scoped3A : memref<!tpu.dma_semaphore, #tpu.memory_space<semaphore_mem>>) src(%dma_wait3A_362 : memref<512xi32, #tpu.memory_space<vmem>>) dst(%dma_wait3A_360 : memref<512xi32, #tpu.memory_space<hbm>>)
      tpu.yield
    }) : () -> ()
    %mul3A_339 = arith.constant 512 : i32
    %mul3A_340 = arith.muli %add3A, %mul3A_339 : i32
    %add3A_341 = arith.constant 81920 : i32
    %add3A_342 = arith.addi %add3A_341, %mul3A_340 : i32
    "tpu.region"() ({
      %run_scoped3A = tpu.sem_alloc : memref<!tpu.dma_semaphore, #tpu.memory_space<semaphore_mem>>
      %dma_start3A_351 = arith.constant 2560 : i32
      %dma_start3A_352 = tpu.memref_slice %arg13[%dma_start3A_351] : memref<4096xi32, #tpu.memory_space<vmem>> -> memref<512xi32, #tpu.memory_space<vmem>>
      %dma_start3A_353 = tpu.memref_slice %arg5[%add3A_342] : memref<131072xi32, #tpu.memory_space<hbm>> -> memref<512xi32, #tpu.memory_space<hbm>>
      %dma_start3A_354 = tpu.memref_slice %arg5[%add3A_342] : memref<131072xi32, #tpu.memory_space<hbm>> -> memref<512xi32, #tpu.memory_space<hbm>>
      %dma_start3A_355 = arith.constant 2560 : i32
      %dma_start3A_356 = tpu.memref_slice %arg13[%dma_start3A_355] : memref<4096xi32, #tpu.memory_space<vmem>> -> memref<512xi32, #tpu.memory_space<vmem>>
      tpu.enqueue_dma source(%dma_start3A_356 : memref<512xi32, #tpu.memory_space<vmem>>) target(%dma_start3A_354 : memref<512xi32, #tpu.memory_space<hbm>>) target_semaphore(%run_scoped3A : memref<!tpu.dma_semaphore, #tpu.memory_space<semaphore_mem>>)
      %dma_wait3A_357 = arith.constant 2560 : i32
      %dma_wait3A_358 = tpu.memref_slice %arg13[%dma_wait3A_357] : memref<4096xi32, #tpu.memory_space<vmem>> -> memref<512xi32, #tpu.memory_space<vmem>>
      %dma_wait3A_359 = tpu.memref_slice %arg5[%add3A_342] : memref<131072xi32, #tpu.memory_space<hbm>> -> memref<512xi32, #tpu.memory_space<hbm>>
      %dma_wait3A_360 = tpu.memref_slice %arg5[%add3A_342] : memref<131072xi32, #tpu.memory_space<hbm>> -> memref<512xi32, #tpu.memory_space<hbm>>
      %dma_wait3A_361 = arith.constant 2560 : i32
      %dma_wait3A_362 = tpu.memref_slice %arg13[%dma_wait3A_361] : memref<4096xi32, #tpu.memory_space<vmem>> -> memref<512xi32, #tpu.memory_space<vmem>>
      tpu.wait_dma2 semaphore(%run_scoped3A : memref<!tpu.dma_semaphore, #tpu.memory_space<semaphore_mem>>) src(%dma_wait3A_362 : memref<512xi32, #tpu.memory_space<vmem>>) dst(%dma_wait3A_360 : memref<512xi32, #tpu.memory_space<hbm>>)
      tpu.yield
    }) : () -> ()
    %mul3A_343 = arith.constant 512 : i32
    %mul3A_344 = arith.muli %add3A, %mul3A_343 : i32
    %add3A_345 = arith.constant 98304 : i32
    %add3A_346 = arith.addi %add3A_345, %mul3A_344 : i32
    "tpu.region"() ({
      %run_scoped3A = tpu.sem_alloc : memref<!tpu.dma_semaphore, #tpu.memory_space<semaphore_mem>>
      %dma_start3A_351 = arith.constant 3072 : i32
      %dma_start3A_352 = tpu.memref_slice %arg13[%dma_start3A_351] : memref<4096xi32, #tpu.memory_space<vmem>> -> memref<512xi32, #tpu.memory_space<vmem>>
      %dma_start3A_353 = tpu.memref_slice %arg5[%add3A_346] : memref<131072xi32, #tpu.memory_space<hbm>> -> memref<512xi32, #tpu.memory_space<hbm>>
      %dma_start3A_354 = tpu.memref_slice %arg5[%add3A_346] : memref<131072xi32, #tpu.memory_space<hbm>> -> memref<512xi32, #tpu.memory_space<hbm>>
      %dma_start3A_355 = arith.constant 3072 : i32
      %dma_start3A_356 = tpu.memref_slice %arg13[%dma_start3A_355] : memref<4096xi32, #tpu.memory_space<vmem>> -> memref<512xi32, #tpu.memory_space<vmem>>
      tpu.enqueue_dma source(%dma_start3A_356 : memref<512xi32, #tpu.memory_space<vmem>>) target(%dma_start3A_354 : memref<512xi32, #tpu.memory_space<hbm>>) target_semaphore(%run_scoped3A : memref<!tpu.dma_semaphore, #tpu.memory_space<semaphore_mem>>)
      %dma_wait3A_357 = arith.constant 3072 : i32
      %dma_wait3A_358 = tpu.memref_slice %arg13[%dma_wait3A_357] : memref<4096xi32, #tpu.memory_space<vmem>> -> memref<512xi32, #tpu.memory_space<vmem>>
      %dma_wait3A_359 = tpu.memref_slice %arg5[%add3A_346] : memref<131072xi32, #tpu.memory_space<hbm>> -> memref<512xi32, #tpu.memory_space<hbm>>
      %dma_wait3A_360 = tpu.memref_slice %arg5[%add3A_346] : memref<131072xi32, #tpu.memory_space<hbm>> -> memref<512xi32, #tpu.memory_space<hbm>>
      %dma_wait3A_361 = arith.constant 3072 : i32
      %dma_wait3A_362 = tpu.memref_slice %arg13[%dma_wait3A_361] : memref<4096xi32, #tpu.memory_space<vmem>> -> memref<512xi32, #tpu.memory_space<vmem>>
      tpu.wait_dma2 semaphore(%run_scoped3A : memref<!tpu.dma_semaphore, #tpu.memory_space<semaphore_mem>>) src(%dma_wait3A_362 : memref<512xi32, #tpu.memory_space<vmem>>) dst(%dma_wait3A_360 : memref<512xi32, #tpu.memory_space<hbm>>)
      tpu.yield
    }) : () -> ()
    %mul3A_347 = arith.constant 512 : i32
    %mul3A_348 = arith.muli %add3A, %mul3A_347 : i32
    %add3A_349 = arith.constant 114688 : i32
    %add3A_350 = arith.addi %add3A_349, %mul3A_348 : i32
    "tpu.region"() ({
      %run_scoped3A = tpu.sem_alloc : memref<!tpu.dma_semaphore, #tpu.memory_space<semaphore_mem>>
      %dma_start3A_351 = arith.constant 3584 : i32
      %dma_start3A_352 = tpu.memref_slice %arg13[%dma_start3A_351] : memref<4096xi32, #tpu.memory_space<vmem>> -> memref<512xi32, #tpu.memory_space<vmem>>
      %dma_start3A_353 = tpu.memref_slice %arg5[%add3A_350] : memref<131072xi32, #tpu.memory_space<hbm>> -> memref<512xi32, #tpu.memory_space<hbm>>
      %dma_start3A_354 = tpu.memref_slice %arg5[%add3A_350] : memref<131072xi32, #tpu.memory_space<hbm>> -> memref<512xi32, #tpu.memory_space<hbm>>
      %dma_start3A_355 = arith.constant 3584 : i32
      %dma_start3A_356 = tpu.memref_slice %arg13[%dma_start3A_355] : memref<4096xi32, #tpu.memory_space<vmem>> -> memref<512xi32, #tpu.memory_space<vmem>>
      tpu.enqueue_dma source(%dma_start3A_356 : memref<512xi32, #tpu.memory_space<vmem>>) target(%dma_start3A_354 : memref<512xi32, #tpu.memory_space<hbm>>) target_semaphore(%run_scoped3A : memref<!tpu.dma_semaphore, #tpu.memory_space<semaphore_mem>>)
      %dma_wait3A_357 = arith.constant 3584 : i32
      %dma_wait3A_358 = tpu.memref_slice %arg13[%dma_wait3A_357] : memref<4096xi32, #tpu.memory_space<vmem>> -> memref<512xi32, #tpu.memory_space<vmem>>
      %dma_wait3A_359 = tpu.memref_slice %arg5[%add3A_350] : memref<131072xi32, #tpu.memory_space<hbm>> -> memref<512xi32, #tpu.memory_space<hbm>>
      %dma_wait3A_360 = tpu.memref_slice %arg5[%add3A_350] : memref<131072xi32, #tpu.memory_space<hbm>> -> memref<512xi32, #tpu.memory_space<hbm>>
      %dma_wait3A_361 = arith.constant 3584 : i32
      %dma_wait3A_362 = tpu.memref_slice %arg13[%dma_wait3A_361] : memref<4096xi32, #tpu.memory_space<vmem>> -> memref<512xi32, #tpu.memory_space<vmem>>
      tpu.wait_dma2 semaphore(%run_scoped3A : memref<!tpu.dma_semaphore, #tpu.memory_space<semaphore_mem>>) src(%dma_wait3A_362 : memref<512xi32, #tpu.memory_space<vmem>>) dst(%dma_wait3A_360 : memref<512xi32, #tpu.memory_space<hbm>>)
      tpu.yield
    }) : () -> ()
    return
  }
}

module attributes {stable_mosaic.version = 14 : i64} {
  func.func @_tc_body(%arg0: i32, %arg1: memref<3x8x8x128xf32, #tpu.memory_space<vmem>>, %arg2: memref<3x64x8x128xf32, #tpu.memory_space<vmem>>, %arg3: memref<128xi32, #tpu.memory_space<smem>>, %arg4: memref<8x8x2x128xi32, #tpu.memory_space<vmem>>, %arg5: memref<3x128x8x128xf32, #tpu.memory_space<vmem>>) attributes {dimension_semantics = [#tpu.dimension_semantics<arbitrary>], iteration_bounds = array<i64: 24>, scalar_prefetch = 0 : i64, scratch_operands = 1 : i64, tpu.core_type = #tpu.core_type<tc>, window_params = [{transform_indices = @transform_0, window_bounds = array<i64: 3, 8, 8, 128>}, {pipeline_mode = #tpu.pipeline_mode<synchronous>, transform_indices = @transform_1, window_bounds = array<i64: 3, 64, 8, 128>}, {transform_indices = @transform_2, window_bounds = array<i64: 128>}, {transform_indices = @transform_3, window_bounds = array<i64: 8, 8, 2, 128>}]} {
    %eq3A = arith.constant 0 : i32
    %eq3A_0 = arith.cmpi eq, %arg0, %eq3A : i32
    %convert_element_type3A = arith.extui %eq3A_0 : i1 to i32
    %cond3A = arith.constant 0 : i32
    %cond3A_1 = arith.cmpi ne, %convert_element_type3A, %cond3A : i32
    scf.if %cond3A_1 {
      %scan3A_264 = arith.constant 0 : i32
      %scan3A_265 = arith.constant 128 : i32
      %scan3A_266 = arith.addi %scan3A_264, %scan3A_265 : i32
      %scan3A_267 = arith.constant 1 : i32
      scf.for %scan3A_269 = %scan3A_264 to %scan3A_266 step %scan3A_267  : i32 {
        %get3A_270 = arith.index_cast %scan3A_269 : i32 to index
        %get3A_271 = memref.load %arg3[%get3A_270] : memref<128xi32, #tpu.memory_space<smem>>
        %shift_right_arithmetic3A = arith.constant 7 : i32
        %shift_right_arithmetic3A_272 = arith.shrsi %get3A_271, %shift_right_arithmetic3A : i32
        %and3A = arith.constant 127 : i32
        %and3A_273 = arith.andi %get3A_271, %and3A : i32
        %iota3A_274 = tpu.iota {dimensions = array<i32: 1>} : vector<8x128xi32>
        %eq3A_275 = vector.broadcast %and3A_273 : i32 to vector<8x128xi32>
        %eq3A_276 = arith.cmpi eq, %iota3A_274, %eq3A_275 : vector<8x128xi32>
        %get3A_277 = arith.constant 0 : index
        %get3A_278 = arith.index_cast %shift_right_arithmetic3A_272 : i32 to index
        %get3A_279 = arith.constant 0 : index
        %get3A_280 = arith.constant 0 : index
        %get3A_281 = vector.load %arg2[%get3A_277, %get3A_278, %get3A_279, %get3A_280] : memref<3x64x8x128xf32, #tpu.memory_space<vmem>>, vector<1x1x8x128xf32>
        %get3A_282 = vector.shape_cast %get3A_281 : vector<1x1x8x128xf32> to vector<8x128xf32>
        %jit3A = arith.constant 0.000000e+00 : f32
        %broadcast_in_dim3A_283 = vector.broadcast %jit3A : f32 to vector<8x128xf32>
        %select_n3A = arith.select %eq3A_276, %get3A_282, %broadcast_in_dim3A_283 : vector<8x128xi1>, vector<8x128xf32>
        %reduce_sum3A = arith.constant dense<0.000000e+00> : vector<8xf32>
        %reduce_sum3A_284 = vector.multi_reduction <add>, %select_n3A, %reduce_sum3A [1] : vector<8x128xf32> to vector<8xf32>
        %broadcast_in_dim3A_285 = vector.shape_cast %reduce_sum3A_284 : vector<8xf32> to vector<8x1xf32>
        %broadcast_in_dim3A_286 = vector.shape_cast %broadcast_in_dim3A_285 : vector<8x1xf32> to vector<8x1xf32>
        %broadcast_in_dim3A_287 = vector.broadcast %broadcast_in_dim3A_286 : vector<8x1xf32> to vector<8x128xf32>
        %swap3A_288 = arith.constant 0 : index
        %swap3A_289 = arith.index_cast %scan3A_269 : i32 to index
        %swap3A_290 = arith.constant 0 : index
        %swap3A_291 = arith.constant 0 : index
        %swap3A_292 = vector.load %arg5[%swap3A_288, %swap3A_289, %swap3A_290, %swap3A_291] : memref<3x128x8x128xf32, #tpu.memory_space<vmem>>, vector<1x1x8x128xf32>
        %swap3A_293 = vector.shape_cast %swap3A_292 : vector<1x1x8x128xf32> to vector<8x128xf32>
        %swap3A_294 = vector.shape_cast %broadcast_in_dim3A_287 : vector<8x128xf32> to vector<1x1x8x128xf32>
        tpu.vector_store %arg5[%swap3A_288, %swap3A_289, %swap3A_290, %swap3A_291], %swap3A_294 {strides = array<i32>} : memref<3x128x8x128xf32, #tpu.memory_space<vmem>>, vector<1x1x8x128xf32>,
        %get3A_295 = arith.constant 1 : index
        %get3A_296 = arith.index_cast %shift_right_arithmetic3A_272 : i32 to index
        %get3A_297 = arith.constant 0 : index
        %get3A_298 = arith.constant 0 : index
        %get3A_299 = vector.load %arg2[%get3A_295, %get3A_296, %get3A_297, %get3A_298] : memref<3x64x8x128xf32, #tpu.memory_space<vmem>>, vector<1x1x8x128xf32>
        %get3A_300 = vector.shape_cast %get3A_299 : vector<1x1x8x128xf32> to vector<8x128xf32>
        %jit3A_301 = arith.constant 0.000000e+00 : f32
        %broadcast_in_dim3A_302 = vector.broadcast %jit3A_301 : f32 to vector<8x128xf32>
        %select_n3A_303 = arith.select %eq3A_276, %get3A_300, %broadcast_in_dim3A_302 : vector<8x128xi1>, vector<8x128xf32>
        %reduce_sum3A_304 = arith.constant dense<0.000000e+00> : vector<8xf32>
        %reduce_sum3A_305 = vector.multi_reduction <add>, %select_n3A_303, %reduce_sum3A_304 [1] : vector<8x128xf32> to vector<8xf32>
        %broadcast_in_dim3A_306 = vector.shape_cast %reduce_sum3A_305 : vector<8xf32> to vector<8x1xf32>
        %broadcast_in_dim3A_307 = vector.shape_cast %broadcast_in_dim3A_306 : vector<8x1xf32> to vector<8x1xf32>
        %broadcast_in_dim3A_308 = vector.broadcast %broadcast_in_dim3A_307 : vector<8x1xf32> to vector<8x128xf32>
        %swap3A_309 = arith.constant 1 : index
        %swap3A_310 = arith.index_cast %scan3A_269 : i32 to index
        %swap3A_311 = arith.constant 0 : index
        %swap3A_312 = arith.constant 0 : index
        %swap3A_313 = vector.load %arg5[%swap3A_309, %swap3A_310, %swap3A_311, %swap3A_312] : memref<3x128x8x128xf32, #tpu.memory_space<vmem>>, vector<1x1x8x128xf32>
        %swap3A_314 = vector.shape_cast %swap3A_313 : vector<1x1x8x128xf32> to vector<8x128xf32>
        %swap3A_315 = vector.shape_cast %broadcast_in_dim3A_308 : vector<8x128xf32> to vector<1x1x8x128xf32>
        tpu.vector_store %arg5[%swap3A_309, %swap3A_310, %swap3A_311, %swap3A_312], %swap3A_315 {strides = array<i32>} : memref<3x128x8x128xf32, #tpu.memory_space<vmem>>, vector<1x1x8x128xf32>,
        %get3A_316 = arith.constant 2 : index
        %get3A_317 = arith.index_cast %shift_right_arithmetic3A_272 : i32 to index
        %get3A_318 = arith.constant 0 : index
        %get3A_319 = arith.constant 0 : index
        %get3A_320 = vector.load %arg2[%get3A_316, %get3A_317, %get3A_318, %get3A_319] : memref<3x64x8x128xf32, #tpu.memory_space<vmem>>, vector<1x1x8x128xf32>
        %get3A_321 = vector.shape_cast %get3A_320 : vector<1x1x8x128xf32> to vector<8x128xf32>
        %jit3A_322 = arith.constant 0.000000e+00 : f32
        %broadcast_in_dim3A_323 = vector.broadcast %jit3A_322 : f32 to vector<8x128xf32>
        %select_n3A_324 = arith.select %eq3A_276, %get3A_321, %broadcast_in_dim3A_323 : vector<8x128xi1>, vector<8x128xf32>
        %reduce_sum3A_325 = arith.constant dense<0.000000e+00> : vector<8xf32>
        %reduce_sum3A_326 = vector.multi_reduction <add>, %select_n3A_324, %reduce_sum3A_325 [1] : vector<8x128xf32> to vector<8xf32>
        %broadcast_in_dim3A_327 = vector.shape_cast %reduce_sum3A_326 : vector<8xf32> to vector<8x1xf32>
        %broadcast_in_dim3A_328 = vector.shape_cast %broadcast_in_dim3A_327 : vector<8x1xf32> to vector<8x1xf32>
        %broadcast_in_dim3A_329 = vector.broadcast %broadcast_in_dim3A_328 : vector<8x1xf32> to vector<8x128xf32>
        %swap3A_330 = arith.constant 2 : index
        %swap3A_331 = arith.index_cast %scan3A_269 : i32 to index
        %swap3A_332 = arith.constant 0 : index
        %swap3A_333 = arith.constant 0 : index
        %swap3A_334 = vector.load %arg5[%swap3A_330, %swap3A_331, %swap3A_332, %swap3A_333] : memref<3x128x8x128xf32, #tpu.memory_space<vmem>>, vector<1x1x8x128xf32>
        %swap3A_335 = vector.shape_cast %swap3A_334 : vector<1x1x8x128xf32> to vector<8x128xf32>
        %swap3A_336 = vector.shape_cast %broadcast_in_dim3A_329 : vector<8x128xf32> to vector<1x1x8x128xf32>
        tpu.vector_store %arg5[%swap3A_330, %swap3A_331, %swap3A_332, %swap3A_333], %swap3A_336 {strides = array<i32>} : memref<3x128x8x128xf32, #tpu.memory_space<vmem>>, vector<1x1x8x128xf32>,
      }
      %scan3A_268 = arith.constant 128 : i32
    } else {
    }
    %get3A = arith.constant 0 : index
    %get3A_2 = arith.constant 0 : index
    %get3A_3 = arith.constant 0 : index
    %get3A_4 = arith.constant 0 : index
    %get3A_5 = vector.load %arg1[%get3A, %get3A_2, %get3A_3, %get3A_4] : memref<3x8x8x128xf32, #tpu.memory_space<vmem>>, vector<1x1x8x128xf32>
    %get3A_6 = vector.shape_cast %get3A_5 : vector<1x1x8x128xf32> to vector<8x128xf32>
    %get3A_7 = arith.constant 0 : index
    %get3A_8 = arith.constant 1 : index
    %get3A_9 = arith.constant 0 : index
    %get3A_10 = arith.constant 0 : index
    %get3A_11 = vector.load %arg1[%get3A_7, %get3A_8, %get3A_9, %get3A_10] : memref<3x8x8x128xf32, #tpu.memory_space<vmem>>, vector<1x1x8x128xf32>
    %get3A_12 = vector.shape_cast %get3A_11 : vector<1x1x8x128xf32> to vector<8x128xf32>
    %get3A_13 = arith.constant 0 : index
    %get3A_14 = arith.constant 2 : index
    %get3A_15 = arith.constant 0 : index
    %get3A_16 = arith.constant 0 : index
    %get3A_17 = vector.load %arg1[%get3A_13, %get3A_14, %get3A_15, %get3A_16] : memref<3x8x8x128xf32, #tpu.memory_space<vmem>>, vector<1x1x8x128xf32>
    %get3A_18 = vector.shape_cast %get3A_17 : vector<1x1x8x128xf32> to vector<8x128xf32>
    %get3A_19 = arith.constant 0 : index
    %get3A_20 = arith.constant 3 : index
    %get3A_21 = arith.constant 0 : index
    %get3A_22 = arith.constant 0 : index
    %get3A_23 = vector.load %arg1[%get3A_19, %get3A_20, %get3A_21, %get3A_22] : memref<3x8x8x128xf32, #tpu.memory_space<vmem>>, vector<1x1x8x128xf32>
    %get3A_24 = vector.shape_cast %get3A_23 : vector<1x1x8x128xf32> to vector<8x128xf32>
    %get3A_25 = arith.constant 0 : index
    %get3A_26 = arith.constant 4 : index
    %get3A_27 = arith.constant 0 : index
    %get3A_28 = arith.constant 0 : index
    %get3A_29 = vector.load %arg1[%get3A_25, %get3A_26, %get3A_27, %get3A_28] : memref<3x8x8x128xf32, #tpu.memory_space<vmem>>, vector<1x1x8x128xf32>
    %get3A_30 = vector.shape_cast %get3A_29 : vector<1x1x8x128xf32> to vector<8x128xf32>
    %get3A_31 = arith.constant 0 : index
    %get3A_32 = arith.constant 5 : index
    %get3A_33 = arith.constant 0 : index
    %get3A_34 = arith.constant 0 : index
    %get3A_35 = vector.load %arg1[%get3A_31, %get3A_32, %get3A_33, %get3A_34] : memref<3x8x8x128xf32, #tpu.memory_space<vmem>>, vector<1x1x8x128xf32>
    %get3A_36 = vector.shape_cast %get3A_35 : vector<1x1x8x128xf32> to vector<8x128xf32>
    %get3A_37 = arith.constant 0 : index
    %get3A_38 = arith.constant 6 : index
    %get3A_39 = arith.constant 0 : index
    %get3A_40 = arith.constant 0 : index
    %get3A_41 = vector.load %arg1[%get3A_37, %get3A_38, %get3A_39, %get3A_40] : memref<3x8x8x128xf32, #tpu.memory_space<vmem>>, vector<1x1x8x128xf32>
    %get3A_42 = vector.shape_cast %get3A_41 : vector<1x1x8x128xf32> to vector<8x128xf32>
    %get3A_43 = arith.constant 0 : index
    %get3A_44 = arith.constant 7 : index
    %get3A_45 = arith.constant 0 : index
    %get3A_46 = arith.constant 0 : index
    %get3A_47 = vector.load %arg1[%get3A_43, %get3A_44, %get3A_45, %get3A_46] : memref<3x8x8x128xf32, #tpu.memory_space<vmem>>, vector<1x1x8x128xf32>
    %get3A_48 = vector.shape_cast %get3A_47 : vector<1x1x8x128xf32> to vector<8x128xf32>
    %get3A_49 = arith.constant 1 : index
    %get3A_50 = arith.constant 0 : index
    %get3A_51 = arith.constant 0 : index
    %get3A_52 = arith.constant 0 : index
    %get3A_53 = vector.load %arg1[%get3A_49, %get3A_50, %get3A_51, %get3A_52] : memref<3x8x8x128xf32, #tpu.memory_space<vmem>>, vector<1x1x8x128xf32>
    %get3A_54 = vector.shape_cast %get3A_53 : vector<1x1x8x128xf32> to vector<8x128xf32>
    %get3A_55 = arith.constant 1 : index
    %get3A_56 = arith.constant 1 : index
    %get3A_57 = arith.constant 0 : index
    %get3A_58 = arith.constant 0 : index
    %get3A_59 = vector.load %arg1[%get3A_55, %get3A_56, %get3A_57, %get3A_58] : memref<3x8x8x128xf32, #tpu.memory_space<vmem>>, vector<1x1x8x128xf32>
    %get3A_60 = vector.shape_cast %get3A_59 : vector<1x1x8x128xf32> to vector<8x128xf32>
    %get3A_61 = arith.constant 1 : index
    %get3A_62 = arith.constant 2 : index
    %get3A_63 = arith.constant 0 : index
    %get3A_64 = arith.constant 0 : index
    %get3A_65 = vector.load %arg1[%get3A_61, %get3A_62, %get3A_63, %get3A_64] : memref<3x8x8x128xf32, #tpu.memory_space<vmem>>, vector<1x1x8x128xf32>
    %get3A_66 = vector.shape_cast %get3A_65 : vector<1x1x8x128xf32> to vector<8x128xf32>
    %get3A_67 = arith.constant 1 : index
    %get3A_68 = arith.constant 3 : index
    %get3A_69 = arith.constant 0 : index
    %get3A_70 = arith.constant 0 : index
    %get3A_71 = vector.load %arg1[%get3A_67, %get3A_68, %get3A_69, %get3A_70] : memref<3x8x8x128xf32, #tpu.memory_space<vmem>>, vector<1x1x8x128xf32>
    %get3A_72 = vector.shape_cast %get3A_71 : vector<1x1x8x128xf32> to vector<8x128xf32>
    %get3A_73 = arith.constant 1 : index
    %get3A_74 = arith.constant 4 : index
    %get3A_75 = arith.constant 0 : index
    %get3A_76 = arith.constant 0 : index
    %get3A_77 = vector.load %arg1[%get3A_73, %get3A_74, %get3A_75, %get3A_76] : memref<3x8x8x128xf32, #tpu.memory_space<vmem>>, vector<1x1x8x128xf32>
    %get3A_78 = vector.shape_cast %get3A_77 : vector<1x1x8x128xf32> to vector<8x128xf32>
    %get3A_79 = arith.constant 1 : index
    %get3A_80 = arith.constant 5 : index
    %get3A_81 = arith.constant 0 : index
    %get3A_82 = arith.constant 0 : index
    %get3A_83 = vector.load %arg1[%get3A_79, %get3A_80, %get3A_81, %get3A_82] : memref<3x8x8x128xf32, #tpu.memory_space<vmem>>, vector<1x1x8x128xf32>
    %get3A_84 = vector.shape_cast %get3A_83 : vector<1x1x8x128xf32> to vector<8x128xf32>
    %get3A_85 = arith.constant 1 : index
    %get3A_86 = arith.constant 6 : index
    %get3A_87 = arith.constant 0 : index
    %get3A_88 = arith.constant 0 : index
    %get3A_89 = vector.load %arg1[%get3A_85, %get3A_86, %get3A_87, %get3A_88] : memref<3x8x8x128xf32, #tpu.memory_space<vmem>>, vector<1x1x8x128xf32>
    %get3A_90 = vector.shape_cast %get3A_89 : vector<1x1x8x128xf32> to vector<8x128xf32>
    %get3A_91 = arith.constant 1 : index
    %get3A_92 = arith.constant 7 : index
    %get3A_93 = arith.constant 0 : index
    %get3A_94 = arith.constant 0 : index
    %get3A_95 = vector.load %arg1[%get3A_91, %get3A_92, %get3A_93, %get3A_94] : memref<3x8x8x128xf32, #tpu.memory_space<vmem>>, vector<1x1x8x128xf32>
    %get3A_96 = vector.shape_cast %get3A_95 : vector<1x1x8x128xf32> to vector<8x128xf32>
    %get3A_97 = arith.constant 2 : index
    %get3A_98 = arith.constant 0 : index
    %get3A_99 = arith.constant 0 : index
    %get3A_100 = arith.constant 0 : index
    %get3A_101 = vector.load %arg1[%get3A_97, %get3A_98, %get3A_99, %get3A_100] : memref<3x8x8x128xf32, #tpu.memory_space<vmem>>, vector<1x1x8x128xf32>
    %get3A_102 = vector.shape_cast %get3A_101 : vector<1x1x8x128xf32> to vector<8x128xf32>
    %get3A_103 = arith.constant 2 : index
    %get3A_104 = arith.constant 1 : index
    %get3A_105 = arith.constant 0 : index
    %get3A_106 = arith.constant 0 : index
    %get3A_107 = vector.load %arg1[%get3A_103, %get3A_104, %get3A_105, %get3A_106] : memref<3x8x8x128xf32, #tpu.memory_space<vmem>>, vector<1x1x8x128xf32>
    %get3A_108 = vector.shape_cast %get3A_107 : vector<1x1x8x128xf32> to vector<8x128xf32>
    %get3A_109 = arith.constant 2 : index
    %get3A_110 = arith.constant 2 : index
    %get3A_111 = arith.constant 0 : index
    %get3A_112 = arith.constant 0 : index
    %get3A_113 = vector.load %arg1[%get3A_109, %get3A_110, %get3A_111, %get3A_112] : memref<3x8x8x128xf32, #tpu.memory_space<vmem>>, vector<1x1x8x128xf32>
    %get3A_114 = vector.shape_cast %get3A_113 : vector<1x1x8x128xf32> to vector<8x128xf32>
    %get3A_115 = arith.constant 2 : index
    %get3A_116 = arith.constant 3 : index
    %get3A_117 = arith.constant 0 : index
    %get3A_118 = arith.constant 0 : index
    %get3A_119 = vector.load %arg1[%get3A_115, %get3A_116, %get3A_117, %get3A_118] : memref<3x8x8x128xf32, #tpu.memory_space<vmem>>, vector<1x1x8x128xf32>
    %get3A_120 = vector.shape_cast %get3A_119 : vector<1x1x8x128xf32> to vector<8x128xf32>
    %get3A_121 = arith.constant 2 : index
    %get3A_122 = arith.constant 4 : index
    %get3A_123 = arith.constant 0 : index
    %get3A_124 = arith.constant 0 : index
    %get3A_125 = vector.load %arg1[%get3A_121, %get3A_122, %get3A_123, %get3A_124] : memref<3x8x8x128xf32, #tpu.memory_space<vmem>>, vector<1x1x8x128xf32>
    %get3A_126 = vector.shape_cast %get3A_125 : vector<1x1x8x128xf32> to vector<8x128xf32>
    %get3A_127 = arith.constant 2 : index
    %get3A_128 = arith.constant 5 : index
    %get3A_129 = arith.constant 0 : index
    %get3A_130 = arith.constant 0 : index
    %get3A_131 = vector.load %arg1[%get3A_127, %get3A_128, %get3A_129, %get3A_130] : memref<3x8x8x128xf32, #tpu.memory_space<vmem>>, vector<1x1x8x128xf32>
    %get3A_132 = vector.shape_cast %get3A_131 : vector<1x1x8x128xf32> to vector<8x128xf32>
    %get3A_133 = arith.constant 2 : index
    %get3A_134 = arith.constant 6 : index
    %get3A_135 = arith.constant 0 : index
    %get3A_136 = arith.constant 0 : index
    %get3A_137 = vector.load %arg1[%get3A_133, %get3A_134, %get3A_135, %get3A_136] : memref<3x8x8x128xf32, #tpu.memory_space<vmem>>, vector<1x1x8x128xf32>
    %get3A_138 = vector.shape_cast %get3A_137 : vector<1x1x8x128xf32> to vector<8x128xf32>
    %get3A_139 = arith.constant 2 : index
    %get3A_140 = arith.constant 7 : index
    %get3A_141 = arith.constant 0 : index
    %get3A_142 = arith.constant 0 : index
    %get3A_143 = vector.load %arg1[%get3A_139, %get3A_140, %get3A_141, %get3A_142] : memref<3x8x8x128xf32, #tpu.memory_space<vmem>>, vector<1x1x8x128xf32>
    %get3A_144 = vector.shape_cast %get3A_143 : vector<1x1x8x128xf32> to vector<8x128xf32>
    %broadcast_in_dim3A = arith.constant 0x7F800000 : f32
    %broadcast_in_dim3A_145 = vector.broadcast %broadcast_in_dim3A : f32 to vector<8x128xf32>
    %broadcast_in_dim3A_146 = arith.constant 0 : i32
    %broadcast_in_dim3A_147 = vector.broadcast %broadcast_in_dim3A_146 : i32 to vector<8x128xi32>
    %scan3A = arith.constant 0 : i32
    %scan3A_148 = arith.constant 128 : i32
    %scan3A_149 = arith.addi %scan3A, %scan3A_148 : i32
    %scan3A_150 = arith.constant 16 : i32
    %scan3A_151:16 = scf.for %scan3A_264 = %scan3A to %scan3A_149 step %scan3A_150 iter_args(%scan3A_265 = %broadcast_in_dim3A_145, %scan3A_266 = %broadcast_in_dim3A_145, %scan3A_267 = %broadcast_in_dim3A_145, %scan3A_268 = %broadcast_in_dim3A_145, %scan3A_269 = %broadcast_in_dim3A_145, %scan3A_270 = %broadcast_in_dim3A_145, %scan3A_271 = %broadcast_in_dim3A_145, %scan3A_272 = %broadcast_in_dim3A_145, %scan3A_273 = %broadcast_in_dim3A_147, %scan3A_274 = %broadcast_in_dim3A_147, %scan3A_275 = %broadcast_in_dim3A_147, %scan3A_276 = %broadcast_in_dim3A_147, %scan3A_277 = %broadcast_in_dim3A_147, %scan3A_278 = %broadcast_in_dim3A_147, %scan3A_279 = %broadcast_in_dim3A_147, %scan3A_280 = %broadcast_in_dim3A_147) -> (vector<8x128xf32>, vector<8x128xf32>, vector<8x128xf32>, vector<8x128xf32>, vector<8x128xf32>, vector<8x128xf32>, vector<8x128xf32>, vector<8x128xf32>, vector<8x128xi32>, vector<8x128xi32>, vector<8x128xi32>, vector<8x128xi32>, vector<8x128xi32>, vector<8x128xi32>, vector<8x128xi32>, vector<8x128xi32>)  : i32 {
      %broadcast_in_dim3A_281 = vector.broadcast %scan3A_264 : i32 to vector<8x128xi32>
      %get3A_282 = arith.constant 0 : index
      %get3A_283 = arith.index_cast %scan3A_264 : i32 to index
      %get3A_284 = arith.constant 0 : index
      %get3A_285 = arith.constant 0 : index
      %get3A_286 = vector.load %arg5[%get3A_282, %get3A_283, %get3A_284, %get3A_285] : memref<3x128x8x128xf32, #tpu.memory_space<vmem>>, vector<1x1x8x128xf32>
      %get3A_287 = vector.shape_cast %get3A_286 : vector<1x1x8x128xf32> to vector<8x128xf32>
      %get3A_288 = arith.constant 1 : index
      %get3A_289 = arith.index_cast %scan3A_264 : i32 to index
      %get3A_290 = arith.constant 0 : index
      %get3A_291 = arith.constant 0 : index
      %get3A_292 = vector.load %arg5[%get3A_288, %get3A_289, %get3A_290, %get3A_291] : memref<3x128x8x128xf32, #tpu.memory_space<vmem>>, vector<1x1x8x128xf32>
      %get3A_293 = vector.shape_cast %get3A_292 : vector<1x1x8x128xf32> to vector<8x128xf32>
      %get3A_294 = arith.constant 2 : index
      %get3A_295 = arith.index_cast %scan3A_264 : i32 to index
      %get3A_296 = arith.constant 0 : index
      %get3A_297 = arith.constant 0 : index
      %get3A_298 = vector.load %arg5[%get3A_294, %get3A_295, %get3A_296, %get3A_297] : memref<3x128x8x128xf32, #tpu.memory_space<vmem>>, vector<1x1x8x128xf32>
      %get3A_299 = vector.shape_cast %get3A_298 : vector<1x1x8x128xf32> to vector<8x128xf32>
      %sub3A = arith.subf %get3A_6, %get3A_287 : vector<8x128xf32>
      %sub3A_300 = arith.subf %get3A_54, %get3A_293 : vector<8x128xf32>
      %sub3A_301 = arith.subf %get3A_102, %get3A_299 : vector<8x128xf32>
      %mul3A = arith.mulf %sub3A, %sub3A : vector<8x128xf32>
      %mul3A_302 = arith.mulf %sub3A_300, %sub3A_300 : vector<8x128xf32>
      %add3A = arith.addf %mul3A, %mul3A_302 : vector<8x128xf32>
      %mul3A_303 = arith.mulf %sub3A_301, %sub3A_301 : vector<8x128xf32>
      %add3A_304 = arith.addf %add3A, %mul3A_303 : vector<8x128xf32>
      %lt3A = arith.cmpf olt, %add3A_304, %scan3A_265 : vector<8x128xf32>
      %select_n3A = arith.select %lt3A, %add3A_304, %scan3A_265 : vector<8x128xi1>, vector<8x128xf32>
      %select_n3A_305 = arith.select %lt3A, %broadcast_in_dim3A_281, %scan3A_273 : vector<8x128xi1>, vector<8x128xi32>
      %sub3A_306 = arith.subf %get3A_12, %get3A_287 : vector<8x128xf32>
      %sub3A_307 = arith.subf %get3A_60, %get3A_293 : vector<8x128xf32>
      %sub3A_308 = arith.subf %get3A_108, %get3A_299 : vector<8x128xf32>
      %mul3A_309 = arith.mulf %sub3A_306, %sub3A_306 : vector<8x128xf32>
      %mul3A_310 = arith.mulf %sub3A_307, %sub3A_307 : vector<8x128xf32>
      %add3A_311 = arith.addf %mul3A_309, %mul3A_310 : vector<8x128xf32>
      %mul3A_312 = arith.mulf %sub3A_308, %sub3A_308 : vector<8x128xf32>
      %add3A_313 = arith.addf %add3A_311, %mul3A_312 : vector<8x128xf32>
      %lt3A_314 = arith.cmpf olt, %add3A_313, %scan3A_266 : vector<8x128xf32>
      %select_n3A_315 = arith.select %lt3A_314, %add3A_313, %scan3A_266 : vector<8x128xi1>, vector<8x128xf32>
      %select_n3A_316 = arith.select %lt3A_314, %broadcast_in_dim3A_281, %scan3A_274 : vector<8x128xi1>, vector<8x128xi32>
      %sub3A_317 = arith.subf %get3A_18, %get3A_287 : vector<8x128xf32>
      %sub3A_318 = arith.subf %get3A_66, %get3A_293 : vector<8x128xf32>
      %sub3A_319 = arith.subf %get3A_114, %get3A_299 : vector<8x128xf32>
      %mul3A_320 = arith.mulf %sub3A_317, %sub3A_317 : vector<8x128xf32>
      %mul3A_321 = arith.mulf %sub3A_318, %sub3A_318 : vector<8x128xf32>
      %add3A_322 = arith.addf %mul3A_320, %mul3A_321 : vector<8x128xf32>
      %mul3A_323 = arith.mulf %sub3A_319, %sub3A_319 : vector<8x128xf32>
      %add3A_324 = arith.addf %add3A_322, %mul3A_323 : vector<8x128xf32>
      %lt3A_325 = arith.cmpf olt, %add3A_324, %scan3A_267 : vector<8x128xf32>
      %select_n3A_326 = arith.select %lt3A_325, %add3A_324, %scan3A_267 : vector<8x128xi1>, vector<8x128xf32>
      %select_n3A_327 = arith.select %lt3A_325, %broadcast_in_dim3A_281, %scan3A_275 : vector<8x128xi1>, vector<8x128xi32>
      %sub3A_328 = arith.subf %get3A_24, %get3A_287 : vector<8x128xf32>
      %sub3A_329 = arith.subf %get3A_72, %get3A_293 : vector<8x128xf32>
      %sub3A_330 = arith.subf %get3A_120, %get3A_299 : vector<8x128xf32>
      %mul3A_331 = arith.mulf %sub3A_328, %sub3A_328 : vector<8x128xf32>
      %mul3A_332 = arith.mulf %sub3A_329, %sub3A_329 : vector<8x128xf32>
      %add3A_333 = arith.addf %mul3A_331, %mul3A_332 : vector<8x128xf32>
      %mul3A_334 = arith.mulf %sub3A_330, %sub3A_330 : vector<8x128xf32>
      %add3A_335 = arith.addf %add3A_333, %mul3A_334 : vector<8x128xf32>
      %lt3A_336 = arith.cmpf olt, %add3A_335, %scan3A_268 : vector<8x128xf32>
      %select_n3A_337 = arith.select %lt3A_336, %add3A_335, %scan3A_268 : vector<8x128xi1>, vector<8x128xf32>
      %select_n3A_338 = arith.select %lt3A_336, %broadcast_in_dim3A_281, %scan3A_276 : vector<8x128xi1>, vector<8x128xi32>
      %sub3A_339 = arith.subf %get3A_30, %get3A_287 : vector<8x128xf32>
      %sub3A_340 = arith.subf %get3A_78, %get3A_293 : vector<8x128xf32>
      %sub3A_341 = arith.subf %get3A_126, %get3A_299 : vector<8x128xf32>
      %mul3A_342 = arith.mulf %sub3A_339, %sub3A_339 : vector<8x128xf32>
      %mul3A_343 = arith.mulf %sub3A_340, %sub3A_340 : vector<8x128xf32>
      %add3A_344 = arith.addf %mul3A_342, %mul3A_343 : vector<8x128xf32>
      %mul3A_345 = arith.mulf %sub3A_341, %sub3A_341 : vector<8x128xf32>
      %add3A_346 = arith.addf %add3A_344, %mul3A_345 : vector<8x128xf32>
      %lt3A_347 = arith.cmpf olt, %add3A_346, %scan3A_269 : vector<8x128xf32>
      %select_n3A_348 = arith.select %lt3A_347, %add3A_346, %scan3A_269 : vector<8x128xi1>, vector<8x128xf32>
      %select_n3A_349 = arith.select %lt3A_347, %broadcast_in_dim3A_281, %scan3A_277 : vector<8x128xi1>, vector<8x128xi32>
      %sub3A_350 = arith.subf %get3A_36, %get3A_287 : vector<8x128xf32>
      %sub3A_351 = arith.subf %get3A_84, %get3A_293 : vector<8x128xf32>
      %sub3A_352 = arith.subf %get3A_132, %get3A_299 : vector<8x128xf32>
      %mul3A_353 = arith.mulf %sub3A_350, %sub3A_350 : vector<8x128xf32>
      %mul3A_354 = arith.mulf %sub3A_351, %sub3A_351 : vector<8x128xf32>
      %add3A_355 = arith.addf %mul3A_353, %mul3A_354 : vector<8x128xf32>
      %mul3A_356 = arith.mulf %sub3A_352, %sub3A_352 : vector<8x128xf32>
      %add3A_357 = arith.addf %add3A_355, %mul3A_356 : vector<8x128xf32>
      %lt3A_358 = arith.cmpf olt, %add3A_357, %scan3A_270 : vector<8x128xf32>
      %select_n3A_359 = arith.select %lt3A_358, %add3A_357, %scan3A_270 : vector<8x128xi1>, vector<8x128xf32>
      %select_n3A_360 = arith.select %lt3A_358, %broadcast_in_dim3A_281, %scan3A_278 : vector<8x128xi1>, vector<8x128xi32>
      %sub3A_361 = arith.subf %get3A_42, %get3A_287 : vector<8x128xf32>
      %sub3A_362 = arith.subf %get3A_90, %get3A_293 : vector<8x128xf32>
      %sub3A_363 = arith.subf %get3A_138, %get3A_299 : vector<8x128xf32>
      %mul3A_364 = arith.mulf %sub3A_361, %sub3A_361 : vector<8x128xf32>
      %mul3A_365 = arith.mulf %sub3A_362, %sub3A_362 : vector<8x128xf32>
      %add3A_366 = arith.addf %mul3A_364, %mul3A_365 : vector<8x128xf32>
      %mul3A_367 = arith.mulf %sub3A_363, %sub3A_363 : vector<8x128xf32>
      %add3A_368 = arith.addf %add3A_366, %mul3A_367 : vector<8x128xf32>
      %lt3A_369 = arith.cmpf olt, %add3A_368, %scan3A_271 : vector<8x128xf32>
      %select_n3A_370 = arith.select %lt3A_369, %add3A_368, %scan3A_271 : vector<8x128xi1>, vector<8x128xf32>
      %select_n3A_371 = arith.select %lt3A_369, %broadcast_in_dim3A_281, %scan3A_279 : vector<8x128xi1>, vector<8x128xi32>
      %sub3A_372 = arith.subf %get3A_48, %get3A_287 : vector<8x128xf32>
      %sub3A_373 = arith.subf %get3A_96, %get3A_293 : vector<8x128xf32>
      %sub3A_374 = arith.subf %get3A_144, %get3A_299 : vector<8x128xf32>
      %mul3A_375 = arith.mulf %sub3A_372, %sub3A_372 : vector<8x128xf32>
      %mul3A_376 = arith.mulf %sub3A_373, %sub3A_373 : vector<8x128xf32>
      %add3A_377 = arith.addf %mul3A_375, %mul3A_376 : vector<8x128xf32>
      %mul3A_378 = arith.mulf %sub3A_374, %sub3A_374 : vector<8x128xf32>
      %add3A_379 = arith.addf %add3A_377, %mul3A_378 : vector<8x128xf32>
      %lt3A_380 = arith.cmpf olt, %add3A_379, %scan3A_272 : vector<8x128xf32>
      %select_n3A_381 = arith.select %lt3A_380, %add3A_379, %scan3A_272 : vector<8x128xi1>, vector<8x128xf32>
      %select_n3A_382 = arith.select %lt3A_380, %broadcast_in_dim3A_281, %scan3A_280 : vector<8x128xi1>, vector<8x128xi32>
      %scan3A_383 = arith.constant 1 : i32
      %scan3A_384 = arith.addi %scan3A_264, %scan3A_383 : i32
      %broadcast_in_dim3A_385 = vector.broadcast %scan3A_384 : i32 to vector<8x128xi32>
      %get3A_386 = arith.constant 0 : index
      %get3A_387 = arith.index_cast %scan3A_384 : i32 to index
      %get3A_388 = arith.constant 0 : index
      %get3A_389 = arith.constant 0 : index
      %get3A_390 = vector.load %arg5[%get3A_386, %get3A_387, %get3A_388, %get3A_389] : memref<3x128x8x128xf32, #tpu.memory_space<vmem>>, vector<1x1x8x128xf32>
      %get3A_391 = vector.shape_cast %get3A_390 : vector<1x1x8x128xf32> to vector<8x128xf32>
      %get3A_392 = arith.constant 1 : index
      %get3A_393 = arith.index_cast %scan3A_384 : i32 to index
      %get3A_394 = arith.constant 0 : index
      %get3A_395 = arith.constant 0 : index
      %get3A_396 = vector.load %arg5[%get3A_392, %get3A_393, %get3A_394, %get3A_395] : memref<3x128x8x128xf32, #tpu.memory_space<vmem>>, vector<1x1x8x128xf32>
      %get3A_397 = vector.shape_cast %get3A_396 : vector<1x1x8x128xf32> to vector<8x128xf32>
      %get3A_398 = arith.constant 2 : index
      %get3A_399 = arith.index_cast %scan3A_384 : i32 to index
      %get3A_400 = arith.constant 0 : index
      %get3A_401 = arith.constant 0 : index
      %get3A_402 = vector.load %arg5[%get3A_398, %get3A_399, %get3A_400, %get3A_401] : memref<3x128x8x128xf32, #tpu.memory_space<vmem>>, vector<1x1x8x128xf32>
      %get3A_403 = vector.shape_cast %get3A_402 : vector<1x1x8x128xf32> to vector<8x128xf32>
      %sub3A_404 = arith.subf %get3A_6, %get3A_391 : vector<8x128xf32>
      %sub3A_405 = arith.subf %get3A_54, %get3A_397 : vector<8x128xf32>
      %sub3A_406 = arith.subf %get3A_102, %get3A_403 : vector<8x128xf32>
      %mul3A_407 = arith.mulf %sub3A_404, %sub3A_404 : vector<8x128xf32>
      %mul3A_408 = arith.mulf %sub3A_405, %sub3A_405 : vector<8x128xf32>
      %add3A_409 = arith.addf %mul3A_407, %mul3A_408 : vector<8x128xf32>
      %mul3A_410 = arith.mulf %sub3A_406, %sub3A_406 : vector<8x128xf32>
      %add3A_411 = arith.addf %add3A_409, %mul3A_410 : vector<8x128xf32>
      %lt3A_412 = arith.cmpf olt, %add3A_411, %select_n3A : vector<8x128xf32>
      %select_n3A_413 = arith.select %lt3A_412, %add3A_411, %select_n3A : vector<8x128xi1>, vector<8x128xf32>
      %select_n3A_414 = arith.select %lt3A_412, %broadcast_in_dim3A_385, %select_n3A_305 : vector<8x128xi1>, vector<8x128xi32>
      %sub3A_415 = arith.subf %get3A_12, %get3A_391 : vector<8x128xf32>
      %sub3A_416 = arith.subf %get3A_60, %get3A_397 : vector<8x128xf32>
      %sub3A_417 = arith.subf %get3A_108, %get3A_403 : vector<8x128xf32>
      %mul3A_418 = arith.mulf %sub3A_415, %sub3A_415 : vector<8x128xf32>
      %mul3A_419 = arith.mulf %sub3A_416, %sub3A_416 : vector<8x128xf32>
      %add3A_420 = arith.addf %mul3A_418, %mul3A_419 : vector<8x128xf32>
      %mul3A_421 = arith.mulf %sub3A_417, %sub3A_417 : vector<8x128xf32>
      %add3A_422 = arith.addf %add3A_420, %mul3A_421 : vector<8x128xf32>
      %lt3A_423 = arith.cmpf olt, %add3A_422, %select_n3A_315 : vector<8x128xf32>
      %select_n3A_424 = arith.select %lt3A_423, %add3A_422, %select_n3A_315 : vector<8x128xi1>, vector<8x128xf32>
      %select_n3A_425 = arith.select %lt3A_423, %broadcast_in_dim3A_385, %select_n3A_316 : vector<8x128xi1>, vector<8x128xi32>
      %sub3A_426 = arith.subf %get3A_18, %get3A_391 : vector<8x128xf32>
      %sub3A_427 = arith.subf %get3A_66, %get3A_397 : vector<8x128xf32>
      %sub3A_428 = arith.subf %get3A_114, %get3A_403 : vector<8x128xf32>
      %mul3A_429 = arith.mulf %sub3A_426, %sub3A_426 : vector<8x128xf32>
      %mul3A_430 = arith.mulf %sub3A_427, %sub3A_427 : vector<8x128xf32>
      %add3A_431 = arith.addf %mul3A_429, %mul3A_430 : vector<8x128xf32>
      %mul3A_432 = arith.mulf %sub3A_428, %sub3A_428 : vector<8x128xf32>
      %add3A_433 = arith.addf %add3A_431, %mul3A_432 : vector<8x128xf32>
      %lt3A_434 = arith.cmpf olt, %add3A_433, %select_n3A_326 : vector<8x128xf32>
      %select_n3A_435 = arith.select %lt3A_434, %add3A_433, %select_n3A_326 : vector<8x128xi1>, vector<8x128xf32>
      %select_n3A_436 = arith.select %lt3A_434, %broadcast_in_dim3A_385, %select_n3A_327 : vector<8x128xi1>, vector<8x128xi32>
      %sub3A_437 = arith.subf %get3A_24, %get3A_391 : vector<8x128xf32>
      %sub3A_438 = arith.subf %get3A_72, %get3A_397 : vector<8x128xf32>
      %sub3A_439 = arith.subf %get3A_120, %get3A_403 : vector<8x128xf32>
      %mul3A_440 = arith.mulf %sub3A_437, %sub3A_437 : vector<8x128xf32>
      %mul3A_441 = arith.mulf %sub3A_438, %sub3A_438 : vector<8x128xf32>
      %add3A_442 = arith.addf %mul3A_440, %mul3A_441 : vector<8x128xf32>
      %mul3A_443 = arith.mulf %sub3A_439, %sub3A_439 : vector<8x128xf32>
      %add3A_444 = arith.addf %add3A_442, %mul3A_443 : vector<8x128xf32>
      %lt3A_445 = arith.cmpf olt, %add3A_444, %select_n3A_337 : vector<8x128xf32>
      %select_n3A_446 = arith.select %lt3A_445, %add3A_444, %select_n3A_337 : vector<8x128xi1>, vector<8x128xf32>
      %select_n3A_447 = arith.select %lt3A_445, %broadcast_in_dim3A_385, %select_n3A_338 : vector<8x128xi1>, vector<8x128xi32>
      %sub3A_448 = arith.subf %get3A_30, %get3A_391 : vector<8x128xf32>
      %sub3A_449 = arith.subf %get3A_78, %get3A_397 : vector<8x128xf32>
      %sub3A_450 = arith.subf %get3A_126, %get3A_403 : vector<8x128xf32>
      %mul3A_451 = arith.mulf %sub3A_448, %sub3A_448 : vector<8x128xf32>
      %mul3A_452 = arith.mulf %sub3A_449, %sub3A_449 : vector<8x128xf32>
      %add3A_453 = arith.addf %mul3A_451, %mul3A_452 : vector<8x128xf32>
      %mul3A_454 = arith.mulf %sub3A_450, %sub3A_450 : vector<8x128xf32>
      %add3A_455 = arith.addf %add3A_453, %mul3A_454 : vector<8x128xf32>
      %lt3A_456 = arith.cmpf olt, %add3A_455, %select_n3A_348 : vector<8x128xf32>
      %select_n3A_457 = arith.select %lt3A_456, %add3A_455, %select_n3A_348 : vector<8x128xi1>, vector<8x128xf32>
      %select_n3A_458 = arith.select %lt3A_456, %broadcast_in_dim3A_385, %select_n3A_349 : vector<8x128xi1>, vector<8x128xi32>
      %sub3A_459 = arith.subf %get3A_36, %get3A_391 : vector<8x128xf32>
      %sub3A_460 = arith.subf %get3A_84, %get3A_397 : vector<8x128xf32>
      %sub3A_461 = arith.subf %get3A_132, %get3A_403 : vector<8x128xf32>
      %mul3A_462 = arith.mulf %sub3A_459, %sub3A_459 : vector<8x128xf32>
      %mul3A_463 = arith.mulf %sub3A_460, %sub3A_460 : vector<8x128xf32>
      %add3A_464 = arith.addf %mul3A_462, %mul3A_463 : vector<8x128xf32>
      %mul3A_465 = arith.mulf %sub3A_461, %sub3A_461 : vector<8x128xf32>
      %add3A_466 = arith.addf %add3A_464, %mul3A_465 : vector<8x128xf32>
      %lt3A_467 = arith.cmpf olt, %add3A_466, %select_n3A_359 : vector<8x128xf32>
      %select_n3A_468 = arith.select %lt3A_467, %add3A_466, %select_n3A_359 : vector<8x128xi1>, vector<8x128xf32>
      %select_n3A_469 = arith.select %lt3A_467, %broadcast_in_dim3A_385, %select_n3A_360 : vector<8x128xi1>, vector<8x128xi32>
      %sub3A_470 = arith.subf %get3A_42, %get3A_391 : vector<8x128xf32>
      %sub3A_471 = arith.subf %get3A_90, %get3A_397 : vector<8x128xf32>
      %sub3A_472 = arith.subf %get3A_138, %get3A_403 : vector<8x128xf32>
      %mul3A_473 = arith.mulf %sub3A_470, %sub3A_470 : vector<8x128xf32>
      %mul3A_474 = arith.mulf %sub3A_471, %sub3A_471 : vector<8x128xf32>
      %add3A_475 = arith.addf %mul3A_473, %mul3A_474 : vector<8x128xf32>
      %mul3A_476 = arith.mulf %sub3A_472, %sub3A_472 : vector<8x128xf32>
      %add3A_477 = arith.addf %add3A_475, %mul3A_476 : vector<8x128xf32>
      %lt3A_478 = arith.cmpf olt, %add3A_477, %select_n3A_370 : vector<8x128xf32>
      %select_n3A_479 = arith.select %lt3A_478, %add3A_477, %select_n3A_370 : vector<8x128xi1>, vector<8x128xf32>
      %select_n3A_480 = arith.select %lt3A_478, %broadcast_in_dim3A_385, %select_n3A_371 : vector<8x128xi1>, vector<8x128xi32>
      %sub3A_481 = arith.subf %get3A_48, %get3A_391 : vector<8x128xf32>
      %sub3A_482 = arith.subf %get3A_96, %get3A_397 : vector<8x128xf32>
      %sub3A_483 = arith.subf %get3A_144, %get3A_403 : vector<8x128xf32>
      %mul3A_484 = arith.mulf %sub3A_481, %sub3A_481 : vector<8x128xf32>
      %mul3A_485 = arith.mulf %sub3A_482, %sub3A_482 : vector<8x128xf32>
      %add3A_486 = arith.addf %mul3A_484, %mul3A_485 : vector<8x128xf32>
      %mul3A_487 = arith.mulf %sub3A_483, %sub3A_483 : vector<8x128xf32>
      %add3A_488 = arith.addf %add3A_486, %mul3A_487 : vector<8x128xf32>
      %lt3A_489 = arith.cmpf olt, %add3A_488, %select_n3A_381 : vector<8x128xf32>
      %select_n3A_490 = arith.select %lt3A_489, %add3A_488, %select_n3A_381 : vector<8x128xi1>, vector<8x128xf32>
      %select_n3A_491 = arith.select %lt3A_489, %broadcast_in_dim3A_385, %select_n3A_382 : vector<8x128xi1>, vector<8x128xi32>
      %scan3A_492 = arith.constant 2 : i32
      %scan3A_493 = arith.addi %scan3A_264, %scan3A_492 : i32
      %broadcast_in_dim3A_494 = vector.broadcast %scan3A_493 : i32 to vector<8x128xi32>
      %get3A_495 = arith.constant 0 : index
      %get3A_496 = arith.index_cast %scan3A_493 : i32 to index
      %get3A_497 = arith.constant 0 : index
      %get3A_498 = arith.constant 0 : index
      %get3A_499 = vector.load %arg5[%get3A_495, %get3A_496, %get3A_497, %get3A_498] : memref<3x128x8x128xf32, #tpu.memory_space<vmem>>, vector<1x1x8x128xf32>
      %get3A_500 = vector.shape_cast %get3A_499 : vector<1x1x8x128xf32> to vector<8x128xf32>
      %get3A_501 = arith.constant 1 : index
      %get3A_502 = arith.index_cast %scan3A_493 : i32 to index
      %get3A_503 = arith.constant 0 : index
      %get3A_504 = arith.constant 0 : index
      %get3A_505 = vector.load %arg5[%get3A_501, %get3A_502, %get3A_503, %get3A_504] : memref<3x128x8x128xf32, #tpu.memory_space<vmem>>, vector<1x1x8x128xf32>
      %get3A_506 = vector.shape_cast %get3A_505 : vector<1x1x8x128xf32> to vector<8x128xf32>
      %get3A_507 = arith.constant 2 : index
      %get3A_508 = arith.index_cast %scan3A_493 : i32 to index
      %get3A_509 = arith.constant 0 : index
      %get3A_510 = arith.constant 0 : index
      %get3A_511 = vector.load %arg5[%get3A_507, %get3A_508, %get3A_509, %get3A_510] : memref<3x128x8x128xf32, #tpu.memory_space<vmem>>, vector<1x1x8x128xf32>
      %get3A_512 = vector.shape_cast %get3A_511 : vector<1x1x8x128xf32> to vector<8x128xf32>
      %sub3A_513 = arith.subf %get3A_6, %get3A_500 : vector<8x128xf32>
      %sub3A_514 = arith.subf %get3A_54, %get3A_506 : vector<8x128xf32>
      %sub3A_515 = arith.subf %get3A_102, %get3A_512 : vector<8x128xf32>
      %mul3A_516 = arith.mulf %sub3A_513, %sub3A_513 : vector<8x128xf32>
      %mul3A_517 = arith.mulf %sub3A_514, %sub3A_514 : vector<8x128xf32>
      %add3A_518 = arith.addf %mul3A_516, %mul3A_517 : vector<8x128xf32>
      %mul3A_519 = arith.mulf %sub3A_515, %sub3A_515 : vector<8x128xf32>
      %add3A_520 = arith.addf %add3A_518, %mul3A_519 : vector<8x128xf32>
      %lt3A_521 = arith.cmpf olt, %add3A_520, %select_n3A_413 : vector<8x128xf32>
      %select_n3A_522 = arith.select %lt3A_521, %add3A_520, %select_n3A_413 : vector<8x128xi1>, vector<8x128xf32>
      %select_n3A_523 = arith.select %lt3A_521, %broadcast_in_dim3A_494, %select_n3A_414 : vector<8x128xi1>, vector<8x128xi32>
      %sub3A_524 = arith.subf %get3A_12, %get3A_500 : vector<8x128xf32>
      %sub3A_525 = arith.subf %get3A_60, %get3A_506 : vector<8x128xf32>
      %sub3A_526 = arith.subf %get3A_108, %get3A_512 : vector<8x128xf32>
      %mul3A_527 = arith.mulf %sub3A_524, %sub3A_524 : vector<8x128xf32>
      %mul3A_528 = arith.mulf %sub3A_525, %sub3A_525 : vector<8x128xf32>
      %add3A_529 = arith.addf %mul3A_527, %mul3A_528 : vector<8x128xf32>
      %mul3A_530 = arith.mulf %sub3A_526, %sub3A_526 : vector<8x128xf32>
      %add3A_531 = arith.addf %add3A_529, %mul3A_530 : vector<8x128xf32>
      %lt3A_532 = arith.cmpf olt, %add3A_531, %select_n3A_424 : vector<8x128xf32>
      %select_n3A_533 = arith.select %lt3A_532, %add3A_531, %select_n3A_424 : vector<8x128xi1>, vector<8x128xf32>
      %select_n3A_534 = arith.select %lt3A_532, %broadcast_in_dim3A_494, %select_n3A_425 : vector<8x128xi1>, vector<8x128xi32>
      %sub3A_535 = arith.subf %get3A_18, %get3A_500 : vector<8x128xf32>
      %sub3A_536 = arith.subf %get3A_66, %get3A_506 : vector<8x128xf32>
      %sub3A_537 = arith.subf %get3A_114, %get3A_512 : vector<8x128xf32>
      %mul3A_538 = arith.mulf %sub3A_535, %sub3A_535 : vector<8x128xf32>
      %mul3A_539 = arith.mulf %sub3A_536, %sub3A_536 : vector<8x128xf32>
      %add3A_540 = arith.addf %mul3A_538, %mul3A_539 : vector<8x128xf32>
      %mul3A_541 = arith.mulf %sub3A_537, %sub3A_537 : vector<8x128xf32>
      %add3A_542 = arith.addf %add3A_540, %mul3A_541 : vector<8x128xf32>
      %lt3A_543 = arith.cmpf olt, %add3A_542, %select_n3A_435 : vector<8x128xf32>
      %select_n3A_544 = arith.select %lt3A_543, %add3A_542, %select_n3A_435 : vector<8x128xi1>, vector<8x128xf32>
      %select_n3A_545 = arith.select %lt3A_543, %broadcast_in_dim3A_494, %select_n3A_436 : vector<8x128xi1>, vector<8x128xi32>
      %sub3A_546 = arith.subf %get3A_24, %get3A_500 : vector<8x128xf32>
      %sub3A_547 = arith.subf %get3A_72, %get3A_506 : vector<8x128xf32>
      %sub3A_548 = arith.subf %get3A_120, %get3A_512 : vector<8x128xf32>
      %mul3A_549 = arith.mulf %sub3A_546, %sub3A_546 : vector<8x128xf32>
      %mul3A_550 = arith.mulf %sub3A_547, %sub3A_547 : vector<8x128xf32>
      %add3A_551 = arith.addf %mul3A_549, %mul3A_550 : vector<8x128xf32>
      %mul3A_552 = arith.mulf %sub3A_548, %sub3A_548 : vector<8x128xf32>
      %add3A_553 = arith.addf %add3A_551, %mul3A_552 : vector<8x128xf32>
      %lt3A_554 = arith.cmpf olt, %add3A_553, %select_n3A_446 : vector<8x128xf32>
      %select_n3A_555 = arith.select %lt3A_554, %add3A_553, %select_n3A_446 : vector<8x128xi1>, vector<8x128xf32>
      %select_n3A_556 = arith.select %lt3A_554, %broadcast_in_dim3A_494, %select_n3A_447 : vector<8x128xi1>, vector<8x128xi32>
      %sub3A_557 = arith.subf %get3A_30, %get3A_500 : vector<8x128xf32>
      %sub3A_558 = arith.subf %get3A_78, %get3A_506 : vector<8x128xf32>
      %sub3A_559 = arith.subf %get3A_126, %get3A_512 : vector<8x128xf32>
      %mul3A_560 = arith.mulf %sub3A_557, %sub3A_557 : vector<8x128xf32>
      %mul3A_561 = arith.mulf %sub3A_558, %sub3A_558 : vector<8x128xf32>
      %add3A_562 = arith.addf %mul3A_560, %mul3A_561 : vector<8x128xf32>
      %mul3A_563 = arith.mulf %sub3A_559, %sub3A_559 : vector<8x128xf32>
      %add3A_564 = arith.addf %add3A_562, %mul3A_563 : vector<8x128xf32>
      %lt3A_565 = arith.cmpf olt, %add3A_564, %select_n3A_457 : vector<8x128xf32>
      %select_n3A_566 = arith.select %lt3A_565, %add3A_564, %select_n3A_457 : vector<8x128xi1>, vector<8x128xf32>
      %select_n3A_567 = arith.select %lt3A_565, %broadcast_in_dim3A_494, %select_n3A_458 : vector<8x128xi1>, vector<8x128xi32>
      %sub3A_568 = arith.subf %get3A_36, %get3A_500 : vector<8x128xf32>
      %sub3A_569 = arith.subf %get3A_84, %get3A_506 : vector<8x128xf32>
      %sub3A_570 = arith.subf %get3A_132, %get3A_512 : vector<8x128xf32>
      %mul3A_571 = arith.mulf %sub3A_568, %sub3A_568 : vector<8x128xf32>
      %mul3A_572 = arith.mulf %sub3A_569, %sub3A_569 : vector<8x128xf32>
      %add3A_573 = arith.addf %mul3A_571, %mul3A_572 : vector<8x128xf32>
      %mul3A_574 = arith.mulf %sub3A_570, %sub3A_570 : vector<8x128xf32>
      %add3A_575 = arith.addf %add3A_573, %mul3A_574 : vector<8x128xf32>
      %lt3A_576 = arith.cmpf olt, %add3A_575, %select_n3A_468 : vector<8x128xf32>
      %select_n3A_577 = arith.select %lt3A_576, %add3A_575, %select_n3A_468 : vector<8x128xi1>, vector<8x128xf32>
      %select_n3A_578 = arith.select %lt3A_576, %broadcast_in_dim3A_494, %select_n3A_469 : vector<8x128xi1>, vector<8x128xi32>
      %sub3A_579 = arith.subf %get3A_42, %get3A_500 : vector<8x128xf32>
      %sub3A_580 = arith.subf %get3A_90, %get3A_506 : vector<8x128xf32>
      %sub3A_581 = arith.subf %get3A_138, %get3A_512 : vector<8x128xf32>
      %mul3A_582 = arith.mulf %sub3A_579, %sub3A_579 : vector<8x128xf32>
      %mul3A_583 = arith.mulf %sub3A_580, %sub3A_580 : vector<8x128xf32>
      %add3A_584 = arith.addf %mul3A_582, %mul3A_583 : vector<8x128xf32>
      %mul3A_585 = arith.mulf %sub3A_581, %sub3A_581 : vector<8x128xf32>
      %add3A_586 = arith.addf %add3A_584, %mul3A_585 : vector<8x128xf32>
      %lt3A_587 = arith.cmpf olt, %add3A_586, %select_n3A_479 : vector<8x128xf32>
      %select_n3A_588 = arith.select %lt3A_587, %add3A_586, %select_n3A_479 : vector<8x128xi1>, vector<8x128xf32>
      %select_n3A_589 = arith.select %lt3A_587, %broadcast_in_dim3A_494, %select_n3A_480 : vector<8x128xi1>, vector<8x128xi32>
      %sub3A_590 = arith.subf %get3A_48, %get3A_500 : vector<8x128xf32>
      %sub3A_591 = arith.subf %get3A_96, %get3A_506 : vector<8x128xf32>
      %sub3A_592 = arith.subf %get3A_144, %get3A_512 : vector<8x128xf32>
      %mul3A_593 = arith.mulf %sub3A_590, %sub3A_590 : vector<8x128xf32>
      %mul3A_594 = arith.mulf %sub3A_591, %sub3A_591 : vector<8x128xf32>
      %add3A_595 = arith.addf %mul3A_593, %mul3A_594 : vector<8x128xf32>
      %mul3A_596 = arith.mulf %sub3A_592, %sub3A_592 : vector<8x128xf32>
      %add3A_597 = arith.addf %add3A_595, %mul3A_596 : vector<8x128xf32>
      %lt3A_598 = arith.cmpf olt, %add3A_597, %select_n3A_490 : vector<8x128xf32>
      %select_n3A_599 = arith.select %lt3A_598, %add3A_597, %select_n3A_490 : vector<8x128xi1>, vector<8x128xf32>
      %select_n3A_600 = arith.select %lt3A_598, %broadcast_in_dim3A_494, %select_n3A_491 : vector<8x128xi1>, vector<8x128xi32>
      %scan3A_601 = arith.constant 3 : i32
      %scan3A_602 = arith.addi %scan3A_264, %scan3A_601 : i32
      %broadcast_in_dim3A_603 = vector.broadcast %scan3A_602 : i32 to vector<8x128xi32>
      %get3A_604 = arith.constant 0 : index
      %get3A_605 = arith.index_cast %scan3A_602 : i32 to index
      %get3A_606 = arith.constant 0 : index
      %get3A_607 = arith.constant 0 : index
      %get3A_608 = vector.load %arg5[%get3A_604, %get3A_605, %get3A_606, %get3A_607] : memref<3x128x8x128xf32, #tpu.memory_space<vmem>>, vector<1x1x8x128xf32>
      %get3A_609 = vector.shape_cast %get3A_608 : vector<1x1x8x128xf32> to vector<8x128xf32>
      %get3A_610 = arith.constant 1 : index
      %get3A_611 = arith.index_cast %scan3A_602 : i32 to index
      %get3A_612 = arith.constant 0 : index
      %get3A_613 = arith.constant 0 : index
      %get3A_614 = vector.load %arg5[%get3A_610, %get3A_611, %get3A_612, %get3A_613] : memref<3x128x8x128xf32, #tpu.memory_space<vmem>>, vector<1x1x8x128xf32>
      %get3A_615 = vector.shape_cast %get3A_614 : vector<1x1x8x128xf32> to vector<8x128xf32>
      %get3A_616 = arith.constant 2 : index
      %get3A_617 = arith.index_cast %scan3A_602 : i32 to index
      %get3A_618 = arith.constant 0 : index
      %get3A_619 = arith.constant 0 : index
      %get3A_620 = vector.load %arg5[%get3A_616, %get3A_617, %get3A_618, %get3A_619] : memref<3x128x8x128xf32, #tpu.memory_space<vmem>>, vector<1x1x8x128xf32>
      %get3A_621 = vector.shape_cast %get3A_620 : vector<1x1x8x128xf32> to vector<8x128xf32>
      %sub3A_622 = arith.subf %get3A_6, %get3A_609 : vector<8x128xf32>
      %sub3A_623 = arith.subf %get3A_54, %get3A_615 : vector<8x128xf32>
      %sub3A_624 = arith.subf %get3A_102, %get3A_621 : vector<8x128xf32>
      %mul3A_625 = arith.mulf %sub3A_622, %sub3A_622 : vector<8x128xf32>
      %mul3A_626 = arith.mulf %sub3A_623, %sub3A_623 : vector<8x128xf32>
      %add3A_627 = arith.addf %mul3A_625, %mul3A_626 : vector<8x128xf32>
      %mul3A_628 = arith.mulf %sub3A_624, %sub3A_624 : vector<8x128xf32>
      %add3A_629 = arith.addf %add3A_627, %mul3A_628 : vector<8x128xf32>
      %lt3A_630 = arith.cmpf olt, %add3A_629, %select_n3A_522 : vector<8x128xf32>
      %select_n3A_631 = arith.select %lt3A_630, %add3A_629, %select_n3A_522 : vector<8x128xi1>, vector<8x128xf32>
      %select_n3A_632 = arith.select %lt3A_630, %broadcast_in_dim3A_603, %select_n3A_523 : vector<8x128xi1>, vector<8x128xi32>
      %sub3A_633 = arith.subf %get3A_12, %get3A_609 : vector<8x128xf32>
      %sub3A_634 = arith.subf %get3A_60, %get3A_615 : vector<8x128xf32>
      %sub3A_635 = arith.subf %get3A_108, %get3A_621 : vector<8x128xf32>
      %mul3A_636 = arith.mulf %sub3A_633, %sub3A_633 : vector<8x128xf32>
      %mul3A_637 = arith.mulf %sub3A_634, %sub3A_634 : vector<8x128xf32>
      %add3A_638 = arith.addf %mul3A_636, %mul3A_637 : vector<8x128xf32>
      %mul3A_639 = arith.mulf %sub3A_635, %sub3A_635 : vector<8x128xf32>
      %add3A_640 = arith.addf %add3A_638, %mul3A_639 : vector<8x128xf32>
      %lt3A_641 = arith.cmpf olt, %add3A_640, %select_n3A_533 : vector<8x128xf32>
      %select_n3A_642 = arith.select %lt3A_641, %add3A_640, %select_n3A_533 : vector<8x128xi1>, vector<8x128xf32>
      %select_n3A_643 = arith.select %lt3A_641, %broadcast_in_dim3A_603, %select_n3A_534 : vector<8x128xi1>, vector<8x128xi32>
      %sub3A_644 = arith.subf %get3A_18, %get3A_609 : vector<8x128xf32>
      %sub3A_645 = arith.subf %get3A_66, %get3A_615 : vector<8x128xf32>
      %sub3A_646 = arith.subf %get3A_114, %get3A_621 : vector<8x128xf32>
      %mul3A_647 = arith.mulf %sub3A_644, %sub3A_644 : vector<8x128xf32>
      %mul3A_648 = arith.mulf %sub3A_645, %sub3A_645 : vector<8x128xf32>
      %add3A_649 = arith.addf %mul3A_647, %mul3A_648 : vector<8x128xf32>
      %mul3A_650 = arith.mulf %sub3A_646, %sub3A_646 : vector<8x128xf32>
      %add3A_651 = arith.addf %add3A_649, %mul3A_650 : vector<8x128xf32>
      %lt3A_652 = arith.cmpf olt, %add3A_651, %select_n3A_544 : vector<8x128xf32>
      %select_n3A_653 = arith.select %lt3A_652, %add3A_651, %select_n3A_544 : vector<8x128xi1>, vector<8x128xf32>
      %select_n3A_654 = arith.select %lt3A_652, %broadcast_in_dim3A_603, %select_n3A_545 : vector<8x128xi1>, vector<8x128xi32>
      %sub3A_655 = arith.subf %get3A_24, %get3A_609 : vector<8x128xf32>
      %sub3A_656 = arith.subf %get3A_72, %get3A_615 : vector<8x128xf32>
      %sub3A_657 = arith.subf %get3A_120, %get3A_621 : vector<8x128xf32>
      %mul3A_658 = arith.mulf %sub3A_655, %sub3A_655 : vector<8x128xf32>
      %mul3A_659 = arith.mulf %sub3A_656, %sub3A_656 : vector<8x128xf32>
      %add3A_660 = arith.addf %mul3A_658, %mul3A_659 : vector<8x128xf32>
      %mul3A_661 = arith.mulf %sub3A_657, %sub3A_657 : vector<8x128xf32>
      %add3A_662 = arith.addf %add3A_660, %mul3A_661 : vector<8x128xf32>
      %lt3A_663 = arith.cmpf olt, %add3A_662, %select_n3A_555 : vector<8x128xf32>
      %select_n3A_664 = arith.select %lt3A_663, %add3A_662, %select_n3A_555 : vector<8x128xi1>, vector<8x128xf32>
      %select_n3A_665 = arith.select %lt3A_663, %broadcast_in_dim3A_603, %select_n3A_556 : vector<8x128xi1>, vector<8x128xi32>
      %sub3A_666 = arith.subf %get3A_30, %get3A_609 : vector<8x128xf32>
      %sub3A_667 = arith.subf %get3A_78, %get3A_615 : vector<8x128xf32>
      %sub3A_668 = arith.subf %get3A_126, %get3A_621 : vector<8x128xf32>
      %mul3A_669 = arith.mulf %sub3A_666, %sub3A_666 : vector<8x128xf32>
      %mul3A_670 = arith.mulf %sub3A_667, %sub3A_667 : vector<8x128xf32>
      %add3A_671 = arith.addf %mul3A_669, %mul3A_670 : vector<8x128xf32>
      %mul3A_672 = arith.mulf %sub3A_668, %sub3A_668 : vector<8x128xf32>
      %add3A_673 = arith.addf %add3A_671, %mul3A_672 : vector<8x128xf32>
      %lt3A_674 = arith.cmpf olt, %add3A_673, %select_n3A_566 : vector<8x128xf32>
      %select_n3A_675 = arith.select %lt3A_674, %add3A_673, %select_n3A_566 : vector<8x128xi1>, vector<8x128xf32>
      %select_n3A_676 = arith.select %lt3A_674, %broadcast_in_dim3A_603, %select_n3A_567 : vector<8x128xi1>, vector<8x128xi32>
      %sub3A_677 = arith.subf %get3A_36, %get3A_609 : vector<8x128xf32>
      %sub3A_678 = arith.subf %get3A_84, %get3A_615 : vector<8x128xf32>
      %sub3A_679 = arith.subf %get3A_132, %get3A_621 : vector<8x128xf32>
      %mul3A_680 = arith.mulf %sub3A_677, %sub3A_677 : vector<8x128xf32>
      %mul3A_681 = arith.mulf %sub3A_678, %sub3A_678 : vector<8x128xf32>
      %add3A_682 = arith.addf %mul3A_680, %mul3A_681 : vector<8x128xf32>
      %mul3A_683 = arith.mulf %sub3A_679, %sub3A_679 : vector<8x128xf32>
      %add3A_684 = arith.addf %add3A_682, %mul3A_683 : vector<8x128xf32>
      %lt3A_685 = arith.cmpf olt, %add3A_684, %select_n3A_577 : vector<8x128xf32>
      %select_n3A_686 = arith.select %lt3A_685, %add3A_684, %select_n3A_577 : vector<8x128xi1>, vector<8x128xf32>
      %select_n3A_687 = arith.select %lt3A_685, %broadcast_in_dim3A_603, %select_n3A_578 : vector<8x128xi1>, vector<8x128xi32>
      %sub3A_688 = arith.subf %get3A_42, %get3A_609 : vector<8x128xf32>
      %sub3A_689 = arith.subf %get3A_90, %get3A_615 : vector<8x128xf32>
      %sub3A_690 = arith.subf %get3A_138, %get3A_621 : vector<8x128xf32>
      %mul3A_691 = arith.mulf %sub3A_688, %sub3A_688 : vector<8x128xf32>
      %mul3A_692 = arith.mulf %sub3A_689, %sub3A_689 : vector<8x128xf32>
      %add3A_693 = arith.addf %mul3A_691, %mul3A_692 : vector<8x128xf32>
      %mul3A_694 = arith.mulf %sub3A_690, %sub3A_690 : vector<8x128xf32>
      %add3A_695 = arith.addf %add3A_693, %mul3A_694 : vector<8x128xf32>
      %lt3A_696 = arith.cmpf olt, %add3A_695, %select_n3A_588 : vector<8x128xf32>
      %select_n3A_697 = arith.select %lt3A_696, %add3A_695, %select_n3A_588 : vector<8x128xi1>, vector<8x128xf32>
      %select_n3A_698 = arith.select %lt3A_696, %broadcast_in_dim3A_603, %select_n3A_589 : vector<8x128xi1>, vector<8x128xi32>
      %sub3A_699 = arith.subf %get3A_48, %get3A_609 : vector<8x128xf32>
      %sub3A_700 = arith.subf %get3A_96, %get3A_615 : vector<8x128xf32>
      %sub3A_701 = arith.subf %get3A_144, %get3A_621 : vector<8x128xf32>
      %mul3A_702 = arith.mulf %sub3A_699, %sub3A_699 : vector<8x128xf32>
      %mul3A_703 = arith.mulf %sub3A_700, %sub3A_700 : vector<8x128xf32>
      %add3A_704 = arith.addf %mul3A_702, %mul3A_703 : vector<8x128xf32>
      %mul3A_705 = arith.mulf %sub3A_701, %sub3A_701 : vector<8x128xf32>
      %add3A_706 = arith.addf %add3A_704, %mul3A_705 : vector<8x128xf32>
      %lt3A_707 = arith.cmpf olt, %add3A_706, %select_n3A_599 : vector<8x128xf32>
      %select_n3A_708 = arith.select %lt3A_707, %add3A_706, %select_n3A_599 : vector<8x128xi1>, vector<8x128xf32>
      %select_n3A_709 = arith.select %lt3A_707, %broadcast_in_dim3A_603, %select_n3A_600 : vector<8x128xi1>, vector<8x128xi32>
      %scan3A_710 = arith.constant 4 : i32
      %scan3A_711 = arith.addi %scan3A_264, %scan3A_710 : i32
      %broadcast_in_dim3A_712 = vector.broadcast %scan3A_711 : i32 to vector<8x128xi32>
      %get3A_713 = arith.constant 0 : index
      %get3A_714 = arith.index_cast %scan3A_711 : i32 to index
      %get3A_715 = arith.constant 0 : index
      %get3A_716 = arith.constant 0 : index
      %get3A_717 = vector.load %arg5[%get3A_713, %get3A_714, %get3A_715, %get3A_716] : memref<3x128x8x128xf32, #tpu.memory_space<vmem>>, vector<1x1x8x128xf32>
      %get3A_718 = vector.shape_cast %get3A_717 : vector<1x1x8x128xf32> to vector<8x128xf32>
      %get3A_719 = arith.constant 1 : index
      %get3A_720 = arith.index_cast %scan3A_711 : i32 to index
      %get3A_721 = arith.constant 0 : index
      %get3A_722 = arith.constant 0 : index
      %get3A_723 = vector.load %arg5[%get3A_719, %get3A_720, %get3A_721, %get3A_722] : memref<3x128x8x128xf32, #tpu.memory_space<vmem>>, vector<1x1x8x128xf32>
      %get3A_724 = vector.shape_cast %get3A_723 : vector<1x1x8x128xf32> to vector<8x128xf32>
      %get3A_725 = arith.constant 2 : index
      %get3A_726 = arith.index_cast %scan3A_711 : i32 to index
      %get3A_727 = arith.constant 0 : index
      %get3A_728 = arith.constant 0 : index
      %get3A_729 = vector.load %arg5[%get3A_725, %get3A_726, %get3A_727, %get3A_728] : memref<3x128x8x128xf32, #tpu.memory_space<vmem>>, vector<1x1x8x128xf32>
      %get3A_730 = vector.shape_cast %get3A_729 : vector<1x1x8x128xf32> to vector<8x128xf32>
      %sub3A_731 = arith.subf %get3A_6, %get3A_718 : vector<8x128xf32>
      %sub3A_732 = arith.subf %get3A_54, %get3A_724 : vector<8x128xf32>
      %sub3A_733 = arith.subf %get3A_102, %get3A_730 : vector<8x128xf32>
      %mul3A_734 = arith.mulf %sub3A_731, %sub3A_731 : vector<8x128xf32>
      %mul3A_735 = arith.mulf %sub3A_732, %sub3A_732 : vector<8x128xf32>
      %add3A_736 = arith.addf %mul3A_734, %mul3A_735 : vector<8x128xf32>
      %mul3A_737 = arith.mulf %sub3A_733, %sub3A_733 : vector<8x128xf32>
      %add3A_738 = arith.addf %add3A_736, %mul3A_737 : vector<8x128xf32>
      %lt3A_739 = arith.cmpf olt, %add3A_738, %select_n3A_631 : vector<8x128xf32>
      %select_n3A_740 = arith.select %lt3A_739, %add3A_738, %select_n3A_631 : vector<8x128xi1>, vector<8x128xf32>
      %select_n3A_741 = arith.select %lt3A_739, %broadcast_in_dim3A_712, %select_n3A_632 : vector<8x128xi1>, vector<8x128xi32>
      %sub3A_742 = arith.subf %get3A_12, %get3A_718 : vector<8x128xf32>
      %sub3A_743 = arith.subf %get3A_60, %get3A_724 : vector<8x128xf32>
      %sub3A_744 = arith.subf %get3A_108, %get3A_730 : vector<8x128xf32>
      %mul3A_745 = arith.mulf %sub3A_742, %sub3A_742 : vector<8x128xf32>
      %mul3A_746 = arith.mulf %sub3A_743, %sub3A_743 : vector<8x128xf32>
      %add3A_747 = arith.addf %mul3A_745, %mul3A_746 : vector<8x128xf32>
      %mul3A_748 = arith.mulf %sub3A_744, %sub3A_744 : vector<8x128xf32>
      %add3A_749 = arith.addf %add3A_747, %mul3A_748 : vector<8x128xf32>
      %lt3A_750 = arith.cmpf olt, %add3A_749, %select_n3A_642 : vector<8x128xf32>
      %select_n3A_751 = arith.select %lt3A_750, %add3A_749, %select_n3A_642 : vector<8x128xi1>, vector<8x128xf32>
      %select_n3A_752 = arith.select %lt3A_750, %broadcast_in_dim3A_712, %select_n3A_643 : vector<8x128xi1>, vector<8x128xi32>
      %sub3A_753 = arith.subf %get3A_18, %get3A_718 : vector<8x128xf32>
      %sub3A_754 = arith.subf %get3A_66, %get3A_724 : vector<8x128xf32>
      %sub3A_755 = arith.subf %get3A_114, %get3A_730 : vector<8x128xf32>
      %mul3A_756 = arith.mulf %sub3A_753, %sub3A_753 : vector<8x128xf32>
      %mul3A_757 = arith.mulf %sub3A_754, %sub3A_754 : vector<8x128xf32>
      %add3A_758 = arith.addf %mul3A_756, %mul3A_757 : vector<8x128xf32>
      %mul3A_759 = arith.mulf %sub3A_755, %sub3A_755 : vector<8x128xf32>
      %add3A_760 = arith.addf %add3A_758, %mul3A_759 : vector<8x128xf32>
      %lt3A_761 = arith.cmpf olt, %add3A_760, %select_n3A_653 : vector<8x128xf32>
      %select_n3A_762 = arith.select %lt3A_761, %add3A_760, %select_n3A_653 : vector<8x128xi1>, vector<8x128xf32>
      %select_n3A_763 = arith.select %lt3A_761, %broadcast_in_dim3A_712, %select_n3A_654 : vector<8x128xi1>, vector<8x128xi32>
      %sub3A_764 = arith.subf %get3A_24, %get3A_718 : vector<8x128xf32>
      %sub3A_765 = arith.subf %get3A_72, %get3A_724 : vector<8x128xf32>
      %sub3A_766 = arith.subf %get3A_120, %get3A_730 : vector<8x128xf32>
      %mul3A_767 = arith.mulf %sub3A_764, %sub3A_764 : vector<8x128xf32>
      %mul3A_768 = arith.mulf %sub3A_765, %sub3A_765 : vector<8x128xf32>
      %add3A_769 = arith.addf %mul3A_767, %mul3A_768 : vector<8x128xf32>
      %mul3A_770 = arith.mulf %sub3A_766, %sub3A_766 : vector<8x128xf32>
      %add3A_771 = arith.addf %add3A_769, %mul3A_770 : vector<8x128xf32>
      %lt3A_772 = arith.cmpf olt, %add3A_771, %select_n3A_664 : vector<8x128xf32>
      %select_n3A_773 = arith.select %lt3A_772, %add3A_771, %select_n3A_664 : vector<8x128xi1>, vector<8x128xf32>
      %select_n3A_774 = arith.select %lt3A_772, %broadcast_in_dim3A_712, %select_n3A_665 : vector<8x128xi1>, vector<8x128xi32>
      %sub3A_775 = arith.subf %get3A_30, %get3A_718 : vector<8x128xf32>
      %sub3A_776 = arith.subf %get3A_78, %get3A_724 : vector<8x128xf32>
      %sub3A_777 = arith.subf %get3A_126, %get3A_730 : vector<8x128xf32>
      %mul3A_778 = arith.mulf %sub3A_775, %sub3A_775 : vector<8x128xf32>
      %mul3A_779 = arith.mulf %sub3A_776, %sub3A_776 : vector<8x128xf32>
      %add3A_780 = arith.addf %mul3A_778, %mul3A_779 : vector<8x128xf32>
      %mul3A_781 = arith.mulf %sub3A_777, %sub3A_777 : vector<8x128xf32>
      %add3A_782 = arith.addf %add3A_780, %mul3A_781 : vector<8x128xf32>
      %lt3A_783 = arith.cmpf olt, %add3A_782, %select_n3A_675 : vector<8x128xf32>
      %select_n3A_784 = arith.select %lt3A_783, %add3A_782, %select_n3A_675 : vector<8x128xi1>, vector<8x128xf32>
      %select_n3A_785 = arith.select %lt3A_783, %broadcast_in_dim3A_712, %select_n3A_676 : vector<8x128xi1>, vector<8x128xi32>
      %sub3A_786 = arith.subf %get3A_36, %get3A_718 : vector<8x128xf32>
      %sub3A_787 = arith.subf %get3A_84, %get3A_724 : vector<8x128xf32>
      %sub3A_788 = arith.subf %get3A_132, %get3A_730 : vector<8x128xf32>
      %mul3A_789 = arith.mulf %sub3A_786, %sub3A_786 : vector<8x128xf32>
      %mul3A_790 = arith.mulf %sub3A_787, %sub3A_787 : vector<8x128xf32>
      %add3A_791 = arith.addf %mul3A_789, %mul3A_790 : vector<8x128xf32>
      %mul3A_792 = arith.mulf %sub3A_788, %sub3A_788 : vector<8x128xf32>
      %add3A_793 = arith.addf %add3A_791, %mul3A_792 : vector<8x128xf32>
      %lt3A_794 = arith.cmpf olt, %add3A_793, %select_n3A_686 : vector<8x128xf32>
      %select_n3A_795 = arith.select %lt3A_794, %add3A_793, %select_n3A_686 : vector<8x128xi1>, vector<8x128xf32>
      %select_n3A_796 = arith.select %lt3A_794, %broadcast_in_dim3A_712, %select_n3A_687 : vector<8x128xi1>, vector<8x128xi32>
      %sub3A_797 = arith.subf %get3A_42, %get3A_718 : vector<8x128xf32>
      %sub3A_798 = arith.subf %get3A_90, %get3A_724 : vector<8x128xf32>
      %sub3A_799 = arith.subf %get3A_138, %get3A_730 : vector<8x128xf32>
      %mul3A_800 = arith.mulf %sub3A_797, %sub3A_797 : vector<8x128xf32>
      %mul3A_801 = arith.mulf %sub3A_798, %sub3A_798 : vector<8x128xf32>
      %add3A_802 = arith.addf %mul3A_800, %mul3A_801 : vector<8x128xf32>
      %mul3A_803 = arith.mulf %sub3A_799, %sub3A_799 : vector<8x128xf32>
      %add3A_804 = arith.addf %add3A_802, %mul3A_803 : vector<8x128xf32>
      %lt3A_805 = arith.cmpf olt, %add3A_804, %select_n3A_697 : vector<8x128xf32>
      %select_n3A_806 = arith.select %lt3A_805, %add3A_804, %select_n3A_697 : vector<8x128xi1>, vector<8x128xf32>
      %select_n3A_807 = arith.select %lt3A_805, %broadcast_in_dim3A_712, %select_n3A_698 : vector<8x128xi1>, vector<8x128xi32>
      %sub3A_808 = arith.subf %get3A_48, %get3A_718 : vector<8x128xf32>
      %sub3A_809 = arith.subf %get3A_96, %get3A_724 : vector<8x128xf32>
      %sub3A_810 = arith.subf %get3A_144, %get3A_730 : vector<8x128xf32>
      %mul3A_811 = arith.mulf %sub3A_808, %sub3A_808 : vector<8x128xf32>
      %mul3A_812 = arith.mulf %sub3A_809, %sub3A_809 : vector<8x128xf32>
      %add3A_813 = arith.addf %mul3A_811, %mul3A_812 : vector<8x128xf32>
      %mul3A_814 = arith.mulf %sub3A_810, %sub3A_810 : vector<8x128xf32>
      %add3A_815 = arith.addf %add3A_813, %mul3A_814 : vector<8x128xf32>
      %lt3A_816 = arith.cmpf olt, %add3A_815, %select_n3A_708 : vector<8x128xf32>
      %select_n3A_817 = arith.select %lt3A_816, %add3A_815, %select_n3A_708 : vector<8x128xi1>, vector<8x128xf32>
      %select_n3A_818 = arith.select %lt3A_816, %broadcast_in_dim3A_712, %select_n3A_709 : vector<8x128xi1>, vector<8x128xi32>
      %scan3A_819 = arith.constant 5 : i32
      %scan3A_820 = arith.addi %scan3A_264, %scan3A_819 : i32
      %broadcast_in_dim3A_821 = vector.broadcast %scan3A_820 : i32 to vector<8x128xi32>
      %get3A_822 = arith.constant 0 : index
      %get3A_823 = arith.index_cast %scan3A_820 : i32 to index
      %get3A_824 = arith.constant 0 : index
      %get3A_825 = arith.constant 0 : index
      %get3A_826 = vector.load %arg5[%get3A_822, %get3A_823, %get3A_824, %get3A_825] : memref<3x128x8x128xf32, #tpu.memory_space<vmem>>, vector<1x1x8x128xf32>
      %get3A_827 = vector.shape_cast %get3A_826 : vector<1x1x8x128xf32> to vector<8x128xf32>
      %get3A_828 = arith.constant 1 : index
      %get3A_829 = arith.index_cast %scan3A_820 : i32 to index
      %get3A_830 = arith.constant 0 : index
      %get3A_831 = arith.constant 0 : index
      %get3A_832 = vector.load %arg5[%get3A_828, %get3A_829, %get3A_830, %get3A_831] : memref<3x128x8x128xf32, #tpu.memory_space<vmem>>, vector<1x1x8x128xf32>
      %get3A_833 = vector.shape_cast %get3A_832 : vector<1x1x8x128xf32> to vector<8x128xf32>
      %get3A_834 = arith.constant 2 : index
      %get3A_835 = arith.index_cast %scan3A_820 : i32 to index
      %get3A_836 = arith.constant 0 : index
      %get3A_837 = arith.constant 0 : index
      %get3A_838 = vector.load %arg5[%get3A_834, %get3A_835, %get3A_836, %get3A_837] : memref<3x128x8x128xf32, #tpu.memory_space<vmem>>, vector<1x1x8x128xf32>
      %get3A_839 = vector.shape_cast %get3A_838 : vector<1x1x8x128xf32> to vector<8x128xf32>
      %sub3A_840 = arith.subf %get3A_6, %get3A_827 : vector<8x128xf32>
      %sub3A_841 = arith.subf %get3A_54, %get3A_833 : vector<8x128xf32>
      %sub3A_842 = arith.subf %get3A_102, %get3A_839 : vector<8x128xf32>
      %mul3A_843 = arith.mulf %sub3A_840, %sub3A_840 : vector<8x128xf32>
      %mul3A_844 = arith.mulf %sub3A_841, %sub3A_841 : vector<8x128xf32>
      %add3A_845 = arith.addf %mul3A_843, %mul3A_844 : vector<8x128xf32>
      %mul3A_846 = arith.mulf %sub3A_842, %sub3A_842 : vector<8x128xf32>
      %add3A_847 = arith.addf %add3A_845, %mul3A_846 : vector<8x128xf32>
      %lt3A_848 = arith.cmpf olt, %add3A_847, %select_n3A_740 : vector<8x128xf32>
      %select_n3A_849 = arith.select %lt3A_848, %add3A_847, %select_n3A_740 : vector<8x128xi1>, vector<8x128xf32>
      %select_n3A_850 = arith.select %lt3A_848, %broadcast_in_dim3A_821, %select_n3A_741 : vector<8x128xi1>, vector<8x128xi32>
      %sub3A_851 = arith.subf %get3A_12, %get3A_827 : vector<8x128xf32>
      %sub3A_852 = arith.subf %get3A_60, %get3A_833 : vector<8x128xf32>
      %sub3A_853 = arith.subf %get3A_108, %get3A_839 : vector<8x128xf32>
      %mul3A_854 = arith.mulf %sub3A_851, %sub3A_851 : vector<8x128xf32>
      %mul3A_855 = arith.mulf %sub3A_852, %sub3A_852 : vector<8x128xf32>
      %add3A_856 = arith.addf %mul3A_854, %mul3A_855 : vector<8x128xf32>
      %mul3A_857 = arith.mulf %sub3A_853, %sub3A_853 : vector<8x128xf32>
      %add3A_858 = arith.addf %add3A_856, %mul3A_857 : vector<8x128xf32>
      %lt3A_859 = arith.cmpf olt, %add3A_858, %select_n3A_751 : vector<8x128xf32>
      %select_n3A_860 = arith.select %lt3A_859, %add3A_858, %select_n3A_751 : vector<8x128xi1>, vector<8x128xf32>
      %select_n3A_861 = arith.select %lt3A_859, %broadcast_in_dim3A_821, %select_n3A_752 : vector<8x128xi1>, vector<8x128xi32>
      %sub3A_862 = arith.subf %get3A_18, %get3A_827 : vector<8x128xf32>
      %sub3A_863 = arith.subf %get3A_66, %get3A_833 : vector<8x128xf32>
      %sub3A_864 = arith.subf %get3A_114, %get3A_839 : vector<8x128xf32>
      %mul3A_865 = arith.mulf %sub3A_862, %sub3A_862 : vector<8x128xf32>
      %mul3A_866 = arith.mulf %sub3A_863, %sub3A_863 : vector<8x128xf32>
      %add3A_867 = arith.addf %mul3A_865, %mul3A_866 : vector<8x128xf32>
      %mul3A_868 = arith.mulf %sub3A_864, %sub3A_864 : vector<8x128xf32>
      %add3A_869 = arith.addf %add3A_867, %mul3A_868 : vector<8x128xf32>
      %lt3A_870 = arith.cmpf olt, %add3A_869, %select_n3A_762 : vector<8x128xf32>
      %select_n3A_871 = arith.select %lt3A_870, %add3A_869, %select_n3A_762 : vector<8x128xi1>, vector<8x128xf32>
      %select_n3A_872 = arith.select %lt3A_870, %broadcast_in_dim3A_821, %select_n3A_763 : vector<8x128xi1>, vector<8x128xi32>
      %sub3A_873 = arith.subf %get3A_24, %get3A_827 : vector<8x128xf32>
      %sub3A_874 = arith.subf %get3A_72, %get3A_833 : vector<8x128xf32>
      %sub3A_875 = arith.subf %get3A_120, %get3A_839 : vector<8x128xf32>
      %mul3A_876 = arith.mulf %sub3A_873, %sub3A_873 : vector<8x128xf32>
      %mul3A_877 = arith.mulf %sub3A_874, %sub3A_874 : vector<8x128xf32>
      %add3A_878 = arith.addf %mul3A_876, %mul3A_877 : vector<8x128xf32>
      %mul3A_879 = arith.mulf %sub3A_875, %sub3A_875 : vector<8x128xf32>
      %add3A_880 = arith.addf %add3A_878, %mul3A_879 : vector<8x128xf32>
      %lt3A_881 = arith.cmpf olt, %add3A_880, %select_n3A_773 : vector<8x128xf32>
      %select_n3A_882 = arith.select %lt3A_881, %add3A_880, %select_n3A_773 : vector<8x128xi1>, vector<8x128xf32>
      %select_n3A_883 = arith.select %lt3A_881, %broadcast_in_dim3A_821, %select_n3A_774 : vector<8x128xi1>, vector<8x128xi32>
      %sub3A_884 = arith.subf %get3A_30, %get3A_827 : vector<8x128xf32>
      %sub3A_885 = arith.subf %get3A_78, %get3A_833 : vector<8x128xf32>
      %sub3A_886 = arith.subf %get3A_126, %get3A_839 : vector<8x128xf32>
      %mul3A_887 = arith.mulf %sub3A_884, %sub3A_884 : vector<8x128xf32>
      %mul3A_888 = arith.mulf %sub3A_885, %sub3A_885 : vector<8x128xf32>
      %add3A_889 = arith.addf %mul3A_887, %mul3A_888 : vector<8x128xf32>
      %mul3A_890 = arith.mulf %sub3A_886, %sub3A_886 : vector<8x128xf32>
      %add3A_891 = arith.addf %add3A_889, %mul3A_890 : vector<8x128xf32>
      %lt3A_892 = arith.cmpf olt, %add3A_891, %select_n3A_784 : vector<8x128xf32>
      %select_n3A_893 = arith.select %lt3A_892, %add3A_891, %select_n3A_784 : vector<8x128xi1>, vector<8x128xf32>
      %select_n3A_894 = arith.select %lt3A_892, %broadcast_in_dim3A_821, %select_n3A_785 : vector<8x128xi1>, vector<8x128xi32>
      %sub3A_895 = arith.subf %get3A_36, %get3A_827 : vector<8x128xf32>
      %sub3A_896 = arith.subf %get3A_84, %get3A_833 : vector<8x128xf32>
      %sub3A_897 = arith.subf %get3A_132, %get3A_839 : vector<8x128xf32>
      %mul3A_898 = arith.mulf %sub3A_895, %sub3A_895 : vector<8x128xf32>
      %mul3A_899 = arith.mulf %sub3A_896, %sub3A_896 : vector<8x128xf32>
      %add3A_900 = arith.addf %mul3A_898, %mul3A_899 : vector<8x128xf32>
      %mul3A_901 = arith.mulf %sub3A_897, %sub3A_897 : vector<8x128xf32>
      %add3A_902 = arith.addf %add3A_900, %mul3A_901 : vector<8x128xf32>
      %lt3A_903 = arith.cmpf olt, %add3A_902, %select_n3A_795 : vector<8x128xf32>
      %select_n3A_904 = arith.select %lt3A_903, %add3A_902, %select_n3A_795 : vector<8x128xi1>, vector<8x128xf32>
      %select_n3A_905 = arith.select %lt3A_903, %broadcast_in_dim3A_821, %select_n3A_796 : vector<8x128xi1>, vector<8x128xi32>
      %sub3A_906 = arith.subf %get3A_42, %get3A_827 : vector<8x128xf32>
      %sub3A_907 = arith.subf %get3A_90, %get3A_833 : vector<8x128xf32>
      %sub3A_908 = arith.subf %get3A_138, %get3A_839 : vector<8x128xf32>
      %mul3A_909 = arith.mulf %sub3A_906, %sub3A_906 : vector<8x128xf32>
      %mul3A_910 = arith.mulf %sub3A_907, %sub3A_907 : vector<8x128xf32>
      %add3A_911 = arith.addf %mul3A_909, %mul3A_910 : vector<8x128xf32>
      %mul3A_912 = arith.mulf %sub3A_908, %sub3A_908 : vector<8x128xf32>
      %add3A_913 = arith.addf %add3A_911, %mul3A_912 : vector<8x128xf32>
      %lt3A_914 = arith.cmpf olt, %add3A_913, %select_n3A_806 : vector<8x128xf32>
      %select_n3A_915 = arith.select %lt3A_914, %add3A_913, %select_n3A_806 : vector<8x128xi1>, vector<8x128xf32>
      %select_n3A_916 = arith.select %lt3A_914, %broadcast_in_dim3A_821, %select_n3A_807 : vector<8x128xi1>, vector<8x128xi32>
      %sub3A_917 = arith.subf %get3A_48, %get3A_827 : vector<8x128xf32>
      %sub3A_918 = arith.subf %get3A_96, %get3A_833 : vector<8x128xf32>
      %sub3A_919 = arith.subf %get3A_144, %get3A_839 : vector<8x128xf32>
      %mul3A_920 = arith.mulf %sub3A_917, %sub3A_917 : vector<8x128xf32>
      %mul3A_921 = arith.mulf %sub3A_918, %sub3A_918 : vector<8x128xf32>
      %add3A_922 = arith.addf %mul3A_920, %mul3A_921 : vector<8x128xf32>
      %mul3A_923 = arith.mulf %sub3A_919, %sub3A_919 : vector<8x128xf32>
      %add3A_924 = arith.addf %add3A_922, %mul3A_923 : vector<8x128xf32>
      %lt3A_925 = arith.cmpf olt, %add3A_924, %select_n3A_817 : vector<8x128xf32>
      %select_n3A_926 = arith.select %lt3A_925, %add3A_924, %select_n3A_817 : vector<8x128xi1>, vector<8x128xf32>
      %select_n3A_927 = arith.select %lt3A_925, %broadcast_in_dim3A_821, %select_n3A_818 : vector<8x128xi1>, vector<8x128xi32>
      %scan3A_928 = arith.constant 6 : i32
      %scan3A_929 = arith.addi %scan3A_264, %scan3A_928 : i32
      %broadcast_in_dim3A_930 = vector.broadcast %scan3A_929 : i32 to vector<8x128xi32>
      %get3A_931 = arith.constant 0 : index
      %get3A_932 = arith.index_cast %scan3A_929 : i32 to index
      %get3A_933 = arith.constant 0 : index
      %get3A_934 = arith.constant 0 : index
      %get3A_935 = vector.load %arg5[%get3A_931, %get3A_932, %get3A_933, %get3A_934] : memref<3x128x8x128xf32, #tpu.memory_space<vmem>>, vector<1x1x8x128xf32>
      %get3A_936 = vector.shape_cast %get3A_935 : vector<1x1x8x128xf32> to vector<8x128xf32>
      %get3A_937 = arith.constant 1 : index
      %get3A_938 = arith.index_cast %scan3A_929 : i32 to index
      %get3A_939 = arith.constant 0 : index
      %get3A_940 = arith.constant 0 : index
      %get3A_941 = vector.load %arg5[%get3A_937, %get3A_938, %get3A_939, %get3A_940] : memref<3x128x8x128xf32, #tpu.memory_space<vmem>>, vector<1x1x8x128xf32>
      %get3A_942 = vector.shape_cast %get3A_941 : vector<1x1x8x128xf32> to vector<8x128xf32>
      %get3A_943 = arith.constant 2 : index
      %get3A_944 = arith.index_cast %scan3A_929 : i32 to index
      %get3A_945 = arith.constant 0 : index
      %get3A_946 = arith.constant 0 : index
      %get3A_947 = vector.load %arg5[%get3A_943, %get3A_944, %get3A_945, %get3A_946] : memref<3x128x8x128xf32, #tpu.memory_space<vmem>>, vector<1x1x8x128xf32>
      %get3A_948 = vector.shape_cast %get3A_947 : vector<1x1x8x128xf32> to vector<8x128xf32>
      %sub3A_949 = arith.subf %get3A_6, %get3A_936 : vector<8x128xf32>
      %sub3A_950 = arith.subf %get3A_54, %get3A_942 : vector<8x128xf32>
      %sub3A_951 = arith.subf %get3A_102, %get3A_948 : vector<8x128xf32>
      %mul3A_952 = arith.mulf %sub3A_949, %sub3A_949 : vector<8x128xf32>
      %mul3A_953 = arith.mulf %sub3A_950, %sub3A_950 : vector<8x128xf32>
      %add3A_954 = arith.addf %mul3A_952, %mul3A_953 : vector<8x128xf32>
      %mul3A_955 = arith.mulf %sub3A_951, %sub3A_951 : vector<8x128xf32>
      %add3A_956 = arith.addf %add3A_954, %mul3A_955 : vector<8x128xf32>
      %lt3A_957 = arith.cmpf olt, %add3A_956, %select_n3A_849 : vector<8x128xf32>
      %select_n3A_958 = arith.select %lt3A_957, %add3A_956, %select_n3A_849 : vector<8x128xi1>, vector<8x128xf32>
      %select_n3A_959 = arith.select %lt3A_957, %broadcast_in_dim3A_930, %select_n3A_850 : vector<8x128xi1>, vector<8x128xi32>
      %sub3A_960 = arith.subf %get3A_12, %get3A_936 : vector<8x128xf32>
      %sub3A_961 = arith.subf %get3A_60, %get3A_942 : vector<8x128xf32>
      %sub3A_962 = arith.subf %get3A_108, %get3A_948 : vector<8x128xf32>
      %mul3A_963 = arith.mulf %sub3A_960, %sub3A_960 : vector<8x128xf32>
      %mul3A_964 = arith.mulf %sub3A_961, %sub3A_961 : vector<8x128xf32>
      %add3A_965 = arith.addf %mul3A_963, %mul3A_964 : vector<8x128xf32>
      %mul3A_966 = arith.mulf %sub3A_962, %sub3A_962 : vector<8x128xf32>
      %add3A_967 = arith.addf %add3A_965, %mul3A_966 : vector<8x128xf32>
      %lt3A_968 = arith.cmpf olt, %add3A_967, %select_n3A_860 : vector<8x128xf32>
      %select_n3A_969 = arith.select %lt3A_968, %add3A_967, %select_n3A_860 : vector<8x128xi1>, vector<8x128xf32>
      %select_n3A_970 = arith.select %lt3A_968, %broadcast_in_dim3A_930, %select_n3A_861 : vector<8x128xi1>, vector<8x128xi32>
      %sub3A_971 = arith.subf %get3A_18, %get3A_936 : vector<8x128xf32>
      %sub3A_972 = arith.subf %get3A_66, %get3A_942 : vector<8x128xf32>
      %sub3A_973 = arith.subf %get3A_114, %get3A_948 : vector<8x128xf32>
      %mul3A_974 = arith.mulf %sub3A_971, %sub3A_971 : vector<8x128xf32>
      %mul3A_975 = arith.mulf %sub3A_972, %sub3A_972 : vector<8x128xf32>
      %add3A_976 = arith.addf %mul3A_974, %mul3A_975 : vector<8x128xf32>
      %mul3A_977 = arith.mulf %sub3A_973, %sub3A_973 : vector<8x128xf32>
      %add3A_978 = arith.addf %add3A_976, %mul3A_977 : vector<8x128xf32>
      %lt3A_979 = arith.cmpf olt, %add3A_978, %select_n3A_871 : vector<8x128xf32>
      %select_n3A_980 = arith.select %lt3A_979, %add3A_978, %select_n3A_871 : vector<8x128xi1>, vector<8x128xf32>
      %select_n3A_981 = arith.select %lt3A_979, %broadcast_in_dim3A_930, %select_n3A_872 : vector<8x128xi1>, vector<8x128xi32>
      %sub3A_982 = arith.subf %get3A_24, %get3A_936 : vector<8x128xf32>
      %sub3A_983 = arith.subf %get3A_72, %get3A_942 : vector<8x128xf32>
      %sub3A_984 = arith.subf %get3A_120, %get3A_948 : vector<8x128xf32>
      %mul3A_985 = arith.mulf %sub3A_982, %sub3A_982 : vector<8x128xf32>
      %mul3A_986 = arith.mulf %sub3A_983, %sub3A_983 : vector<8x128xf32>
      %add3A_987 = arith.addf %mul3A_985, %mul3A_986 : vector<8x128xf32>
      %mul3A_988 = arith.mulf %sub3A_984, %sub3A_984 : vector<8x128xf32>
      %add3A_989 = arith.addf %add3A_987, %mul3A_988 : vector<8x128xf32>
      %lt3A_990 = arith.cmpf olt, %add3A_989, %select_n3A_882 : vector<8x128xf32>
      %select_n3A_991 = arith.select %lt3A_990, %add3A_989, %select_n3A_882 : vector<8x128xi1>, vector<8x128xf32>
      %select_n3A_992 = arith.select %lt3A_990, %broadcast_in_dim3A_930, %select_n3A_883 : vector<8x128xi1>, vector<8x128xi32>
      %sub3A_993 = arith.subf %get3A_30, %get3A_936 : vector<8x128xf32>
      %sub3A_994 = arith.subf %get3A_78, %get3A_942 : vector<8x128xf32>
      %sub3A_995 = arith.subf %get3A_126, %get3A_948 : vector<8x128xf32>
      %mul3A_996 = arith.mulf %sub3A_993, %sub3A_993 : vector<8x128xf32>
      %mul3A_997 = arith.mulf %sub3A_994, %sub3A_994 : vector<8x128xf32>
      %add3A_998 = arith.addf %mul3A_996, %mul3A_997 : vector<8x128xf32>
      %mul3A_999 = arith.mulf %sub3A_995, %sub3A_995 : vector<8x128xf32>
      %add3A_1000 = arith.addf %add3A_998, %mul3A_999 : vector<8x128xf32>
      %lt3A_1001 = arith.cmpf olt, %add3A_1000, %select_n3A_893 : vector<8x128xf32>
      %select_n3A_1002 = arith.select %lt3A_1001, %add3A_1000, %select_n3A_893 : vector<8x128xi1>, vector<8x128xf32>
      %select_n3A_1003 = arith.select %lt3A_1001, %broadcast_in_dim3A_930, %select_n3A_894 : vector<8x128xi1>, vector<8x128xi32>
      %sub3A_1004 = arith.subf %get3A_36, %get3A_936 : vector<8x128xf32>
      %sub3A_1005 = arith.subf %get3A_84, %get3A_942 : vector<8x128xf32>
      %sub3A_1006 = arith.subf %get3A_132, %get3A_948 : vector<8x128xf32>
      %mul3A_1007 = arith.mulf %sub3A_1004, %sub3A_1004 : vector<8x128xf32>
      %mul3A_1008 = arith.mulf %sub3A_1005, %sub3A_1005 : vector<8x128xf32>
      %add3A_1009 = arith.addf %mul3A_1007, %mul3A_1008 : vector<8x128xf32>
      %mul3A_1010 = arith.mulf %sub3A_1006, %sub3A_1006 : vector<8x128xf32>
      %add3A_1011 = arith.addf %add3A_1009, %mul3A_1010 : vector<8x128xf32>
      %lt3A_1012 = arith.cmpf olt, %add3A_1011, %select_n3A_904 : vector<8x128xf32>
      %select_n3A_1013 = arith.select %lt3A_1012, %add3A_1011, %select_n3A_904 : vector<8x128xi1>, vector<8x128xf32>
      %select_n3A_1014 = arith.select %lt3A_1012, %broadcast_in_dim3A_930, %select_n3A_905 : vector<8x128xi1>, vector<8x128xi32>
      %sub3A_1015 = arith.subf %get3A_42, %get3A_936 : vector<8x128xf32>
      %sub3A_1016 = arith.subf %get3A_90, %get3A_942 : vector<8x128xf32>
      %sub3A_1017 = arith.subf %get3A_138, %get3A_948 : vector<8x128xf32>
      %mul3A_1018 = arith.mulf %sub3A_1015, %sub3A_1015 : vector<8x128xf32>
      %mul3A_1019 = arith.mulf %sub3A_1016, %sub3A_1016 : vector<8x128xf32>
      %add3A_1020 = arith.addf %mul3A_1018, %mul3A_1019 : vector<8x128xf32>
      %mul3A_1021 = arith.mulf %sub3A_1017, %sub3A_1017 : vector<8x128xf32>
      %add3A_1022 = arith.addf %add3A_1020, %mul3A_1021 : vector<8x128xf32>
      %lt3A_1023 = arith.cmpf olt, %add3A_1022, %select_n3A_915 : vector<8x128xf32>
      %select_n3A_1024 = arith.select %lt3A_1023, %add3A_1022, %select_n3A_915 : vector<8x128xi1>, vector<8x128xf32>
      %select_n3A_1025 = arith.select %lt3A_1023, %broadcast_in_dim3A_930, %select_n3A_916 : vector<8x128xi1>, vector<8x128xi32>
      %sub3A_1026 = arith.subf %get3A_48, %get3A_936 : vector<8x128xf32>
      %sub3A_1027 = arith.subf %get3A_96, %get3A_942 : vector<8x128xf32>
      %sub3A_1028 = arith.subf %get3A_144, %get3A_948 : vector<8x128xf32>
      %mul3A_1029 = arith.mulf %sub3A_1026, %sub3A_1026 : vector<8x128xf32>
      %mul3A_1030 = arith.mulf %sub3A_1027, %sub3A_1027 : vector<8x128xf32>
      %add3A_1031 = arith.addf %mul3A_1029, %mul3A_1030 : vector<8x128xf32>
      %mul3A_1032 = arith.mulf %sub3A_1028, %sub3A_1028 : vector<8x128xf32>
      %add3A_1033 = arith.addf %add3A_1031, %mul3A_1032 : vector<8x128xf32>
      %lt3A_1034 = arith.cmpf olt, %add3A_1033, %select_n3A_926 : vector<8x128xf32>
      %select_n3A_1035 = arith.select %lt3A_1034, %add3A_1033, %select_n3A_926 : vector<8x128xi1>, vector<8x128xf32>
      %select_n3A_1036 = arith.select %lt3A_1034, %broadcast_in_dim3A_930, %select_n3A_927 : vector<8x128xi1>, vector<8x128xi32>
      %scan3A_1037 = arith.constant 7 : i32
      %scan3A_1038 = arith.addi %scan3A_264, %scan3A_1037 : i32
      %broadcast_in_dim3A_1039 = vector.broadcast %scan3A_1038 : i32 to vector<8x128xi32>
      %get3A_1040 = arith.constant 0 : index
      %get3A_1041 = arith.index_cast %scan3A_1038 : i32 to index
      %get3A_1042 = arith.constant 0 : index
      %get3A_1043 = arith.constant 0 : index
      %get3A_1044 = vector.load %arg5[%get3A_1040, %get3A_1041, %get3A_1042, %get3A_1043] : memref<3x128x8x128xf32, #tpu.memory_space<vmem>>, vector<1x1x8x128xf32>
      %get3A_1045 = vector.shape_cast %get3A_1044 : vector<1x1x8x128xf32> to vector<8x128xf32>
      %get3A_1046 = arith.constant 1 : index
      %get3A_1047 = arith.index_cast %scan3A_1038 : i32 to index
      %get3A_1048 = arith.constant 0 : index
      %get3A_1049 = arith.constant 0 : index
      %get3A_1050 = vector.load %arg5[%get3A_1046, %get3A_1047, %get3A_1048, %get3A_1049] : memref<3x128x8x128xf32, #tpu.memory_space<vmem>>, vector<1x1x8x128xf32>
      %get3A_1051 = vector.shape_cast %get3A_1050 : vector<1x1x8x128xf32> to vector<8x128xf32>
      %get3A_1052 = arith.constant 2 : index
      %get3A_1053 = arith.index_cast %scan3A_1038 : i32 to index
      %get3A_1054 = arith.constant 0 : index
      %get3A_1055 = arith.constant 0 : index
      %get3A_1056 = vector.load %arg5[%get3A_1052, %get3A_1053, %get3A_1054, %get3A_1055] : memref<3x128x8x128xf32, #tpu.memory_space<vmem>>, vector<1x1x8x128xf32>
      %get3A_1057 = vector.shape_cast %get3A_1056 : vector<1x1x8x128xf32> to vector<8x128xf32>
      %sub3A_1058 = arith.subf %get3A_6, %get3A_1045 : vector<8x128xf32>
      %sub3A_1059 = arith.subf %get3A_54, %get3A_1051 : vector<8x128xf32>
      %sub3A_1060 = arith.subf %get3A_102, %get3A_1057 : vector<8x128xf32>
      %mul3A_1061 = arith.mulf %sub3A_1058, %sub3A_1058 : vector<8x128xf32>
      %mul3A_1062 = arith.mulf %sub3A_1059, %sub3A_1059 : vector<8x128xf32>
      %add3A_1063 = arith.addf %mul3A_1061, %mul3A_1062 : vector<8x128xf32>
      %mul3A_1064 = arith.mulf %sub3A_1060, %sub3A_1060 : vector<8x128xf32>
      %add3A_1065 = arith.addf %add3A_1063, %mul3A_1064 : vector<8x128xf32>
      %lt3A_1066 = arith.cmpf olt, %add3A_1065, %select_n3A_958 : vector<8x128xf32>
      %select_n3A_1067 = arith.select %lt3A_1066, %add3A_1065, %select_n3A_958 : vector<8x128xi1>, vector<8x128xf32>
      %select_n3A_1068 = arith.select %lt3A_1066, %broadcast_in_dim3A_1039, %select_n3A_959 : vector<8x128xi1>, vector<8x128xi32>
      %sub3A_1069 = arith.subf %get3A_12, %get3A_1045 : vector<8x128xf32>
      %sub3A_1070 = arith.subf %get3A_60, %get3A_1051 : vector<8x128xf32>
      %sub3A_1071 = arith.subf %get3A_108, %get3A_1057 : vector<8x128xf32>
      %mul3A_1072 = arith.mulf %sub3A_1069, %sub3A_1069 : vector<8x128xf32>
      %mul3A_1073 = arith.mulf %sub3A_1070, %sub3A_1070 : vector<8x128xf32>
      %add3A_1074 = arith.addf %mul3A_1072, %mul3A_1073 : vector<8x128xf32>
      %mul3A_1075 = arith.mulf %sub3A_1071, %sub3A_1071 : vector<8x128xf32>
      %add3A_1076 = arith.addf %add3A_1074, %mul3A_1075 : vector<8x128xf32>
      %lt3A_1077 = arith.cmpf olt, %add3A_1076, %select_n3A_969 : vector<8x128xf32>
      %select_n3A_1078 = arith.select %lt3A_1077, %add3A_1076, %select_n3A_969 : vector<8x128xi1>, vector<8x128xf32>
      %select_n3A_1079 = arith.select %lt3A_1077, %broadcast_in_dim3A_1039, %select_n3A_970 : vector<8x128xi1>, vector<8x128xi32>
      %sub3A_1080 = arith.subf %get3A_18, %get3A_1045 : vector<8x128xf32>
      %sub3A_1081 = arith.subf %get3A_66, %get3A_1051 : vector<8x128xf32>
      %sub3A_1082 = arith.subf %get3A_114, %get3A_1057 : vector<8x128xf32>
      %mul3A_1083 = arith.mulf %sub3A_1080, %sub3A_1080 : vector<8x128xf32>
      %mul3A_1084 = arith.mulf %sub3A_1081, %sub3A_1081 : vector<8x128xf32>
      %add3A_1085 = arith.addf %mul3A_1083, %mul3A_1084 : vector<8x128xf32>
      %mul3A_1086 = arith.mulf %sub3A_1082, %sub3A_1082 : vector<8x128xf32>
      %add3A_1087 = arith.addf %add3A_1085, %mul3A_1086 : vector<8x128xf32>
      %lt3A_1088 = arith.cmpf olt, %add3A_1087, %select_n3A_980 : vector<8x128xf32>
      %select_n3A_1089 = arith.select %lt3A_1088, %add3A_1087, %select_n3A_980 : vector<8x128xi1>, vector<8x128xf32>
      %select_n3A_1090 = arith.select %lt3A_1088, %broadcast_in_dim3A_1039, %select_n3A_981 : vector<8x128xi1>, vector<8x128xi32>
      %sub3A_1091 = arith.subf %get3A_24, %get3A_1045 : vector<8x128xf32>
      %sub3A_1092 = arith.subf %get3A_72, %get3A_1051 : vector<8x128xf32>
      %sub3A_1093 = arith.subf %get3A_120, %get3A_1057 : vector<8x128xf32>
      %mul3A_1094 = arith.mulf %sub3A_1091, %sub3A_1091 : vector<8x128xf32>
      %mul3A_1095 = arith.mulf %sub3A_1092, %sub3A_1092 : vector<8x128xf32>
      %add3A_1096 = arith.addf %mul3A_1094, %mul3A_1095 : vector<8x128xf32>
      %mul3A_1097 = arith.mulf %sub3A_1093, %sub3A_1093 : vector<8x128xf32>
      %add3A_1098 = arith.addf %add3A_1096, %mul3A_1097 : vector<8x128xf32>
      %lt3A_1099 = arith.cmpf olt, %add3A_1098, %select_n3A_991 : vector<8x128xf32>
      %select_n3A_1100 = arith.select %lt3A_1099, %add3A_1098, %select_n3A_991 : vector<8x128xi1>, vector<8x128xf32>
      %select_n3A_1101 = arith.select %lt3A_1099, %broadcast_in_dim3A_1039, %select_n3A_992 : vector<8x128xi1>, vector<8x128xi32>
      %sub3A_1102 = arith.subf %get3A_30, %get3A_1045 : vector<8x128xf32>
      %sub3A_1103 = arith.subf %get3A_78, %get3A_1051 : vector<8x128xf32>
      %sub3A_1104 = arith.subf %get3A_126, %get3A_1057 : vector<8x128xf32>
      %mul3A_1105 = arith.mulf %sub3A_1102, %sub3A_1102 : vector<8x128xf32>
      %mul3A_1106 = arith.mulf %sub3A_1103, %sub3A_1103 : vector<8x128xf32>
      %add3A_1107 = arith.addf %mul3A_1105, %mul3A_1106 : vector<8x128xf32>
      %mul3A_1108 = arith.mulf %sub3A_1104, %sub3A_1104 : vector<8x128xf32>
      %add3A_1109 = arith.addf %add3A_1107, %mul3A_1108 : vector<8x128xf32>
      %lt3A_1110 = arith.cmpf olt, %add3A_1109, %select_n3A_1002 : vector<8x128xf32>
      %select_n3A_1111 = arith.select %lt3A_1110, %add3A_1109, %select_n3A_1002 : vector<8x128xi1>, vector<8x128xf32>
      %select_n3A_1112 = arith.select %lt3A_1110, %broadcast_in_dim3A_1039, %select_n3A_1003 : vector<8x128xi1>, vector<8x128xi32>
      %sub3A_1113 = arith.subf %get3A_36, %get3A_1045 : vector<8x128xf32>
      %sub3A_1114 = arith.subf %get3A_84, %get3A_1051 : vector<8x128xf32>
      %sub3A_1115 = arith.subf %get3A_132, %get3A_1057 : vector<8x128xf32>
      %mul3A_1116 = arith.mulf %sub3A_1113, %sub3A_1113 : vector<8x128xf32>
      %mul3A_1117 = arith.mulf %sub3A_1114, %sub3A_1114 : vector<8x128xf32>
      %add3A_1118 = arith.addf %mul3A_1116, %mul3A_1117 : vector<8x128xf32>
      %mul3A_1119 = arith.mulf %sub3A_1115, %sub3A_1115 : vector<8x128xf32>
      %add3A_1120 = arith.addf %add3A_1118, %mul3A_1119 : vector<8x128xf32>
      %lt3A_1121 = arith.cmpf olt, %add3A_1120, %select_n3A_1013 : vector<8x128xf32>
      %select_n3A_1122 = arith.select %lt3A_1121, %add3A_1120, %select_n3A_1013 : vector<8x128xi1>, vector<8x128xf32>
      %select_n3A_1123 = arith.select %lt3A_1121, %broadcast_in_dim3A_1039, %select_n3A_1014 : vector<8x128xi1>, vector<8x128xi32>
      %sub3A_1124 = arith.subf %get3A_42, %get3A_1045 : vector<8x128xf32>
      %sub3A_1125 = arith.subf %get3A_90, %get3A_1051 : vector<8x128xf32>
      %sub3A_1126 = arith.subf %get3A_138, %get3A_1057 : vector<8x128xf32>
      %mul3A_1127 = arith.mulf %sub3A_1124, %sub3A_1124 : vector<8x128xf32>
      %mul3A_1128 = arith.mulf %sub3A_1125, %sub3A_1125 : vector<8x128xf32>
      %add3A_1129 = arith.addf %mul3A_1127, %mul3A_1128 : vector<8x128xf32>
      %mul3A_1130 = arith.mulf %sub3A_1126, %sub3A_1126 : vector<8x128xf32>
      %add3A_1131 = arith.addf %add3A_1129, %mul3A_1130 : vector<8x128xf32>
      %lt3A_1132 = arith.cmpf olt, %add3A_1131, %select_n3A_1024 : vector<8x128xf32>
      %select_n3A_1133 = arith.select %lt3A_1132, %add3A_1131, %select_n3A_1024 : vector<8x128xi1>, vector<8x128xf32>
      %select_n3A_1134 = arith.select %lt3A_1132, %broadcast_in_dim3A_1039, %select_n3A_1025 : vector<8x128xi1>, vector<8x128xi32>
      %sub3A_1135 = arith.subf %get3A_48, %get3A_1045 : vector<8x128xf32>
      %sub3A_1136 = arith.subf %get3A_96, %get3A_1051 : vector<8x128xf32>
      %sub3A_1137 = arith.subf %get3A_144, %get3A_1057 : vector<8x128xf32>
      %mul3A_1138 = arith.mulf %sub3A_1135, %sub3A_1135 : vector<8x128xf32>
      %mul3A_1139 = arith.mulf %sub3A_1136, %sub3A_1136 : vector<8x128xf32>
      %add3A_1140 = arith.addf %mul3A_1138, %mul3A_1139 : vector<8x128xf32>
      %mul3A_1141 = arith.mulf %sub3A_1137, %sub3A_1137 : vector<8x128xf32>
      %add3A_1142 = arith.addf %add3A_1140, %mul3A_1141 : vector<8x128xf32>
      %lt3A_1143 = arith.cmpf olt, %add3A_1142, %select_n3A_1035 : vector<8x128xf32>
      %select_n3A_1144 = arith.select %lt3A_1143, %add3A_1142, %select_n3A_1035 : vector<8x128xi1>, vector<8x128xf32>
      %select_n3A_1145 = arith.select %lt3A_1143, %broadcast_in_dim3A_1039, %select_n3A_1036 : vector<8x128xi1>, vector<8x128xi32>
      %scan3A_1146 = arith.constant 8 : i32
      %scan3A_1147 = arith.addi %scan3A_264, %scan3A_1146 : i32
      %broadcast_in_dim3A_1148 = vector.broadcast %scan3A_1147 : i32 to vector<8x128xi32>
      %get3A_1149 = arith.constant 0 : index
      %get3A_1150 = arith.index_cast %scan3A_1147 : i32 to index
      %get3A_1151 = arith.constant 0 : index
      %get3A_1152 = arith.constant 0 : index
      %get3A_1153 = vector.load %arg5[%get3A_1149, %get3A_1150, %get3A_1151, %get3A_1152] : memref<3x128x8x128xf32, #tpu.memory_space<vmem>>, vector<1x1x8x128xf32>
      %get3A_1154 = vector.shape_cast %get3A_1153 : vector<1x1x8x128xf32> to vector<8x128xf32>
      %get3A_1155 = arith.constant 1 : index
      %get3A_1156 = arith.index_cast %scan3A_1147 : i32 to index
      %get3A_1157 = arith.constant 0 : index
      %get3A_1158 = arith.constant 0 : index
      %get3A_1159 = vector.load %arg5[%get3A_1155, %get3A_1156, %get3A_1157, %get3A_1158] : memref<3x128x8x128xf32, #tpu.memory_space<vmem>>, vector<1x1x8x128xf32>
      %get3A_1160 = vector.shape_cast %get3A_1159 : vector<1x1x8x128xf32> to vector<8x128xf32>
      %get3A_1161 = arith.constant 2 : index
      %get3A_1162 = arith.index_cast %scan3A_1147 : i32 to index
      %get3A_1163 = arith.constant 0 : index
      %get3A_1164 = arith.constant 0 : index
      %get3A_1165 = vector.load %arg5[%get3A_1161, %get3A_1162, %get3A_1163, %get3A_1164] : memref<3x128x8x128xf32, #tpu.memory_space<vmem>>, vector<1x1x8x128xf32>
      %get3A_1166 = vector.shape_cast %get3A_1165 : vector<1x1x8x128xf32> to vector<8x128xf32>
      %sub3A_1167 = arith.subf %get3A_6, %get3A_1154 : vector<8x128xf32>
      %sub3A_1168 = arith.subf %get3A_54, %get3A_1160 : vector<8x128xf32>
      %sub3A_1169 = arith.subf %get3A_102, %get3A_1166 : vector<8x128xf32>
      %mul3A_1170 = arith.mulf %sub3A_1167, %sub3A_1167 : vector<8x128xf32>
      %mul3A_1171 = arith.mulf %sub3A_1168, %sub3A_1168 : vector<8x128xf32>
      %add3A_1172 = arith.addf %mul3A_1170, %mul3A_1171 : vector<8x128xf32>
      %mul3A_1173 = arith.mulf %sub3A_1169, %sub3A_1169 : vector<8x128xf32>
      %add3A_1174 = arith.addf %add3A_1172, %mul3A_1173 : vector<8x128xf32>
      %lt3A_1175 = arith.cmpf olt, %add3A_1174, %select_n3A_1067 : vector<8x128xf32>
      %select_n3A_1176 = arith.select %lt3A_1175, %add3A_1174, %select_n3A_1067 : vector<8x128xi1>, vector<8x128xf32>
      %select_n3A_1177 = arith.select %lt3A_1175, %broadcast_in_dim3A_1148, %select_n3A_1068 : vector<8x128xi1>, vector<8x128xi32>
      %sub3A_1178 = arith.subf %get3A_12, %get3A_1154 : vector<8x128xf32>
      %sub3A_1179 = arith.subf %get3A_60, %get3A_1160 : vector<8x128xf32>
      %sub3A_1180 = arith.subf %get3A_108, %get3A_1166 : vector<8x128xf32>
      %mul3A_1181 = arith.mulf %sub3A_1178, %sub3A_1178 : vector<8x128xf32>
      %mul3A_1182 = arith.mulf %sub3A_1179, %sub3A_1179 : vector<8x128xf32>
      %add3A_1183 = arith.addf %mul3A_1181, %mul3A_1182 : vector<8x128xf32>
      %mul3A_1184 = arith.mulf %sub3A_1180, %sub3A_1180 : vector<8x128xf32>
      %add3A_1185 = arith.addf %add3A_1183, %mul3A_1184 : vector<8x128xf32>
      %lt3A_1186 = arith.cmpf olt, %add3A_1185, %select_n3A_1078 : vector<8x128xf32>
      %select_n3A_1187 = arith.select %lt3A_1186, %add3A_1185, %select_n3A_1078 : vector<8x128xi1>, vector<8x128xf32>
      %select_n3A_1188 = arith.select %lt3A_1186, %broadcast_in_dim3A_1148, %select_n3A_1079 : vector<8x128xi1>, vector<8x128xi32>
      %sub3A_1189 = arith.subf %get3A_18, %get3A_1154 : vector<8x128xf32>
      %sub3A_1190 = arith.subf %get3A_66, %get3A_1160 : vector<8x128xf32>
      %sub3A_1191 = arith.subf %get3A_114, %get3A_1166 : vector<8x128xf32>
      %mul3A_1192 = arith.mulf %sub3A_1189, %sub3A_1189 : vector<8x128xf32>
      %mul3A_1193 = arith.mulf %sub3A_1190, %sub3A_1190 : vector<8x128xf32>
      %add3A_1194 = arith.addf %mul3A_1192, %mul3A_1193 : vector<8x128xf32>
      %mul3A_1195 = arith.mulf %sub3A_1191, %sub3A_1191 : vector<8x128xf32>
      %add3A_1196 = arith.addf %add3A_1194, %mul3A_1195 : vector<8x128xf32>
      %lt3A_1197 = arith.cmpf olt, %add3A_1196, %select_n3A_1089 : vector<8x128xf32>
      %select_n3A_1198 = arith.select %lt3A_1197, %add3A_1196, %select_n3A_1089 : vector<8x128xi1>, vector<8x128xf32>
      %select_n3A_1199 = arith.select %lt3A_1197, %broadcast_in_dim3A_1148, %select_n3A_1090 : vector<8x128xi1>, vector<8x128xi32>
      %sub3A_1200 = arith.subf %get3A_24, %get3A_1154 : vector<8x128xf32>
      %sub3A_1201 = arith.subf %get3A_72, %get3A_1160 : vector<8x128xf32>
      %sub3A_1202 = arith.subf %get3A_120, %get3A_1166 : vector<8x128xf32>
      %mul3A_1203 = arith.mulf %sub3A_1200, %sub3A_1200 : vector<8x128xf32>
      %mul3A_1204 = arith.mulf %sub3A_1201, %sub3A_1201 : vector<8x128xf32>
      %add3A_1205 = arith.addf %mul3A_1203, %mul3A_1204 : vector<8x128xf32>
      %mul3A_1206 = arith.mulf %sub3A_1202, %sub3A_1202 : vector<8x128xf32>
      %add3A_1207 = arith.addf %add3A_1205, %mul3A_1206 : vector<8x128xf32>
      %lt3A_1208 = arith.cmpf olt, %add3A_1207, %select_n3A_1100 : vector<8x128xf32>
      %select_n3A_1209 = arith.select %lt3A_1208, %add3A_1207, %select_n3A_1100 : vector<8x128xi1>, vector<8x128xf32>
      %select_n3A_1210 = arith.select %lt3A_1208, %broadcast_in_dim3A_1148, %select_n3A_1101 : vector<8x128xi1>, vector<8x128xi32>
      %sub3A_1211 = arith.subf %get3A_30, %get3A_1154 : vector<8x128xf32>
      %sub3A_1212 = arith.subf %get3A_78, %get3A_1160 : vector<8x128xf32>
      %sub3A_1213 = arith.subf %get3A_126, %get3A_1166 : vector<8x128xf32>
      %mul3A_1214 = arith.mulf %sub3A_1211, %sub3A_1211 : vector<8x128xf32>
      %mul3A_1215 = arith.mulf %sub3A_1212, %sub3A_1212 : vector<8x128xf32>
      %add3A_1216 = arith.addf %mul3A_1214, %mul3A_1215 : vector<8x128xf32>
      %mul3A_1217 = arith.mulf %sub3A_1213, %sub3A_1213 : vector<8x128xf32>
      %add3A_1218 = arith.addf %add3A_1216, %mul3A_1217 : vector<8x128xf32>
      %lt3A_1219 = arith.cmpf olt, %add3A_1218, %select_n3A_1111 : vector<8x128xf32>
      %select_n3A_1220 = arith.select %lt3A_1219, %add3A_1218, %select_n3A_1111 : vector<8x128xi1>, vector<8x128xf32>
      %select_n3A_1221 = arith.select %lt3A_1219, %broadcast_in_dim3A_1148, %select_n3A_1112 : vector<8x128xi1>, vector<8x128xi32>
      %sub3A_1222 = arith.subf %get3A_36, %get3A_1154 : vector<8x128xf32>
      %sub3A_1223 = arith.subf %get3A_84, %get3A_1160 : vector<8x128xf32>
      %sub3A_1224 = arith.subf %get3A_132, %get3A_1166 : vector<8x128xf32>
      %mul3A_1225 = arith.mulf %sub3A_1222, %sub3A_1222 : vector<8x128xf32>
      %mul3A_1226 = arith.mulf %sub3A_1223, %sub3A_1223 : vector<8x128xf32>
      %add3A_1227 = arith.addf %mul3A_1225, %mul3A_1226 : vector<8x128xf32>
      %mul3A_1228 = arith.mulf %sub3A_1224, %sub3A_1224 : vector<8x128xf32>
      %add3A_1229 = arith.addf %add3A_1227, %mul3A_1228 : vector<8x128xf32>
      %lt3A_1230 = arith.cmpf olt, %add3A_1229, %select_n3A_1122 : vector<8x128xf32>
      %select_n3A_1231 = arith.select %lt3A_1230, %add3A_1229, %select_n3A_1122 : vector<8x128xi1>, vector<8x128xf32>
      %select_n3A_1232 = arith.select %lt3A_1230, %broadcast_in_dim3A_1148, %select_n3A_1123 : vector<8x128xi1>, vector<8x128xi32>
      %sub3A_1233 = arith.subf %get3A_42, %get3A_1154 : vector<8x128xf32>
      %sub3A_1234 = arith.subf %get3A_90, %get3A_1160 : vector<8x128xf32>
      %sub3A_1235 = arith.subf %get3A_138, %get3A_1166 : vector<8x128xf32>
      %mul3A_1236 = arith.mulf %sub3A_1233, %sub3A_1233 : vector<8x128xf32>
      %mul3A_1237 = arith.mulf %sub3A_1234, %sub3A_1234 : vector<8x128xf32>
      %add3A_1238 = arith.addf %mul3A_1236, %mul3A_1237 : vector<8x128xf32>
      %mul3A_1239 = arith.mulf %sub3A_1235, %sub3A_1235 : vector<8x128xf32>
      %add3A_1240 = arith.addf %add3A_1238, %mul3A_1239 : vector<8x128xf32>
      %lt3A_1241 = arith.cmpf olt, %add3A_1240, %select_n3A_1133 : vector<8x128xf32>
      %select_n3A_1242 = arith.select %lt3A_1241, %add3A_1240, %select_n3A_1133 : vector<8x128xi1>, vector<8x128xf32>
      %select_n3A_1243 = arith.select %lt3A_1241, %broadcast_in_dim3A_1148, %select_n3A_1134 : vector<8x128xi1>, vector<8x128xi32>
      %sub3A_1244 = arith.subf %get3A_48, %get3A_1154 : vector<8x128xf32>
      %sub3A_1245 = arith.subf %get3A_96, %get3A_1160 : vector<8x128xf32>
      %sub3A_1246 = arith.subf %get3A_144, %get3A_1166 : vector<8x128xf32>
      %mul3A_1247 = arith.mulf %sub3A_1244, %sub3A_1244 : vector<8x128xf32>
      %mul3A_1248 = arith.mulf %sub3A_1245, %sub3A_1245 : vector<8x128xf32>
      %add3A_1249 = arith.addf %mul3A_1247, %mul3A_1248 : vector<8x128xf32>
      %mul3A_1250 = arith.mulf %sub3A_1246, %sub3A_1246 : vector<8x128xf32>
      %add3A_1251 = arith.addf %add3A_1249, %mul3A_1250 : vector<8x128xf32>
      %lt3A_1252 = arith.cmpf olt, %add3A_1251, %select_n3A_1144 : vector<8x128xf32>
      %select_n3A_1253 = arith.select %lt3A_1252, %add3A_1251, %select_n3A_1144 : vector<8x128xi1>, vector<8x128xf32>
      %select_n3A_1254 = arith.select %lt3A_1252, %broadcast_in_dim3A_1148, %select_n3A_1145 : vector<8x128xi1>, vector<8x128xi32>
      %scan3A_1255 = arith.constant 9 : i32
      %scan3A_1256 = arith.addi %scan3A_264, %scan3A_1255 : i32
      %broadcast_in_dim3A_1257 = vector.broadcast %scan3A_1256 : i32 to vector<8x128xi32>
      %get3A_1258 = arith.constant 0 : index
      %get3A_1259 = arith.index_cast %scan3A_1256 : i32 to index
      %get3A_1260 = arith.constant 0 : index
      %get3A_1261 = arith.constant 0 : index
      %get3A_1262 = vector.load %arg5[%get3A_1258, %get3A_1259, %get3A_1260, %get3A_1261] : memref<3x128x8x128xf32, #tpu.memory_space<vmem>>, vector<1x1x8x128xf32>
      %get3A_1263 = vector.shape_cast %get3A_1262 : vector<1x1x8x128xf32> to vector<8x128xf32>
      %get3A_1264 = arith.constant 1 : index
      %get3A_1265 = arith.index_cast %scan3A_1256 : i32 to index
      %get3A_1266 = arith.constant 0 : index
      %get3A_1267 = arith.constant 0 : index
      %get3A_1268 = vector.load %arg5[%get3A_1264, %get3A_1265, %get3A_1266, %get3A_1267] : memref<3x128x8x128xf32, #tpu.memory_space<vmem>>, vector<1x1x8x128xf32>
      %get3A_1269 = vector.shape_cast %get3A_1268 : vector<1x1x8x128xf32> to vector<8x128xf32>
      %get3A_1270 = arith.constant 2 : index
      %get3A_1271 = arith.index_cast %scan3A_1256 : i32 to index
      %get3A_1272 = arith.constant 0 : index
      %get3A_1273 = arith.constant 0 : index
      %get3A_1274 = vector.load %arg5[%get3A_1270, %get3A_1271, %get3A_1272, %get3A_1273] : memref<3x128x8x128xf32, #tpu.memory_space<vmem>>, vector<1x1x8x128xf32>
      %get3A_1275 = vector.shape_cast %get3A_1274 : vector<1x1x8x128xf32> to vector<8x128xf32>
      %sub3A_1276 = arith.subf %get3A_6, %get3A_1263 : vector<8x128xf32>
      %sub3A_1277 = arith.subf %get3A_54, %get3A_1269 : vector<8x128xf32>
      %sub3A_1278 = arith.subf %get3A_102, %get3A_1275 : vector<8x128xf32>
      %mul3A_1279 = arith.mulf %sub3A_1276, %sub3A_1276 : vector<8x128xf32>
      %mul3A_1280 = arith.mulf %sub3A_1277, %sub3A_1277 : vector<8x128xf32>
      %add3A_1281 = arith.addf %mul3A_1279, %mul3A_1280 : vector<8x128xf32>
      %mul3A_1282 = arith.mulf %sub3A_1278, %sub3A_1278 : vector<8x128xf32>
      %add3A_1283 = arith.addf %add3A_1281, %mul3A_1282 : vector<8x128xf32>
      %lt3A_1284 = arith.cmpf olt, %add3A_1283, %select_n3A_1176 : vector<8x128xf32>
      %select_n3A_1285 = arith.select %lt3A_1284, %add3A_1283, %select_n3A_1176 : vector<8x128xi1>, vector<8x128xf32>
      %select_n3A_1286 = arith.select %lt3A_1284, %broadcast_in_dim3A_1257, %select_n3A_1177 : vector<8x128xi1>, vector<8x128xi32>
      %sub3A_1287 = arith.subf %get3A_12, %get3A_1263 : vector<8x128xf32>
      %sub3A_1288 = arith.subf %get3A_60, %get3A_1269 : vector<8x128xf32>
      %sub3A_1289 = arith.subf %get3A_108, %get3A_1275 : vector<8x128xf32>
      %mul3A_1290 = arith.mulf %sub3A_1287, %sub3A_1287 : vector<8x128xf32>
      %mul3A_1291 = arith.mulf %sub3A_1288, %sub3A_1288 : vector<8x128xf32>
      %add3A_1292 = arith.addf %mul3A_1290, %mul3A_1291 : vector<8x128xf32>
      %mul3A_1293 = arith.mulf %sub3A_1289, %sub3A_1289 : vector<8x128xf32>
      %add3A_1294 = arith.addf %add3A_1292, %mul3A_1293 : vector<8x128xf32>
      %lt3A_1295 = arith.cmpf olt, %add3A_1294, %select_n3A_1187 : vector<8x128xf32>
      %select_n3A_1296 = arith.select %lt3A_1295, %add3A_1294, %select_n3A_1187 : vector<8x128xi1>, vector<8x128xf32>
      %select_n3A_1297 = arith.select %lt3A_1295, %broadcast_in_dim3A_1257, %select_n3A_1188 : vector<8x128xi1>, vector<8x128xi32>
      %sub3A_1298 = arith.subf %get3A_18, %get3A_1263 : vector<8x128xf32>
      %sub3A_1299 = arith.subf %get3A_66, %get3A_1269 : vector<8x128xf32>
      %sub3A_1300 = arith.subf %get3A_114, %get3A_1275 : vector<8x128xf32>
      %mul3A_1301 = arith.mulf %sub3A_1298, %sub3A_1298 : vector<8x128xf32>
      %mul3A_1302 = arith.mulf %sub3A_1299, %sub3A_1299 : vector<8x128xf32>
      %add3A_1303 = arith.addf %mul3A_1301, %mul3A_1302 : vector<8x128xf32>
      %mul3A_1304 = arith.mulf %sub3A_1300, %sub3A_1300 : vector<8x128xf32>
      %add3A_1305 = arith.addf %add3A_1303, %mul3A_1304 : vector<8x128xf32>
      %lt3A_1306 = arith.cmpf olt, %add3A_1305, %select_n3A_1198 : vector<8x128xf32>
      %select_n3A_1307 = arith.select %lt3A_1306, %add3A_1305, %select_n3A_1198 : vector<8x128xi1>, vector<8x128xf32>
      %select_n3A_1308 = arith.select %lt3A_1306, %broadcast_in_dim3A_1257, %select_n3A_1199 : vector<8x128xi1>, vector<8x128xi32>
      %sub3A_1309 = arith.subf %get3A_24, %get3A_1263 : vector<8x128xf32>
      %sub3A_1310 = arith.subf %get3A_72, %get3A_1269 : vector<8x128xf32>
      %sub3A_1311 = arith.subf %get3A_120, %get3A_1275 : vector<8x128xf32>
      %mul3A_1312 = arith.mulf %sub3A_1309, %sub3A_1309 : vector<8x128xf32>
      %mul3A_1313 = arith.mulf %sub3A_1310, %sub3A_1310 : vector<8x128xf32>
      %add3A_1314 = arith.addf %mul3A_1312, %mul3A_1313 : vector<8x128xf32>
      %mul3A_1315 = arith.mulf %sub3A_1311, %sub3A_1311 : vector<8x128xf32>
      %add3A_1316 = arith.addf %add3A_1314, %mul3A_1315 : vector<8x128xf32>
      %lt3A_1317 = arith.cmpf olt, %add3A_1316, %select_n3A_1209 : vector<8x128xf32>
      %select_n3A_1318 = arith.select %lt3A_1317, %add3A_1316, %select_n3A_1209 : vector<8x128xi1>, vector<8x128xf32>
      %select_n3A_1319 = arith.select %lt3A_1317, %broadcast_in_dim3A_1257, %select_n3A_1210 : vector<8x128xi1>, vector<8x128xi32>
      %sub3A_1320 = arith.subf %get3A_30, %get3A_1263 : vector<8x128xf32>
      %sub3A_1321 = arith.subf %get3A_78, %get3A_1269 : vector<8x128xf32>
      %sub3A_1322 = arith.subf %get3A_126, %get3A_1275 : vector<8x128xf32>
      %mul3A_1323 = arith.mulf %sub3A_1320, %sub3A_1320 : vector<8x128xf32>
      %mul3A_1324 = arith.mulf %sub3A_1321, %sub3A_1321 : vector<8x128xf32>
      %add3A_1325 = arith.addf %mul3A_1323, %mul3A_1324 : vector<8x128xf32>
      %mul3A_1326 = arith.mulf %sub3A_1322, %sub3A_1322 : vector<8x128xf32>
      %add3A_1327 = arith.addf %add3A_1325, %mul3A_1326 : vector<8x128xf32>
      %lt3A_1328 = arith.cmpf olt, %add3A_1327, %select_n3A_1220 : vector<8x128xf32>
      %select_n3A_1329 = arith.select %lt3A_1328, %add3A_1327, %select_n3A_1220 : vector<8x128xi1>, vector<8x128xf32>
      %select_n3A_1330 = arith.select %lt3A_1328, %broadcast_in_dim3A_1257, %select_n3A_1221 : vector<8x128xi1>, vector<8x128xi32>
      %sub3A_1331 = arith.subf %get3A_36, %get3A_1263 : vector<8x128xf32>
      %sub3A_1332 = arith.subf %get3A_84, %get3A_1269 : vector<8x128xf32>
      %sub3A_1333 = arith.subf %get3A_132, %get3A_1275 : vector<8x128xf32>
      %mul3A_1334 = arith.mulf %sub3A_1331, %sub3A_1331 : vector<8x128xf32>
      %mul3A_1335 = arith.mulf %sub3A_1332, %sub3A_1332 : vector<8x128xf32>
      %add3A_1336 = arith.addf %mul3A_1334, %mul3A_1335 : vector<8x128xf32>
      %mul3A_1337 = arith.mulf %sub3A_1333, %sub3A_1333 : vector<8x128xf32>
      %add3A_1338 = arith.addf %add3A_1336, %mul3A_1337 : vector<8x128xf32>
      %lt3A_1339 = arith.cmpf olt, %add3A_1338, %select_n3A_1231 : vector<8x128xf32>
      %select_n3A_1340 = arith.select %lt3A_1339, %add3A_1338, %select_n3A_1231 : vector<8x128xi1>, vector<8x128xf32>
      %select_n3A_1341 = arith.select %lt3A_1339, %broadcast_in_dim3A_1257, %select_n3A_1232 : vector<8x128xi1>, vector<8x128xi32>
      %sub3A_1342 = arith.subf %get3A_42, %get3A_1263 : vector<8x128xf32>
      %sub3A_1343 = arith.subf %get3A_90, %get3A_1269 : vector<8x128xf32>
      %sub3A_1344 = arith.subf %get3A_138, %get3A_1275 : vector<8x128xf32>
      %mul3A_1345 = arith.mulf %sub3A_1342, %sub3A_1342 : vector<8x128xf32>
      %mul3A_1346 = arith.mulf %sub3A_1343, %sub3A_1343 : vector<8x128xf32>
      %add3A_1347 = arith.addf %mul3A_1345, %mul3A_1346 : vector<8x128xf32>
      %mul3A_1348 = arith.mulf %sub3A_1344, %sub3A_1344 : vector<8x128xf32>
      %add3A_1349 = arith.addf %add3A_1347, %mul3A_1348 : vector<8x128xf32>
      %lt3A_1350 = arith.cmpf olt, %add3A_1349, %select_n3A_1242 : vector<8x128xf32>
      %select_n3A_1351 = arith.select %lt3A_1350, %add3A_1349, %select_n3A_1242 : vector<8x128xi1>, vector<8x128xf32>
      %select_n3A_1352 = arith.select %lt3A_1350, %broadcast_in_dim3A_1257, %select_n3A_1243 : vector<8x128xi1>, vector<8x128xi32>
      %sub3A_1353 = arith.subf %get3A_48, %get3A_1263 : vector<8x128xf32>
      %sub3A_1354 = arith.subf %get3A_96, %get3A_1269 : vector<8x128xf32>
      %sub3A_1355 = arith.subf %get3A_144, %get3A_1275 : vector<8x128xf32>
      %mul3A_1356 = arith.mulf %sub3A_1353, %sub3A_1353 : vector<8x128xf32>
      %mul3A_1357 = arith.mulf %sub3A_1354, %sub3A_1354 : vector<8x128xf32>
      %add3A_1358 = arith.addf %mul3A_1356, %mul3A_1357 : vector<8x128xf32>
      %mul3A_1359 = arith.mulf %sub3A_1355, %sub3A_1355 : vector<8x128xf32>
      %add3A_1360 = arith.addf %add3A_1358, %mul3A_1359 : vector<8x128xf32>
      %lt3A_1361 = arith.cmpf olt, %add3A_1360, %select_n3A_1253 : vector<8x128xf32>
      %select_n3A_1362 = arith.select %lt3A_1361, %add3A_1360, %select_n3A_1253 : vector<8x128xi1>, vector<8x128xf32>
      %select_n3A_1363 = arith.select %lt3A_1361, %broadcast_in_dim3A_1257, %select_n3A_1254 : vector<8x128xi1>, vector<8x128xi32>
      %scan3A_1364 = arith.constant 10 : i32
      %scan3A_1365 = arith.addi %scan3A_264, %scan3A_1364 : i32
      %broadcast_in_dim3A_1366 = vector.broadcast %scan3A_1365 : i32 to vector<8x128xi32>
      %get3A_1367 = arith.constant 0 : index
      %get3A_1368 = arith.index_cast %scan3A_1365 : i32 to index
      %get3A_1369 = arith.constant 0 : index
      %get3A_1370 = arith.constant 0 : index
      %get3A_1371 = vector.load %arg5[%get3A_1367, %get3A_1368, %get3A_1369, %get3A_1370] : memref<3x128x8x128xf32, #tpu.memory_space<vmem>>, vector<1x1x8x128xf32>
      %get3A_1372 = vector.shape_cast %get3A_1371 : vector<1x1x8x128xf32> to vector<8x128xf32>
      %get3A_1373 = arith.constant 1 : index
      %get3A_1374 = arith.index_cast %scan3A_1365 : i32 to index
      %get3A_1375 = arith.constant 0 : index
      %get3A_1376 = arith.constant 0 : index
      %get3A_1377 = vector.load %arg5[%get3A_1373, %get3A_1374, %get3A_1375, %get3A_1376] : memref<3x128x8x128xf32, #tpu.memory_space<vmem>>, vector<1x1x8x128xf32>
      %get3A_1378 = vector.shape_cast %get3A_1377 : vector<1x1x8x128xf32> to vector<8x128xf32>
      %get3A_1379 = arith.constant 2 : index
      %get3A_1380 = arith.index_cast %scan3A_1365 : i32 to index
      %get3A_1381 = arith.constant 0 : index
      %get3A_1382 = arith.constant 0 : index
      %get3A_1383 = vector.load %arg5[%get3A_1379, %get3A_1380, %get3A_1381, %get3A_1382] : memref<3x128x8x128xf32, #tpu.memory_space<vmem>>, vector<1x1x8x128xf32>
      %get3A_1384 = vector.shape_cast %get3A_1383 : vector<1x1x8x128xf32> to vector<8x128xf32>
      %sub3A_1385 = arith.subf %get3A_6, %get3A_1372 : vector<8x128xf32>
      %sub3A_1386 = arith.subf %get3A_54, %get3A_1378 : vector<8x128xf32>
      %sub3A_1387 = arith.subf %get3A_102, %get3A_1384 : vector<8x128xf32>
      %mul3A_1388 = arith.mulf %sub3A_1385, %sub3A_1385 : vector<8x128xf32>
      %mul3A_1389 = arith.mulf %sub3A_1386, %sub3A_1386 : vector<8x128xf32>
      %add3A_1390 = arith.addf %mul3A_1388, %mul3A_1389 : vector<8x128xf32>
      %mul3A_1391 = arith.mulf %sub3A_1387, %sub3A_1387 : vector<8x128xf32>
      %add3A_1392 = arith.addf %add3A_1390, %mul3A_1391 : vector<8x128xf32>
      %lt3A_1393 = arith.cmpf olt, %add3A_1392, %select_n3A_1285 : vector<8x128xf32>
      %select_n3A_1394 = arith.select %lt3A_1393, %add3A_1392, %select_n3A_1285 : vector<8x128xi1>, vector<8x128xf32>
      %select_n3A_1395 = arith.select %lt3A_1393, %broadcast_in_dim3A_1366, %select_n3A_1286 : vector<8x128xi1>, vector<8x128xi32>
      %sub3A_1396 = arith.subf %get3A_12, %get3A_1372 : vector<8x128xf32>
      %sub3A_1397 = arith.subf %get3A_60, %get3A_1378 : vector<8x128xf32>
      %sub3A_1398 = arith.subf %get3A_108, %get3A_1384 : vector<8x128xf32>
      %mul3A_1399 = arith.mulf %sub3A_1396, %sub3A_1396 : vector<8x128xf32>
      %mul3A_1400 = arith.mulf %sub3A_1397, %sub3A_1397 : vector<8x128xf32>
      %add3A_1401 = arith.addf %mul3A_1399, %mul3A_1400 : vector<8x128xf32>
      %mul3A_1402 = arith.mulf %sub3A_1398, %sub3A_1398 : vector<8x128xf32>
      %add3A_1403 = arith.addf %add3A_1401, %mul3A_1402 : vector<8x128xf32>
      %lt3A_1404 = arith.cmpf olt, %add3A_1403, %select_n3A_1296 : vector<8x128xf32>
      %select_n3A_1405 = arith.select %lt3A_1404, %add3A_1403, %select_n3A_1296 : vector<8x128xi1>, vector<8x128xf32>
      %select_n3A_1406 = arith.select %lt3A_1404, %broadcast_in_dim3A_1366, %select_n3A_1297 : vector<8x128xi1>, vector<8x128xi32>
      %sub3A_1407 = arith.subf %get3A_18, %get3A_1372 : vector<8x128xf32>
      %sub3A_1408 = arith.subf %get3A_66, %get3A_1378 : vector<8x128xf32>
      %sub3A_1409 = arith.subf %get3A_114, %get3A_1384 : vector<8x128xf32>
      %mul3A_1410 = arith.mulf %sub3A_1407, %sub3A_1407 : vector<8x128xf32>
      %mul3A_1411 = arith.mulf %sub3A_1408, %sub3A_1408 : vector<8x128xf32>
      %add3A_1412 = arith.addf %mul3A_1410, %mul3A_1411 : vector<8x128xf32>
      %mul3A_1413 = arith.mulf %sub3A_1409, %sub3A_1409 : vector<8x128xf32>
      %add3A_1414 = arith.addf %add3A_1412, %mul3A_1413 : vector<8x128xf32>
      %lt3A_1415 = arith.cmpf olt, %add3A_1414, %select_n3A_1307 : vector<8x128xf32>
      %select_n3A_1416 = arith.select %lt3A_1415, %add3A_1414, %select_n3A_1307 : vector<8x128xi1>, vector<8x128xf32>
      %select_n3A_1417 = arith.select %lt3A_1415, %broadcast_in_dim3A_1366, %select_n3A_1308 : vector<8x128xi1>, vector<8x128xi32>
      %sub3A_1418 = arith.subf %get3A_24, %get3A_1372 : vector<8x128xf32>
      %sub3A_1419 = arith.subf %get3A_72, %get3A_1378 : vector<8x128xf32>
      %sub3A_1420 = arith.subf %get3A_120, %get3A_1384 : vector<8x128xf32>
      %mul3A_1421 = arith.mulf %sub3A_1418, %sub3A_1418 : vector<8x128xf32>
      %mul3A_1422 = arith.mulf %sub3A_1419, %sub3A_1419 : vector<8x128xf32>
      %add3A_1423 = arith.addf %mul3A_1421, %mul3A_1422 : vector<8x128xf32>
      %mul3A_1424 = arith.mulf %sub3A_1420, %sub3A_1420 : vector<8x128xf32>
      %add3A_1425 = arith.addf %add3A_1423, %mul3A_1424 : vector<8x128xf32>
      %lt3A_1426 = arith.cmpf olt, %add3A_1425, %select_n3A_1318 : vector<8x128xf32>
      %select_n3A_1427 = arith.select %lt3A_1426, %add3A_1425, %select_n3A_1318 : vector<8x128xi1>, vector<8x128xf32>
      %select_n3A_1428 = arith.select %lt3A_1426, %broadcast_in_dim3A_1366, %select_n3A_1319 : vector<8x128xi1>, vector<8x128xi32>
      %sub3A_1429 = arith.subf %get3A_30, %get3A_1372 : vector<8x128xf32>
      %sub3A_1430 = arith.subf %get3A_78, %get3A_1378 : vector<8x128xf32>
      %sub3A_1431 = arith.subf %get3A_126, %get3A_1384 : vector<8x128xf32>
      %mul3A_1432 = arith.mulf %sub3A_1429, %sub3A_1429 : vector<8x128xf32>
      %mul3A_1433 = arith.mulf %sub3A_1430, %sub3A_1430 : vector<8x128xf32>
      %add3A_1434 = arith.addf %mul3A_1432, %mul3A_1433 : vector<8x128xf32>
      %mul3A_1435 = arith.mulf %sub3A_1431, %sub3A_1431 : vector<8x128xf32>
      %add3A_1436 = arith.addf %add3A_1434, %mul3A_1435 : vector<8x128xf32>
      %lt3A_1437 = arith.cmpf olt, %add3A_1436, %select_n3A_1329 : vector<8x128xf32>
      %select_n3A_1438 = arith.select %lt3A_1437, %add3A_1436, %select_n3A_1329 : vector<8x128xi1>, vector<8x128xf32>
      %select_n3A_1439 = arith.select %lt3A_1437, %broadcast_in_dim3A_1366, %select_n3A_1330 : vector<8x128xi1>, vector<8x128xi32>
      %sub3A_1440 = arith.subf %get3A_36, %get3A_1372 : vector<8x128xf32>
      %sub3A_1441 = arith.subf %get3A_84, %get3A_1378 : vector<8x128xf32>
      %sub3A_1442 = arith.subf %get3A_132, %get3A_1384 : vector<8x128xf32>
      %mul3A_1443 = arith.mulf %sub3A_1440, %sub3A_1440 : vector<8x128xf32>
      %mul3A_1444 = arith.mulf %sub3A_1441, %sub3A_1441 : vector<8x128xf32>
      %add3A_1445 = arith.addf %mul3A_1443, %mul3A_1444 : vector<8x128xf32>
      %mul3A_1446 = arith.mulf %sub3A_1442, %sub3A_1442 : vector<8x128xf32>
      %add3A_1447 = arith.addf %add3A_1445, %mul3A_1446 : vector<8x128xf32>
      %lt3A_1448 = arith.cmpf olt, %add3A_1447, %select_n3A_1340 : vector<8x128xf32>
      %select_n3A_1449 = arith.select %lt3A_1448, %add3A_1447, %select_n3A_1340 : vector<8x128xi1>, vector<8x128xf32>
      %select_n3A_1450 = arith.select %lt3A_1448, %broadcast_in_dim3A_1366, %select_n3A_1341 : vector<8x128xi1>, vector<8x128xi32>
      %sub3A_1451 = arith.subf %get3A_42, %get3A_1372 : vector<8x128xf32>
      %sub3A_1452 = arith.subf %get3A_90, %get3A_1378 : vector<8x128xf32>
      %sub3A_1453 = arith.subf %get3A_138, %get3A_1384 : vector<8x128xf32>
      %mul3A_1454 = arith.mulf %sub3A_1451, %sub3A_1451 : vector<8x128xf32>
      %mul3A_1455 = arith.mulf %sub3A_1452, %sub3A_1452 : vector<8x128xf32>
      %add3A_1456 = arith.addf %mul3A_1454, %mul3A_1455 : vector<8x128xf32>
      %mul3A_1457 = arith.mulf %sub3A_1453, %sub3A_1453 : vector<8x128xf32>
      %add3A_1458 = arith.addf %add3A_1456, %mul3A_1457 : vector<8x128xf32>
      %lt3A_1459 = arith.cmpf olt, %add3A_1458, %select_n3A_1351 : vector<8x128xf32>
      %select_n3A_1460 = arith.select %lt3A_1459, %add3A_1458, %select_n3A_1351 : vector<8x128xi1>, vector<8x128xf32>
      %select_n3A_1461 = arith.select %lt3A_1459, %broadcast_in_dim3A_1366, %select_n3A_1352 : vector<8x128xi1>, vector<8x128xi32>
      %sub3A_1462 = arith.subf %get3A_48, %get3A_1372 : vector<8x128xf32>
      %sub3A_1463 = arith.subf %get3A_96, %get3A_1378 : vector<8x128xf32>
      %sub3A_1464 = arith.subf %get3A_144, %get3A_1384 : vector<8x128xf32>
      %mul3A_1465 = arith.mulf %sub3A_1462, %sub3A_1462 : vector<8x128xf32>
      %mul3A_1466 = arith.mulf %sub3A_1463, %sub3A_1463 : vector<8x128xf32>
      %add3A_1467 = arith.addf %mul3A_1465, %mul3A_1466 : vector<8x128xf32>
      %mul3A_1468 = arith.mulf %sub3A_1464, %sub3A_1464 : vector<8x128xf32>
      %add3A_1469 = arith.addf %add3A_1467, %mul3A_1468 : vector<8x128xf32>
      %lt3A_1470 = arith.cmpf olt, %add3A_1469, %select_n3A_1362 : vector<8x128xf32>
      %select_n3A_1471 = arith.select %lt3A_1470, %add3A_1469, %select_n3A_1362 : vector<8x128xi1>, vector<8x128xf32>
      %select_n3A_1472 = arith.select %lt3A_1470, %broadcast_in_dim3A_1366, %select_n3A_1363 : vector<8x128xi1>, vector<8x128xi32>
      %scan3A_1473 = arith.constant 11 : i32
      %scan3A_1474 = arith.addi %scan3A_264, %scan3A_1473 : i32
      %broadcast_in_dim3A_1475 = vector.broadcast %scan3A_1474 : i32 to vector<8x128xi32>
      %get3A_1476 = arith.constant 0 : index
      %get3A_1477 = arith.index_cast %scan3A_1474 : i32 to index
      %get3A_1478 = arith.constant 0 : index
      %get3A_1479 = arith.constant 0 : index
      %get3A_1480 = vector.load %arg5[%get3A_1476, %get3A_1477, %get3A_1478, %get3A_1479] : memref<3x128x8x128xf32, #tpu.memory_space<vmem>>, vector<1x1x8x128xf32>
      %get3A_1481 = vector.shape_cast %get3A_1480 : vector<1x1x8x128xf32> to vector<8x128xf32>
      %get3A_1482 = arith.constant 1 : index
      %get3A_1483 = arith.index_cast %scan3A_1474 : i32 to index
      %get3A_1484 = arith.constant 0 : index
      %get3A_1485 = arith.constant 0 : index
      %get3A_1486 = vector.load %arg5[%get3A_1482, %get3A_1483, %get3A_1484, %get3A_1485] : memref<3x128x8x128xf32, #tpu.memory_space<vmem>>, vector<1x1x8x128xf32>
      %get3A_1487 = vector.shape_cast %get3A_1486 : vector<1x1x8x128xf32> to vector<8x128xf32>
      %get3A_1488 = arith.constant 2 : index
      %get3A_1489 = arith.index_cast %scan3A_1474 : i32 to index
      %get3A_1490 = arith.constant 0 : index
      %get3A_1491 = arith.constant 0 : index
      %get3A_1492 = vector.load %arg5[%get3A_1488, %get3A_1489, %get3A_1490, %get3A_1491] : memref<3x128x8x128xf32, #tpu.memory_space<vmem>>, vector<1x1x8x128xf32>
      %get3A_1493 = vector.shape_cast %get3A_1492 : vector<1x1x8x128xf32> to vector<8x128xf32>
      %sub3A_1494 = arith.subf %get3A_6, %get3A_1481 : vector<8x128xf32>
      %sub3A_1495 = arith.subf %get3A_54, %get3A_1487 : vector<8x128xf32>
      %sub3A_1496 = arith.subf %get3A_102, %get3A_1493 : vector<8x128xf32>
      %mul3A_1497 = arith.mulf %sub3A_1494, %sub3A_1494 : vector<8x128xf32>
      %mul3A_1498 = arith.mulf %sub3A_1495, %sub3A_1495 : vector<8x128xf32>
      %add3A_1499 = arith.addf %mul3A_1497, %mul3A_1498 : vector<8x128xf32>
      %mul3A_1500 = arith.mulf %sub3A_1496, %sub3A_1496 : vector<8x128xf32>
      %add3A_1501 = arith.addf %add3A_1499, %mul3A_1500 : vector<8x128xf32>
      %lt3A_1502 = arith.cmpf olt, %add3A_1501, %select_n3A_1394 : vector<8x128xf32>
      %select_n3A_1503 = arith.select %lt3A_1502, %add3A_1501, %select_n3A_1394 : vector<8x128xi1>, vector<8x128xf32>
      %select_n3A_1504 = arith.select %lt3A_1502, %broadcast_in_dim3A_1475, %select_n3A_1395 : vector<8x128xi1>, vector<8x128xi32>
      %sub3A_1505 = arith.subf %get3A_12, %get3A_1481 : vector<8x128xf32>
      %sub3A_1506 = arith.subf %get3A_60, %get3A_1487 : vector<8x128xf32>
      %sub3A_1507 = arith.subf %get3A_108, %get3A_1493 : vector<8x128xf32>
      %mul3A_1508 = arith.mulf %sub3A_1505, %sub3A_1505 : vector<8x128xf32>
      %mul3A_1509 = arith.mulf %sub3A_1506, %sub3A_1506 : vector<8x128xf32>
      %add3A_1510 = arith.addf %mul3A_1508, %mul3A_1509 : vector<8x128xf32>
      %mul3A_1511 = arith.mulf %sub3A_1507, %sub3A_1507 : vector<8x128xf32>
      %add3A_1512 = arith.addf %add3A_1510, %mul3A_1511 : vector<8x128xf32>
      %lt3A_1513 = arith.cmpf olt, %add3A_1512, %select_n3A_1405 : vector<8x128xf32>
      %select_n3A_1514 = arith.select %lt3A_1513, %add3A_1512, %select_n3A_1405 : vector<8x128xi1>, vector<8x128xf32>
      %select_n3A_1515 = arith.select %lt3A_1513, %broadcast_in_dim3A_1475, %select_n3A_1406 : vector<8x128xi1>, vector<8x128xi32>
      %sub3A_1516 = arith.subf %get3A_18, %get3A_1481 : vector<8x128xf32>
      %sub3A_1517 = arith.subf %get3A_66, %get3A_1487 : vector<8x128xf32>
      %sub3A_1518 = arith.subf %get3A_114, %get3A_1493 : vector<8x128xf32>
      %mul3A_1519 = arith.mulf %sub3A_1516, %sub3A_1516 : vector<8x128xf32>
      %mul3A_1520 = arith.mulf %sub3A_1517, %sub3A_1517 : vector<8x128xf32>
      %add3A_1521 = arith.addf %mul3A_1519, %mul3A_1520 : vector<8x128xf32>
      %mul3A_1522 = arith.mulf %sub3A_1518, %sub3A_1518 : vector<8x128xf32>
      %add3A_1523 = arith.addf %add3A_1521, %mul3A_1522 : vector<8x128xf32>
      %lt3A_1524 = arith.cmpf olt, %add3A_1523, %select_n3A_1416 : vector<8x128xf32>
      %select_n3A_1525 = arith.select %lt3A_1524, %add3A_1523, %select_n3A_1416 : vector<8x128xi1>, vector<8x128xf32>
      %select_n3A_1526 = arith.select %lt3A_1524, %broadcast_in_dim3A_1475, %select_n3A_1417 : vector<8x128xi1>, vector<8x128xi32>
      %sub3A_1527 = arith.subf %get3A_24, %get3A_1481 : vector<8x128xf32>
      %sub3A_1528 = arith.subf %get3A_72, %get3A_1487 : vector<8x128xf32>
      %sub3A_1529 = arith.subf %get3A_120, %get3A_1493 : vector<8x128xf32>
      %mul3A_1530 = arith.mulf %sub3A_1527, %sub3A_1527 : vector<8x128xf32>
      %mul3A_1531 = arith.mulf %sub3A_1528, %sub3A_1528 : vector<8x128xf32>
      %add3A_1532 = arith.addf %mul3A_1530, %mul3A_1531 : vector<8x128xf32>
      %mul3A_1533 = arith.mulf %sub3A_1529, %sub3A_1529 : vector<8x128xf32>
      %add3A_1534 = arith.addf %add3A_1532, %mul3A_1533 : vector<8x128xf32>
      %lt3A_1535 = arith.cmpf olt, %add3A_1534, %select_n3A_1427 : vector<8x128xf32>
      %select_n3A_1536 = arith.select %lt3A_1535, %add3A_1534, %select_n3A_1427 : vector<8x128xi1>, vector<8x128xf32>
      %select_n3A_1537 = arith.select %lt3A_1535, %broadcast_in_dim3A_1475, %select_n3A_1428 : vector<8x128xi1>, vector<8x128xi32>
      %sub3A_1538 = arith.subf %get3A_30, %get3A_1481 : vector<8x128xf32>
      %sub3A_1539 = arith.subf %get3A_78, %get3A_1487 : vector<8x128xf32>
      %sub3A_1540 = arith.subf %get3A_126, %get3A_1493 : vector<8x128xf32>
      %mul3A_1541 = arith.mulf %sub3A_1538, %sub3A_1538 : vector<8x128xf32>
      %mul3A_1542 = arith.mulf %sub3A_1539, %sub3A_1539 : vector<8x128xf32>
      %add3A_1543 = arith.addf %mul3A_1541, %mul3A_1542 : vector<8x128xf32>
      %mul3A_1544 = arith.mulf %sub3A_1540, %sub3A_1540 : vector<8x128xf32>
      %add3A_1545 = arith.addf %add3A_1543, %mul3A_1544 : vector<8x128xf32>
      %lt3A_1546 = arith.cmpf olt, %add3A_1545, %select_n3A_1438 : vector<8x128xf32>
      %select_n3A_1547 = arith.select %lt3A_1546, %add3A_1545, %select_n3A_1438 : vector<8x128xi1>, vector<8x128xf32>
      %select_n3A_1548 = arith.select %lt3A_1546, %broadcast_in_dim3A_1475, %select_n3A_1439 : vector<8x128xi1>, vector<8x128xi32>
      %sub3A_1549 = arith.subf %get3A_36, %get3A_1481 : vector<8x128xf32>
      %sub3A_1550 = arith.subf %get3A_84, %get3A_1487 : vector<8x128xf32>
      %sub3A_1551 = arith.subf %get3A_132, %get3A_1493 : vector<8x128xf32>
      %mul3A_1552 = arith.mulf %sub3A_1549, %sub3A_1549 : vector<8x128xf32>
      %mul3A_1553 = arith.mulf %sub3A_1550, %sub3A_1550 : vector<8x128xf32>
      %add3A_1554 = arith.addf %mul3A_1552, %mul3A_1553 : vector<8x128xf32>
      %mul3A_1555 = arith.mulf %sub3A_1551, %sub3A_1551 : vector<8x128xf32>
      %add3A_1556 = arith.addf %add3A_1554, %mul3A_1555 : vector<8x128xf32>
      %lt3A_1557 = arith.cmpf olt, %add3A_1556, %select_n3A_1449 : vector<8x128xf32>
      %select_n3A_1558 = arith.select %lt3A_1557, %add3A_1556, %select_n3A_1449 : vector<8x128xi1>, vector<8x128xf32>
      %select_n3A_1559 = arith.select %lt3A_1557, %broadcast_in_dim3A_1475, %select_n3A_1450 : vector<8x128xi1>, vector<8x128xi32>
      %sub3A_1560 = arith.subf %get3A_42, %get3A_1481 : vector<8x128xf32>
      %sub3A_1561 = arith.subf %get3A_90, %get3A_1487 : vector<8x128xf32>
      %sub3A_1562 = arith.subf %get3A_138, %get3A_1493 : vector<8x128xf32>
      %mul3A_1563 = arith.mulf %sub3A_1560, %sub3A_1560 : vector<8x128xf32>
      %mul3A_1564 = arith.mulf %sub3A_1561, %sub3A_1561 : vector<8x128xf32>
      %add3A_1565 = arith.addf %mul3A_1563, %mul3A_1564 : vector<8x128xf32>
      %mul3A_1566 = arith.mulf %sub3A_1562, %sub3A_1562 : vector<8x128xf32>
      %add3A_1567 = arith.addf %add3A_1565, %mul3A_1566 : vector<8x128xf32>
      %lt3A_1568 = arith.cmpf olt, %add3A_1567, %select_n3A_1460 : vector<8x128xf32>
      %select_n3A_1569 = arith.select %lt3A_1568, %add3A_1567, %select_n3A_1460 : vector<8x128xi1>, vector<8x128xf32>
      %select_n3A_1570 = arith.select %lt3A_1568, %broadcast_in_dim3A_1475, %select_n3A_1461 : vector<8x128xi1>, vector<8x128xi32>
      %sub3A_1571 = arith.subf %get3A_48, %get3A_1481 : vector<8x128xf32>
      %sub3A_1572 = arith.subf %get3A_96, %get3A_1487 : vector<8x128xf32>
      %sub3A_1573 = arith.subf %get3A_144, %get3A_1493 : vector<8x128xf32>
      %mul3A_1574 = arith.mulf %sub3A_1571, %sub3A_1571 : vector<8x128xf32>
      %mul3A_1575 = arith.mulf %sub3A_1572, %sub3A_1572 : vector<8x128xf32>
      %add3A_1576 = arith.addf %mul3A_1574, %mul3A_1575 : vector<8x128xf32>
      %mul3A_1577 = arith.mulf %sub3A_1573, %sub3A_1573 : vector<8x128xf32>
      %add3A_1578 = arith.addf %add3A_1576, %mul3A_1577 : vector<8x128xf32>
      %lt3A_1579 = arith.cmpf olt, %add3A_1578, %select_n3A_1471 : vector<8x128xf32>
      %select_n3A_1580 = arith.select %lt3A_1579, %add3A_1578, %select_n3A_1471 : vector<8x128xi1>, vector<8x128xf32>
      %select_n3A_1581 = arith.select %lt3A_1579, %broadcast_in_dim3A_1475, %select_n3A_1472 : vector<8x128xi1>, vector<8x128xi32>
      %scan3A_1582 = arith.constant 12 : i32
      %scan3A_1583 = arith.addi %scan3A_264, %scan3A_1582 : i32
      %broadcast_in_dim3A_1584 = vector.broadcast %scan3A_1583 : i32 to vector<8x128xi32>
      %get3A_1585 = arith.constant 0 : index
      %get3A_1586 = arith.index_cast %scan3A_1583 : i32 to index
      %get3A_1587 = arith.constant 0 : index
      %get3A_1588 = arith.constant 0 : index
      %get3A_1589 = vector.load %arg5[%get3A_1585, %get3A_1586, %get3A_1587, %get3A_1588] : memref<3x128x8x128xf32, #tpu.memory_space<vmem>>, vector<1x1x8x128xf32>
      %get3A_1590 = vector.shape_cast %get3A_1589 : vector<1x1x8x128xf32> to vector<8x128xf32>
      %get3A_1591 = arith.constant 1 : index
      %get3A_1592 = arith.index_cast %scan3A_1583 : i32 to index
      %get3A_1593 = arith.constant 0 : index
      %get3A_1594 = arith.constant 0 : index
      %get3A_1595 = vector.load %arg5[%get3A_1591, %get3A_1592, %get3A_1593, %get3A_1594] : memref<3x128x8x128xf32, #tpu.memory_space<vmem>>, vector<1x1x8x128xf32>
      %get3A_1596 = vector.shape_cast %get3A_1595 : vector<1x1x8x128xf32> to vector<8x128xf32>
      %get3A_1597 = arith.constant 2 : index
      %get3A_1598 = arith.index_cast %scan3A_1583 : i32 to index
      %get3A_1599 = arith.constant 0 : index
      %get3A_1600 = arith.constant 0 : index
      %get3A_1601 = vector.load %arg5[%get3A_1597, %get3A_1598, %get3A_1599, %get3A_1600] : memref<3x128x8x128xf32, #tpu.memory_space<vmem>>, vector<1x1x8x128xf32>
      %get3A_1602 = vector.shape_cast %get3A_1601 : vector<1x1x8x128xf32> to vector<8x128xf32>
      %sub3A_1603 = arith.subf %get3A_6, %get3A_1590 : vector<8x128xf32>
      %sub3A_1604 = arith.subf %get3A_54, %get3A_1596 : vector<8x128xf32>
      %sub3A_1605 = arith.subf %get3A_102, %get3A_1602 : vector<8x128xf32>
      %mul3A_1606 = arith.mulf %sub3A_1603, %sub3A_1603 : vector<8x128xf32>
      %mul3A_1607 = arith.mulf %sub3A_1604, %sub3A_1604 : vector<8x128xf32>
      %add3A_1608 = arith.addf %mul3A_1606, %mul3A_1607 : vector<8x128xf32>
      %mul3A_1609 = arith.mulf %sub3A_1605, %sub3A_1605 : vector<8x128xf32>
      %add3A_1610 = arith.addf %add3A_1608, %mul3A_1609 : vector<8x128xf32>
      %lt3A_1611 = arith.cmpf olt, %add3A_1610, %select_n3A_1503 : vector<8x128xf32>
      %select_n3A_1612 = arith.select %lt3A_1611, %add3A_1610, %select_n3A_1503 : vector<8x128xi1>, vector<8x128xf32>
      %select_n3A_1613 = arith.select %lt3A_1611, %broadcast_in_dim3A_1584, %select_n3A_1504 : vector<8x128xi1>, vector<8x128xi32>
      %sub3A_1614 = arith.subf %get3A_12, %get3A_1590 : vector<8x128xf32>
      %sub3A_1615 = arith.subf %get3A_60, %get3A_1596 : vector<8x128xf32>
      %sub3A_1616 = arith.subf %get3A_108, %get3A_1602 : vector<8x128xf32>
      %mul3A_1617 = arith.mulf %sub3A_1614, %sub3A_1614 : vector<8x128xf32>
      %mul3A_1618 = arith.mulf %sub3A_1615, %sub3A_1615 : vector<8x128xf32>
      %add3A_1619 = arith.addf %mul3A_1617, %mul3A_1618 : vector<8x128xf32>
      %mul3A_1620 = arith.mulf %sub3A_1616, %sub3A_1616 : vector<8x128xf32>
      %add3A_1621 = arith.addf %add3A_1619, %mul3A_1620 : vector<8x128xf32>
      %lt3A_1622 = arith.cmpf olt, %add3A_1621, %select_n3A_1514 : vector<8x128xf32>
      %select_n3A_1623 = arith.select %lt3A_1622, %add3A_1621, %select_n3A_1514 : vector<8x128xi1>, vector<8x128xf32>
      %select_n3A_1624 = arith.select %lt3A_1622, %broadcast_in_dim3A_1584, %select_n3A_1515 : vector<8x128xi1>, vector<8x128xi32>
      %sub3A_1625 = arith.subf %get3A_18, %get3A_1590 : vector<8x128xf32>
      %sub3A_1626 = arith.subf %get3A_66, %get3A_1596 : vector<8x128xf32>
      %sub3A_1627 = arith.subf %get3A_114, %get3A_1602 : vector<8x128xf32>
      %mul3A_1628 = arith.mulf %sub3A_1625, %sub3A_1625 : vector<8x128xf32>
      %mul3A_1629 = arith.mulf %sub3A_1626, %sub3A_1626 : vector<8x128xf32>
      %add3A_1630 = arith.addf %mul3A_1628, %mul3A_1629 : vector<8x128xf32>
      %mul3A_1631 = arith.mulf %sub3A_1627, %sub3A_1627 : vector<8x128xf32>
      %add3A_1632 = arith.addf %add3A_1630, %mul3A_1631 : vector<8x128xf32>
      %lt3A_1633 = arith.cmpf olt, %add3A_1632, %select_n3A_1525 : vector<8x128xf32>
      %select_n3A_1634 = arith.select %lt3A_1633, %add3A_1632, %select_n3A_1525 : vector<8x128xi1>, vector<8x128xf32>
      %select_n3A_1635 = arith.select %lt3A_1633, %broadcast_in_dim3A_1584, %select_n3A_1526 : vector<8x128xi1>, vector<8x128xi32>
      %sub3A_1636 = arith.subf %get3A_24, %get3A_1590 : vector<8x128xf32>
      %sub3A_1637 = arith.subf %get3A_72, %get3A_1596 : vector<8x128xf32>
      %sub3A_1638 = arith.subf %get3A_120, %get3A_1602 : vector<8x128xf32>
      %mul3A_1639 = arith.mulf %sub3A_1636, %sub3A_1636 : vector<8x128xf32>
      %mul3A_1640 = arith.mulf %sub3A_1637, %sub3A_1637 : vector<8x128xf32>
      %add3A_1641 = arith.addf %mul3A_1639, %mul3A_1640 : vector<8x128xf32>
      %mul3A_1642 = arith.mulf %sub3A_1638, %sub3A_1638 : vector<8x128xf32>
      %add3A_1643 = arith.addf %add3A_1641, %mul3A_1642 : vector<8x128xf32>
      %lt3A_1644 = arith.cmpf olt, %add3A_1643, %select_n3A_1536 : vector<8x128xf32>
      %select_n3A_1645 = arith.select %lt3A_1644, %add3A_1643, %select_n3A_1536 : vector<8x128xi1>, vector<8x128xf32>
      %select_n3A_1646 = arith.select %lt3A_1644, %broadcast_in_dim3A_1584, %select_n3A_1537 : vector<8x128xi1>, vector<8x128xi32>
      %sub3A_1647 = arith.subf %get3A_30, %get3A_1590 : vector<8x128xf32>
      %sub3A_1648 = arith.subf %get3A_78, %get3A_1596 : vector<8x128xf32>
      %sub3A_1649 = arith.subf %get3A_126, %get3A_1602 : vector<8x128xf32>
      %mul3A_1650 = arith.mulf %sub3A_1647, %sub3A_1647 : vector<8x128xf32>
      %mul3A_1651 = arith.mulf %sub3A_1648, %sub3A_1648 : vector<8x128xf32>
      %add3A_1652 = arith.addf %mul3A_1650, %mul3A_1651 : vector<8x128xf32>
      %mul3A_1653 = arith.mulf %sub3A_1649, %sub3A_1649 : vector<8x128xf32>
      %add3A_1654 = arith.addf %add3A_1652, %mul3A_1653 : vector<8x128xf32>
      %lt3A_1655 = arith.cmpf olt, %add3A_1654, %select_n3A_1547 : vector<8x128xf32>
      %select_n3A_1656 = arith.select %lt3A_1655, %add3A_1654, %select_n3A_1547 : vector<8x128xi1>, vector<8x128xf32>
      %select_n3A_1657 = arith.select %lt3A_1655, %broadcast_in_dim3A_1584, %select_n3A_1548 : vector<8x128xi1>, vector<8x128xi32>
      %sub3A_1658 = arith.subf %get3A_36, %get3A_1590 : vector<8x128xf32>
      %sub3A_1659 = arith.subf %get3A_84, %get3A_1596 : vector<8x128xf32>
      %sub3A_1660 = arith.subf %get3A_132, %get3A_1602 : vector<8x128xf32>
      %mul3A_1661 = arith.mulf %sub3A_1658, %sub3A_1658 : vector<8x128xf32>
      %mul3A_1662 = arith.mulf %sub3A_1659, %sub3A_1659 : vector<8x128xf32>
      %add3A_1663 = arith.addf %mul3A_1661, %mul3A_1662 : vector<8x128xf32>
      %mul3A_1664 = arith.mulf %sub3A_1660, %sub3A_1660 : vector<8x128xf32>
      %add3A_1665 = arith.addf %add3A_1663, %mul3A_1664 : vector<8x128xf32>
      %lt3A_1666 = arith.cmpf olt, %add3A_1665, %select_n3A_1558 : vector<8x128xf32>
      %select_n3A_1667 = arith.select %lt3A_1666, %add3A_1665, %select_n3A_1558 : vector<8x128xi1>, vector<8x128xf32>
      %select_n3A_1668 = arith.select %lt3A_1666, %broadcast_in_dim3A_1584, %select_n3A_1559 : vector<8x128xi1>, vector<8x128xi32>
      %sub3A_1669 = arith.subf %get3A_42, %get3A_1590 : vector<8x128xf32>
      %sub3A_1670 = arith.subf %get3A_90, %get3A_1596 : vector<8x128xf32>
      %sub3A_1671 = arith.subf %get3A_138, %get3A_1602 : vector<8x128xf32>
      %mul3A_1672 = arith.mulf %sub3A_1669, %sub3A_1669 : vector<8x128xf32>
      %mul3A_1673 = arith.mulf %sub3A_1670, %sub3A_1670 : vector<8x128xf32>
      %add3A_1674 = arith.addf %mul3A_1672, %mul3A_1673 : vector<8x128xf32>
      %mul3A_1675 = arith.mulf %sub3A_1671, %sub3A_1671 : vector<8x128xf32>
      %add3A_1676 = arith.addf %add3A_1674, %mul3A_1675 : vector<8x128xf32>
      %lt3A_1677 = arith.cmpf olt, %add3A_1676, %select_n3A_1569 : vector<8x128xf32>
      %select_n3A_1678 = arith.select %lt3A_1677, %add3A_1676, %select_n3A_1569 : vector<8x128xi1>, vector<8x128xf32>
      %select_n3A_1679 = arith.select %lt3A_1677, %broadcast_in_dim3A_1584, %select_n3A_1570 : vector<8x128xi1>, vector<8x128xi32>
      %sub3A_1680 = arith.subf %get3A_48, %get3A_1590 : vector<8x128xf32>
      %sub3A_1681 = arith.subf %get3A_96, %get3A_1596 : vector<8x128xf32>
      %sub3A_1682 = arith.subf %get3A_144, %get3A_1602 : vector<8x128xf32>
      %mul3A_1683 = arith.mulf %sub3A_1680, %sub3A_1680 : vector<8x128xf32>
      %mul3A_1684 = arith.mulf %sub3A_1681, %sub3A_1681 : vector<8x128xf32>
      %add3A_1685 = arith.addf %mul3A_1683, %mul3A_1684 : vector<8x128xf32>
      %mul3A_1686 = arith.mulf %sub3A_1682, %sub3A_1682 : vector<8x128xf32>
      %add3A_1687 = arith.addf %add3A_1685, %mul3A_1686 : vector<8x128xf32>
      %lt3A_1688 = arith.cmpf olt, %add3A_1687, %select_n3A_1580 : vector<8x128xf32>
      %select_n3A_1689 = arith.select %lt3A_1688, %add3A_1687, %select_n3A_1580 : vector<8x128xi1>, vector<8x128xf32>
      %select_n3A_1690 = arith.select %lt3A_1688, %broadcast_in_dim3A_1584, %select_n3A_1581 : vector<8x128xi1>, vector<8x128xi32>
      %scan3A_1691 = arith.constant 13 : i32
      %scan3A_1692 = arith.addi %scan3A_264, %scan3A_1691 : i32
      %broadcast_in_dim3A_1693 = vector.broadcast %scan3A_1692 : i32 to vector<8x128xi32>
      %get3A_1694 = arith.constant 0 : index
      %get3A_1695 = arith.index_cast %scan3A_1692 : i32 to index
      %get3A_1696 = arith.constant 0 : index
      %get3A_1697 = arith.constant 0 : index
      %get3A_1698 = vector.load %arg5[%get3A_1694, %get3A_1695, %get3A_1696, %get3A_1697] : memref<3x128x8x128xf32, #tpu.memory_space<vmem>>, vector<1x1x8x128xf32>
      %get3A_1699 = vector.shape_cast %get3A_1698 : vector<1x1x8x128xf32> to vector<8x128xf32>
      %get3A_1700 = arith.constant 1 : index
      %get3A_1701 = arith.index_cast %scan3A_1692 : i32 to index
      %get3A_1702 = arith.constant 0 : index
      %get3A_1703 = arith.constant 0 : index
      %get3A_1704 = vector.load %arg5[%get3A_1700, %get3A_1701, %get3A_1702, %get3A_1703] : memref<3x128x8x128xf32, #tpu.memory_space<vmem>>, vector<1x1x8x128xf32>
      %get3A_1705 = vector.shape_cast %get3A_1704 : vector<1x1x8x128xf32> to vector<8x128xf32>
      %get3A_1706 = arith.constant 2 : index
      %get3A_1707 = arith.index_cast %scan3A_1692 : i32 to index
      %get3A_1708 = arith.constant 0 : index
      %get3A_1709 = arith.constant 0 : index
      %get3A_1710 = vector.load %arg5[%get3A_1706, %get3A_1707, %get3A_1708, %get3A_1709] : memref<3x128x8x128xf32, #tpu.memory_space<vmem>>, vector<1x1x8x128xf32>
      %get3A_1711 = vector.shape_cast %get3A_1710 : vector<1x1x8x128xf32> to vector<8x128xf32>
      %sub3A_1712 = arith.subf %get3A_6, %get3A_1699 : vector<8x128xf32>
      %sub3A_1713 = arith.subf %get3A_54, %get3A_1705 : vector<8x128xf32>
      %sub3A_1714 = arith.subf %get3A_102, %get3A_1711 : vector<8x128xf32>
      %mul3A_1715 = arith.mulf %sub3A_1712, %sub3A_1712 : vector<8x128xf32>
      %mul3A_1716 = arith.mulf %sub3A_1713, %sub3A_1713 : vector<8x128xf32>
      %add3A_1717 = arith.addf %mul3A_1715, %mul3A_1716 : vector<8x128xf32>
      %mul3A_1718 = arith.mulf %sub3A_1714, %sub3A_1714 : vector<8x128xf32>
      %add3A_1719 = arith.addf %add3A_1717, %mul3A_1718 : vector<8x128xf32>
      %lt3A_1720 = arith.cmpf olt, %add3A_1719, %select_n3A_1612 : vector<8x128xf32>
      %select_n3A_1721 = arith.select %lt3A_1720, %add3A_1719, %select_n3A_1612 : vector<8x128xi1>, vector<8x128xf32>
      %select_n3A_1722 = arith.select %lt3A_1720, %broadcast_in_dim3A_1693, %select_n3A_1613 : vector<8x128xi1>, vector<8x128xi32>
      %sub3A_1723 = arith.subf %get3A_12, %get3A_1699 : vector<8x128xf32>
      %sub3A_1724 = arith.subf %get3A_60, %get3A_1705 : vector<8x128xf32>
      %sub3A_1725 = arith.subf %get3A_108, %get3A_1711 : vector<8x128xf32>
      %mul3A_1726 = arith.mulf %sub3A_1723, %sub3A_1723 : vector<8x128xf32>
      %mul3A_1727 = arith.mulf %sub3A_1724, %sub3A_1724 : vector<8x128xf32>
      %add3A_1728 = arith.addf %mul3A_1726, %mul3A_1727 : vector<8x128xf32>
      %mul3A_1729 = arith.mulf %sub3A_1725, %sub3A_1725 : vector<8x128xf32>
      %add3A_1730 = arith.addf %add3A_1728, %mul3A_1729 : vector<8x128xf32>
      %lt3A_1731 = arith.cmpf olt, %add3A_1730, %select_n3A_1623 : vector<8x128xf32>
      %select_n3A_1732 = arith.select %lt3A_1731, %add3A_1730, %select_n3A_1623 : vector<8x128xi1>, vector<8x128xf32>
      %select_n3A_1733 = arith.select %lt3A_1731, %broadcast_in_dim3A_1693, %select_n3A_1624 : vector<8x128xi1>, vector<8x128xi32>
      %sub3A_1734 = arith.subf %get3A_18, %get3A_1699 : vector<8x128xf32>
      %sub3A_1735 = arith.subf %get3A_66, %get3A_1705 : vector<8x128xf32>
      %sub3A_1736 = arith.subf %get3A_114, %get3A_1711 : vector<8x128xf32>
      %mul3A_1737 = arith.mulf %sub3A_1734, %sub3A_1734 : vector<8x128xf32>
      %mul3A_1738 = arith.mulf %sub3A_1735, %sub3A_1735 : vector<8x128xf32>
      %add3A_1739 = arith.addf %mul3A_1737, %mul3A_1738 : vector<8x128xf32>
      %mul3A_1740 = arith.mulf %sub3A_1736, %sub3A_1736 : vector<8x128xf32>
      %add3A_1741 = arith.addf %add3A_1739, %mul3A_1740 : vector<8x128xf32>
      %lt3A_1742 = arith.cmpf olt, %add3A_1741, %select_n3A_1634 : vector<8x128xf32>
      %select_n3A_1743 = arith.select %lt3A_1742, %add3A_1741, %select_n3A_1634 : vector<8x128xi1>, vector<8x128xf32>
      %select_n3A_1744 = arith.select %lt3A_1742, %broadcast_in_dim3A_1693, %select_n3A_1635 : vector<8x128xi1>, vector<8x128xi32>
      %sub3A_1745 = arith.subf %get3A_24, %get3A_1699 : vector<8x128xf32>
      %sub3A_1746 = arith.subf %get3A_72, %get3A_1705 : vector<8x128xf32>
      %sub3A_1747 = arith.subf %get3A_120, %get3A_1711 : vector<8x128xf32>
      %mul3A_1748 = arith.mulf %sub3A_1745, %sub3A_1745 : vector<8x128xf32>
      %mul3A_1749 = arith.mulf %sub3A_1746, %sub3A_1746 : vector<8x128xf32>
      %add3A_1750 = arith.addf %mul3A_1748, %mul3A_1749 : vector<8x128xf32>
      %mul3A_1751 = arith.mulf %sub3A_1747, %sub3A_1747 : vector<8x128xf32>
      %add3A_1752 = arith.addf %add3A_1750, %mul3A_1751 : vector<8x128xf32>
      %lt3A_1753 = arith.cmpf olt, %add3A_1752, %select_n3A_1645 : vector<8x128xf32>
      %select_n3A_1754 = arith.select %lt3A_1753, %add3A_1752, %select_n3A_1645 : vector<8x128xi1>, vector<8x128xf32>
      %select_n3A_1755 = arith.select %lt3A_1753, %broadcast_in_dim3A_1693, %select_n3A_1646 : vector<8x128xi1>, vector<8x128xi32>
      %sub3A_1756 = arith.subf %get3A_30, %get3A_1699 : vector<8x128xf32>
      %sub3A_1757 = arith.subf %get3A_78, %get3A_1705 : vector<8x128xf32>
      %sub3A_1758 = arith.subf %get3A_126, %get3A_1711 : vector<8x128xf32>
      %mul3A_1759 = arith.mulf %sub3A_1756, %sub3A_1756 : vector<8x128xf32>
      %mul3A_1760 = arith.mulf %sub3A_1757, %sub3A_1757 : vector<8x128xf32>
      %add3A_1761 = arith.addf %mul3A_1759, %mul3A_1760 : vector<8x128xf32>
      %mul3A_1762 = arith.mulf %sub3A_1758, %sub3A_1758 : vector<8x128xf32>
      %add3A_1763 = arith.addf %add3A_1761, %mul3A_1762 : vector<8x128xf32>
      %lt3A_1764 = arith.cmpf olt, %add3A_1763, %select_n3A_1656 : vector<8x128xf32>
      %select_n3A_1765 = arith.select %lt3A_1764, %add3A_1763, %select_n3A_1656 : vector<8x128xi1>, vector<8x128xf32>
      %select_n3A_1766 = arith.select %lt3A_1764, %broadcast_in_dim3A_1693, %select_n3A_1657 : vector<8x128xi1>, vector<8x128xi32>
      %sub3A_1767 = arith.subf %get3A_36, %get3A_1699 : vector<8x128xf32>
      %sub3A_1768 = arith.subf %get3A_84, %get3A_1705 : vector<8x128xf32>
      %sub3A_1769 = arith.subf %get3A_132, %get3A_1711 : vector<8x128xf32>
      %mul3A_1770 = arith.mulf %sub3A_1767, %sub3A_1767 : vector<8x128xf32>
      %mul3A_1771 = arith.mulf %sub3A_1768, %sub3A_1768 : vector<8x128xf32>
      %add3A_1772 = arith.addf %mul3A_1770, %mul3A_1771 : vector<8x128xf32>
      %mul3A_1773 = arith.mulf %sub3A_1769, %sub3A_1769 : vector<8x128xf32>
      %add3A_1774 = arith.addf %add3A_1772, %mul3A_1773 : vector<8x128xf32>
      %lt3A_1775 = arith.cmpf olt, %add3A_1774, %select_n3A_1667 : vector<8x128xf32>
      %select_n3A_1776 = arith.select %lt3A_1775, %add3A_1774, %select_n3A_1667 : vector<8x128xi1>, vector<8x128xf32>
      %select_n3A_1777 = arith.select %lt3A_1775, %broadcast_in_dim3A_1693, %select_n3A_1668 : vector<8x128xi1>, vector<8x128xi32>
      %sub3A_1778 = arith.subf %get3A_42, %get3A_1699 : vector<8x128xf32>
      %sub3A_1779 = arith.subf %get3A_90, %get3A_1705 : vector<8x128xf32>
      %sub3A_1780 = arith.subf %get3A_138, %get3A_1711 : vector<8x128xf32>
      %mul3A_1781 = arith.mulf %sub3A_1778, %sub3A_1778 : vector<8x128xf32>
      %mul3A_1782 = arith.mulf %sub3A_1779, %sub3A_1779 : vector<8x128xf32>
      %add3A_1783 = arith.addf %mul3A_1781, %mul3A_1782 : vector<8x128xf32>
      %mul3A_1784 = arith.mulf %sub3A_1780, %sub3A_1780 : vector<8x128xf32>
      %add3A_1785 = arith.addf %add3A_1783, %mul3A_1784 : vector<8x128xf32>
      %lt3A_1786 = arith.cmpf olt, %add3A_1785, %select_n3A_1678 : vector<8x128xf32>
      %select_n3A_1787 = arith.select %lt3A_1786, %add3A_1785, %select_n3A_1678 : vector<8x128xi1>, vector<8x128xf32>
      %select_n3A_1788 = arith.select %lt3A_1786, %broadcast_in_dim3A_1693, %select_n3A_1679 : vector<8x128xi1>, vector<8x128xi32>
      %sub3A_1789 = arith.subf %get3A_48, %get3A_1699 : vector<8x128xf32>
      %sub3A_1790 = arith.subf %get3A_96, %get3A_1705 : vector<8x128xf32>
      %sub3A_1791 = arith.subf %get3A_144, %get3A_1711 : vector<8x128xf32>
      %mul3A_1792 = arith.mulf %sub3A_1789, %sub3A_1789 : vector<8x128xf32>
      %mul3A_1793 = arith.mulf %sub3A_1790, %sub3A_1790 : vector<8x128xf32>
      %add3A_1794 = arith.addf %mul3A_1792, %mul3A_1793 : vector<8x128xf32>
      %mul3A_1795 = arith.mulf %sub3A_1791, %sub3A_1791 : vector<8x128xf32>
      %add3A_1796 = arith.addf %add3A_1794, %mul3A_1795 : vector<8x128xf32>
      %lt3A_1797 = arith.cmpf olt, %add3A_1796, %select_n3A_1689 : vector<8x128xf32>
      %select_n3A_1798 = arith.select %lt3A_1797, %add3A_1796, %select_n3A_1689 : vector<8x128xi1>, vector<8x128xf32>
      %select_n3A_1799 = arith.select %lt3A_1797, %broadcast_in_dim3A_1693, %select_n3A_1690 : vector<8x128xi1>, vector<8x128xi32>
      %scan3A_1800 = arith.constant 14 : i32
      %scan3A_1801 = arith.addi %scan3A_264, %scan3A_1800 : i32
      %broadcast_in_dim3A_1802 = vector.broadcast %scan3A_1801 : i32 to vector<8x128xi32>
      %get3A_1803 = arith.constant 0 : index
      %get3A_1804 = arith.index_cast %scan3A_1801 : i32 to index
      %get3A_1805 = arith.constant 0 : index
      %get3A_1806 = arith.constant 0 : index
      %get3A_1807 = vector.load %arg5[%get3A_1803, %get3A_1804, %get3A_1805, %get3A_1806] : memref<3x128x8x128xf32, #tpu.memory_space<vmem>>, vector<1x1x8x128xf32>
      %get3A_1808 = vector.shape_cast %get3A_1807 : vector<1x1x8x128xf32> to vector<8x128xf32>
      %get3A_1809 = arith.constant 1 : index
      %get3A_1810 = arith.index_cast %scan3A_1801 : i32 to index
      %get3A_1811 = arith.constant 0 : index
      %get3A_1812 = arith.constant 0 : index
      %get3A_1813 = vector.load %arg5[%get3A_1809, %get3A_1810, %get3A_1811, %get3A_1812] : memref<3x128x8x128xf32, #tpu.memory_space<vmem>>, vector<1x1x8x128xf32>
      %get3A_1814 = vector.shape_cast %get3A_1813 : vector<1x1x8x128xf32> to vector<8x128xf32>
      %get3A_1815 = arith.constant 2 : index
      %get3A_1816 = arith.index_cast %scan3A_1801 : i32 to index
      %get3A_1817 = arith.constant 0 : index
      %get3A_1818 = arith.constant 0 : index
      %get3A_1819 = vector.load %arg5[%get3A_1815, %get3A_1816, %get3A_1817, %get3A_1818] : memref<3x128x8x128xf32, #tpu.memory_space<vmem>>, vector<1x1x8x128xf32>
      %get3A_1820 = vector.shape_cast %get3A_1819 : vector<1x1x8x128xf32> to vector<8x128xf32>
      %sub3A_1821 = arith.subf %get3A_6, %get3A_1808 : vector<8x128xf32>
      %sub3A_1822 = arith.subf %get3A_54, %get3A_1814 : vector<8x128xf32>
      %sub3A_1823 = arith.subf %get3A_102, %get3A_1820 : vector<8x128xf32>
      %mul3A_1824 = arith.mulf %sub3A_1821, %sub3A_1821 : vector<8x128xf32>
      %mul3A_1825 = arith.mulf %sub3A_1822, %sub3A_1822 : vector<8x128xf32>
      %add3A_1826 = arith.addf %mul3A_1824, %mul3A_1825 : vector<8x128xf32>
      %mul3A_1827 = arith.mulf %sub3A_1823, %sub3A_1823 : vector<8x128xf32>
      %add3A_1828 = arith.addf %add3A_1826, %mul3A_1827 : vector<8x128xf32>
      %lt3A_1829 = arith.cmpf olt, %add3A_1828, %select_n3A_1721 : vector<8x128xf32>
      %select_n3A_1830 = arith.select %lt3A_1829, %add3A_1828, %select_n3A_1721 : vector<8x128xi1>, vector<8x128xf32>
      %select_n3A_1831 = arith.select %lt3A_1829, %broadcast_in_dim3A_1802, %select_n3A_1722 : vector<8x128xi1>, vector<8x128xi32>
      %sub3A_1832 = arith.subf %get3A_12, %get3A_1808 : vector<8x128xf32>
      %sub3A_1833 = arith.subf %get3A_60, %get3A_1814 : vector<8x128xf32>
      %sub3A_1834 = arith.subf %get3A_108, %get3A_1820 : vector<8x128xf32>
      %mul3A_1835 = arith.mulf %sub3A_1832, %sub3A_1832 : vector<8x128xf32>
      %mul3A_1836 = arith.mulf %sub3A_1833, %sub3A_1833 : vector<8x128xf32>
      %add3A_1837 = arith.addf %mul3A_1835, %mul3A_1836 : vector<8x128xf32>
      %mul3A_1838 = arith.mulf %sub3A_1834, %sub3A_1834 : vector<8x128xf32>
      %add3A_1839 = arith.addf %add3A_1837, %mul3A_1838 : vector<8x128xf32>
      %lt3A_1840 = arith.cmpf olt, %add3A_1839, %select_n3A_1732 : vector<8x128xf32>
      %select_n3A_1841 = arith.select %lt3A_1840, %add3A_1839, %select_n3A_1732 : vector<8x128xi1>, vector<8x128xf32>
      %select_n3A_1842 = arith.select %lt3A_1840, %broadcast_in_dim3A_1802, %select_n3A_1733 : vector<8x128xi1>, vector<8x128xi32>
      %sub3A_1843 = arith.subf %get3A_18, %get3A_1808 : vector<8x128xf32>
      %sub3A_1844 = arith.subf %get3A_66, %get3A_1814 : vector<8x128xf32>
      %sub3A_1845 = arith.subf %get3A_114, %get3A_1820 : vector<8x128xf32>
      %mul3A_1846 = arith.mulf %sub3A_1843, %sub3A_1843 : vector<8x128xf32>
      %mul3A_1847 = arith.mulf %sub3A_1844, %sub3A_1844 : vector<8x128xf32>
      %add3A_1848 = arith.addf %mul3A_1846, %mul3A_1847 : vector<8x128xf32>
      %mul3A_1849 = arith.mulf %sub3A_1845, %sub3A_1845 : vector<8x128xf32>
      %add3A_1850 = arith.addf %add3A_1848, %mul3A_1849 : vector<8x128xf32>
      %lt3A_1851 = arith.cmpf olt, %add3A_1850, %select_n3A_1743 : vector<8x128xf32>
      %select_n3A_1852 = arith.select %lt3A_1851, %add3A_1850, %select_n3A_1743 : vector<8x128xi1>, vector<8x128xf32>
      %select_n3A_1853 = arith.select %lt3A_1851, %broadcast_in_dim3A_1802, %select_n3A_1744 : vector<8x128xi1>, vector<8x128xi32>
      %sub3A_1854 = arith.subf %get3A_24, %get3A_1808 : vector<8x128xf32>
      %sub3A_1855 = arith.subf %get3A_72, %get3A_1814 : vector<8x128xf32>
      %sub3A_1856 = arith.subf %get3A_120, %get3A_1820 : vector<8x128xf32>
      %mul3A_1857 = arith.mulf %sub3A_1854, %sub3A_1854 : vector<8x128xf32>
      %mul3A_1858 = arith.mulf %sub3A_1855, %sub3A_1855 : vector<8x128xf32>
      %add3A_1859 = arith.addf %mul3A_1857, %mul3A_1858 : vector<8x128xf32>
      %mul3A_1860 = arith.mulf %sub3A_1856, %sub3A_1856 : vector<8x128xf32>
      %add3A_1861 = arith.addf %add3A_1859, %mul3A_1860 : vector<8x128xf32>
      %lt3A_1862 = arith.cmpf olt, %add3A_1861, %select_n3A_1754 : vector<8x128xf32>
      %select_n3A_1863 = arith.select %lt3A_1862, %add3A_1861, %select_n3A_1754 : vector<8x128xi1>, vector<8x128xf32>
      %select_n3A_1864 = arith.select %lt3A_1862, %broadcast_in_dim3A_1802, %select_n3A_1755 : vector<8x128xi1>, vector<8x128xi32>
      %sub3A_1865 = arith.subf %get3A_30, %get3A_1808 : vector<8x128xf32>
      %sub3A_1866 = arith.subf %get3A_78, %get3A_1814 : vector<8x128xf32>
      %sub3A_1867 = arith.subf %get3A_126, %get3A_1820 : vector<8x128xf32>
      %mul3A_1868 = arith.mulf %sub3A_1865, %sub3A_1865 : vector<8x128xf32>
      %mul3A_1869 = arith.mulf %sub3A_1866, %sub3A_1866 : vector<8x128xf32>
      %add3A_1870 = arith.addf %mul3A_1868, %mul3A_1869 : vector<8x128xf32>
      %mul3A_1871 = arith.mulf %sub3A_1867, %sub3A_1867 : vector<8x128xf32>
      %add3A_1872 = arith.addf %add3A_1870, %mul3A_1871 : vector<8x128xf32>
      %lt3A_1873 = arith.cmpf olt, %add3A_1872, %select_n3A_1765 : vector<8x128xf32>
      %select_n3A_1874 = arith.select %lt3A_1873, %add3A_1872, %select_n3A_1765 : vector<8x128xi1>, vector<8x128xf32>
      %select_n3A_1875 = arith.select %lt3A_1873, %broadcast_in_dim3A_1802, %select_n3A_1766 : vector<8x128xi1>, vector<8x128xi32>
      %sub3A_1876 = arith.subf %get3A_36, %get3A_1808 : vector<8x128xf32>
      %sub3A_1877 = arith.subf %get3A_84, %get3A_1814 : vector<8x128xf32>
      %sub3A_1878 = arith.subf %get3A_132, %get3A_1820 : vector<8x128xf32>
      %mul3A_1879 = arith.mulf %sub3A_1876, %sub3A_1876 : vector<8x128xf32>
      %mul3A_1880 = arith.mulf %sub3A_1877, %sub3A_1877 : vector<8x128xf32>
      %add3A_1881 = arith.addf %mul3A_1879, %mul3A_1880 : vector<8x128xf32>
      %mul3A_1882 = arith.mulf %sub3A_1878, %sub3A_1878 : vector<8x128xf32>
      %add3A_1883 = arith.addf %add3A_1881, %mul3A_1882 : vector<8x128xf32>
      %lt3A_1884 = arith.cmpf olt, %add3A_1883, %select_n3A_1776 : vector<8x128xf32>
      %select_n3A_1885 = arith.select %lt3A_1884, %add3A_1883, %select_n3A_1776 : vector<8x128xi1>, vector<8x128xf32>
      %select_n3A_1886 = arith.select %lt3A_1884, %broadcast_in_dim3A_1802, %select_n3A_1777 : vector<8x128xi1>, vector<8x128xi32>
      %sub3A_1887 = arith.subf %get3A_42, %get3A_1808 : vector<8x128xf32>
      %sub3A_1888 = arith.subf %get3A_90, %get3A_1814 : vector<8x128xf32>
      %sub3A_1889 = arith.subf %get3A_138, %get3A_1820 : vector<8x128xf32>
      %mul3A_1890 = arith.mulf %sub3A_1887, %sub3A_1887 : vector<8x128xf32>
      %mul3A_1891 = arith.mulf %sub3A_1888, %sub3A_1888 : vector<8x128xf32>
      %add3A_1892 = arith.addf %mul3A_1890, %mul3A_1891 : vector<8x128xf32>
      %mul3A_1893 = arith.mulf %sub3A_1889, %sub3A_1889 : vector<8x128xf32>
      %add3A_1894 = arith.addf %add3A_1892, %mul3A_1893 : vector<8x128xf32>
      %lt3A_1895 = arith.cmpf olt, %add3A_1894, %select_n3A_1787 : vector<8x128xf32>
      %select_n3A_1896 = arith.select %lt3A_1895, %add3A_1894, %select_n3A_1787 : vector<8x128xi1>, vector<8x128xf32>
      %select_n3A_1897 = arith.select %lt3A_1895, %broadcast_in_dim3A_1802, %select_n3A_1788 : vector<8x128xi1>, vector<8x128xi32>
      %sub3A_1898 = arith.subf %get3A_48, %get3A_1808 : vector<8x128xf32>
      %sub3A_1899 = arith.subf %get3A_96, %get3A_1814 : vector<8x128xf32>
      %sub3A_1900 = arith.subf %get3A_144, %get3A_1820 : vector<8x128xf32>
      %mul3A_1901 = arith.mulf %sub3A_1898, %sub3A_1898 : vector<8x128xf32>
      %mul3A_1902 = arith.mulf %sub3A_1899, %sub3A_1899 : vector<8x128xf32>
      %add3A_1903 = arith.addf %mul3A_1901, %mul3A_1902 : vector<8x128xf32>
      %mul3A_1904 = arith.mulf %sub3A_1900, %sub3A_1900 : vector<8x128xf32>
      %add3A_1905 = arith.addf %add3A_1903, %mul3A_1904 : vector<8x128xf32>
      %lt3A_1906 = arith.cmpf olt, %add3A_1905, %select_n3A_1798 : vector<8x128xf32>
      %select_n3A_1907 = arith.select %lt3A_1906, %add3A_1905, %select_n3A_1798 : vector<8x128xi1>, vector<8x128xf32>
      %select_n3A_1908 = arith.select %lt3A_1906, %broadcast_in_dim3A_1802, %select_n3A_1799 : vector<8x128xi1>, vector<8x128xi32>
      %scan3A_1909 = arith.constant 15 : i32
      %scan3A_1910 = arith.addi %scan3A_264, %scan3A_1909 : i32
      %broadcast_in_dim3A_1911 = vector.broadcast %scan3A_1910 : i32 to vector<8x128xi32>
      %get3A_1912 = arith.constant 0 : index
      %get3A_1913 = arith.index_cast %scan3A_1910 : i32 to index
      %get3A_1914 = arith.constant 0 : index
      %get3A_1915 = arith.constant 0 : index
      %get3A_1916 = vector.load %arg5[%get3A_1912, %get3A_1913, %get3A_1914, %get3A_1915] : memref<3x128x8x128xf32, #tpu.memory_space<vmem>>, vector<1x1x8x128xf32>
      %get3A_1917 = vector.shape_cast %get3A_1916 : vector<1x1x8x128xf32> to vector<8x128xf32>
      %get3A_1918 = arith.constant 1 : index
      %get3A_1919 = arith.index_cast %scan3A_1910 : i32 to index
      %get3A_1920 = arith.constant 0 : index
      %get3A_1921 = arith.constant 0 : index
      %get3A_1922 = vector.load %arg5[%get3A_1918, %get3A_1919, %get3A_1920, %get3A_1921] : memref<3x128x8x128xf32, #tpu.memory_space<vmem>>, vector<1x1x8x128xf32>
      %get3A_1923 = vector.shape_cast %get3A_1922 : vector<1x1x8x128xf32> to vector<8x128xf32>
      %get3A_1924 = arith.constant 2 : index
      %get3A_1925 = arith.index_cast %scan3A_1910 : i32 to index
      %get3A_1926 = arith.constant 0 : index
      %get3A_1927 = arith.constant 0 : index
      %get3A_1928 = vector.load %arg5[%get3A_1924, %get3A_1925, %get3A_1926, %get3A_1927] : memref<3x128x8x128xf32, #tpu.memory_space<vmem>>, vector<1x1x8x128xf32>
      %get3A_1929 = vector.shape_cast %get3A_1928 : vector<1x1x8x128xf32> to vector<8x128xf32>
      %sub3A_1930 = arith.subf %get3A_6, %get3A_1917 : vector<8x128xf32>
      %sub3A_1931 = arith.subf %get3A_54, %get3A_1923 : vector<8x128xf32>
      %sub3A_1932 = arith.subf %get3A_102, %get3A_1929 : vector<8x128xf32>
      %mul3A_1933 = arith.mulf %sub3A_1930, %sub3A_1930 : vector<8x128xf32>
      %mul3A_1934 = arith.mulf %sub3A_1931, %sub3A_1931 : vector<8x128xf32>
      %add3A_1935 = arith.addf %mul3A_1933, %mul3A_1934 : vector<8x128xf32>
      %mul3A_1936 = arith.mulf %sub3A_1932, %sub3A_1932 : vector<8x128xf32>
      %add3A_1937 = arith.addf %add3A_1935, %mul3A_1936 : vector<8x128xf32>
      %lt3A_1938 = arith.cmpf olt, %add3A_1937, %select_n3A_1830 : vector<8x128xf32>
      %select_n3A_1939 = arith.select %lt3A_1938, %add3A_1937, %select_n3A_1830 : vector<8x128xi1>, vector<8x128xf32>
      %select_n3A_1940 = arith.select %lt3A_1938, %broadcast_in_dim3A_1911, %select_n3A_1831 : vector<8x128xi1>, vector<8x128xi32>
      %sub3A_1941 = arith.subf %get3A_12, %get3A_1917 : vector<8x128xf32>
      %sub3A_1942 = arith.subf %get3A_60, %get3A_1923 : vector<8x128xf32>
      %sub3A_1943 = arith.subf %get3A_108, %get3A_1929 : vector<8x128xf32>
      %mul3A_1944 = arith.mulf %sub3A_1941, %sub3A_1941 : vector<8x128xf32>
      %mul3A_1945 = arith.mulf %sub3A_1942, %sub3A_1942 : vector<8x128xf32>
      %add3A_1946 = arith.addf %mul3A_1944, %mul3A_1945 : vector<8x128xf32>
      %mul3A_1947 = arith.mulf %sub3A_1943, %sub3A_1943 : vector<8x128xf32>
      %add3A_1948 = arith.addf %add3A_1946, %mul3A_1947 : vector<8x128xf32>
      %lt3A_1949 = arith.cmpf olt, %add3A_1948, %select_n3A_1841 : vector<8x128xf32>
      %select_n3A_1950 = arith.select %lt3A_1949, %add3A_1948, %select_n3A_1841 : vector<8x128xi1>, vector<8x128xf32>
      %select_n3A_1951 = arith.select %lt3A_1949, %broadcast_in_dim3A_1911, %select_n3A_1842 : vector<8x128xi1>, vector<8x128xi32>
      %sub3A_1952 = arith.subf %get3A_18, %get3A_1917 : vector<8x128xf32>
      %sub3A_1953 = arith.subf %get3A_66, %get3A_1923 : vector<8x128xf32>
      %sub3A_1954 = arith.subf %get3A_114, %get3A_1929 : vector<8x128xf32>
      %mul3A_1955 = arith.mulf %sub3A_1952, %sub3A_1952 : vector<8x128xf32>
      %mul3A_1956 = arith.mulf %sub3A_1953, %sub3A_1953 : vector<8x128xf32>
      %add3A_1957 = arith.addf %mul3A_1955, %mul3A_1956 : vector<8x128xf32>
      %mul3A_1958 = arith.mulf %sub3A_1954, %sub3A_1954 : vector<8x128xf32>
      %add3A_1959 = arith.addf %add3A_1957, %mul3A_1958 : vector<8x128xf32>
      %lt3A_1960 = arith.cmpf olt, %add3A_1959, %select_n3A_1852 : vector<8x128xf32>
      %select_n3A_1961 = arith.select %lt3A_1960, %add3A_1959, %select_n3A_1852 : vector<8x128xi1>, vector<8x128xf32>
      %select_n3A_1962 = arith.select %lt3A_1960, %broadcast_in_dim3A_1911, %select_n3A_1853 : vector<8x128xi1>, vector<8x128xi32>
      %sub3A_1963 = arith.subf %get3A_24, %get3A_1917 : vector<8x128xf32>
      %sub3A_1964 = arith.subf %get3A_72, %get3A_1923 : vector<8x128xf32>
      %sub3A_1965 = arith.subf %get3A_120, %get3A_1929 : vector<8x128xf32>
      %mul3A_1966 = arith.mulf %sub3A_1963, %sub3A_1963 : vector<8x128xf32>
      %mul3A_1967 = arith.mulf %sub3A_1964, %sub3A_1964 : vector<8x128xf32>
      %add3A_1968 = arith.addf %mul3A_1966, %mul3A_1967 : vector<8x128xf32>
      %mul3A_1969 = arith.mulf %sub3A_1965, %sub3A_1965 : vector<8x128xf32>
      %add3A_1970 = arith.addf %add3A_1968, %mul3A_1969 : vector<8x128xf32>
      %lt3A_1971 = arith.cmpf olt, %add3A_1970, %select_n3A_1863 : vector<8x128xf32>
      %select_n3A_1972 = arith.select %lt3A_1971, %add3A_1970, %select_n3A_1863 : vector<8x128xi1>, vector<8x128xf32>
      %select_n3A_1973 = arith.select %lt3A_1971, %broadcast_in_dim3A_1911, %select_n3A_1864 : vector<8x128xi1>, vector<8x128xi32>
      %sub3A_1974 = arith.subf %get3A_30, %get3A_1917 : vector<8x128xf32>
      %sub3A_1975 = arith.subf %get3A_78, %get3A_1923 : vector<8x128xf32>
      %sub3A_1976 = arith.subf %get3A_126, %get3A_1929 : vector<8x128xf32>
      %mul3A_1977 = arith.mulf %sub3A_1974, %sub3A_1974 : vector<8x128xf32>
      %mul3A_1978 = arith.mulf %sub3A_1975, %sub3A_1975 : vector<8x128xf32>
      %add3A_1979 = arith.addf %mul3A_1977, %mul3A_1978 : vector<8x128xf32>
      %mul3A_1980 = arith.mulf %sub3A_1976, %sub3A_1976 : vector<8x128xf32>
      %add3A_1981 = arith.addf %add3A_1979, %mul3A_1980 : vector<8x128xf32>
      %lt3A_1982 = arith.cmpf olt, %add3A_1981, %select_n3A_1874 : vector<8x128xf32>
      %select_n3A_1983 = arith.select %lt3A_1982, %add3A_1981, %select_n3A_1874 : vector<8x128xi1>, vector<8x128xf32>
      %select_n3A_1984 = arith.select %lt3A_1982, %broadcast_in_dim3A_1911, %select_n3A_1875 : vector<8x128xi1>, vector<8x128xi32>
      %sub3A_1985 = arith.subf %get3A_36, %get3A_1917 : vector<8x128xf32>
      %sub3A_1986 = arith.subf %get3A_84, %get3A_1923 : vector<8x128xf32>
      %sub3A_1987 = arith.subf %get3A_132, %get3A_1929 : vector<8x128xf32>
      %mul3A_1988 = arith.mulf %sub3A_1985, %sub3A_1985 : vector<8x128xf32>
      %mul3A_1989 = arith.mulf %sub3A_1986, %sub3A_1986 : vector<8x128xf32>
      %add3A_1990 = arith.addf %mul3A_1988, %mul3A_1989 : vector<8x128xf32>
      %mul3A_1991 = arith.mulf %sub3A_1987, %sub3A_1987 : vector<8x128xf32>
      %add3A_1992 = arith.addf %add3A_1990, %mul3A_1991 : vector<8x128xf32>
      %lt3A_1993 = arith.cmpf olt, %add3A_1992, %select_n3A_1885 : vector<8x128xf32>
      %select_n3A_1994 = arith.select %lt3A_1993, %add3A_1992, %select_n3A_1885 : vector<8x128xi1>, vector<8x128xf32>
      %select_n3A_1995 = arith.select %lt3A_1993, %broadcast_in_dim3A_1911, %select_n3A_1886 : vector<8x128xi1>, vector<8x128xi32>
      %sub3A_1996 = arith.subf %get3A_42, %get3A_1917 : vector<8x128xf32>
      %sub3A_1997 = arith.subf %get3A_90, %get3A_1923 : vector<8x128xf32>
      %sub3A_1998 = arith.subf %get3A_138, %get3A_1929 : vector<8x128xf32>
      %mul3A_1999 = arith.mulf %sub3A_1996, %sub3A_1996 : vector<8x128xf32>
      %mul3A_2000 = arith.mulf %sub3A_1997, %sub3A_1997 : vector<8x128xf32>
      %add3A_2001 = arith.addf %mul3A_1999, %mul3A_2000 : vector<8x128xf32>
      %mul3A_2002 = arith.mulf %sub3A_1998, %sub3A_1998 : vector<8x128xf32>
      %add3A_2003 = arith.addf %add3A_2001, %mul3A_2002 : vector<8x128xf32>
      %lt3A_2004 = arith.cmpf olt, %add3A_2003, %select_n3A_1896 : vector<8x128xf32>
      %select_n3A_2005 = arith.select %lt3A_2004, %add3A_2003, %select_n3A_1896 : vector<8x128xi1>, vector<8x128xf32>
      %select_n3A_2006 = arith.select %lt3A_2004, %broadcast_in_dim3A_1911, %select_n3A_1897 : vector<8x128xi1>, vector<8x128xi32>
      %sub3A_2007 = arith.subf %get3A_48, %get3A_1917 : vector<8x128xf32>
      %sub3A_2008 = arith.subf %get3A_96, %get3A_1923 : vector<8x128xf32>
      %sub3A_2009 = arith.subf %get3A_144, %get3A_1929 : vector<8x128xf32>
      %mul3A_2010 = arith.mulf %sub3A_2007, %sub3A_2007 : vector<8x128xf32>
      %mul3A_2011 = arith.mulf %sub3A_2008, %sub3A_2008 : vector<8x128xf32>
      %add3A_2012 = arith.addf %mul3A_2010, %mul3A_2011 : vector<8x128xf32>
      %mul3A_2013 = arith.mulf %sub3A_2009, %sub3A_2009 : vector<8x128xf32>
      %add3A_2014 = arith.addf %add3A_2012, %mul3A_2013 : vector<8x128xf32>
      %lt3A_2015 = arith.cmpf olt, %add3A_2014, %select_n3A_1907 : vector<8x128xf32>
      %select_n3A_2016 = arith.select %lt3A_2015, %add3A_2014, %select_n3A_1907 : vector<8x128xi1>, vector<8x128xf32>
      %select_n3A_2017 = arith.select %lt3A_2015, %broadcast_in_dim3A_1911, %select_n3A_1908 : vector<8x128xi1>, vector<8x128xi32>
      scf.yield %select_n3A_1939, %select_n3A_1950, %select_n3A_1961, %select_n3A_1972, %select_n3A_1983, %select_n3A_1994, %select_n3A_2005, %select_n3A_2016, %select_n3A_1940, %select_n3A_1951, %select_n3A_1962, %select_n3A_1973, %select_n3A_1984, %select_n3A_1995, %select_n3A_2006, %select_n3A_2017 : vector<8x128xf32>, vector<8x128xf32>, vector<8x128xf32>, vector<8x128xf32>, vector<8x128xf32>, vector<8x128xf32>, vector<8x128xf32>, vector<8x128xf32>, vector<8x128xi32>, vector<8x128xi32>, vector<8x128xi32>, vector<8x128xi32>, vector<8x128xi32>, vector<8x128xi32>, vector<8x128xi32>, vector<8x128xi32>
    }
    %scan3A_152 = arith.constant 128 : i32
    %iota3A = tpu.iota {dimensions = array<i32: 0>} : vector<8x128xi32>
    %swap3A = arith.constant 0 : index
    %swap3A_153 = arith.constant 0 : index
    %swap3A_154 = arith.constant 0 : index
    %swap3A_155 = arith.constant 0 : index
    %swap3A_156 = vector.load %arg4[%swap3A, %swap3A_153, %swap3A_154, %swap3A_155] : memref<8x8x2x128xi32, #tpu.memory_space<vmem>>, vector<8x1x1x128xi32>
    %swap3A_157 = vector.shape_cast %swap3A_156 : vector<8x1x1x128xi32> to vector<8x128xi32>
    %swap3A_158 = vector.shape_cast %iota3A : vector<8x128xi32> to vector<8x1x1x128xi32>
    tpu.vector_store %arg4[%swap3A, %swap3A_153, %swap3A_154, %swap3A_155], %swap3A_158 {strides = array<i32>} : memref<8x8x2x128xi32, #tpu.memory_space<vmem>>, vector<8x1x1x128xi32>,
    %swap3A_159 = arith.constant 0 : index
    %swap3A_160 = arith.constant 0 : index
    %swap3A_161 = arith.constant 1 : index
    %swap3A_162 = arith.constant 0 : index
    %swap3A_163 = vector.load %arg4[%swap3A_159, %swap3A_160, %swap3A_161, %swap3A_162] : memref<8x8x2x128xi32, #tpu.memory_space<vmem>>, vector<8x1x1x128xi32>
    %swap3A_164 = vector.shape_cast %swap3A_163 : vector<8x1x1x128xi32> to vector<8x128xi32>
    %swap3A_165 = vector.shape_cast %scan3A_151#8 : vector<8x128xi32> to vector<8x1x1x128xi32>
    tpu.vector_store %arg4[%swap3A_159, %swap3A_160, %swap3A_161, %swap3A_162], %swap3A_165 {strides = array<i32>} : memref<8x8x2x128xi32, #tpu.memory_space<vmem>>, vector<8x1x1x128xi32>,
    %swap3A_166 = arith.constant 0 : index
    %swap3A_167 = arith.constant 1 : index
    %swap3A_168 = arith.constant 0 : index
    %swap3A_169 = arith.constant 0 : index
    %swap3A_170 = vector.load %arg4[%swap3A_166, %swap3A_167, %swap3A_168, %swap3A_169] : memref<8x8x2x128xi32, #tpu.memory_space<vmem>>, vector<8x1x1x128xi32>
    %swap3A_171 = vector.shape_cast %swap3A_170 : vector<8x1x1x128xi32> to vector<8x128xi32>
    %swap3A_172 = vector.shape_cast %iota3A : vector<8x128xi32> to vector<8x1x1x128xi32>
    tpu.vector_store %arg4[%swap3A_166, %swap3A_167, %swap3A_168, %swap3A_169], %swap3A_172 {strides = array<i32>} : memref<8x8x2x128xi32, #tpu.memory_space<vmem>>, vector<8x1x1x128xi32>,
    %swap3A_173 = arith.constant 0 : index
    %swap3A_174 = arith.constant 1 : index
    %swap3A_175 = arith.constant 1 : index
    %swap3A_176 = arith.constant 0 : index
    %swap3A_177 = vector.load %arg4[%swap3A_173, %swap3A_174, %swap3A_175, %swap3A_176] : memref<8x8x2x128xi32, #tpu.memory_space<vmem>>, vector<8x1x1x128xi32>
    %swap3A_178 = vector.shape_cast %swap3A_177 : vector<8x1x1x128xi32> to vector<8x128xi32>
    %swap3A_179 = vector.shape_cast %scan3A_151#9 : vector<8x128xi32> to vector<8x1x1x128xi32>
    tpu.vector_store %arg4[%swap3A_173, %swap3A_174, %swap3A_175, %swap3A_176], %swap3A_179 {strides = array<i32>} : memref<8x8x2x128xi32, #tpu.memory_space<vmem>>, vector<8x1x1x128xi32>,
    %swap3A_180 = arith.constant 0 : index
    %swap3A_181 = arith.constant 2 : index
    %swap3A_182 = arith.constant 0 : index
    %swap3A_183 = arith.constant 0 : index
    %swap3A_184 = vector.load %arg4[%swap3A_180, %swap3A_181, %swap3A_182, %swap3A_183] : memref<8x8x2x128xi32, #tpu.memory_space<vmem>>, vector<8x1x1x128xi32>
    %swap3A_185 = vector.shape_cast %swap3A_184 : vector<8x1x1x128xi32> to vector<8x128xi32>
    %swap3A_186 = vector.shape_cast %iota3A : vector<8x128xi32> to vector<8x1x1x128xi32>
    tpu.vector_store %arg4[%swap3A_180, %swap3A_181, %swap3A_182, %swap3A_183], %swap3A_186 {strides = array<i32>} : memref<8x8x2x128xi32, #tpu.memory_space<vmem>>, vector<8x1x1x128xi32>,
    %swap3A_187 = arith.constant 0 : index
    %swap3A_188 = arith.constant 2 : index
    %swap3A_189 = arith.constant 1 : index
    %swap3A_190 = arith.constant 0 : index
    %swap3A_191 = vector.load %arg4[%swap3A_187, %swap3A_188, %swap3A_189, %swap3A_190] : memref<8x8x2x128xi32, #tpu.memory_space<vmem>>, vector<8x1x1x128xi32>
    %swap3A_192 = vector.shape_cast %swap3A_191 : vector<8x1x1x128xi32> to vector<8x128xi32>
    %swap3A_193 = vector.shape_cast %scan3A_151#10 : vector<8x128xi32> to vector<8x1x1x128xi32>
    tpu.vector_store %arg4[%swap3A_187, %swap3A_188, %swap3A_189, %swap3A_190], %swap3A_193 {strides = array<i32>} : memref<8x8x2x128xi32, #tpu.memory_space<vmem>>, vector<8x1x1x128xi32>,
    %swap3A_194 = arith.constant 0 : index
    %swap3A_195 = arith.constant 3 : index
    %swap3A_196 = arith.constant 0 : index
    %swap3A_197 = arith.constant 0 : index
    %swap3A_198 = vector.load %arg4[%swap3A_194, %swap3A_195, %swap3A_196, %swap3A_197] : memref<8x8x2x128xi32, #tpu.memory_space<vmem>>, vector<8x1x1x128xi32>
    %swap3A_199 = vector.shape_cast %swap3A_198 : vector<8x1x1x128xi32> to vector<8x128xi32>
    %swap3A_200 = vector.shape_cast %iota3A : vector<8x128xi32> to vector<8x1x1x128xi32>
    tpu.vector_store %arg4[%swap3A_194, %swap3A_195, %swap3A_196, %swap3A_197], %swap3A_200 {strides = array<i32>} : memref<8x8x2x128xi32, #tpu.memory_space<vmem>>, vector<8x1x1x128xi32>,
    %swap3A_201 = arith.constant 0 : index
    %swap3A_202 = arith.constant 3 : index
    %swap3A_203 = arith.constant 1 : index
    %swap3A_204 = arith.constant 0 : index
    %swap3A_205 = vector.load %arg4[%swap3A_201, %swap3A_202, %swap3A_203, %swap3A_204] : memref<8x8x2x128xi32, #tpu.memory_space<vmem>>, vector<8x1x1x128xi32>
    %swap3A_206 = vector.shape_cast %swap3A_205 : vector<8x1x1x128xi32> to vector<8x128xi32>
    %swap3A_207 = vector.shape_cast %scan3A_151#11 : vector<8x128xi32> to vector<8x1x1x128xi32>
    tpu.vector_store %arg4[%swap3A_201, %swap3A_202, %swap3A_203, %swap3A_204], %swap3A_207 {strides = array<i32>} : memref<8x8x2x128xi32, #tpu.memory_space<vmem>>, vector<8x1x1x128xi32>,
    %swap3A_208 = arith.constant 0 : index
    %swap3A_209 = arith.constant 4 : index
    %swap3A_210 = arith.constant 0 : index
    %swap3A_211 = arith.constant 0 : index
    %swap3A_212 = vector.load %arg4[%swap3A_208, %swap3A_209, %swap3A_210, %swap3A_211] : memref<8x8x2x128xi32, #tpu.memory_space<vmem>>, vector<8x1x1x128xi32>
    %swap3A_213 = vector.shape_cast %swap3A_212 : vector<8x1x1x128xi32> to vector<8x128xi32>
    %swap3A_214 = vector.shape_cast %iota3A : vector<8x128xi32> to vector<8x1x1x128xi32>
    tpu.vector_store %arg4[%swap3A_208, %swap3A_209, %swap3A_210, %swap3A_211], %swap3A_214 {strides = array<i32>} : memref<8x8x2x128xi32, #tpu.memory_space<vmem>>, vector<8x1x1x128xi32>,
    %swap3A_215 = arith.constant 0 : index
    %swap3A_216 = arith.constant 4 : index
    %swap3A_217 = arith.constant 1 : index
    %swap3A_218 = arith.constant 0 : index
    %swap3A_219 = vector.load %arg4[%swap3A_215, %swap3A_216, %swap3A_217, %swap3A_218] : memref<8x8x2x128xi32, #tpu.memory_space<vmem>>, vector<8x1x1x128xi32>
    %swap3A_220 = vector.shape_cast %swap3A_219 : vector<8x1x1x128xi32> to vector<8x128xi32>
    %swap3A_221 = vector.shape_cast %scan3A_151#12 : vector<8x128xi32> to vector<8x1x1x128xi32>
    tpu.vector_store %arg4[%swap3A_215, %swap3A_216, %swap3A_217, %swap3A_218], %swap3A_221 {strides = array<i32>} : memref<8x8x2x128xi32, #tpu.memory_space<vmem>>, vector<8x1x1x128xi32>,
    %swap3A_222 = arith.constant 0 : index
    %swap3A_223 = arith.constant 5 : index
    %swap3A_224 = arith.constant 0 : index
    %swap3A_225 = arith.constant 0 : index
    %swap3A_226 = vector.load %arg4[%swap3A_222, %swap3A_223, %swap3A_224, %swap3A_225] : memref<8x8x2x128xi32, #tpu.memory_space<vmem>>, vector<8x1x1x128xi32>
    %swap3A_227 = vector.shape_cast %swap3A_226 : vector<8x1x1x128xi32> to vector<8x128xi32>
    %swap3A_228 = vector.shape_cast %iota3A : vector<8x128xi32> to vector<8x1x1x128xi32>
    tpu.vector_store %arg4[%swap3A_222, %swap3A_223, %swap3A_224, %swap3A_225], %swap3A_228 {strides = array<i32>} : memref<8x8x2x128xi32, #tpu.memory_space<vmem>>, vector<8x1x1x128xi32>,
    %swap3A_229 = arith.constant 0 : index
    %swap3A_230 = arith.constant 5 : index
    %swap3A_231 = arith.constant 1 : index
    %swap3A_232 = arith.constant 0 : index
    %swap3A_233 = vector.load %arg4[%swap3A_229, %swap3A_230, %swap3A_231, %swap3A_232] : memref<8x8x2x128xi32, #tpu.memory_space<vmem>>, vector<8x1x1x128xi32>
    %swap3A_234 = vector.shape_cast %swap3A_233 : vector<8x1x1x128xi32> to vector<8x128xi32>
    %swap3A_235 = vector.shape_cast %scan3A_151#13 : vector<8x128xi32> to vector<8x1x1x128xi32>
    tpu.vector_store %arg4[%swap3A_229, %swap3A_230, %swap3A_231, %swap3A_232], %swap3A_235 {strides = array<i32>} : memref<8x8x2x128xi32, #tpu.memory_space<vmem>>, vector<8x1x1x128xi32>,
    %swap3A_236 = arith.constant 0 : index
    %swap3A_237 = arith.constant 6 : index
    %swap3A_238 = arith.constant 0 : index
    %swap3A_239 = arith.constant 0 : index
    %swap3A_240 = vector.load %arg4[%swap3A_236, %swap3A_237, %swap3A_238, %swap3A_239] : memref<8x8x2x128xi32, #tpu.memory_space<vmem>>, vector<8x1x1x128xi32>
    %swap3A_241 = vector.shape_cast %swap3A_240 : vector<8x1x1x128xi32> to vector<8x128xi32>
    %swap3A_242 = vector.shape_cast %iota3A : vector<8x128xi32> to vector<8x1x1x128xi32>
    tpu.vector_store %arg4[%swap3A_236, %swap3A_237, %swap3A_238, %swap3A_239], %swap3A_242 {strides = array<i32>} : memref<8x8x2x128xi32, #tpu.memory_space<vmem>>, vector<8x1x1x128xi32>,
    %swap3A_243 = arith.constant 0 : index
    %swap3A_244 = arith.constant 6 : index
    %swap3A_245 = arith.constant 1 : index
    %swap3A_246 = arith.constant 0 : index
    %swap3A_247 = vector.load %arg4[%swap3A_243, %swap3A_244, %swap3A_245, %swap3A_246] : memref<8x8x2x128xi32, #tpu.memory_space<vmem>>, vector<8x1x1x128xi32>
    %swap3A_248 = vector.shape_cast %swap3A_247 : vector<8x1x1x128xi32> to vector<8x128xi32>
    %swap3A_249 = vector.shape_cast %scan3A_151#14 : vector<8x128xi32> to vector<8x1x1x128xi32>
    tpu.vector_store %arg4[%swap3A_243, %swap3A_244, %swap3A_245, %swap3A_246], %swap3A_249 {strides = array<i32>} : memref<8x8x2x128xi32, #tpu.memory_space<vmem>>, vector<8x1x1x128xi32>,
    %swap3A_250 = arith.constant 0 : index
    %swap3A_251 = arith.constant 7 : index
    %swap3A_252 = arith.constant 0 : index
    %swap3A_253 = arith.constant 0 : index
    %swap3A_254 = vector.load %arg4[%swap3A_250, %swap3A_251, %swap3A_252, %swap3A_253] : memref<8x8x2x128xi32, #tpu.memory_space<vmem>>, vector<8x1x1x128xi32>
    %swap3A_255 = vector.shape_cast %swap3A_254 : vector<8x1x1x128xi32> to vector<8x128xi32>
    %swap3A_256 = vector.shape_cast %iota3A : vector<8x128xi32> to vector<8x1x1x128xi32>
    tpu.vector_store %arg4[%swap3A_250, %swap3A_251, %swap3A_252, %swap3A_253], %swap3A_256 {strides = array<i32>} : memref<8x8x2x128xi32, #tpu.memory_space<vmem>>, vector<8x1x1x128xi32>,
    %swap3A_257 = arith.constant 0 : index
    %swap3A_258 = arith.constant 7 : index
    %swap3A_259 = arith.constant 1 : index
    %swap3A_260 = arith.constant 0 : index
    %swap3A_261 = vector.load %arg4[%swap3A_257, %swap3A_258, %swap3A_259, %swap3A_260] : memref<8x8x2x128xi32, #tpu.memory_space<vmem>>, vector<8x1x1x128xi32>
    %swap3A_262 = vector.shape_cast %swap3A_261 : vector<8x1x1x128xi32> to vector<8x128xi32>
    %swap3A_263 = vector.shape_cast %scan3A_151#15 : vector<8x128xi32> to vector<8x1x1x128xi32>
    tpu.vector_store %arg4[%swap3A_257, %swap3A_258, %swap3A_259, %swap3A_260], %swap3A_263 {strides = array<i32>} : memref<8x8x2x128xi32, #tpu.memory_space<vmem>>, vector<8x1x1x128xi32>,
    return
  }
  func.func @transform_0(%arg0: i32) -> (i32, i32, i32, i32) {
    %add3A = arith.constant 8 : i32
    %add3A_0 = arith.addi %add3A, %arg0 : i32
    %c0_i32 = arith.constant 0 : i32
    %c0_i32_1 = arith.constant 0 : i32
    %c0_i32_2 = arith.constant 0 : i32
    %c0_i32_3 = arith.constant 0 : i32
    return %c0_i32, %add3A_0, %c0_i32_1, %c0_i32_2 : i32, i32, i32, i32
  }
  func.func @transform_1(%arg0: i32) -> (i32, i32, i32, i32) {
    %c0_i32 = arith.constant 0 : i32
    %c0_i32_0 = arith.constant 0 : i32
    %c0_i32_1 = arith.constant 0 : i32
    %c0_i32_2 = arith.constant 0 : i32
    %c0_i32_3 = arith.constant 0 : i32
    return %c0_i32, %c0_i32_0, %c0_i32_1, %c0_i32_2 : i32, i32, i32, i32
  }
  func.func @transform_2(%arg0: i32) -> i32 {
    %c0_i32 = arith.constant 0 : i32
    %c0_i32_0 = arith.constant 0 : i32
    return %c0_i32 : i32
  }
  func.func @transform_3(%arg0: i32) -> (i32, i32, i32, i32) {
    %c0_i32 = arith.constant 0 : i32
    %c0_i32_0 = arith.constant 0 : i32
    %c0_i32_1 = arith.constant 0 : i32
    %c0_i32_2 = arith.constant 0 : i32
    return %c0_i32, %arg0, %c0_i32_0, %c0_i32_1 : i32, i32, i32, i32
  }
}

</mosaic_0001>

<sc_bundles>
// kernel: kernel.4.cloned.1.call-start
scs
__scs_entry_jumppad:
0x0: {  	(pc) =	sbr.rel $0x88, $3  }
0x1: {  	(tag) =	ssettag $0x0;
	lr =	simm.s32 $0x1  }
0x2: {  	[smem:$0x3F9E] =	sst lr;
	_ =	strace $0xD0000000  }
0x3: {  	_ = 	snop  }
0x4: {  	_ = 	snop  }
0x5: {  	_ = 	snop  }
0x6: {  	_ = 	snop  }
0x7: {  	_ = 	snop  }
__scs_overlays_trampoline_lowered:
0x8: {  	[smem:$0x3FAD] =	sst s0  }
0x9: {  	[smem:$0x3FAE] =	sst s1  }
0xa: {  	[smem:$0x3FAF] =	sst s2  }
0xb: {  	[smem:$0x3FB0] =	sst s3  }
0xc: {  	[smem:$0x3FB1] =	sst s4  }
0xd: {  	[smem:$0x3FB2] =	sst s5  }
0xe: {  	[smem:$0x3FB3] =	sst s6  }
0xf: {  	[smem:$0x3FB4] =	sst s7  }
0x10: {  	[smem:$0x3FB5] =	sst s8  }
0x11: {  	[smem:$0x3FB6] =	sst s9;
	s0 =	simm.s32 @!p0 $0x0  }
0x12: {  	s1 =	sld [smem:$0x3F9C];
	s0 =	simm.s32 @p0 $0x1  }
0x13: {  	[smem:$0x3FB7] =	sst s0;
	s0 =	simm.s32 @!p1 $0x0  }
0x14: {  	s2 =	sld [smem:$0x3F9B];
	s0 =	simm.s32 @p1 $0x1  }
0x15: {  	[smem:$0x3FB8] =	sst s0;
	s0 =	simm.s32 @!p2 $0x0  }
0x16: {  	s3 =	sld [smem:$0x3FDB];
	s0 =	simm.s32 @p2 $0x1  }
0x17: {  	s4 =	simm.s32 $0x1BF5;
	[smem:$0x3FBA] =	sst s0  }
0x18: {  	s0 =	sld [smem:$0x3F9D];
	_ =	swait.ge [sflag:s4], $0x0  }
0x19: {  	s7 =	sld [smem:$0x3F9E]  }
0x1a: {  	s8 =	sadd.s32 $0xFFFFE003, lr  }
0x1b: {  	s9 =	sadd.s32 $0xFFFFFEF7, lr;
	s5 =	simm.s32 $0xFFFFFFFF;
	p2 =	slt.u32 s8, $0xFFFFF086  }
0x1c: {  	p1 =	slt.u32 s9, $0xF7A;
	s5 =	simm.s32 @!p2 $0x0  }
0x1d: {  	s5 =	simm.s32 @p1 $0x1;
	p0 =	seq.s32 s7, s2  }
0x1e: {  	s7 =	smul.u32 @!p0 $0xF7A, s2;
	p2 =	seq.s32 @!p0 s5, $0x0  }
0x1f: {  	s9 =	smul.u32 $0xF7A, s1;
	s8 =	simm.s32 @!p0 $0x1BF5;
	p2 =	por !p2, p0  }
0x20: {  	[sflag:s8] =	ssyncset.s32 @!p0 $0xFFFFF086;
	s6 =	sadd.s32 @!p0 s3, s7;
	s7 =	simm.s32 @!p0 $0x108  }
0x21: {  	s3 =	sadd.s32 s3, s9;
	s6 =	sadd.s32 @!p0 $0x88, s6;
	s7 =	simm.s32 @p2 $0x1082  }
0x22: {  	[simem:s7], [sflag:s8] =	dma.local @!p0 [hbm:s6], $0xF7A  }
0x23: {  	s9 =	sor.u32 $0xD0000000, s2;
	s6 =	simm.s32 $0x108;
	_ =	swait.ge @!p0 [sflag:s8], $0x0  }
0x24: {  	s3 =	sadd.s32 $0x88, s3;
	s6 =	simm.s32 @!p1 $0x1082;
	[sflag:s4] =	ssyncset.s32 $0xFFFFF086  }
0x25: {  	[simem:s6], [sflag:s4] =	dma.local [hbm:s3], $0xF7A  }
0x26: {  	[smem:$0x3F9E] =	sst s1;
	(tag) =	ssettag s2;
	_ =	strace s9  }
0x27: {  	s1 =	sld [smem:$0x3FAE]  }
0x28: {  	s2 =	sld [smem:$0x3FAF]  }
0x29: {  	s4 =	sld [smem:$0x3FB1]  }
0x2a: {  	p0 =	seq.s32 s5, $0x0;
	s5 =	sld [smem:$0x3FB2]  }
0x2b: {  	s6 =	sld [smem:$0x3FB3]  }
0x2c: {  	s7 =	sld [smem:$0x3FB4]  }
0x2d: {  	s3 =	simm.s32 $0x108;
	s8 =	sld [smem:$0x3FB5]  }
0x2e: {  	s3 =	simm.s32 @!p0 $0x1082;
	s9 =	sld [smem:$0x3FB6]  }
0x2f: {  	lr =	sadd.s32 s0, s3;
	s0 =	sld [smem:$0x3FAD]  }
0x30: {  	s3 =	sld [smem:$0x3FB0]  }
0x31: {  	[smem:$0x3FB9] =	sst s10  }
0x32: {  	s10 =	sld [smem:$0x3FB7];
	_ =	sdelay $0x3  }
0x33: {  	p0 =	seq.s32 s10, $0x1;
	s10 =	sld [smem:$0x3FB9];
	_ =	sdelay $0x3  }
0x34: {  	[smem:$0x3FB9] =	sst s10  }
0x35: {  	s10 =	sld [smem:$0x3FB8];
	_ =	sdelay $0x3  }
0x36: {  	p1 =	seq.s32 s10, $0x1;
	s10 =	sld [smem:$0x3FB9];
	_ =	sdelay $0x3  }
0x37: {  	[smem:$0x3FB9] =	sst s10  }
0x38: {  	s10 =	sld [smem:$0x3FBA]  }
0x39: {  	_ = 	snop;
	(pc) =	sbr.ind lr, $3  }
0x3a: {  	_ = 	snop  }
0x3b: {  	_ = 	snop  }
0x3c: {  	p2 =	seq.s32 s10, $0x1;
	s10 =	sld [smem:$0x3FB9]  }
0x3d: {  	_ =	shalt  }
0x3e: {  	_ =	shalt  }
0x3f: {  	_ =	shalt  }
0x40: {  	_ =	shalt  }
0x41: {  	_ =	shalt  }
0x42: {  	_ =	shalt  }
0x43: {  	_ =	shalt  }
0x44: {  	_ =	shalt  }
0x45: {  	_ =	shalt  }
0x46: {  	_ =	shalt  }
0x47: {  	_ =	shalt  }
0x48: {  	_ =	shalt  }
0x49: {  	_ =	shalt  }
0x4a: {  	_ =	shalt  }
0x4b: {  	_ =	shalt  }
0x4c: {  	_ =	shalt  }
0x4d: {  	_ =	shalt  }
0x4e: {  	_ =	shalt  }
0x4f: {  	_ =	shalt  }
0x50: {  	_ =	shalt  }
0x51: {  	_ =	shalt  }
0x52: {  	_ =	shalt  }
0x53: {  	_ =	shalt  }
0x54: {  	_ =	shalt  }
0x55: {  	_ =	shalt  }
0x56: {  	_ =	shalt  }
0x57: {  	_ =	shalt  }
0x58: {  	_ =	shalt  }
0x59: {  	_ =	shalt  }
0x5a: {  	_ =	shalt  }
0x5b: {  	_ =	shalt  }
0x5c: {  	_ =	shalt  }
0x5d: {  	_ =	shalt  }
0x5e: {  	_ =	shalt  }
0x5f: {  	_ =	shalt  }
0x60: {  	_ =	shalt  }
0x61: {  	_ =	shalt  }
0x62: {  	_ =	shalt  }
0x63: {  	_ =	shalt  }
0x64: {  	_ =	shalt  }
0x65: {  	_ =	shalt  }
0x66: {  	_ =	shalt  }
0x67: {  	_ =	shalt  }
0x68: {  	_ =	shalt  }
0x69: {  	_ =	shalt  }
0x6a: {  	_ =	shalt  }
0x6b: {  	_ =	shalt  }
0x6c: {  	_ =	shalt  }
0x6d: {  	_ =	shalt  }
0x6e: {  	_ =	shalt  }
0x6f: {  	_ =	shalt  }
0x70: {  	_ =	shalt  }
0x71: {  	_ =	shalt  }
0x72: {  	_ =	shalt  }
0x73: {  	_ =	shalt  }
0x74: {  	_ =	shalt  }
0x75: {  	_ =	shalt  }
0x76: {  	_ =	shalt  }
0x77: {  	_ =	shalt  }
0x78: {  	_ =	shalt  }
0x79: {  	_ =	shalt  }
0x7a: {  	_ =	shalt  }
0x7b: {  	_ =	shalt  }
0x7c: {  	_ =	shalt  }
0x7d: {  	_ =	shalt  }
0x7e: {  	_ =	shalt  }
0x7f: {  	_ =	shalt  }
0x80: {  	_ =	shalt  }
0x81: {  	_ =	shalt  }
0x82: {  	_ =	shalt  }
0x83: {  	_ =	shalt  }
0x84: {  	_ =	shalt  }
0x85: {  	_ =	shalt  }
0x86: {  	_ =	shalt  }
0x87: {  	_ =	shalt  }
.Lfunc_end0:
.L_simem_size_0:
called_computation_lowered:
.L_overlay_start_0:
0x88: {  	s2 =	sld [smem:$0x3FD9]  }
0x89: {  	s3 =	sld [smem:$0x3FFE];
	_ =	sdelay $0x1  }
0x8a: {  	s1 =	srdreg.scid  }
0x8b: {  	s0 =	sand.u32 $0x1, s1  }
0x8c: {  	s17 =	sshll.u32 s0, $0xA;
	s2 =	sadd.s32 s3, s2  }
0x8d: {  	s2 =	sadd.s32 s2, s17  }
0x8e: {  	[smem:$0x3FC5] =	sst s2  }
0x8f: {  	_ = 	snop  }
0x90: {  	s2 =	sld [smem:$0x3FC9]  }
0x91: {  	s18 =	sld [smem:$0x3FC8]  }
0x92: {  	s4 =	sld [smem:$0x3FC7];
	(tm) =	ssettm $0x1  }
0x93: {  	s5 =	sld [smem:$0x3FFB];
	_ =	sdelay $0x3  }
0x94: {  	_ =	strace s5  }
0x95: {  	s5 =	sld [smem:$0x3FFC];
	_ =	sdelay $0x3  }
0x96: {  	_ =	strace s5  }
0x97: {  	s5 =	sld [smem:$0x3FFD];
	_ =	sdelay $0x3  }
0x98: {  	_ =	strace s5  }
0x99: {  	_ =	strace $0x8FFFFFFF  }
0x9a: {  	s19 =	sld [smem:$0x3FDB];
	_ =	sdelay $0x1  }
0x9b: {  	s6 =	simm.s32 $_scs_section_size  }
0x9c: {  	s7 =	simm.s32 $_size__tile_overlayer_lowered;
	s8 =	simm.s32 $_tile_overlayer_lowered  }
0x9d: {  	s22 =	simm.s32 $0x1BFF;
	s21 =	sshll.u32 s8, $0x1;
	s5 =	sadd.s32 s6, s19  }
0x9e: {  	s9 =	simm.s32 $0x0;
	s20 =	sshll.u32 s7, $0x1;
	s7 =	sadd.s32 s21, s5  }
0x9f: {  	[timem:s9], [sflag:s22] =	dma.local [hbm:s7], s20  }
0xa0: {  	_ =	swait.ge [sflag:s22], s20  }
0xa1: {  	s6 =	ssub.s32 $0x0, s20;
	[sflag:s22] =	ssyncset.done $0x0  }
0xa2: {  	[sflag:s22] =	ssyncadd.s32 s6;
	_ =	sdelay $0x1  }
0xa3: {  	s23 =	simm.s32 $0x1B8B  }
0xa4: {  	_ =	swait.ge [sflag:s23], $0x1  }
0xa5: {  	[sflag:s23] =	ssyncset.done $0x0  }
0xa6: {  	s25 =	simm.s32 $0x1B8E;
	s24 =	sld [smem:$0x3FFE];
	[sflag:s23] =	ssyncadd.s32 $0xFFFFFFFF  }
0xa7: {  	s26 =	simm.s32 $execute0_lowered;
	[smem:$0x3FD2] =	sst s25  }
0xa8: {  	s7 =	sshll.u32 s26, $0x1;
	_ =	strace $0x80000046;
	[dreg:$0x1] =	wrdreg $0xFFFFFFFF  }
0xa9: {  	s28 =	simm.s32 $_size_execute0_lowered;
	s5 =	sadd.s32 s5, s7;
	[dreg:$0x0] =	wrdreg $0x0  }
0xaa: {  	s7 =	sshll.u32 s28, $0x1;
	[dreg:$0x2] =	wrdreg s5  }
0xab: {  	[dreg:$0x3] =	wrdreg s7  }
0xac: {  	[dreg:$0x4] =	wrdreg $0xC0  }
0xad: {  	_ =	task [dreg:s9], $0x5FFFF  }
0xae: {  	[dreg:$0x1] =	wrdreg $0xFFFFFFFF  }
0xaf: {  	[dreg:$0x0] =	wrdreg $0x60  }
0xb0: {  	[dreg:$0x2] =	wrdreg s2  }
0xb1: {  	[dreg:$0x3] =	wrdreg s18  }
0xb2: {  	[dreg:$0x4] =	wrdreg s4  }
0xb3: {  	[dreg:$0x5] =	wrdreg s24  }
0xb4: {  	[dreg:$0x6] =	wrdreg $0x9  }
0xb5: {  	_ =	task.clear_ibuf [dreg:s9], $0x7FFFF;
	_ =	strace $0x90000046  }
0xb6: {  	s29 =	simm.s32 $0x9;
	_ =	strace $0x80000048  }
0xb7: {  	_ =	swait.ge [sflag:s29], $0x1  }
0xb8: {  	[sflag:s29] =	ssyncadd.s32 $0xFFFFFFFF  }
0xb9: {  	_ =	strace $0x90000048  }
0xba: {  	_ =	sfence  }
0xbb: {  	s30 =	sld [smem:$0x0];
	_ =	sdelay $0x2  }
0xbc: {  	s31 =	sshll.u32 s1, $0xD;
	s1 =	sshrl.u32 s1, $0x2  }
0xbd: {  	s3 =	sand.u32 $0x4000, s31;
	s1 =	sadd.s32 s1, s30  }
0xbe: {  	s0 =	sor.u32 s3, s0;
	s1 =	sshll.u32 s1, $0x11  }
0xbf: {  	s0 =	sor.u32 s1, s0  }
0xc0: {  	s0 =	sadd.s32 $0x8F2B, s0  }
0xc1: {  	[sflag:s0] =	ssyncadd.remote.s32 $0x1  }
0xc2: {  	_ =	sfence.sel $0xFFFF  }
0xc3: {  	[dreg:$0x0] =	wrdreg $0xFFFFFFFF;
	(pc) =	sbr.abs _section_cstart, $3  }
0xc4: {  	[dreg:$0x1] =	wrdreg $0xFFFFFFFF  }
0xc5: {  	_ =	task.clear_ibuf [dreg:s9], $0x2FFFF;
	_ =	strace $0x9FFFFFFF  }
0xc6: {  	(tm) =	ssettm $0x7FFFFFFF  }
0xc7: {  	_ =	shalt  }
tec
execute0_lowered:
.L_overlay_start_1:
0x0: {  	(tag) =	ssettag $0x1  }
0x1: {  	s0 =	rddreg [dreg:$0x0]  }
0x2: {  	s1 =	rddreg [dreg:$0x1]  }
0x3: {  	s2 =	rddreg [dreg:$0x3];
	s4 =	simm.s32 $0x0  }
0x4: {  	s3 =	srdreg.scid;
	s5 =	stileid.u32;
	s18 =	simm.s32 $0x2  }
0x5: {  	s21 =	simm.s32 $0x80;
	s25 =	simm.s32 $0x1;
	s31 =	simm.s32 $0xF880  }
0x6: {  	[smem:$0x7FF] =	sst s4;
	s3 =	sand.u32 $0x1, s3;
	s5 =	sshll.u32 s5, $0x1  }
0x7: {  	s17 =	simm.s32 $0x0;
	_ =	strace $0x80000047;
	s5 =	sor.u32 s3, s5  }
0x8: {  	s3 =	ssub.s32 $0x2, s3;
	s6 =	sshll.u32 s5, $0x6;
	s5 =	sshll.u32 s5, $0x8  }
0x9: {  	s29 =	sshrl.u32 s3, $0x1;
	s2 =	sadd.s32 s6, s2;
	s5 =	sadd.s32 s0, s5  }
0xa: {  	s30 =	ssub.s32 s3, s29;
	s0 =	simm.s32 $0xFA80;
	s3 =	simm.s32 $0xFC80  }
0xb: {  	s6 =	sadd.s32 $0x8000, s5;
	s7 =	sadd.s32 $0x10000, s5;
	s8 =	sadd.s32 $0xA00, s2  }
0xc: {  	s9 =	sadd.s32 $0x1200, s2;
	s10 =	sadd.s32 $0x1A00, s2;
	s11 =	sadd.s32 $0x2200, s2  }
0xd: {  	s12 =	sadd.s32 $0x2A00, s2;
	s13 =	sadd.s32 $0x3200, s2;
	s14 =	sadd.s32 $0x3A00, s2  }
0xe: {  	s15 =	sadd.s32 $0x4200, s2;
	s16 =	smax.u32 s30, $0x1;
	s2 =	simm.s32 $0xFE80  }
.LBB2_1:
0xf: {  	s19 =	rddreg [dreg:$0x2];
	s20 =	simm.s32 $0x1800  }
0x10: {  	[tilespmem:s20], [sflag:$0x2] =	stream.linear.gather [hbm4b:s19+s4], $0x80, $0x38;
	[tilespmem:$0x10080] =	vst v63  }
0x11: {  	_ =	swait.ge [sflag:s18], $0x80  }
0x12: {  	[sflag:s18] =	ssyncset.done $0x0  }
0x13: {  	[sflag:s18] =	ssyncadd.s32 $0xFFFFFF80  }
0x14: {  	[tilespmem:s4], [sflag:$0x2] =	stream.linear.gather [hbm4b:s5+s4], $0x800, $0x38;
	[tilespmem:$0x10080] =	vst v63  }
0x15: {  	_ =	swait.ge [sflag:s18], $0x800  }
0x16: {  	[sflag:s18] =	ssyncset.done $0x0  }
0x17: {  	s26 =	simm.s32 $0x800;
	[sflag:s18] =	ssyncadd.s32 $0xFFFFF800  }
0x18: {  	[tilespmem:s26], [sflag:$0x2] =	stream.linear.gather [hbm4b:s6+s4], $0x800, $0x38;
	[tilespmem:$0x10080] =	vst v63  }
0x19: {  	_ =	swait.ge [sflag:s18], $0x800  }
0x1a: {  	[sflag:s18] =	ssyncset.done $0x0  }
0x1b: {  	s28 =	simm.s32 $0x1000;
	[sflag:s18] =	ssyncadd.s32 $0xFFFFF800  }
0x1c: {  	[tilespmem:s28], [sflag:$0x2] =	stream.linear.gather [hbm4b:s7+s4], $0x800, $0x38;
	[tilespmem:$0x10080] =	vst v63  }
0x1d: {  	_ =	swait.ge [sflag:s18], $0x800  }
0x1e: {  	[sflag:s18] =	ssyncset.done $0x0  }
0x1f: {  	[sflag:s18] =	ssyncadd.s32 $0xFFFFF800  }
0x20: {  	v0 =	vld [tilespmem:$0x1800];
	_ =	sdelay $0x1  }
0x21: {  	s29 =	simm.s32 $0x0  }
0x22: {  	s19 =	smul.u32 $0xFC00, s29;
	_ =	sdelay $0x1  }
0x23: {  	s30 =	sadd.s32 $0x0, s19;
	v1 =	vshll.u32 v0, $0x3;
	v0 =	vand.u32 $0x7F, v0  }
0x24: {  	v1 =	vand.u32 $0xFFFFFC00, v1;
	v0 =	vor.u32 s30, v0  }
0x25: {  	s19 =	simm.s32 $0x18C0;
	v0 =	vadd.s32 v1, v0  }
0x26: {  	[tilespmem:s19+$0xFFFFFFC0] =	vst v0  }
0x27: {  	v0 =	vld [tilespmem:$0x1810];
	_ =	sdelay $0x4  }
0x28: {  	v1 =	vshll.u32 v0, $0x3;
	v0 =	vand.u32 $0x7F, v0  }
0x29: {  	v1 =	vand.u32 $0xFFFFFC00, v1;
	v0 =	vor.u32 s30, v0  }
0x2a: {  	v0 =	vadd.s32 v1, v0  }
0x2b: {  	[tilespmem:s19+$0xFFFFFFD0] =	vst v0  }
0x2c: {  	v0 =	vld [tilespmem:$0x1820];
	_ =	sdelay $0x4  }
0x2d: {  	v1 =	vshll.u32 v0, $0x3;
	v0 =	vand.u32 $0x7F, v0  }
0x2e: {  	v1 =	vand.u32 $0xFFFFFC00, v1;
	v0 =	vor.u32 s30, v0  }
0x2f: {  	v0 =	vadd.s32 v1, v0  }
0x30: {  	[tilespmem:s19+$0xFFFFFFE0] =	vst v0  }
0x31: {  	v0 =	vld [tilespmem:$0x1830];
	_ =	sdelay $0x4  }
0x32: {  	v1 =	vshll.u32 v0, $0x3;
	v0 =	vand.u32 $0x7F, v0  }
0x33: {  	v1 =	vand.u32 $0xFFFFFC00, v1;
	v0 =	vor.u32 s30, v0  }
0x34: {  	v0 =	vadd.s32 v1, v0  }
0x35: {  	[tilespmem:s19+$0xFFFFFFF0] =	vst v0  }
0x36: {  	v0 =	vld [tilespmem:$0x1840];
	_ =	sdelay $0x4  }
0x37: {  	v1 =	vshll.u32 v0, $0x3;
	v0 =	vand.u32 $0x7F, v0  }
0x38: {  	v1 =	vand.u32 $0xFFFFFC00, v1;
	v0 =	vor.u32 s30, v0  }
0x39: {  	v0 =	vadd.s32 v1, v0  }
0x3a: {  	[tilespmem:s19+$0x0] =	vst v0  }
0x3b: {  	v0 =	vld [tilespmem:$0x1850];
	_ =	sdelay $0x4  }
0x3c: {  	v1 =	vshll.u32 v0, $0x3;
	v0 =	vand.u32 $0x7F, v0  }
0x3d: {  	v1 =	vand.u32 $0xFFFFFC00, v1;
	v0 =	vor.u32 s30, v0  }
0x3e: {  	v0 =	vadd.s32 v1, v0  }
0x3f: {  	[tilespmem:s19+$0x10] =	vst v0  }
0x40: {  	v0 =	vld [tilespmem:$0x1860];
	_ =	sdelay $0x4  }
0x41: {  	v1 =	vshll.u32 v0, $0x3;
	v0 =	vand.u32 $0x7F, v0  }
0x42: {  	v1 =	vand.u32 $0xFFFFFC00, v1;
	v0 =	vor.u32 s30, v0  }
0x43: {  	v0 =	vadd.s32 v1, v0  }
0x44: {  	[tilespmem:s19+$0x20] =	vst v0  }
0x45: {  	v0 =	vld [tilespmem:$0x1870];
	_ =	sdelay $0x4  }
0x46: {  	v1 =	vshll.u32 v0, $0x3;
	v0 =	vand.u32 $0x7F, v0  }
0x47: {  	v1 =	vand.u32 $0xFFFFFC00, v1;
	v0 =	vor.u32 s30, v0  }
0x48: {  	v0 =	vadd.s32 v1, v0  }
0x49: {  	[tilespmem:s19+$0x30] =	vst v0  }
0x4a: {  	s23 =	simm.s32 $0x2;
	s22 =	simm.s32 $0x0;
	s20 =	simm.s32 $0x1;
	v0 =	vld [tilespmem:$0x1800]  }
.LBB2_2:
0x4b: {  	p0 =	sne.s32 s23, $0x17  }
0x4c: {  	s24 =	sshrl.u32 s20, $0x3;
	s20 =	smov.u32 s23  }
0x4d: {  	s24 =	smul.u32 $0xFC00, s24  }
0x4e: {  	s22 =	sadd.s32 $0x80, s22  }
0x4f: {  	s24 =	sadd.s32 s24, s22;
	v1 =	vshll.u32 v0, $0x3;
	v0 =	vand.u32 $0x7F, v0  }
0x50: {  	v1 =	vand.u32 $0xFFFFFC00, v1;
	v0 =	vor.u32 s24, v0  }
0x51: {  	s19 =	sadd.s32 $0x80, s19;
	v0 =	vadd.s32 v1, v0  }
0x52: {  	[tilespmem:s19+$0xFFFFFFC0] =	vst v0  }
0x53: {  	v0 =	vld [tilespmem:$0x1810];
	_ =	sdelay $0x4  }
0x54: {  	v1 =	vshll.u32 v0, $0x3;
	v0 =	vand.u32 $0x7F, v0  }
0x55: {  	v1 =	vand.u32 $0xFFFFFC00, v1;
	v0 =	vor.u32 s24, v0  }
0x56: {  	v0 =	vadd.s32 v1, v0  }
0x57: {  	[tilespmem:s19+$0xFFFFFFD0] =	vst v0  }
0x58: {  	v0 =	vld [tilespmem:$0x1820];
	_ =	sdelay $0x4  }
0x59: {  	v1 =	vshll.u32 v0, $0x3;
	v0 =	vand.u32 $0x7F, v0  }
0x5a: {  	v1 =	vand.u32 $0xFFFFFC00, v1;
	v0 =	vor.u32 s24, v0  }
0x5b: {  	v0 =	vadd.s32 v1, v0  }
0x5c: {  	[tilespmem:s19+$0xFFFFFFE0] =	vst v0  }
0x5d: {  	v0 =	vld [tilespmem:$0x1830];
	_ =	sdelay $0x4  }
0x5e: {  	v1 =	vshll.u32 v0, $0x3;
	v0 =	vand.u32 $0x7F, v0  }
0x5f: {  	v1 =	vand.u32 $0xFFFFFC00, v1;
	v0 =	vor.u32 s24, v0  }
0x60: {  	v0 =	vadd.s32 v1, v0  }
0x61: {  	[tilespmem:s19+$0xFFFFFFF0] =	vst v0  }
0x62: {  	v0 =	vld [tilespmem:$0x1840];
	_ =	sdelay $0x4  }
0x63: {  	v1 =	vshll.u32 v0, $0x3;
	v0 =	vand.u32 $0x7F, v0  }
0x64: {  	v1 =	vand.u32 $0xFFFFFC00, v1;
	v0 =	vor.u32 s24, v0  }
0x65: {  	v0 =	vadd.s32 v1, v0  }
0x66: {  	[tilespmem:s19+$0x0] =	vst v0  }
0x67: {  	v0 =	vld [tilespmem:$0x1850];
	_ =	sdelay $0x4  }
0x68: {  	v1 =	vshll.u32 v0, $0x3;
	v0 =	vand.u32 $0x7F, v0  }
0x69: {  	v1 =	vand.u32 $0xFFFFFC00, v1;
	v0 =	vor.u32 s24, v0  }
0x6a: {  	v0 =	vadd.s32 v1, v0  }
0x6b: {  	[tilespmem:s19+$0x10] =	vst v0  }
0x6c: {  	v0 =	vld [tilespmem:$0x1860];
	_ =	sdelay $0x4  }
0x6d: {  	v1 =	vshll.u32 v0, $0x3;
	v0 =	vand.u32 $0x7F, v0  }
0x6e: {  	v1 =	vand.u32 $0xFFFFFC00, v1;
	v0 =	vor.u32 s24, v0  }
0x6f: {  	v0 =	vadd.s32 v1, v0  }
0x70: {  	[tilespmem:s19+$0x20] =	vst v0  }
0x71: {  	v0 =	vld [tilespmem:$0x1870];
	_ =	sdelay $0x4  }
.Ltmp0:
0x72: {  	v1 =	vshll.u32 v0, $0x3;
	v0 =	vand.u32 $0x7F, v0;
	(pc) =	sbr.rel @p0 .LBB2_2-.Ltmp0, $4  }
0x73: {  	v1 =	vand.u32 $0xFFFFFC00, v1;
	v0 =	vor.u32 s24, v0  }
0x74: {  	v0 =	vadd.s32 v1, v0  }
0x75: {  	[tilespmem:s19+$0x30] =	vst v0  }
0x76: {  	s23 =	sadd.s32 $0x1, s23;
	v0 =	vld [tilespmem:$0x1800]  }
0x77: {  	_ = 	snop  }
0x78: {  	s20 =	sshrl.u32 s20, $0x3  }
0x79: {  	s20 =	smul.u32 $0xFC00, s20  }
0x7a: {  	s22 =	sadd.s32 $0x80, s22  }
0x7b: {  	s20 =	sadd.s32 s20, s22;
	v1 =	vshll.u32 v0, $0x3;
	v56 =	vand.u32 $0x7F, v0  }
0x7c: {  	v1 =	vand.u32 $0xFFFFFC00, v1;
	v0 =	vor.u32 s20, v56  }
0x7d: {  	s19 =	sadd.s32 $0x80, s19;
	v0 =	vadd.s32 v1, v0  }
0x7e: {  	[tilespmem:s19+$0xFFFFFFC0] =	vst v0  }
0x7f: {  	v0 =	vld [tilespmem:$0x1810];
	_ =	sdelay $0x4  }
0x80: {  	v57 =	vshll.u32 v0, $0x3;
	v0 =	vand.u32 $0x7F, v0  }
0x81: {  	v1 =	vand.u32 $0xFFFFFC00, v57;
	v0 =	vor.u32 s20, v0  }
0x82: {  	v0 =	vadd.s32 v1, v0  }
0x83: {  	[tilespmem:s19+$0xFFFFFFD0] =	vst v0  }
0x84: {  	v0 =	vld [tilespmem:$0x1820];
	_ =	sdelay $0x4  }
0x85: {  	v58 =	vshll.u32 v0, $0x3;
	v0 =	vand.u32 $0x7F, v0  }
0x86: {  	v1 =	vand.u32 $0xFFFFFC00, v58;
	v0 =	vor.u32 s20, v0  }
0x87: {  	v0 =	vadd.s32 v1, v0  }
0x88: {  	[tilespmem:s19+$0xFFFFFFE0] =	vst v0  }
0x89: {  	v0 =	vld [tilespmem:$0x1830];
	_ =	sdelay $0x4  }
0x8a: {  	v59 =	vshll.u32 v0, $0x3;
	v0 =	vand.u32 $0x7F, v0  }
0x8b: {  	v1 =	vand.u32 $0xFFFFFC00, v59;
	v0 =	vor.u32 s20, v0  }
0x8c: {  	v0 =	vadd.s32 v1, v0  }
0x8d: {  	[tilespmem:s19+$0xFFFFFFF0] =	vst v0  }
0x8e: {  	v0 =	vld [tilespmem:$0x1840];
	_ =	sdelay $0x4  }
0x8f: {  	v60 =	vshll.u32 v0, $0x3;
	v0 =	vand.u32 $0x7F, v0  }
0x90: {  	v1 =	vand.u32 $0xFFFFFC00, v60;
	v0 =	vor.u32 s20, v0  }
0x91: {  	v0 =	vadd.s32 v1, v0  }
0x92: {  	[tilespmem:s19+$0x0] =	vst v0  }
0x93: {  	v0 =	vld [tilespmem:$0x1850];
	_ =	sdelay $0x4  }
0x94: {  	v61 =	vshll.u32 v0, $0x3;
	v0 =	vand.u32 $0x7F, v0  }
0x95: {  	v1 =	vand.u32 $0xFFFFFC00, v61;
	v0 =	vor.u32 s20, v0  }
0x96: {  	v0 =	vadd.s32 v1, v0  }
0x97: {  	[tilespmem:s19+$0x10] =	vst v0  }
0x98: {  	v0 =	vld [tilespmem:$0x1860];
	_ =	sdelay $0x4  }
0x99: {  	v62 =	vshll.u32 v0, $0x3;
	v0 =	vand.u32 $0x7F, v0  }
0x9a: {  	v1 =	vand.u32 $0xFFFFFC00, v62;
	v0 =	vor.u32 s20, v0  }
0x9b: {  	v0 =	vadd.s32 v1, v0  }
0x9c: {  	[tilespmem:s19+$0x20] =	vst v0  }
0x9d: {  	v0 =	vld [tilespmem:$0x1870];
	_ =	sdelay $0x4  }
0x9e: {  	v63 =	vshll.u32 v0, $0x3;
	v0 =	vand.u32 $0x7F, v0  }
0x9f: {  	v1 =	vand.u32 $0xFFFFFC00, v63;
	v0 =	vor.u32 s20, v0  }
0xa0: {  	v0 =	vadd.s32 v1, v0  }
0xa1: {  	s22 =	simm.s32 $0x2480;
	s20 =	simm.s32 $0x1880;
	[tilespmem:s19+$0x30] =	vst v0  }
0xa2: {  	[tilespmem:s22], [sflag:$0x1] =	stream.indirect.gather [hbm4b:s1+s21], $0x1, s20, s21, $0xb8;
	[tilespmem:$0x10080] =	vst v63  }
0xa3: {  	s23 =	simm.s32 $0x1900;
	s24 =	simm.s32 $0x2500  }
0xa4: {  	[tilespmem:s24], [sflag:$0x1] =	stream.indirect.gather [hbm4b:s1+s21], $0x1, s23, s21, $0xb8;
	[tilespmem:$0x10080] =	vst v63  }
0xa5: {  	s26 =	simm.s32 $0x1980;
	s28 =	simm.s32 $0x2580  }
0xa6: {  	[tilespmem:s28], [sflag:$0x1] =	stream.indirect.gather [hbm4b:s1+s21], $0x1, s26, s21, $0xb8;
	[tilespmem:$0x10080] =	vst v63  }
0xa7: {  	s29 =	simm.s32 $0x1A00;
	s30 =	simm.s32 $0x2600  }
0xa8: {  	[tilespmem:s30], [sflag:$0x1] =	stream.indirect.gather [hbm4b:s1+s21], $0x1, s29, s21, $0xb8;
	[tilespmem:$0x10080] =	vst v63  }
0xa9: {  	s20 =	simm.s32 $0x1A80;
	s22 =	simm.s32 $0x2680  }
0xaa: {  	[tilespmem:s22], [sflag:$0x1] =	stream.indirect.gather [hbm4b:s1+s21], $0x1, s20, s21, $0xb8;
	[tilespmem:$0x10080] =	vst v63  }
0xab: {  	s23 =	simm.s32 $0x1B00;
	s24 =	simm.s32 $0x2700  }
0xac: {  	[tilespmem:s24], [sflag:$0x1] =	stream.indirect.gather [hbm4b:s1+s21], $0x1, s23, s21, $0xb8;
	[tilespmem:$0x10080] =	vst v63  }
0xad: {  	s26 =	simm.s32 $0x1B80;
	s28 =	simm.s32 $0x2780  }
0xae: {  	[tilespmem:s28], [sflag:$0x1] =	stream.indirect.gather [hbm4b:s1+s21], $0x1, s26, s21, $0xb8;
	[tilespmem:$0x10080] =	vst v63  }
0xaf: {  	s29 =	simm.s32 $0x1C00;
	s30 =	simm.s32 $0x2800  }
0xb0: {  	[tilespmem:s30], [sflag:$0x1] =	stream.indirect.gather [hbm4b:s1+s21], $0x1, s29, s21, $0xb8;
	[tilespmem:$0x10080] =	vst v63  }
0xb1: {  	s20 =	simm.s32 $0x1C80;
	s22 =	simm.s32 $0x2880  }
0xb2: {  	[tilespmem:s22], [sflag:$0x1] =	stream.indirect.gather [hbm4b:s1+s21], $0x1, s20, s21, $0xb8;
	[tilespmem:$0x10080] =	vst v63  }
0xb3: {  	s23 =	simm.s32 $0x1D00;
	s24 =	simm.s32 $0x2900  }
0xb4: {  	[tilespmem:s24], [sflag:$0x1] =	stream.indirect.gather [hbm4b:s1+s21], $0x1, s23, s21, $0xb8;
	[tilespmem:$0x10080] =	vst v63  }
0xb5: {  	s26 =	simm.s32 $0x1D80;
	s28 =	simm.s32 $0x2980  }
0xb6: {  	[tilespmem:s28], [sflag:$0x1] =	stream.indirect.gather [hbm4b:s1+s21], $0x1, s26, s21, $0xb8;
	[tilespmem:$0x10080] =	vst v63  }
0xb7: {  	s29 =	simm.s32 $0x1E00;
	s30 =	simm.s32 $0x2A00  }
0xb8: {  	[tilespmem:s30], [sflag:$0x1] =	stream.indirect.gather [hbm4b:s1+s21], $0x1, s29, s21, $0xb8;
	[tilespmem:$0x10080] =	vst v63  }
0xb9: {  	s20 =	simm.s32 $0x1E80;
	s22 =	simm.s32 $0x2A80  }
0xba: {  	[tilespmem:s22], [sflag:$0x1] =	stream.indirect.gather [hbm4b:s1+s21], $0x1, s20, s21, $0xb8;
	[tilespmem:$0x10080] =	vst v63  }
0xbb: {  	s23 =	simm.s32 $0x1F00;
	s24 =	simm.s32 $0x2B00  }
0xbc: {  	[tilespmem:s24], [sflag:$0x1] =	stream.indirect.gather [hbm4b:s1+s21], $0x1, s23, s21, $0xb8;
	[tilespmem:$0x10080] =	vst v63  }
0xbd: {  	s26 =	simm.s32 $0x1F80;
	s28 =	simm.s32 $0x2B80  }
0xbe: {  	[tilespmem:s28], [sflag:$0x1] =	stream.indirect.gather [hbm4b:s1+s21], $0x1, s26, s21, $0xb8;
	[tilespmem:$0x10080] =	vst v63  }
0xbf: {  	s29 =	simm.s32 $0x2000;
	s30 =	simm.s32 $0x2C00  }
0xc0: {  	[tilespmem:s30], [sflag:$0x1] =	stream.indirect.gather [hbm4b:s1+s21], $0x1, s29, s21, $0xb8;
	[tilespmem:$0x10080] =	vst v63  }
0xc1: {  	s20 =	simm.s32 $0x2080;
	s22 =	simm.s32 $0x2C80  }
0xc2: {  	[tilespmem:s22], [sflag:$0x1] =	stream.indirect.gather [hbm4b:s1+s21], $0x1, s20, s21, $0xb8;
	[tilespmem:$0x10080] =	vst v63  }
0xc3: {  	s23 =	simm.s32 $0x2100;
	s24 =	simm.s32 $0x2D00  }
0xc4: {  	[tilespmem:s24], [sflag:$0x1] =	stream.indirect.gather [hbm4b:s1+s21], $0x1, s23, s21, $0xb8;
	[tilespmem:$0x10080] =	vst v63  }
0xc5: {  	s26 =	simm.s32 $0x2180;
	s28 =	simm.s32 $0x2D80  }
0xc6: {  	[tilespmem:s28], [sflag:$0x1] =	stream.indirect.gather [hbm4b:s1+s21], $0x1, s26, s21, $0xb8;
	[tilespmem:$0x10080] =	vst v63  }
0xc7: {  	s29 =	simm.s32 $0x2200;
	s30 =	simm.s32 $0x2E00  }
0xc8: {  	[tilespmem:s30], [sflag:$0x1] =	stream.indirect.gather [hbm4b:s1+s21], $0x1, s29, s21, $0xb8;
	[tilespmem:$0x10080] =	vst v63  }
0xc9: {  	s20 =	simm.s32 $0x2280;
	s22 =	simm.s32 $0x2E80  }
0xca: {  	[tilespmem:s22], [sflag:$0x1] =	stream.indirect.gather [hbm4b:s1+s21], $0x1, s20, s21, $0xb8;
	[tilespmem:$0x10080] =	vst v63  }
0xcb: {  	s23 =	simm.s32 $0x2300;
	s24 =	simm.s32 $0x2F00  }
0xcc: {  	[tilespmem:s24], [sflag:$0x1] =	stream.indirect.gather [hbm4b:s1+s21], $0x1, s23, s21, $0xb8;
	[tilespmem:$0x10080] =	vst v63  }
0xcd: {  	s26 =	simm.s32 $0x2380;
	s28 =	simm.s32 $0x2F80  }
0xce: {  	[tilespmem:s28], [sflag:$0x1] =	stream.indirect.gather [hbm4b:s1+s21], $0x1, s26, s21, $0xb8;
	[tilespmem:$0x10080] =	vst v63  }
0xcf: {  	s29 =	simm.s32 $0x2400;
	s30 =	simm.s32 $0x3000  }
0xd0: {  	[tilespmem:s30], [sflag:$0x1] =	stream.indirect.gather [hbm4b:s1+s21], $0x1, s29, s21, $0xb8;
	[tilespmem:$0x10080] =	vst v63  }
0xd1: {  	_ =	swait.ge [sflag:s25], $0x80  }
0xd2: {  	[sflag:s25] =	ssyncset.done $0x0  }
0xd3: {  	[sflag:s25] =	ssyncadd.s32 $0xFFFFFF80  }
0xd4: {  	_ =	swait.ge [sflag:s25], $0x80  }
0xd5: {  	[sflag:s25] =	ssyncset.done $0x0  }
0xd6: {  	[sflag:s25] =	ssyncadd.s32 $0xFFFFFF80  }
0xd7: {  	_ =	swait.ge [sflag:s25], $0x80  }
0xd8: {  	[sflag:s25] =	ssyncset.done $0x0  }
0xd9: {  	[sflag:s25] =	ssyncadd.s32 $0xFFFFFF80  }
0xda: {  	_ =	swait.ge [sflag:s25], $0x80  }
0xdb: {  	[sflag:s25] =	ssyncset.done $0x0  }
0xdc: {  	[sflag:s25] =	ssyncadd.s32 $0xFFFFFF80  }
0xdd: {  	_ =	swait.ge [sflag:s25], $0x80  }
0xde: {  	[sflag:s25] =	ssyncset.done $0x0  }
0xdf: {  	[sflag:s25] =	ssyncadd.s32 $0xFFFFFF80  }
0xe0: {  	_ =	swait.ge [sflag:s25], $0x80  }
0xe1: {  	[sflag:s25] =	ssyncset.done $0x0  }
0xe2: {  	[sflag:s25] =	ssyncadd.s32 $0xFFFFFF80  }
0xe3: {  	_ =	swait.ge [sflag:s25], $0x80  }
0xe4: {  	[sflag:s25] =	ssyncset.done $0x0  }
0xe5: {  	[sflag:s25] =	ssyncadd.s32 $0xFFFFFF80  }
0xe6: {  	_ =	swait.ge [sflag:s25], $0x80  }
0xe7: {  	[sflag:s25] =	ssyncset.done $0x0  }
0xe8: {  	[sflag:s25] =	ssyncadd.s32 $0xFFFFFF80  }
0xe9: {  	_ =	swait.ge [sflag:s25], $0x80  }
0xea: {  	[sflag:s25] =	ssyncset.done $0x0  }
0xeb: {  	[sflag:s25] =	ssyncadd.s32 $0xFFFFFF80  }
0xec: {  	_ =	swait.ge [sflag:s25], $0x80  }
0xed: {  	[sflag:s25] =	ssyncset.done $0x0  }
0xee: {  	[sflag:s25] =	ssyncadd.s32 $0xFFFFFF80  }
0xef: {  	_ =	swait.ge [sflag:s25], $0x80  }
0xf0: {  	[sflag:s25] =	ssyncset.done $0x0  }
0xf1: {  	[sflag:s25] =	ssyncadd.s32 $0xFFFFFF80  }
0xf2: {  	_ =	swait.ge [sflag:s25], $0x80  }
0xf3: {  	[sflag:s25] =	ssyncset.done $0x0  }
0xf4: {  	[sflag:s25] =	ssyncadd.s32 $0xFFFFFF80  }
0xf5: {  	_ =	swait.ge [sflag:s25], $0x80  }
0xf6: {  	[sflag:s25] =	ssyncset.done $0x0  }
0xf7: {  	[sflag:s25] =	ssyncadd.s32 $0xFFFFFF80  }
0xf8: {  	_ =	swait.ge [sflag:s25], $0x80  }
0xf9: {  	[sflag:s25] =	ssyncset.done $0x0  }
0xfa: {  	[sflag:s25] =	ssyncadd.s32 $0xFFFFFF80  }
0xfb: {  	_ =	swait.ge [sflag:s25], $0x80  }
0xfc: {  	[sflag:s25] =	ssyncset.done $0x0  }
0xfd: {  	[sflag:s25] =	ssyncadd.s32 $0xFFFFFF80  }
0xfe: {  	_ =	swait.ge [sflag:s25], $0x80  }
0xff: {  	[sflag:s25] =	ssyncset.done $0x0  }
0x100: {  	[sflag:s25] =	ssyncadd.s32 $0xFFFFFF80  }
0x101: {  	_ =	swait.ge [sflag:s25], $0x80  }
0x102: {  	[sflag:s25] =	ssyncset.done $0x0  }
0x103: {  	[sflag:s25] =	ssyncadd.s32 $0xFFFFFF80  }
0x104: {  	_ =	swait.ge [sflag:s25], $0x80  }
0x105: {  	[sflag:s25] =	ssyncset.done $0x0  }
0x106: {  	[sflag:s25] =	ssyncadd.s32 $0xFFFFFF80  }
0x107: {  	_ =	swait.ge [sflag:s25], $0x80  }
0x108: {  	[sflag:s25] =	ssyncset.done $0x0  }
0x109: {  	[sflag:s25] =	ssyncadd.s32 $0xFFFFFF80  }
0x10a: {  	_ =	swait.ge [sflag:s25], $0x80  }
0x10b: {  	[sflag:s25] =	ssyncset.done $0x0  }
0x10c: {  	[sflag:s25] =	ssyncadd.s32 $0xFFFFFF80  }
0x10d: {  	_ =	swait.ge [sflag:s25], $0x80  }
0x10e: {  	[sflag:s25] =	ssyncset.done $0x0  }
0x10f: {  	[sflag:s25] =	ssyncadd.s32 $0xFFFFFF80  }
0x110: {  	_ =	swait.ge [sflag:s25], $0x80  }
0x111: {  	[sflag:s25] =	ssyncset.done $0x0  }
0x112: {  	[sflag:s25] =	ssyncadd.s32 $0xFFFFFF80  }
0x113: {  	_ =	swait.ge [sflag:s25], $0x80  }
0x114: {  	[sflag:s25] =	ssyncset.done $0x0  }
0x115: {  	[sflag:s25] =	ssyncadd.s32 $0xFFFFFF80  }
0x116: {  	_ =	swait.ge [sflag:s25], $0x80  }
0x117: {  	[sflag:s25] =	ssyncset.done $0x0  }
0x118: {  	s20 =	simm.s32 $0x1C0;
	s22 =	simm.s32 $0x3480;
	[sflag:s25] =	ssyncadd.s32 $0xFFFFFF80  }
.LBB2_4:
0x119: {  	s19 =	sshra.s32 s20, $0x2  }
0x11a: {  	v0 =	vld [tilespmem:s19+$0x2410];
	_ =	sdelay $0x4  }
0x11b: {  	v1 =	vbroadcast v0, $0x0  }
0x11c: {  	v2 =	vbroadcast v0, $0x1  }
0x11d: {  	v6 =	vbroadcast v0, $0x2;
	[tilespmem:s22+$0xFFFFFC00] =	vst v1  }
0x11e: {  	v7 =	vbroadcast v0, $0x3;
	[tilespmem:s22+$0xFFFFFC10] =	vst v2  }
0x11f: {  	v8 =	vbroadcast v0, $0x4;
	[tilespmem:s22+$0xFFFFFC20] =	vst v6  }
0x120: {  	v9 =	vbroadcast v0, $0x5;
	[tilespmem:s22+$0xFFFFFC30] =	vst v7  }
0x121: {  	v10 =	vbroadcast v0, $0x6;
	[tilespmem:s22+$0xFFFFFC40] =	vst v8  }
0x122: {  	v11 =	vbroadcast v0, $0x7;
	[tilespmem:s22+$0xFFFFFC50] =	vst v9  }
0x123: {  	v12 =	vbroadcast v0, $0x8;
	[tilespmem:s22+$0xFFFFFC60] =	vst v10  }
0x124: {  	v13 =	vbroadcast v0, $0x9;
	[tilespmem:s22+$0xFFFFFC70] =	vst v11  }
0x125: {  	v14 =	vbroadcast v0, $0xA;
	[tilespmem:s22+$0xFFFFFC80] =	vst v12  }
0x126: {  	v15 =	vbroadcast v0, $0xB;
	[tilespmem:s22+$0xFFFFFC90] =	vst v13  }
0x127: {  	v16 =	vbroadcast v0, $0xC;
	[tilespmem:s22+$0xFFFFFCA0] =	vst v14  }
0x128: {  	v17 =	vbroadcast v0, $0xD;
	[tilespmem:s22+$0xFFFFFCB0] =	vst v15  }
0x129: {  	v18 =	vbroadcast v0, $0xE;
	[tilespmem:s22+$0xFFFFFCC0] =	vst v16  }
0x12a: {  	v0 =	vbroadcast v0, $0xF;
	[tilespmem:s22+$0xFFFFFCD0] =	vst v17  }
0x12b: {  	[tilespmem:s22+$0xFFFFFCE0] =	vst v18  }
0x12c: {  	[tilespmem:s22+$0xFFFFFCF0] =	vst v0  }
0x12d: {  	v0 =	vld [tilespmem:s19+$0x2420];
	_ =	sdelay $0x4  }
0x12e: {  	v19 =	vbroadcast v0, $0x0  }
0x12f: {  	v20 =	vbroadcast v0, $0x1  }
0x130: {  	v21 =	vbroadcast v0, $0x2;
	[tilespmem:s22+$0xFFFFFD00] =	vst v19  }
0x131: {  	v22 =	vbroadcast v0, $0x3;
	[tilespmem:s22+$0xFFFFFD10] =	vst v20  }
0x132: {  	v23 =	vbroadcast v0, $0x4;
	[tilespmem:s22+$0xFFFFFD20] =	vst v21  }
0x133: {  	v24 =	vbroadcast v0, $0x5;
	[tilespmem:s22+$0xFFFFFD30] =	vst v22  }
0x134: {  	v25 =	vbroadcast v0, $0x6;
	[tilespmem:s22+$0xFFFFFD40] =	vst v23  }
0x135: {  	v26 =	vbroadcast v0, $0x7;
	[tilespmem:s22+$0xFFFFFD50] =	vst v24  }
0x136: {  	v27 =	vbroadcast v0, $0x8;
	[tilespmem:s22+$0xFFFFFD60] =	vst v25  }
0x137: {  	v28 =	vbroadcast v0, $0x9;
	[tilespmem:s22+$0xFFFFFD70] =	vst v26  }
0x138: {  	v29 =	vbroadcast v0, $0xA;
	[tilespmem:s22+$0xFFFFFD80] =	vst v27  }
0x139: {  	v30 =	vbroadcast v0, $0xB;
	[tilespmem:s22+$0xFFFFFD90] =	vst v28  }
0x13a: {  	v31 =	vbroadcast v0, $0xC;
	[tilespmem:s22+$0xFFFFFDA0] =	vst v29  }
0x13b: {  	v32 =	vbroadcast v0, $0xD;
	[tilespmem:s22+$0xFFFFFDB0] =	vst v30  }
0x13c: {  	v33 =	vbroadcast v0, $0xE;
	[tilespmem:s22+$0xFFFFFDC0] =	vst v31  }
0x13d: {  	v0 =	vbroadcast v0, $0xF;
	[tilespmem:s22+$0xFFFFFDD0] =	vst v32  }
0x13e: {  	[tilespmem:s22+$0xFFFFFDE0] =	vst v33  }
0x13f: {  	[tilespmem:s22+$0xFFFFFDF0] =	vst v0  }
0x140: {  	v0 =	vld [tilespmem:s19+$0x2430];
	_ =	sdelay $0x4  }
0x141: {  	v34 =	vbroadcast v0, $0x0  }
0x142: {  	v35 =	vbroadcast v0, $0x1  }
0x143: {  	v36 =	vbroadcast v0, $0x2;
	[tilespmem:s22+$0xFFFFFE00] =	vst v34  }
0x144: {  	v37 =	vbroadcast v0, $0x3;
	[tilespmem:s22+$0xFFFFFE10] =	vst v35  }
0x145: {  	v38 =	vbroadcast v0, $0x4;
	[tilespmem:s22+$0xFFFFFE20] =	vst v36  }
0x146: {  	v39 =	vbroadcast v0, $0x5;
	[tilespmem:s22+$0xFFFFFE30] =	vst v37  }
0x147: {  	v40 =	vbroadcast v0, $0x6;
	[tilespmem:s22+$0xFFFFFE40] =	vst v38  }
0x148: {  	v41 =	vbroadcast v0, $0x7;
	[tilespmem:s22+$0xFFFFFE50] =	vst v39  }
0x149: {  	v42 =	vbroadcast v0, $0x8;
	[tilespmem:s22+$0xFFFFFE60] =	vst v40  }
0x14a: {  	v43 =	vbroadcast v0, $0x9;
	[tilespmem:s22+$0xFFFFFE70] =	vst v41  }
0x14b: {  	v44 =	vbroadcast v0, $0xA;
	[tilespmem:s22+$0xFFFFFE80] =	vst v42  }
0x14c: {  	v45 =	vbroadcast v0, $0xB;
	[tilespmem:s22+$0xFFFFFE90] =	vst v43  }
0x14d: {  	v46 =	vbroadcast v0, $0xC;
	[tilespmem:s22+$0xFFFFFEA0] =	vst v44  }
0x14e: {  	v47 =	vbroadcast v0, $0xD;
	[tilespmem:s22+$0xFFFFFEB0] =	vst v45  }
0x14f: {  	v48 =	vbroadcast v0, $0xE;
	[tilespmem:s22+$0xFFFFFEC0] =	vst v46  }
0x150: {  	v0 =	vbroadcast v0, $0xF;
	[tilespmem:s22+$0xFFFFFED0] =	vst v47  }
0x151: {  	[tilespmem:s22+$0xFFFFFEE0] =	vst v48  }
0x152: {  	[tilespmem:s22+$0xFFFFFEF0] =	vst v0  }
0x153: {  	v0 =	vld [tilespmem:s19+$0x2440];
	_ =	sdelay $0x4  }
0x154: {  	v49 =	vbroadcast v0, $0x0  }
0x155: {  	v50 =	vbroadcast v0, $0x1  }
0x156: {  	v51 =	vbroadcast v0, $0x2;
	[tilespmem:s22+$0xFFFFFF00] =	vst v49  }
0x157: {  	v52 =	vbroadcast v0, $0x3;
	[tilespmem:s22+$0xFFFFFF10] =	vst v50  }
0x158: {  	v53 =	vbroadcast v0, $0x4;
	[tilespmem:s22+$0xFFFFFF20] =	vst v51  }
0x159: {  	v54 =	vbroadcast v0, $0x5;
	[tilespmem:s22+$0xFFFFFF30] =	vst v52  }
0x15a: {  	v55 =	vbroadcast v0, $0x6;
	[tilespmem:s22+$0xFFFFFF40] =	vst v53  }
0x15b: {  	v56 =	vbroadcast v0, $0x7;
	[tilespmem:s22+$0xFFFFFF50] =	vst v54  }
0x15c: {  	v57 =	vbroadcast v0, $0x8;
	[tilespmem:s22+$0xFFFFFF60] =	vst v55  }
0x15d: {  	v58 =	vbroadcast v0, $0x9;
	[tilespmem:s22+$0xFFFFFF70] =	vst v56  }
0x15e: {  	v59 =	vbroadcast v0, $0xA;
	[tilespmem:s22+$0xFFFFFF80] =	vst v57  }
0x15f: {  	v60 =	vbroadcast v0, $0xB;
	[tilespmem:s22+$0xFFFFFF90] =	vst v58  }
0x160: {  	v61 =	vbroadcast v0, $0xC;
	[tilespmem:s22+$0xFFFFFFA0] =	vst v59  }
0x161: {  	v62 =	vbroadcast v0, $0xD;
	[tilespmem:s22+$0xFFFFFFB0] =	vst v60  }
0x162: {  	v63 =	vbroadcast v0, $0xE;
	[tilespmem:s22+$0xFFFFFFC0] =	vst v61  }
0x163: {  	v0 =	vbroadcast v0, $0xF;
	[tilespmem:s22+$0xFFFFFFD0] =	vst v62  }
0x164: {  	[tilespmem:s22+$0xFFFFFFE0] =	vst v63  }
0x165: {  	[tilespmem:s22+$0xFFFFFFF0] =	vst v0  }
0x166: {  	v0 =	vld [tilespmem:s19+$0x2450];
	_ =	sdelay $0x4  }
0x167: {  	v4 =	vbroadcast v0, $0x0  }
0x168: {  	v5 =	vbroadcast v0, $0x1  }
0x169: {  	v6 =	vbroadcast v0, $0x2;
	[tilespmem:s22+$0x0] =	vst v4  }
0x16a: {  	v7 =	vbroadcast v0, $0x3;
	[tilespmem:s22+$0x10] =	vst v5  }
0x16b: {  	v8 =	vbroadcast v0, $0x4;
	[tilespmem:s22+$0x20] =	vst v6  }
0x16c: {  	v9 =	vbroadcast v0, $0x5;
	[tilespmem:s22+$0x30] =	vst v7  }
0x16d: {  	v10 =	vbroadcast v0, $0x6;
	[tilespmem:s22+$0x40] =	vst v8  }
0x16e: {  	v11 =	vbroadcast v0, $0x7;
	[tilespmem:s22+$0x50] =	vst v9  }
0x16f: {  	v12 =	vbroadcast v0, $0x8;
	[tilespmem:s22+$0x60] =	vst v10  }
0x170: {  	v13 =	vbroadcast v0, $0x9;
	[tilespmem:s22+$0x70] =	vst v11  }
0x171: {  	v14 =	vbroadcast v0, $0xA;
	[tilespmem:s22+$0x80] =	vst v12  }
0x172: {  	v15 =	vbroadcast v0, $0xB;
	[tilespmem:s22+$0x90] =	vst v13  }
0x173: {  	v16 =	vbroadcast v0, $0xC;
	[tilespmem:s22+$0xA0] =	vst v14  }
0x174: {  	v17 =	vbroadcast v0, $0xD;
	[tilespmem:s22+$0xB0] =	vst v15  }
0x175: {  	v18 =	vbroadcast v0, $0xE;
	[tilespmem:s22+$0xC0] =	vst v16  }
0x176: {  	v0 =	vbroadcast v0, $0xF;
	[tilespmem:s22+$0xD0] =	vst v17  }
0x177: {  	[tilespmem:s22+$0xE0] =	vst v18  }
0x178: {  	[tilespmem:s22+$0xF0] =	vst v0  }
0x179: {  	v0 =	vld [tilespmem:s19+$0x2460];
	_ =	sdelay $0x4  }
0x17a: {  	v19 =	vbroadcast v0, $0x0  }
0x17b: {  	v20 =	vbroadcast v0, $0x1  }
0x17c: {  	v21 =	vbroadcast v0, $0x2;
	[tilespmem:s22+$0x100] =	vst v19  }
0x17d: {  	v22 =	vbroadcast v0, $0x3;
	[tilespmem:s22+$0x110] =	vst v20  }
0x17e: {  	v23 =	vbroadcast v0, $0x4;
	[tilespmem:s22+$0x120] =	vst v21  }
0x17f: {  	v24 =	vbroadcast v0, $0x5;
	[tilespmem:s22+$0x130] =	vst v22  }
0x180: {  	v25 =	vbroadcast v0, $0x6;
	[tilespmem:s22+$0x140] =	vst v23  }
0x181: {  	v26 =	vbroadcast v0, $0x7;
	[tilespmem:s22+$0x150] =	vst v24  }
0x182: {  	v27 =	vbroadcast v0, $0x8;
	[tilespmem:s22+$0x160] =	vst v25  }
0x183: {  	v28 =	vbroadcast v0, $0x9;
	[tilespmem:s22+$0x170] =	vst v26  }
0x184: {  	v29 =	vbroadcast v0, $0xA;
	[tilespmem:s22+$0x180] =	vst v27  }
0x185: {  	v30 =	vbroadcast v0, $0xB;
	[tilespmem:s22+$0x190] =	vst v28  }
0x186: {  	v31 =	vbroadcast v0, $0xC;
	[tilespmem:s22+$0x1A0] =	vst v29  }
0x187: {  	v32 =	vbroadcast v0, $0xD;
	[tilespmem:s22+$0x1B0] =	vst v30  }
0x188: {  	v33 =	vbroadcast v0, $0xE;
	[tilespmem:s22+$0x1C0] =	vst v31  }
0x189: {  	v0 =	vbroadcast v0, $0xF;
	[tilespmem:s22+$0x1D0] =	vst v32  }
0x18a: {  	[tilespmem:s22+$0x1E0] =	vst v33  }
0x18b: {  	[tilespmem:s22+$0x1F0] =	vst v0  }
0x18c: {  	v0 =	vld [tilespmem:s19+$0x2470];
	_ =	sdelay $0x4  }
0x18d: {  	v34 =	vbroadcast v0, $0x0  }
0x18e: {  	v35 =	vbroadcast v0, $0x1  }
0x18f: {  	v36 =	vbroadcast v0, $0x2;
	[tilespmem:s22+$0x200] =	vst v34  }
0x190: {  	v37 =	vbroadcast v0, $0x3;
	[tilespmem:s22+$0x210] =	vst v35  }
0x191: {  	v38 =	vbroadcast v0, $0x4;
	[tilespmem:s22+$0x220] =	vst v36  }
0x192: {  	v39 =	vbroadcast v0, $0x5;
	[tilespmem:s22+$0x230] =	vst v37  }
0x193: {  	v40 =	vbroadcast v0, $0x6;
	[tilespmem:s22+$0x240] =	vst v38  }
0x194: {  	v41 =	vbroadcast v0, $0x7;
	[tilespmem:s22+$0x250] =	vst v39  }
0x195: {  	v42 =	vbroadcast v0, $0x8;
	[tilespmem:s22+$0x260] =	vst v40  }
0x196: {  	v43 =	vbroadcast v0, $0x9;
	[tilespmem:s22+$0x270] =	vst v41  }
0x197: {  	v44 =	vbroadcast v0, $0xA;
	[tilespmem:s22+$0x280] =	vst v42  }
0x198: {  	v45 =	vbroadcast v0, $0xB;
	[tilespmem:s22+$0x290] =	vst v43  }
0x199: {  	v46 =	vbroadcast v0, $0xC;
	[tilespmem:s22+$0x2A0] =	vst v44  }
0x19a: {  	v47 =	vbroadcast v0, $0xD;
	[tilespmem:s22+$0x2B0] =	vst v45  }
0x19b: {  	v48 =	vbroadcast v0, $0xE;
	[tilespmem:s22+$0x2C0] =	vst v46  }
0x19c: {  	v0 =	vbroadcast v0, $0xF;
	[tilespmem:s22+$0x2D0] =	vst v47  }
0x19d: {  	[tilespmem:s22+$0x2E0] =	vst v48  }
0x19e: {  	[tilespmem:s22+$0x2F0] =	vst v0  }
0x19f: {  	v0 =	vld [tilespmem:s19+$0x2480];
	_ =	sdelay $0x4  }
0x1a0: {  	v49 =	vbroadcast v0, $0x0  }
0x1a1: {  	v50 =	vbroadcast v0, $0x1  }
0x1a2: {  	v51 =	vbroadcast v0, $0x2;
	[tilespmem:s22+$0x300] =	vst v49  }
0x1a3: {  	v52 =	vbroadcast v0, $0x3;
	[tilespmem:s22+$0x310] =	vst v50  }
0x1a4: {  	v53 =	vbroadcast v0, $0x4;
	[tilespmem:s22+$0x320] =	vst v51  }
0x1a5: {  	v54 =	vbroadcast v0, $0x5;
	[tilespmem:s22+$0x330] =	vst v52  }
0x1a6: {  	v55 =	vbroadcast v0, $0x6;
	[tilespmem:s22+$0x340] =	vst v53  }
0x1a7: {  	v56 =	vbroadcast v0, $0x7;
	[tilespmem:s22+$0x350] =	vst v54  }
0x1a8: {  	v57 =	vbroadcast v0, $0x8;
	[tilespmem:s22+$0x360] =	vst v55  }
0x1a9: {  	v58 =	vbroadcast v0, $0x9;
	[tilespmem:s22+$0x370] =	vst v56  }
0x1aa: {  	v59 =	vbroadcast v0, $0xA;
	[tilespmem:s22+$0x380] =	vst v57  }
0x1ab: {  	v60 =	vbroadcast v0, $0xB;
	[tilespmem:s22+$0x390] =	vst v58  }
0x1ac: {  	p0 =	sne.s32 s20, $0x2FC0;
	v61 =	vbroadcast v0, $0xC;
	[tilespmem:s22+$0x3A0] =	vst v59  }
.Ltmp1:
0x1ad: {  	v62 =	vbroadcast v0, $0xD;
	[tilespmem:s22+$0x3B0] =	vst v60;
	(pc) =	sbr.rel @p0 .LBB2_4-.Ltmp1, $4  }
0x1ae: {  	v63 =	vbroadcast v0, $0xE;
	[tilespmem:s22+$0x3C0] =	vst v61  }
0x1af: {  	v0 =	vbroadcast v0, $0xF;
	[tilespmem:s22+$0x3D0] =	vst v62  }
0x1b0: {  	[tilespmem:s22+$0x3E0] =	vst v63  }
0x1b1: {  	s20 =	sadd.s32 $0x200, s20;
	s19 =	simm.s32 $0x0;
	[tilespmem:s22+$0x3F0] =	vst v0;
	s22 =	sadd.s32 $0x800, s22  }
0x1b2: {  	s20 =	simm.s32 $0x0  }
.LBB2_6:
0x1b3: {  	s23 =	sshll.u32 s20, $0x7  }
0x1b4: {  	v0 =	vld [tilespmem:s23+$0x0]  }
0x1b5: {  	v2 =	vld [tilespmem:s23+$0x800]  }
0x1b6: {  	v3 =	vld [tilespmem:s23+$0x1000]  }
0x1b7: {  	v4 =	vld [tilespmem:s23+$0x10]  }
0x1b8: {  	v6 =	vld [tilespmem:s23+$0x810]  }
0x1b9: {  	v7 =	vld [tilespmem:s23+$0x1010]  }
0x1ba: {  	s22 =	sand.u32 $0x7, s20;
	v9 =	vld [tilespmem:s23+$0x20]  }
0x1bb: {  	s24 =	sshll.u32 s22, $0xB;
	v10 =	vld [tilespmem:s23+$0x1020]  }
0x1bc: {  	s26 =	sand.u32 $0x780, s19;
	v12 =	vld [tilespmem:s23+$0x1030];
	s24 =	sadd.s32 $0x3080, s24  }
0x1bd: {  	s28 =	sand.u32 $0x70, s19;
	v15 =	vld [tilespmem:s23+$0x1040];
	s26 =	sadd.s32 s26, s24  }
0x1be: {  	v19 =	vld [tilespmem:s23+$0x1050];
	s26 =	sadd.s32 s28, s26  }
0x1bf: {  	v1 =	vld [tilespmem:s26+$0x8000]  }
0x1c0: {  	v21 =	vld [tilespmem:s23+$0x1060]  }
0x1c1: {  	v23 =	vld [tilespmem:s23+$0x1070]  }
0x1c2: {  	v46 =	vld [tilespmem:s26+$0x0]  }
0x1c3: {  	v40 =	vld [tilespmem:s26+$0x4000]  }
0x1c4: {  	v16 =	vimm.f32 $+Inf;
	v24 =	vld [tilespmem:s23+$0x820];
	v5 =	vsub.f32 v3, v1;
	v8 =	vsub.f32 v7, v1  }
0x1c5: {  	v17 =	vimm.s32 $0x0;
	v28 =	vld [tilespmem:s23+$0x30];
	v11 =	vsub.f32 v10, v1;
	v45 =	vsub.f32 v12, v1  }
0x1c6: {  	v31 =	vimm.f32 $+Inf;
	v29 =	vld [tilespmem:s23+$0x830];
	v41 =	vsub.f32 v15, v1;
	v37 =	vsub.f32 v19, v1  }
0x1c7: {  	v27 =	vimm.f32 $+Inf;
	v32 =	vld [tilespmem:s23+$0x40];
	v33 =	vsub.f32 v21, v1;
	v26 =	vsub.f32 v23, v1  }
0x1c8: {  	v35 =	vimm.s32 $0x0;
	v34 =	vld [tilespmem:s23+$0x840];
	v1 =	vsub.f32 v0, v46;
	v13 =	vsub.f32 v2, v40  }
0x1c9: {  	v30 =	vimm.s32 $0x0;
	v36 =	vld [tilespmem:s23+$0x50];
	v14 =	vsub.f32 v4, v46;
	v18 =	vsub.f32 v6, v40  }
0x1ca: {  	v25 =	vimm.s32 $0x0;
	v38 =	vld [tilespmem:s23+$0x850];
	v20 =	vsub.f32 v9, v46;
	v22 =	vsub.f32 v24, v40  }
0x1cb: {  	v56 =	vsub.f32 v28, v46;
	v57 =	vsub.f32 v29, v40;
	v49 =	vmul.f32 v5, v5  }
0x1cc: {  	v58 =	vsub.f32 v32, v46;
	v48 =	vmul.f32 v8, v8;
	v47 =	vmul.f32 v11, v11  }
0x1cd: {  	v59 =	vsub.f32 v34, v40;
	v52 =	vmul.f32 v1, v1;
	v54 =	vmul.f32 v13, v13  }
0x1ce: {  	v43 =	vld [tilespmem:s23+$0x60];
	v60 =	vsub.f32 v36, v46;
	v53 =	vmul.f32 v14, v14;
	v55 =	vmul.f32 v18, v18  }
0x1cf: {  	v44 =	vld [tilespmem:s23+$0x860];
	v61 =	vsub.f32 v38, v40;
	v50 =	vmul.f32 v20, v20;
	v51 =	vmul.f32 v22, v22  }
0x1d0: {  	v42 =	vld [tilespmem:s23+$0x70];
	v22 =	vimm.f32 $+Inf;
	v13 =	vimm.f32 $+Inf;
	v8 =	vimm.f32 $+Inf  }
0x1d1: {  	v39 =	vld [tilespmem:s23+$0x870];
	v5 =	vimm.f32 $+Inf;
	v1 =	vimm.f32 $+Inf;
	v20 =	vimm.s32 $0x0  }
0x1d2: {  	s23 =	simm.s32 $0x0;
	s28 =	simm.s32 $0x0;
	s26 =	simm.s32 $0x1;
	v18 =	vimm.s32 $0x0;
	v14 =	vimm.s32 $0x0;
	v11 =	vimm.s32 $0x0  }
.LBB2_7:
0x1d3: {  	p0 =	sne.s32 s26, $0x7F;
	v56 =	vmul.f32 v56, v56;
	v57 =	vmul.f32 v57, v57;
	v62 =	vsub.f32 v43, v46  }
0x1d4: {  	v58 =	vmul.f32 v58, v58;
	v59 =	vmul.f32 v59, v59;
	v63 =	vsub.f32 v44, v40  }
0x1d5: {  	v60 =	vmul.f32 v60, v60;
	v46 =	vsub.f32 v42, v46;
	v61 =	vmul.f32 v61, v61  }
0x1d6: {  	v40 =	vsub.f32 v39, v40;
	v62 =	vmul.f32 v62, v62;
	v63 =	vmul.f32 v63, v63  }
0x1d7: {  	v52 =	vadd.f32 v54, v52;
	v53 =	vadd.f32 v55, v53;
	v46 =	vmul.f32 v46, v46  }
0x1d8: {  	v50 =	vadd.f32 v51, v50;
	v51 =	vadd.f32 v57, v56;
	v40 =	vmul.f32 v40, v40  }
0x1d9: {  	v45 =	vmul.f32 v45, v45;
	v54 =	vadd.f32 v59, v58;
	v55 =	vadd.f32 v61, v60  }
0x1da: {  	v41 =	vmul.f32 v41, v41;
	v56 =	vadd.f32 v63, v62;
	v40 =	vadd.f32 v40, v46  }
0x1db: {  	v37 =	vmul.f32 v37, v37;
	v48 =	vadd.f32 v48, v53;
	v46 =	vadd.f32 v49, v52  }
0x1dc: {  	v33 =	vmul.f32 v33, v33;
	s28 =	sadd.s32 $0x10, s28;
	v47 =	vadd.f32 v47, v50;
	v45 =	vadd.f32 v45, v51  }
0x1dd: {  	v26 =	vmul.f32 v26, v26;
	s29 =	sand.u32 $0x780, s28;
	v41 =	vadd.f32 v41, v54;
	v37 =	vadd.f32 v37, v55  }
0x1de: {  	s30 =	sand.u32 $0x70, s28;
	s29 =	sadd.s32 s29, s24;
	vm1 =	vlt.f32 v48, v31;
	vm0 =	vlt.f32 v46, v16;
	v33 =	vadd.f32 v33, v56  }
0x1df: {  	s29 =	sadd.s32 s30, s29;
	v31 =	vsel vm1, v48, v31;
	v26 =	vadd.f32 v26, v40;
	v16 =	vsel vm0, v46, v16  }
0x1e0: {  	vm2 =	vlt.f32 v47, v27;
	vm3 =	vlt.f32 v45, v22;
	vm4 =	vlt.f32 v41, v13;
	v48 =	vld [tilespmem:s29+$0x8000]  }
0x1e1: {  	v27 =	vsel vm2, v47, v27;
	v22 =	vsel vm3, v45, v22;
	v13 =	vsel vm4, v41, v13  }
0x1e2: {  	vm5 =	vlt.f32 v37, v8;
	vm6 =	vlt.f32 v33, v5;
	vm7 =	vlt.f32 v26, v1  }
0x1e3: {  	v8 =	vsel vm5, v37, v8;
	v5 =	vsel vm6, v33, v5;
	v1 =	vsel vm7, v26, v1;
	v46 =	vld [tilespmem:s29+$0x0]  }
0x1e4: {  	v35 =	vsel vm1, s23, v35;
	v30 =	vsel vm2, s23, v30;
	v17 =	vsel vm0, s23, v17;
	v40 =	vld [tilespmem:s29+$0x4000]  }
0x1e5: {  	v25 =	vsel vm3, s23, v25;
	v47 =	vsub.f32 v3, v48;
	v50 =	vsub.f32 v7, v48  }
0x1e6: {  	v20 =	vsel vm4, s23, v20;
	v51 =	vsub.f32 v10, v48;
	v45 =	vsub.f32 v12, v48  }
0x1e7: {  	v18 =	vsel vm5, s23, v18;
	v41 =	vsub.f32 v15, v48;
	v37 =	vsub.f32 v19, v48  }
0x1e8: {  	v14 =	vsel vm6, s23, v14;
	v33 =	vsub.f32 v21, v48;
	v26 =	vsub.f32 v23, v48  }
0x1e9: {  	v11 =	vsel vm7, s23, v11;
	s23 =	smov.u32 s26;
	v52 =	vsub.f32 v0, v46;
	v53 =	vsub.f32 v2, v40  }
0x1ea: {  	v55 =	vsub.f32 v4, v46;
	v60 =	vsub.f32 v6, v40  }
0x1eb: {  	v61 =	vsub.f32 v9, v46;
	v62 =	vsub.f32 v24, v40  }
.Ltmp2:
0x1ec: {  	v49 =	vmul.f32 v47, v47;
	v56 =	vsub.f32 v28, v46;
	v57 =	vsub.f32 v29, v40;
	(pc) =	sbr.rel @p0 .LBB2_7-.Ltmp2, $4  }
0x1ed: {  	v48 =	vmul.f32 v50, v50;
	v47 =	vmul.f32 v51, v51;
	v58 =	vsub.f32 v32, v46  }
0x1ee: {  	v59 =	vsub.f32 v34, v40;
	v52 =	vmul.f32 v52, v52;
	v54 =	vmul.f32 v53, v53  }
0x1ef: {  	v53 =	vmul.f32 v55, v55;
	v55 =	vmul.f32 v60, v60;
	v60 =	vsub.f32 v36, v46  }
0x1f0: {  	s26 =	sadd.s32 $0x1, s26;
	v50 =	vmul.f32 v61, v61;
	v61 =	vsub.f32 v38, v40;
	v51 =	vmul.f32 v62, v62  }
0x1f1: {  	v0 =	vmul.f32 v56, v56;
	v2 =	vmul.f32 v57, v57  }
0x1f2: {  	v3 =	vsub.f32 v43, v46;
	v4 =	vmul.f32 v58, v58;
	v6 =	vadd.f32 v54, v52;
	s24 =	sshll.u32 s20, $0x5  }
0x1f3: {  	v7 =	vmul.f32 v59, v59;
	v9 =	vsub.f32 v44, v40;
	v10 =	vmul.f32 v60, v60;
	s30 =	sshll.u32 s22, $0x9;
	s24 =	sand.u32 $0x100, s24  }
0x1f4: {  	v15 =	vadd.f32 v55, v53;
	v21 =	vmov s22;
	v52 =	vmul.f32 v41, v41;
	s22 =	sor.u32 s24, s30  }
0x1f5: {  	v19 =	vsub.f32 v42, v46;
	v56 =	vmul.f32 v37, v37;
	v60 =	vmul.f32 v33, v33;
	[tilespmem:s22+$0xF080] =	vst v21  }
0x1f6: {  	v62 =	vmul.f32 v26, v26;
	v12 =	vmul.f32 v61, v61;
	v23 =	vadd.f32 v51, v50;
	[tilespmem:s22+$0xF090] =	vst v21  }
0x1f7: {  	v50 =	vsub.f32 v39, v40;
	v6 =	vadd.f32 v49, v6;
	v3 =	vmul.f32 v3, v3;
	[tilespmem:s22+$0xF0A0] =	vst v21  }
0x1f8: {  	v15 =	vadd.f32 v48, v15;
	v44 =	vmul.f32 v9, v9;
	v0 =	vadd.f32 v2, v0;
	[tilespmem:s22+$0xF0B0] =	vst v21  }
0x1f9: {  	v48 =	vmul.f32 v45, v45;
	v4 =	vadd.f32 v7, v4;
	v53 =	vmul.f32 v19, v19;
	[tilespmem:s22+$0xF0C0] =	vst v21  }
0x1fa: {  	v49 =	vadd.f32 v47, v23;
	v54 =	vadd.f32 v12, v10;
	v57 =	vmul.f32 v50, v50;
	[tilespmem:s22+$0xF0D0] =	vst v21  }
0x1fb: {  	[tilespmem:s22+$0xF0E0] =	vst v21;
	vm0 =	vlt.f32 v6, v16;
	vm9 =	vlt.f32 v15, v31;
	v0 =	vadd.f32 v48, v0  }
0x1fc: {  	[tilespmem:s22+$0xF0F0] =	vst v21;
	v4 =	vadd.f32 v52, v4;
	v58 =	vadd.f32 v44, v3;
	v46 =	vsel vm0, s23, v17  }
0x1fd: {  	v51 =	vsel vm9, s23, v35;
	vm10 =	vlt.f32 v49, v27;
	v9 =	vadd.f32 v56, v54;
	[tilespmem:s22+$0xF100] =	vst v46  }
0x1fe: {  	s20 =	sadd.s32 $0x1, s20;
	[tilespmem:s22+$0xF110] =	vst v51;
	v55 =	vsel vm10, s23, v30;
	vm11 =	vlt.f32 v0, v22;
	v0 =	vadd.f32 v57, v53  }
0x1ff: {  	p0 =	sne.s32 s20, $0x10;
	vm12 =	vlt.f32 v4, v13;
	v2 =	vadd.f32 v60, v58;
	[tilespmem:s22+$0xF120] =	vst v55;
	v59 =	vsel vm11, s23, v25  }
.Ltmp3:
0x200: {  	v61 =	vsel vm12, s23, v20;
	vm13 =	vlt.f32 v9, v8;
	[tilespmem:s22+$0xF130] =	vst v59;
	v0 =	vadd.f32 v62, v0;
	(pc) =	sbr.rel @p0 .LBB2_6-.Ltmp3, $4  }
0x201: {  	[tilespmem:s22+$0xF140] =	vst v61;
	v63 =	vsel vm13, s23, v18;
	vm14 =	vlt.f32 v2, v5  }
0x202: {  	[tilespmem:s22+$0xF150] =	vst v63;
	v2 =	vsel vm14, s23, v14;
	vm15 =	vlt.f32 v0, v1  }
0x203: {  	[tilespmem:s22+$0xF160] =	vst v2;
	v0 =	vsel vm15, s23, v11  }
0x204: {  	[tilespmem:s22+$0xF170] =	vst v0  }
0x205: {  	s19 =	simm.s32 $0xF080  }
0x206: {  	[hbm4b:s8+s4] =	stream.linear.scatter [tilespmem:s19], [sflag:$0x2], $0x200, $0x38;
	[tilespmem:$0x10080] =	vst v63  }
0x207: {  	_ =	swait.ge [sflag:s18], $0x200  }
0x208: {  	[sflag:s18] =	ssyncset.done $0x0  }
0x209: {  	s28 =	simm.s32 $0xF280;
	[sflag:s18] =	ssyncadd.s32 $0xFFFFFE00  }
0x20a: {  	[hbm4b:s9+s4] =	stream.linear.scatter [tilespmem:s28], [sflag:$0x2], $0x200, $0x38;
	[tilespmem:$0x10080] =	vst v63  }
0x20b: {  	_ =	swait.ge [sflag:s18], $0x200  }
0x20c: {  	[sflag:s18] =	ssyncset.done $0x0  }
0x20d: {  	s29 =	simm.s32 $0xF480;
	[sflag:s18] =	ssyncadd.s32 $0xFFFFFE00  }
0x20e: {  	[hbm4b:s10+s4] =	stream.linear.scatter [tilespmem:s29], [sflag:$0x2], $0x200, $0x38;
	[tilespmem:$0x10080] =	vst v63  }
0x20f: {  	_ =	swait.ge [sflag:s18], $0x200  }
0x210: {  	[sflag:s18] =	ssyncset.done $0x0  }
0x211: {  	s30 =	simm.s32 $0xF680;
	[sflag:s18] =	ssyncadd.s32 $0xFFFFFE00  }
0x212: {  	[hbm4b:s11+s4] =	stream.linear.scatter [tilespmem:s30], [sflag:$0x2], $0x200, $0x38;
	[tilespmem:$0x10080] =	vst v63  }
0x213: {  	_ =	swait.ge [sflag:s18], $0x200  }
0x214: {  	[sflag:s18] =	ssyncset.done $0x0  }
0x215: {  	[sflag:s18] =	ssyncadd.s32 $0xFFFFFE00  }
0x216: {  	[hbm4b:s12+s4] =	stream.linear.scatter [tilespmem:s31], [sflag:$0x2], $0x200, $0x38;
	[tilespmem:$0x10080] =	vst v63  }
0x217: {  	_ =	swait.ge [sflag:s18], $0x200  }
0x218: {  	[sflag:s18] =	ssyncset.done $0x0  }
0x219: {  	[sflag:s18] =	ssyncadd.s32 $0xFFFFFE00  }
0x21a: {  	[hbm4b:s13+s4] =	stream.linear.scatter [tilespmem:s0], [sflag:$0x2], $0x200, $0x38;
	[tilespmem:$0x10080] =	vst v63  }
0x21b: {  	_ =	swait.ge [sflag:s18], $0x200  }
0x21c: {  	[sflag:s18] =	ssyncset.done $0x0  }
0x21d: {  	[sflag:s18] =	ssyncadd.s32 $0xFFFFFE00  }
0x21e: {  	[hbm4b:s14+s4] =	stream.linear.scatter [tilespmem:s3], [sflag:$0x2], $0x200, $0x38;
	[tilespmem:$0x10080] =	vst v63  }
0x21f: {  	s17 =	sadd.s32 $0x1, s17;
	_ =	swait.ge [sflag:s18], $0x200  }
0x220: {  	p0 =	sne.s32 s17, s16;
	[sflag:s18] =	ssyncset.done $0x0  }
.Ltmp4:
0x221: {  	[sflag:s18] =	ssyncadd.s32 $0xFFFFFE00;
	(pc) =	sbr.rel @p0 .LBB2_1-.Ltmp4, $4  }
0x222: {  	[hbm4b:s15+s4] =	stream.linear.scatter [tilespmem:s2], [sflag:$0x2], $0x200, $0x38;
	[tilespmem:$0x10080] =	vst v63  }
0x223: {  	_ =	swait.ge [sflag:s18], $0x200  }
0x224: {  	[sflag:s18] =	ssyncset.done $0x0  }
0x225: {  	[sflag:s18] =	ssyncadd.s32 $0xFFFFFE00  }
0x226: {  	_ =	sfence.sel $0x180000  }
0x227: {  	[bflag:$0x0] =	sbarrier.arrive $0xFFFF  }
0x228: {  	_ =	strace $0x90000047  }
0x229: {  	s0 =	stileid.u32;
	[bflag:$0x2] =	sbarrier.arrive $0xFFFF  }
0x22a: {  	p0 =	sne.s32 s0, $0x0;
	s0 =	rddreg [dreg:$0x4]  }
0x22b: {  	s0 =	sadd.s32 @!p0 $0x100000, s0  }
0x22c: {  	[sflag:s0] =	ssyncadd.tile.s32 @!p0 $0x1;
	_ =	shalt  }
.Lfunc_end2:
_tile_overlayer_lowered:
.L_overlay_start_2:
0x22d: {  	(tag) =	ssettag $0x2  }
0x22e: {  	s0 =	rddreg [dreg:$0x0];
	s2 =	stileid.u32  }
0x22f: {  	s1 =	rddreg [dreg:$0x1];
	p0 =	sne.s32 s2, $0x0  }
0x230: {  	s3 =	rddreg [dreg:$0x2];
	[bflag:$0x3] =	sbarrier.arrive $0xFFFF;
	s2 =	simm.s32 @!p0 $0x1C02  }
0x231: {  	[timem:s3], [sflag:s2] =	dma.local @!p0 [hbm:s0], s1  }
0x232: {  	s0 =	simm.s32 @!p0 $0x2  }
0x233: {  	_ =	swait.ge @!p0 [sflag:s0], s1  }
0x234: {  	s1 =	ssub.s32 @!p0 $0x0, s1;
	[sflag:s0] =	ssyncset.done @!p0 $0x0  }
0x235: {  	[sflag:s0] =	ssyncadd.s32 @!p0 s1  }
0x236: {  	[bflag:$0x3] =	sbarrier.arrive $0xFFFF  }
0x237: {  	_ =	shalt  }

</sc_bundles>
